<compile_context>
chip_gen: v7x
topology: tpu7x:2x2x1
jax: 0.10.2.dev20260603
libtpu: 0.0.44.dev20260713+nightly
codegen_flags: <defaults>
</compile_context>

<pallas_src>
import functools

import jax
import jax.numpy as jnp
from jax import lax
from jax.experimental import pallas as pl
from jax.experimental.pallas import tpu as pltpu
from jax.experimental.pallas import tpu_sc as plsc

N = 10000
E = 320000
G = 100
P = 100
D = 128
D_OUT = 100

NC = 2
NS = 16
NW = NC * NS
EPW = E // NW
CHUNK = 80
NB = 4
NCHUNK = EPW // CHUNK
NGRP = (NCHUNK - 1) // NB
ROWS_PT = N // NS
ZROWS = 25
BN_C = 1.0 / (1.0 + 1e-5) ** 0.5

def _mesh():
    return plsc.VectorSubcoreMesh(core_axis_name="c", subcore_axis_name="s",
                                  num_cores=NC, num_subcores=NS)


@functools.cache
def _build_sc_pre():
    return functools.partial(
        pl.kernel,
        out_type=(
            jax.ShapeDtypeStruct((NW, 1, N), jnp.float32),
            jax.ShapeDtypeStruct((NW, G, D), jnp.float32),
            jax.ShapeDtypeStruct((NW, G, 16), jnp.float32),
        ),
        mesh=_mesh(),
        compiler_params=pltpu.CompilerParams(needs_layout_passes=False),
        scratch_types=[
            pltpu.VMEM((N,), jnp.float32),
            pltpu.VMEM((G, D), jnp.float32),
            pltpu.VMEM((G, 16), jnp.float32),
            pltpu.VMEM((EPW,), jnp.int32),
            pltpu.VMEM((EPW,), jnp.int32),
            pltpu.SemaphoreType.DMA,
        ],
    )(_sc_pre_body)


def _sc_pre_body(src_hbm, dst_hbm, deg_out, flag_out, minn_out,
                 deg_v, flag_v, minn_v, src_b, dst_b, sem):
    c = lax.axis_index("c")
    s = lax.axis_index("s")
    wid = s * NC + c
    base = wid * EPW

    pltpu.async_copy(src_hbm.at[pl.ds(base, EPW)], src_b, sem)
    pltpu.async_copy(dst_hbm.at[pl.ds(base, EPW)], dst_b, sem)

    zf = jnp.zeros((16,), jnp.float32)

    def zero_deg(i, _):
        for u in range(5):
            deg_v[pl.ds((i * 5 + u) * 16, 16)] = zf
        return ()
    lax.fori_loop(0, N // 80, zero_deg, ())

    def zero_flag(i, _):
        for u in range(8):
            flag_v[i, pl.ds(u * 16, 16)] = zf
        return ()
    lax.fori_loop(0, G, zero_flag, ())

    def init_minn(i, _):
        minn_v[i, :] = jnp.full((16,), float(N), jnp.float32)
        return ()
    lax.fori_loop(0, G, init_minn, ())

    pltpu.make_async_copy(src_hbm.at[pl.ds(base, EPW)], src_b, sem).wait()
    pltpu.make_async_copy(dst_hbm.at[pl.ds(base, EPW)], dst_b, sem).wait()

    lane = lax.iota(jnp.int32, 16)
    ones = jnp.ones((16,), jnp.float32)

    def inner(j, _):
        for u in range(5):
            jj = j * 5 + u
            src16 = src_b[pl.ds(jj * 16, 16)]
            dst16 = dst_b[pl.ds(jj * 16, 16)]
            plsc.addupdate_scatter(deg_v, [dst16], ones)
            g_src = (src16.astype(jnp.float32) * (1.0 / P)
                     + 0.005).astype(jnp.int32)
            p_src = src16 - g_src * P
            g_dst = (dst16.astype(jnp.float32) * (1.0 / P)
                     + 0.005).astype(jnp.int32)
            p_dst = dst16 - g_dst * P
            plsc.store_scatter(flag_v, [g_src, p_src], ones)
            same = g_src == g_dst
            plsc.store_scatter(flag_v, [g_dst, p_dst], ones, mask=same)
            cur = plsc.load_gather(minn_v, [g_src, lane])
            cand = jnp.minimum(src16, dst16).astype(jnp.float32)
            plsc.store_scatter(minn_v, [g_src, lane], jnp.minimum(cur, cand))
        return ()
    lax.fori_loop(0, EPW // 80, inner, ())

    pltpu.sync_copy(deg_v, deg_out.at[wid, 0])
    pltpu.sync_copy(flag_v, flag_out.at[wid])
    pltpu.sync_copy(minn_v, minn_out.at[wid])


@functools.cache
def _build_sc_prop():
    return functools.partial(
        pl.kernel,
        out_type=jax.ShapeDtypeStruct((NC, NS, ROWS_PT, D), jnp.float32),
        mesh=_mesh(),
        compiler_params=pltpu.CompilerParams(needs_layout_passes=False),
        scratch_types=[
            pltpu.VMEM_SHARED((N, D), jnp.float32),
            pltpu.VMEM((ZROWS, D), jnp.float32),
        ] + [pltpu.VMEM((CHUNK, D), jnp.float32) for _ in range(NB)]
          + [pltpu.VMEM((CHUNK,), jnp.int32) for _ in range(2 * NB)]
          + [pltpu.SemaphoreType.DMA for _ in range(4 * NB)],
    )(_sc_prop_body)


def _sc_prop_body(ht_hbm, src4, dst4, s_out, acc, zero_v, *bufs):
    rows = bufs[:NB]
    src_i = bufs[NB:2 * NB]
    dst_i = bufs[2 * NB:3 * NB]
    sem_g = bufs[3 * NB:4 * NB]
    sem_s = bufs[4 * NB:5 * NB]
    sem_is = bufs[5 * NB:6 * NB]
    sem_id = bufs[6 * NB:7 * NB]
    c = lax.axis_index("c")
    s = lax.axis_index("s")
    wid = c * NS + s

    zf = jnp.zeros((16,), jnp.float32)

    def zero_buf(i, _):
        zero_v[i // 8, pl.ds((i % 8) * 16, 16)] = zf
        return ()
    lax.fori_loop(0, ZROWS * (D // 16), zero_buf, ())

    def zero_acc(i, _):
        pltpu.sync_copy(zero_v, acc.at[pl.ds(s * ROWS_PT + i * ZROWS, ZROWS)])
        return ()
    lax.fori_loop(0, ROWS_PT // ZROWS, zero_acc, ())

    plsc.subcore_barrier()

    for b in range(NB):
        pltpu.async_copy(src4.at[wid, b, 0], src_i[b], sem_is[b])
        pltpu.async_copy(dst4.at[wid, b, 0], dst_i[b], sem_id[b])

    def outer(k, _):
        for b in range(NB):
            i = k * NB + b

            @pl.when(k > 0)
            def _free_ring():
                pltpu.make_async_copy(rows[b], acc.at[dst_i[b]],
                                      sem_s[b]).wait()
                pltpu.async_copy(dst4.at[wid, i, 0], dst_i[b], sem_id[b])
            pltpu.make_async_copy(src4.at[wid, i, 0], src_i[b],
                                  sem_is[b]).wait()
            pltpu.async_copy(ht_hbm.at[src_i[b]], rows[b], sem_g[b])
        for b in range(NB):
            i = k * NB + b
            pltpu.make_async_copy(ht_hbm.at[src_i[b]], rows[b],
                                  sem_g[b]).wait()

            @pl.when(i + NB < NCHUNK)
            def _prefetch_src():
                pltpu.async_copy(src4.at[wid, i + NB, 0], src_i[b], sem_is[b])
            pltpu.make_async_copy(dst4.at[wid, i, 0], dst_i[b],
                                  sem_id[b]).wait()
            pltpu.async_copy(rows[b], acc.at[dst_i[b]], sem_s[b], add=True)
        return ()
    lax.fori_loop(0, NGRP, outer, ())

    for t in range(NGRP * NB, NCHUNK):
        b = t % NB
        pltpu.make_async_copy(rows[b], acc.at[dst_i[b]], sem_s[b]).wait()
        pltpu.async_copy(dst4.at[wid, t, 0], dst_i[b], sem_id[b])
        pltpu.make_async_copy(src4.at[wid, t, 0], src_i[b], sem_is[b]).wait()
        pltpu.async_copy(ht_hbm.at[src_i[b]], rows[b], sem_g[b])
        pltpu.make_async_copy(ht_hbm.at[src_i[b]], rows[b], sem_g[b]).wait()
        pltpu.make_async_copy(dst4.at[wid, t, 0], dst_i[b], sem_id[b]).wait()
        pltpu.async_copy(rows[b], acc.at[dst_i[b]], sem_s[b], add=True)

    for b in range(NB):
        pltpu.make_async_copy(rows[b], acc.at[dst_i[b]], sem_s[b]).wait()

    plsc.subcore_barrier()

    pltpu.sync_copy(acc.at[pl.ds(s * ROWS_PT, ROWS_PT)], s_out.at[c, s])


RB = 400
NBLK = N // RB


def _tc_mm_body(x_ref, w_ref, y_ref):
    y_ref[...] = jnp.dot(x_ref[...], w_ref[...],
                         preferred_element_type=jnp.float32)


def _tc_mm(x, w0):
    return pl.pallas_call(
        _tc_mm_body,
        grid=(NBLK,),
        in_specs=[
            pl.BlockSpec((RB, D), lambda i: (i, 0)),
            pl.BlockSpec((D, D), lambda i: (0, 0)),
        ],
        out_specs=pl.BlockSpec((RB, D), lambda i: (i, 0)),
        out_shape=jax.ShapeDtypeStruct((N, D), jnp.float32),
    )(x, w0)


def _tc0_body(y_ref, degp_ref, ht_ref, dinv_ref):
    deg = jnp.sum(degp_ref[...][:, 0, 0, :], axis=0) + 1.0
    dinv = lax.rsqrt(deg)
    ht_ref[...] = y_ref[...] * dinv[:, None]
    dinv_ref[...] = dinv[:, None]


def _tc0(y0, deg_part):
    return pl.pallas_call(
        _tc0_body,
        grid=(NBLK,),
        in_specs=[
            pl.BlockSpec((RB, D), lambda i: (i, 0)),
            pl.BlockSpec((NW, 1, 1, RB), lambda i: (0, i, 0, 0)),
        ],
        out_specs=[
            pl.BlockSpec((RB, D), lambda i: (i, 0)),
            pl.BlockSpec((RB, 1), lambda i: (i, 0)),
        ],
        out_shape=[
            jax.ShapeDtypeStruct((N, D), jnp.float32),
            jax.ShapeDtypeStruct((N, 1), jnp.float32),
        ],
    )(y0, deg_part.reshape(NW, NBLK, 1, RB))


def _tc_mid_body(s_ref, ht_ref, dinv_ref, b_ref, g_ref, be_ref, w_ref, o_ref):
    dinv = dinv_ref[...]
    sm = s_ref[...]
    z = dinv * (sm[0] + sm[1] + ht_ref[...]) + b_ref[...]
    a = jax.nn.relu(z * BN_C * g_ref[...] + be_ref[...])
    y = jnp.dot(a, w_ref[...], preferred_element_type=jnp.float32)
    o_ref[...] = y * dinv


def _tc_mid(s_part, ht, dinv, b, gamma, beta, w_next):
    return pl.pallas_call(
        _tc_mid_body,
        grid=(NBLK,),
        in_specs=[
            pl.BlockSpec((NC, RB, D), lambda i: (0, i, 0)),
            pl.BlockSpec((RB, D), lambda i: (i, 0)),
            pl.BlockSpec((RB, 1), lambda i: (i, 0)),
            pl.BlockSpec((1, D), lambda i: (0, 0)),
            pl.BlockSpec((1, D), lambda i: (0, 0)),
            pl.BlockSpec((1, D), lambda i: (0, 0)),
            pl.BlockSpec((D, D), lambda i: (0, 0)),
        ],
        out_specs=pl.BlockSpec((RB, D), lambda i: (i, 0)),
        out_shape=jax.ShapeDtypeStruct((N, D), jnp.float32),
    )(s_part, ht, dinv, b.reshape(1, D), gamma.reshape(1, D),
      beta.reshape(1, D), w_next)


GB = RB // P


def _tc_fin_body(s_ref, ht_ref, dinv_ref, b_ref, flag_ref, minn_ref, o_ref):
    i = pl.program_id(0)
    sm = s_ref[...]
    h3 = dinv_ref[...] * (sm[0] + sm[1] + ht_ref[...]) + b_ref[...]
    ga = lax.broadcasted_iota(jnp.int32, (GB, RB), 0)
    ra = lax.broadcasted_iota(jnp.int32, (GB, RB), 1) // P
    sel = jnp.where(ga == ra, 1.0 / P, 0.0).astype(jnp.float32)
    pooled = jnp.dot(sel, h3, preferred_element_type=jnp.float32)
    flg = jnp.max(flag_ref[...][:, 0], axis=0)
    mn = jnp.min(jnp.min(minn_ref[...][:, 0], axis=2), axis=0)
    aa = lax.broadcasted_iota(jnp.int32, (GB, D), 0)
    jj = lax.broadcasted_iota(jnp.int32, (GB, D), 1)
    nid = ((i * GB + aa) * P + jj).astype(jnp.float32)
    mask = (flg > 0.5) & (nid != mn[:, None])
    outv = jnp.where(mask, jnp.float32(-1e10), pooled)
    o_ref[...] = outv[None, :, :D_OUT]


def _tc_fin(s_part, ht, dinv, b2p, flag_part, minn_part):
    return pl.pallas_call(
        _tc_fin_body,
        grid=(NBLK,),
        in_specs=[
            pl.BlockSpec((NC, RB, D), lambda i: (0, i, 0)),
            pl.BlockSpec((RB, D), lambda i: (i, 0)),
            pl.BlockSpec((RB, 1), lambda i: (i, 0)),
            pl.BlockSpec((1, D), lambda i: (0, 0)),
            pl.BlockSpec((NW, 1, GB, D), lambda i: (0, i, 0, 0)),
            pl.BlockSpec((NW, 1, GB, 16), lambda i: (0, i, 0, 0)),
        ],
        out_specs=pl.BlockSpec((1, GB, D_OUT), lambda i: (i, 0, 0)),
        out_shape=jax.ShapeDtypeStruct((NBLK, GB, D_OUT), jnp.float32),
    )(s_part, ht, dinv, b2p.reshape(1, D),
      flag_part.reshape(NW, NBLK, GB, D),
      minn_part.reshape(NW, NBLK, GB, 16)).reshape(G, D_OUT)


def kernel(x, edge_index, batch, W0, b0, gamma0, beta0,
           W1, b1, gamma1, beta1, W2, b2):
    src = edge_index[0]
    dst = edge_index[1]

    sc_pre = _build_sc_pre()
    sc_prop = _build_sc_prop()
    deg_part, flag_part, minn_part = sc_pre(src, dst)
    deg_part = deg_part.reshape(NW, N)
    src2d = src.reshape(NW, NCHUNK, 1, CHUNK)
    dst2d = dst.reshape(NW, NCHUNK, 1, CHUNK)

    y0 = _tc_mm(x, W0)
    ht0, dinv = _tc0(y0, deg_part)
    s0 = sc_prop(ht0, src2d, dst2d).reshape(NC, N, D)
    ht1 = _tc_mid(s0, ht0, dinv, b0, gamma0, beta0, W1)
    s1 = sc_prop(ht1, src2d, dst2d).reshape(NC, N, D)
    w2p = jnp.pad(W2, ((0, 0), (0, D - D_OUT)))
    ht2 = _tc_mid(s1, ht1, dinv, b1, gamma1, beta1, w2p)
    s2 = sc_prop(ht2, src2d, dst2d).reshape(NC, N, D)
    b2p = jnp.pad(b2, (0, D - D_OUT))
    return _tc_fin(s2, ht2, dinv, b2p, flag_part, minn_part)

# --- scband reference (transcript-rebuilt; emitter-appended) ---
"""Pipeline reference for scband-model-16114717294667 (READ-ONLY COPY).

The authoritative reference and input builder live on the scoring server;
editing this copy changes nothing except your own understanding.
"""

import jax, jax.numpy as jnp
import numpy as np

N = 10000
E = 320000
G = 100
P = 100
D_IN = 128
D_H = 128
D_OUT = 100


def setup_inputs(seed: int = 0):
    key = jax.random.key(seed)
    ks = jax.random.split(key, 8)
    x = jax.random.normal(ks[0], (N, D_IN), dtype=jnp.float32)
    edge_index = jax.random.randint(ks[1], (2, E), 0, N, dtype=jnp.int32)
    batch = (jnp.arange(N, dtype=jnp.int32) // P).astype(jnp.int32)
    s0 = 1.0 / np.sqrt(D_IN)
    s1 = 1.0 / np.sqrt(D_H)
    W0 = jax.random.normal(ks[2], (D_IN, D_H), dtype=jnp.float32) * s0
    b0 = jnp.zeros((D_H,), jnp.float32)
    gamma0 = jnp.ones((D_H,), jnp.float32)
    beta0 = jnp.zeros((D_H,), jnp.float32)
    W1 = jax.random.normal(ks[3], (D_H, D_H), dtype=jnp.float32) * s1
    b1 = jnp.zeros((D_H,), jnp.float32)
    gamma1 = jnp.ones((D_H,), jnp.float32)
    beta1 = jnp.zeros((D_H,), jnp.float32)
    W2 = jax.random.normal(ks[4], (D_H, D_OUT), dtype=jnp.float32) * s1
    b2 = jnp.zeros((D_OUT,), jnp.float32)
    return {"x": x, "edge_index": edge_index, "batch": batch,
            "W0": W0, "b0": b0, "gamma0": gamma0, "beta0": beta0,
            "W1": W1, "b1": b1, "gamma1": gamma1, "beta1": beta1,
            "W2": W2, "b2": b2}


def gcn_conv(x, src, dst, W, b):
    loop = jnp.arange(N, dtype=src.dtype)
    s = jnp.concatenate([src, loop])
    d = jnp.concatenate([dst, loop])
    deg = jnp.zeros((N,), x.dtype).at[d].add(1.0)
    dinv = 1.0 / jnp.sqrt(deg)  # deg >= 1 due to self loops
    norm = dinv[s] * dinv[d]
    h = x @ W
    msg = h[s] * norm[:, None]
    out = jnp.zeros((N, W.shape[1]), x.dtype).at[d].add(msg)
    return out + b


def bn_eval(x, gamma, beta):
    # eval-mode BatchNorm1d with running_mean=0, running_var=1
    return x / jnp.sqrt(1.0 + 1e-5) * gamma + beta


def reference(x, edge_index, batch, W0, b0, gamma0, beta0, W1, b1, gamma1, beta1, W2, b2):
    src = edge_index[0]
    dst = edge_index[1]
    h = jax.nn.relu(bn_eval(gcn_conv(x, src, dst, W0, b0), gamma0, beta0))
    h = jax.nn.relu(bn_eval(gcn_conv(h, src, dst, W1, b1), gamma1, beta1))
    h = gcn_conv(h, src, dst, W2, b2)
    # global mean pool
    sums = jax.ops.segment_sum(h, batch, num_segments=G)
    counts = jax.ops.segment_sum(jnp.ones((N,), h.dtype), batch, num_segments=G)
    pooled = sums / jnp.maximum(counts, 1.0)[:, None]
    # get_visited_nodes_and_update_embeddings
    ge = batch[src]
    present = jnp.zeros((G, N), dtype=bool).at[ge, src].set(True).at[ge, dst].set(True)
    node_ids = jnp.arange(N)
    minn = jnp.min(jnp.where(present, node_ids[None, :], N), axis=1)
    idx = node_ids.reshape(G, P)
    pg = present[jnp.arange(G)[:, None], idx]
    mask = pg & (idx != minn[:, None])
    out = jnp.where(mask, jnp.float32(-1e10), pooled)
    return out

if __name__ == "__main__":
    import jax
    _d = setup_inputs()
    print(jax.jit(kernel)(*tuple(_d.values())))

</pallas_src>

<mosaic_0001>
#map = affine_map<(d0, d1) -> (0, 0)>
#map1 = affine_map<(d0, d1) -> (0, 0, 0, 0)>
module attributes {stable_mosaic.version = 14 : i64} {
  func.func @_sc_prop_body(%arg0: i32, %arg1: i32, %arg2: memref<10000x128xf32, #tpu.memory_space<hbm>>, %arg3: memref<32x125x1x80xi32, #tpu.memory_space<hbm>>, %arg4: memref<32x125x1x80xi32, #tpu.memory_space<hbm>>, %arg5: memref<2x16x625x128xf32, #tpu.memory_space<hbm>>, %arg6: memref<10000x128xf32, #tpu.memory_space<vmem_shared>>, %arg7: memref<25x128xf32, #tpu.memory_space<vmem>>, %arg8: memref<80x128xf32, #tpu.memory_space<vmem>>, %arg9: memref<80x128xf32, #tpu.memory_space<vmem>>, %arg10: memref<80x128xf32, #tpu.memory_space<vmem>>, %arg11: memref<80x128xf32, #tpu.memory_space<vmem>>, %arg12: memref<80xi32, #tpu.memory_space<vmem>>, %arg13: memref<80xi32, #tpu.memory_space<vmem>>, %arg14: memref<80xi32, #tpu.memory_space<vmem>>, %arg15: memref<80xi32, #tpu.memory_space<vmem>>, %arg16: memref<80xi32, #tpu.memory_space<vmem>>, %arg17: memref<80xi32, #tpu.memory_space<vmem>>, %arg18: memref<80xi32, #tpu.memory_space<vmem>>, %arg19: memref<80xi32, #tpu.memory_space<vmem>>, %arg20: memref<!tpu.dma_semaphore, #tpu.memory_space<semaphore_mem>>, %arg21: memref<!tpu.dma_semaphore, #tpu.memory_space<semaphore_mem>>, %arg22: memref<!tpu.dma_semaphore, #tpu.memory_space<semaphore_mem>>, %arg23: memref<!tpu.dma_semaphore, #tpu.memory_space<semaphore_mem>>, %arg24: memref<!tpu.dma_semaphore, #tpu.memory_space<semaphore_mem>>, %arg25: memref<!tpu.dma_semaphore, #tpu.memory_space<semaphore_mem>>, %arg26: memref<!tpu.dma_semaphore, #tpu.memory_space<semaphore_mem>>, %arg27: memref<!tpu.dma_semaphore, #tpu.memory_space<semaphore_mem>>, %arg28: memref<!tpu.dma_semaphore, #tpu.memory_space<semaphore_mem>>, %arg29: memref<!tpu.dma_semaphore, #tpu.memory_space<semaphore_mem>>, %arg30: memref<!tpu.dma_semaphore, #tpu.memory_space<semaphore_mem>>, %arg31: memref<!tpu.dma_semaphore, #tpu.memory_space<semaphore_mem>>, %arg32: memref<!tpu.dma_semaphore, #tpu.memory_space<semaphore_mem>>, %arg33: memref<!tpu.dma_semaphore, #tpu.memory_space<semaphore_mem>>, %arg34: memref<!tpu.dma_semaphore, #tpu.memory_space<semaphore_mem>>, %arg35: memref<!tpu.dma_semaphore, #tpu.memory_space<semaphore_mem>>) attributes {dimension_semantics = [#tpu.dimension_semantics<core_parallel>, #tpu.dimension_semantics<subcore_parallel>], iteration_bounds = array<i64: 2, 16>, scalar_prefetch = 0 : i64, scratch_operands = 30 : i64, tpu.core_type = #tpu.core_type<sc_vector_subcore>, window_params = [{transform_indices = #map}, {transform_indices = #map1}, {transform_indices = #map1}, {transform_indices = #map1}]} {
    %mul3A = arith.constant 16 : i32
    %mul3A_0 = arith.muli %arg0, %mul3A : i32
    %add3A = arith.addi %mul3A_0, %arg1 : i32
    %broadcast_in_dim3A = arith.constant 0.000000e+00 : f32
    %broadcast_in_dim3A_1 = vector.broadcast %broadcast_in_dim3A : f32 to vector<16xf32>
    %scan3A = arith.constant 0 : i32
    %scan3A_2 = arith.constant 200 : i32
    %scan3A_3 = arith.addi %scan3A, %scan3A_2 : i32
    %scan3A_4 = arith.constant 1 : i32
    scf.for %scan3A_129 = %scan3A to %scan3A_3 step %scan3A_4  : i32 {
      %jit3A = arith.constant 8 : i32
      %div3A = arith.divsi %scan3A_129, %jit3A : i32
      %sign3A = arith.constant 0 : i32
      %sign3A_130 = arith.cmpi sgt, %scan3A_129, %sign3A : i32
      %sign3A_131 = arith.extui %sign3A_130 : i1 to i32
      %sign3A_132 = arith.constant 0 : i32
      %sign3A_133 = arith.cmpi slt, %scan3A_129, %sign3A_132 : i32
      %sign3A_134 = arith.extui %sign3A_133 : i1 to i32
      %sign3A_135 = arith.subi %sign3A_131, %sign3A_134 : i32
      %sign3A_136 = arith.constant 0 : i32
      %sign3A_137 = arith.cmpi sgt, %jit3A, %sign3A_136 : i32
      %sign3A_138 = arith.extui %sign3A_137 : i1 to i32
      %sign3A_139 = arith.constant 0 : i32
      %sign3A_140 = arith.cmpi slt, %jit3A, %sign3A_139 : i32
      %sign3A_141 = arith.extui %sign3A_140 : i1 to i32
      %sign3A_142 = arith.subi %sign3A_138, %sign3A_141 : i32
      %ne3A = arith.cmpi ne, %sign3A_135, %sign3A_142 : i32
      %rem3A = arith.remsi %scan3A_129, %jit3A : i32
      %ne3A_143 = arith.constant 0 : i32
      %ne3A_144 = arith.cmpi ne, %rem3A, %ne3A_143 : i32
      %and3A = arith.andi %ne3A, %ne3A_144 : i1
      %sub3A = arith.constant 1 : i32
      %sub3A_145 = arith.subi %div3A, %sub3A : i32
      %select_n3A = arith.select %and3A, %sub3A_145, %div3A : i32
      %jit3A_146 = arith.constant 8 : i32
      %eq3A = arith.constant 0 : i32
      %eq3A_147 = arith.cmpi eq, %jit3A_146, %eq3A : i32
      %jit3A_148 = arith.constant 1 : i32
      %select_n3A_149 = arith.select %eq3A_147, %jit3A_148, %jit3A_146 : i32
      %rem3A_150 = arith.remsi %scan3A_129, %select_n3A_149 : i32
      %ne3A_151 = arith.constant 0 : i32
      %ne3A_152 = arith.cmpi ne, %rem3A_150, %ne3A_151 : i32
      %lt3A = arith.constant 0 : i32
      %lt3A_153 = arith.cmpi slt, %rem3A_150, %lt3A : i32
      %lt3A_154 = arith.constant 0 : i32
      %lt3A_155 = arith.cmpi slt, %select_n3A_149, %lt3A_154 : i32
      %ne3A_156 = arith.xori %lt3A_153, %lt3A_155 : i1
      %and3A_157 = arith.andi %ne3A_156, %ne3A_152 : i1
      %add3A_158 = arith.addi %rem3A_150, %select_n3A_149 : i32
      %select_n3A_159 = arith.select %and3A_157, %add3A_158, %rem3A_150 : i32
      %mul3A_160 = arith.constant 16 : i32
      %mul3A_161 = arith.muli %select_n3A_159, %mul3A_160 : i32
      %swap3A = arith.index_cast %select_n3A : i32 to index
      %swap3A_162 = arith.index_cast %mul3A_161 : i32 to index
      %swap3A_163 = tpu.vector_load %arg7[%swap3A, %swap3A_162] {strides = array<i32>} : memref<25x128xf32, #tpu.memory_space<vmem>>, vector<16xf32>,
      tpu.vector_store %arg7[%swap3A, %swap3A_162], %broadcast_in_dim3A_1 {strides = array<i32>} : memref<25x128xf32, #tpu.memory_space<vmem>>, vector<16xf32>,
    }
    %scan3A_5 = arith.constant 200 : i32
    %scan3A_6 = arith.constant 0 : i32
    %scan3A_7 = arith.constant 25 : i32
    %scan3A_8 = arith.addi %scan3A_6, %scan3A_7 : i32
    %scan3A_9 = arith.constant 1 : i32
    scf.for %scan3A_129 = %scan3A_6 to %scan3A_8 step %scan3A_9  : i32 {
      %mul3A_130 = arith.constant 625 : i32
      %mul3A_131 = arith.muli %arg1, %mul3A_130 : i32
      %mul3A_132 = arith.constant 25 : i32
      %mul3A_133 = arith.muli %scan3A_129, %mul3A_132 : i32
      %add3A_134 = arith.addi %mul3A_131, %mul3A_133 : i32
      "tpu.region"() ({
        %run_scoped3A = tpu.sem_alloc : memref<!tpu.dma_semaphore, #tpu.memory_space<semaphore_mem>>
        %dma_start3A_135 = arith.constant 0 : i32
        %dma_start3A_136 = tpu.memref_slice %arg6[%add3A_134, %dma_start3A_135] : memref<10000x128xf32, #tpu.memory_space<vmem_shared>> -> memref<25x128xf32, #tpu.memory_space<vmem_shared>>
        %dma_start3A_137 = arith.constant 0 : i32
        %dma_start3A_138 = tpu.memref_slice %arg6[%add3A_134, %dma_start3A_137] : memref<10000x128xf32, #tpu.memory_space<vmem_shared>> -> memref<25x128xf32, #tpu.memory_space<vmem_shared>>
        tpu.enqueue_dma source(%arg7 : memref<25x128xf32, #tpu.memory_space<vmem>>) target(%dma_start3A_138 : memref<25x128xf32, #tpu.memory_space<vmem_shared>>) target_semaphore(%run_scoped3A : memref<!tpu.dma_semaphore, #tpu.memory_space<semaphore_mem>>)
        %dma_wait3A_139 = arith.constant 0 : i32
        %dma_wait3A_140 = tpu.memref_slice %arg6[%add3A_134, %dma_wait3A_139] : memref<10000x128xf32, #tpu.memory_space<vmem_shared>> -> memref<25x128xf32, #tpu.memory_space<vmem_shared>>
        %dma_wait3A_141 = arith.constant 0 : i32
        %dma_wait3A_142 = tpu.memref_slice %arg6[%add3A_134, %dma_wait3A_141] : memref<10000x128xf32, #tpu.memory_space<vmem_shared>> -> memref<25x128xf32, #tpu.memory_space<vmem_shared>>
        tpu.wait_dma2 semaphore(%run_scoped3A : memref<!tpu.dma_semaphore, #tpu.memory_space<semaphore_mem>>) src(%arg7 : memref<25x128xf32, #tpu.memory_space<vmem>>) dst(%dma_wait3A_142 : memref<25x128xf32, #tpu.memory_space<vmem_shared>>)
        tpu.yield
      }) : () -> ()
    }
    %scan3A_10 = arith.constant 25 : i32
    %barrier3A = arith.constant 0 : index
    tpu.barrier barrier_id(%barrier3A)
    %dma_start3A = arith.constant 0 : i32
    %dma_start3A_11 = arith.constant 0 : i32
    %dma_start3A_12 = arith.constant 0 : i32
    %dma_start3A_13 = tpu.memref_slice %arg3[%add3A, %dma_start3A, %dma_start3A_11, %dma_start3A_12] : memref<32x125x1x80xi32, #tpu.memory_space<hbm>> -> memref<1x1x1x80xi32, #tpu.memory_space<hbm>>
    %dma_start3A_14 = tpu.memref_squeeze %dma_start3A_13 : memref<1x1x1x80xi32, #tpu.memory_space<hbm>> -> memref<80xi32, #tpu.memory_space<hbm>>
    %dma_start3A_15 = arith.constant 0 : i32
    %dma_start3A_16 = tpu.memref_slice %arg3[%add3A, %dma_start3A, %dma_start3A_11, %dma_start3A_15] : memref<32x125x1x80xi32, #tpu.memory_space<hbm>> -> memref<1x1x1x80xi32, #tpu.memory_space<hbm>>
    %dma_start3A_17 = tpu.memref_squeeze %dma_start3A_16 : memref<1x1x1x80xi32, #tpu.memory_space<hbm>> -> memref<80xi32, #tpu.memory_space<hbm>>
    tpu.enqueue_dma source(%dma_start3A_17 : memref<80xi32, #tpu.memory_space<hbm>>) target(%arg12 : memref<80xi32, #tpu.memory_space<vmem>>) target_semaphore(%arg28 : memref<!tpu.dma_semaphore, #tpu.memory_space<semaphore_mem>>)
    %dma_start3A_18 = arith.constant 0 : i32
    %dma_start3A_19 = arith.constant 0 : i32
    %dma_start3A_20 = arith.constant 0 : i32
    %dma_start3A_21 = tpu.memref_slice %arg4[%add3A, %dma_start3A_18, %dma_start3A_19, %dma_start3A_20] : memref<32x125x1x80xi32, #tpu.memory_space<hbm>> -> memref<1x1x1x80xi32, #tpu.memory_space<hbm>>
    %dma_start3A_22 = tpu.memref_squeeze %dma_start3A_21 : memref<1x1x1x80xi32, #tpu.memory_space<hbm>> -> memref<80xi32, #tpu.memory_space<hbm>>
    %dma_start3A_23 = arith.constant 0 : i32
    %dma_start3A_24 = tpu.memref_slice %arg4[%add3A, %dma_start3A_18, %dma_start3A_19, %dma_start3A_23] : memref<32x125x1x80xi32, #tpu.memory_space<hbm>> -> memref<1x1x1x80xi32, #tpu.memory_space<hbm>>
    %dma_start3A_25 = tpu.memref_squeeze %dma_start3A_24 : memref<1x1x1x80xi32, #tpu.memory_space<hbm>> -> memref<80xi32, #tpu.memory_space<hbm>>
    tpu.enqueue_dma source(%dma_start3A_25 : memref<80xi32, #tpu.memory_space<hbm>>) target(%arg16 : memref<80xi32, #tpu.memory_space<vmem>>) target_semaphore(%arg32 : memref<!tpu.dma_semaphore, #tpu.memory_space<semaphore_mem>>)
    %dma_start3A_26 = arith.constant 1 : i32
    %dma_start3A_27 = arith.constant 0 : i32
    %dma_start3A_28 = arith.constant 0 : i32
    %dma_start3A_29 = tpu.memref_slice %arg3[%add3A, %dma_start3A_26, %dma_start3A_27, %dma_start3A_28] : memref<32x125x1x80xi32, #tpu.memory_space<hbm>> -> memref<1x1x1x80xi32, #tpu.memory_space<hbm>>
    %dma_start3A_30 = tpu.memref_squeeze %dma_start3A_29 : memref<1x1x1x80xi32, #tpu.memory_space<hbm>> -> memref<80xi32, #tpu.memory_space<hbm>>
    %dma_start3A_31 = arith.constant 0 : i32
    %dma_start3A_32 = tpu.memref_slice %arg3[%add3A, %dma_start3A_26, %dma_start3A_27, %dma_start3A_31] : memref<32x125x1x80xi32, #tpu.memory_space<hbm>> -> memref<1x1x1x80xi32, #tpu.memory_space<hbm>>
    %dma_start3A_33 = tpu.memref_squeeze %dma_start3A_32 : memref<1x1x1x80xi32, #tpu.memory_space<hbm>> -> memref<80xi32, #tpu.memory_space<hbm>>
    tpu.enqueue_dma source(%dma_start3A_33 : memref<80xi32, #tpu.memory_space<hbm>>) target(%arg13 : memref<80xi32, #tpu.memory_space<vmem>>) target_semaphore(%arg29 : memref<!tpu.dma_semaphore, #tpu.memory_space<semaphore_mem>>)
    %dma_start3A_34 = arith.constant 1 : i32
    %dma_start3A_35 = arith.constant 0 : i32
    %dma_start3A_36 = arith.constant 0 : i32
    %dma_start3A_37 = tpu.memref_slice %arg4[%add3A, %dma_start3A_34, %dma_start3A_35, %dma_start3A_36] : memref<32x125x1x80xi32, #tpu.memory_space<hbm>> -> memref<1x1x1x80xi32, #tpu.memory_space<hbm>>
    %dma_start3A_38 = tpu.memref_squeeze %dma_start3A_37 : memref<1x1x1x80xi32, #tpu.memory_space<hbm>> -> memref<80xi32, #tpu.memory_space<hbm>>
    %dma_start3A_39 = arith.constant 0 : i32
    %dma_start3A_40 = tpu.memref_slice %arg4[%add3A, %dma_start3A_34, %dma_start3A_35, %dma_start3A_39] : memref<32x125x1x80xi32, #tpu.memory_space<hbm>> -> memref<1x1x1x80xi32, #tpu.memory_space<hbm>>
    %dma_start3A_41 = tpu.memref_squeeze %dma_start3A_40 : memref<1x1x1x80xi32, #tpu.memory_space<hbm>> -> memref<80xi32, #tpu.memory_space<hbm>>
    tpu.enqueue_dma source(%dma_start3A_41 : memref<80xi32, #tpu.memory_space<hbm>>) target(%arg17 : memref<80xi32, #tpu.memory_space<vmem>>) target_semaphore(%arg33 : memref<!tpu.dma_semaphore, #tpu.memory_space<semaphore_mem>>)
    %dma_start3A_42 = arith.constant 2 : i32
    %dma_start3A_43 = arith.constant 0 : i32
    %dma_start3A_44 = arith.constant 0 : i32
    %dma_start3A_45 = tpu.memref_slice %arg3[%add3A, %dma_start3A_42, %dma_start3A_43, %dma_start3A_44] : memref<32x125x1x80xi32, #tpu.memory_space<hbm>> -> memref<1x1x1x80xi32, #tpu.memory_space<hbm>>
    %dma_start3A_46 = tpu.memref_squeeze %dma_start3A_45 : memref<1x1x1x80xi32, #tpu.memory_space<hbm>> -> memref<80xi32, #tpu.memory_space<hbm>>
    %dma_start3A_47 = arith.constant 0 : i32
    %dma_start3A_48 = tpu.memref_slice %arg3[%add3A, %dma_start3A_42, %dma_start3A_43, %dma_start3A_47] : memref<32x125x1x80xi32, #tpu.memory_space<hbm>> -> memref<1x1x1x80xi32, #tpu.memory_space<hbm>>
    %dma_start3A_49 = tpu.memref_squeeze %dma_start3A_48 : memref<1x1x1x80xi32, #tpu.memory_space<hbm>> -> memref<80xi32, #tpu.memory_space<hbm>>
    tpu.enqueue_dma source(%dma_start3A_49 : memref<80xi32, #tpu.memory_space<hbm>>) target(%arg14 : memref<80xi32, #tpu.memory_space<vmem>>) target_semaphore(%arg30 : memref<!tpu.dma_semaphore, #tpu.memory_space<semaphore_mem>>)
    %dma_start3A_50 = arith.constant 2 : i32
    %dma_start3A_51 = arith.constant 0 : i32
    %dma_start3A_52 = arith.constant 0 : i32
    %dma_start3A_53 = tpu.memref_slice %arg4[%add3A, %dma_start3A_50, %dma_start3A_51, %dma_start3A_52] : memref<32x125x1x80xi32, #tpu.memory_space<hbm>> -> memref<1x1x1x80xi32, #tpu.memory_space<hbm>>
    %dma_start3A_54 = tpu.memref_squeeze %dma_start3A_53 : memref<1x1x1x80xi32, #tpu.memory_space<hbm>> -> memref<80xi32, #tpu.memory_space<hbm>>
    %dma_start3A_55 = arith.constant 0 : i32
    %dma_start3A_56 = tpu.memref_slice %arg4[%add3A, %dma_start3A_50, %dma_start3A_51, %dma_start3A_55] : memref<32x125x1x80xi32, #tpu.memory_space<hbm>> -> memref<1x1x1x80xi32, #tpu.memory_space<hbm>>
    %dma_start3A_57 = tpu.memref_squeeze %dma_start3A_56 : memref<1x1x1x80xi32, #tpu.memory_space<hbm>> -> memref<80xi32, #tpu.memory_space<hbm>>
    tpu.enqueue_dma source(%dma_start3A_57 : memref<80xi32, #tpu.memory_space<hbm>>) target(%arg18 : memref<80xi32, #tpu.memory_space<vmem>>) target_semaphore(%arg34 : memref<!tpu.dma_semaphore, #tpu.memory_space<semaphore_mem>>)
    %dma_start3A_58 = arith.constant 3 : i32
    %dma_start3A_59 = arith.constant 0 : i32
    %dma_start3A_60 = arith.constant 0 : i32
    %dma_start3A_61 = tpu.memref_slice %arg3[%add3A, %dma_start3A_58, %dma_start3A_59, %dma_start3A_60] : memref<32x125x1x80xi32, #tpu.memory_space<hbm>> -> memref<1x1x1x80xi32, #tpu.memory_space<hbm>>
    %dma_start3A_62 = tpu.memref_squeeze %dma_start3A_61 : memref<1x1x1x80xi32, #tpu.memory_space<hbm>> -> memref<80xi32, #tpu.memory_space<hbm>>
    %dma_start3A_63 = arith.constant 0 : i32
    %dma_start3A_64 = tpu.memref_slice %arg3[%add3A, %dma_start3A_58, %dma_start3A_59, %dma_start3A_63] : memref<32x125x1x80xi32, #tpu.memory_space<hbm>> -> memref<1x1x1x80xi32, #tpu.memory_space<hbm>>
    %dma_start3A_65 = tpu.memref_squeeze %dma_start3A_64 : memref<1x1x1x80xi32, #tpu.memory_space<hbm>> -> memref<80xi32, #tpu.memory_space<hbm>>
    tpu.enqueue_dma source(%dma_start3A_65 : memref<80xi32, #tpu.memory_space<hbm>>) target(%arg15 : memref<80xi32, #tpu.memory_space<vmem>>) target_semaphore(%arg31 : memref<!tpu.dma_semaphore, #tpu.memory_space<semaphore_mem>>)
    %dma_start3A_66 = arith.constant 3 : i32
    %dma_start3A_67 = arith.constant 0 : i32
    %dma_start3A_68 = arith.constant 0 : i32
    %dma_start3A_69 = tpu.memref_slice %arg4[%add3A, %dma_start3A_66, %dma_start3A_67, %dma_start3A_68] : memref<32x125x1x80xi32, #tpu.memory_space<hbm>> -> memref<1x1x1x80xi32, #tpu.memory_space<hbm>>
    %dma_start3A_70 = tpu.memref_squeeze %dma_start3A_69 : memref<1x1x1x80xi32, #tpu.memory_space<hbm>> -> memref<80xi32, #tpu.memory_space<hbm>>
    %dma_start3A_71 = arith.constant 0 : i32
    %dma_start3A_72 = tpu.memref_slice %arg4[%add3A, %dma_start3A_66, %dma_start3A_67, %dma_start3A_71] : memref<32x125x1x80xi32, #tpu.memory_space<hbm>> -> memref<1x1x1x80xi32, #tpu.memory_space<hbm>>
    %dma_start3A_73 = tpu.memref_squeeze %dma_start3A_72 : memref<1x1x1x80xi32, #tpu.memory_space<hbm>> -> memref<80xi32, #tpu.memory_space<hbm>>
    tpu.enqueue_dma source(%dma_start3A_73 : memref<80xi32, #tpu.memory_space<hbm>>) target(%arg19 : memref<80xi32, #tpu.memory_space<vmem>>) target_semaphore(%arg35 : memref<!tpu.dma_semaphore, #tpu.memory_space<semaphore_mem>>)
    %scan3A_74 = arith.constant 0 : i32
    %scan3A_75 = arith.constant 31 : i32
    %scan3A_76 = arith.addi %scan3A_74, %scan3A_75 : i32
    %scan3A_77 = arith.constant 1 : i32
    scf.for %scan3A_129 = %scan3A_74 to %scan3A_76 step %scan3A_77  : i32 {
      %mul3A_130 = arith.constant 4 : i32
      %mul3A_131 = arith.muli %scan3A_129, %mul3A_130 : i32
      %add3A_132 = arith.constant 0 : i32
      %add3A_133 = arith.addi %mul3A_131, %add3A_132 : i32
      %gt3A = arith.constant 0 : i32
      %gt3A_134 = arith.cmpi sgt, %scan3A_129, %gt3A : i32
      %convert_element_type3A = arith.extui %gt3A_134 : i1 to i32
      %cond3A = arith.constant 0 : i32
      %cond3A_135 = arith.cmpi ne, %convert_element_type3A, %cond3A : i32
      scf.if %cond3A_135 {
        %dma_wait3A_298 = arith.constant 0 : i32
        %dma_wait3A_299 = arith.constant 0 : i32
        %dma_wait3A_300 = tpu.memref_slice %arg6[%dma_wait3A_298, %dma_wait3A_299] : memref<10000x128xf32, #tpu.memory_space<vmem_shared>> -> memref<10000x128xf32, #tpu.memory_space<vmem_shared>>
        tpu.wait_indirect_dma semaphore(%arg24 : memref<!tpu.dma_semaphore, #tpu.memory_space<semaphore_mem>>) src(%arg8 : memref<80x128xf32, #tpu.memory_space<vmem>>) dst(%dma_wait3A_300 : memref<10000x128xf32, #tpu.memory_space<vmem_shared>>)
        %dma_start3A_301 = arith.constant 0 : i32
        %dma_start3A_302 = arith.constant 0 : i32
        %dma_start3A_303 = tpu.memref_slice %arg4[%add3A, %add3A_133, %dma_start3A_301, %dma_start3A_302] : memref<32x125x1x80xi32, #tpu.memory_space<hbm>> -> memref<1x1x1x80xi32, #tpu.memory_space<hbm>>
        %dma_start3A_304 = tpu.memref_squeeze %dma_start3A_303 : memref<1x1x1x80xi32, #tpu.memory_space<hbm>> -> memref<80xi32, #tpu.memory_space<hbm>>
        %dma_start3A_305 = arith.constant 0 : i32
        %dma_start3A_306 = tpu.memref_slice %arg4[%add3A, %add3A_133, %dma_start3A_301, %dma_start3A_305] : memref<32x125x1x80xi32, #tpu.memory_space<hbm>> -> memref<1x1x1x80xi32, #tpu.memory_space<hbm>>
        %dma_start3A_307 = tpu.memref_squeeze %dma_start3A_306 : memref<1x1x1x80xi32, #tpu.memory_space<hbm>> -> memref<80xi32, #tpu.memory_space<hbm>>
        tpu.enqueue_dma source(%dma_start3A_307 : memref<80xi32, #tpu.memory_space<hbm>>) target(%arg16 : memref<80xi32, #tpu.memory_space<vmem>>) target_semaphore(%arg32 : memref<!tpu.dma_semaphore, #tpu.memory_space<semaphore_mem>>)
      } else {
      }
      %dma_wait3A_136 = arith.constant 0 : i32
      %dma_wait3A_137 = arith.constant 0 : i32
      %dma_wait3A_138 = tpu.memref_slice %arg3[%add3A, %add3A_133, %dma_wait3A_136, %dma_wait3A_137] : memref<32x125x1x80xi32, #tpu.memory_space<hbm>> -> memref<1x1x1x80xi32, #tpu.memory_space<hbm>>
      %dma_wait3A_139 = tpu.memref_squeeze %dma_wait3A_138 : memref<1x1x1x80xi32, #tpu.memory_space<hbm>> -> memref<80xi32, #tpu.memory_space<hbm>>
      %dma_wait3A_140 = arith.constant 0 : i32
      %dma_wait3A_141 = tpu.memref_slice %arg3[%add3A, %add3A_133, %dma_wait3A_136, %dma_wait3A_140] : memref<32x125x1x80xi32, #tpu.memory_space<hbm>> -> memref<1x1x1x80xi32, #tpu.memory_space<hbm>>
      %dma_wait3A_142 = tpu.memref_squeeze %dma_wait3A_141 : memref<1x1x1x80xi32, #tpu.memory_space<hbm>> -> memref<80xi32, #tpu.memory_space<hbm>>
      tpu.wait_dma2 semaphore(%arg28 : memref<!tpu.dma_semaphore, #tpu.memory_space<semaphore_mem>>) src(%dma_wait3A_142 : memref<80xi32, #tpu.memory_space<hbm>>) dst(%arg12 : memref<80xi32, #tpu.memory_space<vmem>>)
      %dma_start3A_143 = arith.constant 0 : i32
      %dma_start3A_144 = arith.constant 0 : i32
      %dma_start3A_145 = tpu.memref_slice %arg2[%dma_start3A_143, %dma_start3A_144] : memref<10000x128xf32, #tpu.memory_space<hbm>> -> memref<10000x128xf32, #tpu.memory_space<hbm>>
      tpu.enqueue_indirect_dma source(%dma_start3A_145 : memref<10000x128xf32, #tpu.memory_space<hbm>>) target(%arg8 : memref<80x128xf32, #tpu.memory_space<vmem>>) offsets(%arg12 : memref<80xi32, #tpu.memory_space<vmem>>) semaphore(%arg20 : memref<!tpu.dma_semaphore, #tpu.memory_space<semaphore_mem>>)
      %mul3A_146 = arith.constant 4 : i32
      %mul3A_147 = arith.muli %scan3A_129, %mul3A_146 : i32
      %add3A_148 = arith.constant 1 : i32
      %add3A_149 = arith.addi %mul3A_147, %add3A_148 : i32
      %gt3A_150 = arith.constant 0 : i32
      %gt3A_151 = arith.cmpi sgt, %scan3A_129, %gt3A_150 : i32
      %convert_element_type3A_152 = arith.extui %gt3A_151 : i1 to i32
      %cond3A_153 = arith.constant 0 : i32
      %cond3A_154 = arith.cmpi ne, %convert_element_type3A_152, %cond3A_153 : i32
      scf.if %cond3A_154 {
        %dma_wait3A_298 = arith.constant 0 : i32
        %dma_wait3A_299 = arith.constant 0 : i32
        %dma_wait3A_300 = tpu.memref_slice %arg6[%dma_wait3A_298, %dma_wait3A_299] : memref<10000x128xf32, #tpu.memory_space<vmem_shared>> -> memref<10000x128xf32, #tpu.memory_space<vmem_shared>>
        tpu.wait_indirect_dma semaphore(%arg25 : memref<!tpu.dma_semaphore, #tpu.memory_space<semaphore_mem>>) src(%arg9 : memref<80x128xf32, #tpu.memory_space<vmem>>) dst(%dma_wait3A_300 : memref<10000x128xf32, #tpu.memory_space<vmem_shared>>)
        %dma_start3A_301 = arith.constant 0 : i32
        %dma_start3A_302 = arith.constant 0 : i32
        %dma_start3A_303 = tpu.memref_slice %arg4[%add3A, %add3A_149, %dma_start3A_301, %dma_start3A_302] : memref<32x125x1x80xi32, #tpu.memory_space<hbm>> -> memref<1x1x1x80xi32, #tpu.memory_space<hbm>>
        %dma_start3A_304 = tpu.memref_squeeze %dma_start3A_303 : memref<1x1x1x80xi32, #tpu.memory_space<hbm>> -> memref<80xi32, #tpu.memory_space<hbm>>
        %dma_start3A_305 = arith.constant 0 : i32
        %dma_start3A_306 = tpu.memref_slice %arg4[%add3A, %add3A_149, %dma_start3A_301, %dma_start3A_305] : memref<32x125x1x80xi32, #tpu.memory_space<hbm>> -> memref<1x1x1x80xi32, #tpu.memory_space<hbm>>
        %dma_start3A_307 = tpu.memref_squeeze %dma_start3A_306 : memref<1x1x1x80xi32, #tpu.memory_space<hbm>> -> memref<80xi32, #tpu.memory_space<hbm>>
        tpu.enqueue_dma source(%dma_start3A_307 : memref<80xi32, #tpu.memory_space<hbm>>) target(%arg17 : memref<80xi32, #tpu.memory_space<vmem>>) target_semaphore(%arg33 : memref<!tpu.dma_semaphore, #tpu.memory_space<semaphore_mem>>)
      } else {
      }
      %dma_wait3A_155 = arith.constant 0 : i32
      %dma_wait3A_156 = arith.constant 0 : i32
      %dma_wait3A_157 = tpu.memref_slice %arg3[%add3A, %add3A_149, %dma_wait3A_155, %dma_wait3A_156] : memref<32x125x1x80xi32, #tpu.memory_space<hbm>> -> memref<1x1x1x80xi32, #tpu.memory_space<hbm>>
      %dma_wait3A_158 = tpu.memref_squeeze %dma_wait3A_157 : memref<1x1x1x80xi32, #tpu.memory_space<hbm>> -> memref<80xi32, #tpu.memory_space<hbm>>
      %dma_wait3A_159 = arith.constant 0 : i32
      %dma_wait3A_160 = tpu.memref_slice %arg3[%add3A, %add3A_149, %dma_wait3A_155, %dma_wait3A_159] : memref<32x125x1x80xi32, #tpu.memory_space<hbm>> -> memref<1x1x1x80xi32, #tpu.memory_space<hbm>>
      %dma_wait3A_161 = tpu.memref_squeeze %dma_wait3A_160 : memref<1x1x1x80xi32, #tpu.memory_space<hbm>> -> memref<80xi32, #tpu.memory_space<hbm>>
      tpu.wait_dma2 semaphore(%arg29 : memref<!tpu.dma_semaphore, #tpu.memory_space<semaphore_mem>>) src(%dma_wait3A_161 : memref<80xi32, #tpu.memory_space<hbm>>) dst(%arg13 : memref<80xi32, #tpu.memory_space<vmem>>)
      %dma_start3A_162 = arith.constant 0 : i32
      %dma_start3A_163 = arith.constant 0 : i32
      %dma_start3A_164 = tpu.memref_slice %arg2[%dma_start3A_162, %dma_start3A_163] : memref<10000x128xf32, #tpu.memory_space<hbm>> -> memref<10000x128xf32, #tpu.memory_space<hbm>>
      tpu.enqueue_indirect_dma source(%dma_start3A_164 : memref<10000x128xf32, #tpu.memory_space<hbm>>) target(%arg9 : memref<80x128xf32, #tpu.memory_space<vmem>>) offsets(%arg13 : memref<80xi32, #tpu.memory_space<vmem>>) semaphore(%arg21 : memref<!tpu.dma_semaphore, #tpu.memory_space<semaphore_mem>>)
      %mul3A_165 = arith.constant 4 : i32
      %mul3A_166 = arith.muli %scan3A_129, %mul3A_165 : i32
      %add3A_167 = arith.constant 2 : i32
      %add3A_168 = arith.addi %mul3A_166, %add3A_167 : i32
      %gt3A_169 = arith.constant 0 : i32
      %gt3A_170 = arith.cmpi sgt, %scan3A_129, %gt3A_169 : i32
      %convert_element_type3A_171 = arith.extui %gt3A_170 : i1 to i32
      %cond3A_172 = arith.constant 0 : i32
      %cond3A_173 = arith.cmpi ne, %convert_element_type3A_171, %cond3A_172 : i32
      scf.if %cond3A_173 {
        %dma_wait3A_298 = arith.constant 0 : i32
        %dma_wait3A_299 = arith.constant 0 : i32
        %dma_wait3A_300 = tpu.memref_slice %arg6[%dma_wait3A_298, %dma_wait3A_299] : memref<10000x128xf32, #tpu.memory_space<vmem_shared>> -> memref<10000x128xf32, #tpu.memory_space<vmem_shared>>
        tpu.wait_indirect_dma semaphore(%arg26 : memref<!tpu.dma_semaphore, #tpu.memory_space<semaphore_mem>>) src(%arg10 : memref<80x128xf32, #tpu.memory_space<vmem>>) dst(%dma_wait3A_300 : memref<10000x128xf32, #tpu.memory_space<vmem_shared>>)
        %dma_start3A_301 = arith.constant 0 : i32
        %dma_start3A_302 = arith.constant 0 : i32
        %dma_start3A_303 = tpu.memref_slice %arg4[%add3A, %add3A_168, %dma_start3A_301, %dma_start3A_302] : memref<32x125x1x80xi32, #tpu.memory_space<hbm>> -> memref<1x1x1x80xi32, #tpu.memory_space<hbm>>
        %dma_start3A_304 = tpu.memref_squeeze %dma_start3A_303 : memref<1x1x1x80xi32, #tpu.memory_space<hbm>> -> memref<80xi32, #tpu.memory_space<hbm>>
        %dma_start3A_305 = arith.constant 0 : i32
        %dma_start3A_306 = tpu.memref_slice %arg4[%add3A, %add3A_168, %dma_start3A_301, %dma_start3A_305] : memref<32x125x1x80xi32, #tpu.memory_space<hbm>> -> memref<1x1x1x80xi32, #tpu.memory_space<hbm>>
        %dma_start3A_307 = tpu.memref_squeeze %dma_start3A_306 : memref<1x1x1x80xi32, #tpu.memory_space<hbm>> -> memref<80xi32, #tpu.memory_space<hbm>>
        tpu.enqueue_dma source(%dma_start3A_307 : memref<80xi32, #tpu.memory_space<hbm>>) target(%arg18 : memref<80xi32, #tpu.memory_space<vmem>>) target_semaphore(%arg34 : memref<!tpu.dma_semaphore, #tpu.memory_space<semaphore_mem>>)
      } else {
      }
      %dma_wait3A_174 = arith.constant 0 : i32
      %dma_wait3A_175 = arith.constant 0 : i32
      %dma_wait3A_176 = tpu.memref_slice %arg3[%add3A, %add3A_168, %dma_wait3A_174, %dma_wait3A_175] : memref<32x125x1x80xi32, #tpu.memory_space<hbm>> -> memref<1x1x1x80xi32, #tpu.memory_space<hbm>>
      %dma_wait3A_177 = tpu.memref_squeeze %dma_wait3A_176 : memref<1x1x1x80xi32, #tpu.memory_space<hbm>> -> memref<80xi32, #tpu.memory_space<hbm>>
      %dma_wait3A_178 = arith.constant 0 : i32
      %dma_wait3A_179 = tpu.memref_slice %arg3[%add3A, %add3A_168, %dma_wait3A_174, %dma_wait3A_178] : memref<32x125x1x80xi32, #tpu.memory_space<hbm>> -> memref<1x1x1x80xi32, #tpu.memory_space<hbm>>
      %dma_wait3A_180 = tpu.memref_squeeze %dma_wait3A_179 : memref<1x1x1x80xi32, #tpu.memory_space<hbm>> -> memref<80xi32, #tpu.memory_space<hbm>>
      tpu.wait_dma2 semaphore(%arg30 : memref<!tpu.dma_semaphore, #tpu.memory_space<semaphore_mem>>) src(%dma_wait3A_180 : memref<80xi32, #tpu.memory_space<hbm>>) dst(%arg14 : memref<80xi32, #tpu.memory_space<vmem>>)
      %dma_start3A_181 = arith.constant 0 : i32
      %dma_start3A_182 = arith.constant 0 : i32
      %dma_start3A_183 = tpu.memref_slice %arg2[%dma_start3A_181, %dma_start3A_182] : memref<10000x128xf32, #tpu.memory_space<hbm>> -> memref<10000x128xf32, #tpu.memory_space<hbm>>
      tpu.enqueue_indirect_dma source(%dma_start3A_183 : memref<10000x128xf32, #tpu.memory_space<hbm>>) target(%arg10 : memref<80x128xf32, #tpu.memory_space<vmem>>) offsets(%arg14 : memref<80xi32, #tpu.memory_space<vmem>>) semaphore(%arg22 : memref<!tpu.dma_semaphore, #tpu.memory_space<semaphore_mem>>)
      %mul3A_184 = arith.constant 4 : i32
      %mul3A_185 = arith.muli %scan3A_129, %mul3A_184 : i32
      %add3A_186 = arith.constant 3 : i32
      %add3A_187 = arith.addi %mul3A_185, %add3A_186 : i32
      %gt3A_188 = arith.constant 0 : i32
      %gt3A_189 = arith.cmpi sgt, %scan3A_129, %gt3A_188 : i32
      %convert_element_type3A_190 = arith.extui %gt3A_189 : i1 to i32
      %cond3A_191 = arith.constant 0 : i32
      %cond3A_192 = arith.cmpi ne, %convert_element_type3A_190, %cond3A_191 : i32
      scf.if %cond3A_192 {
        %dma_wait3A_298 = arith.constant 0 : i32
        %dma_wait3A_299 = arith.constant 0 : i32
        %dma_wait3A_300 = tpu.memref_slice %arg6[%dma_wait3A_298, %dma_wait3A_299] : memref<10000x128xf32, #tpu.memory_space<vmem_shared>> -> memref<10000x128xf32, #tpu.memory_space<vmem_shared>>
        tpu.wait_indirect_dma semaphore(%arg27 : memref<!tpu.dma_semaphore, #tpu.memory_space<semaphore_mem>>) src(%arg11 : memref<80x128xf32, #tpu.memory_space<vmem>>) dst(%dma_wait3A_300 : memref<10000x128xf32, #tpu.memory_space<vmem_shared>>)
        %dma_start3A_301 = arith.constant 0 : i32
        %dma_start3A_302 = arith.constant 0 : i32
        %dma_start3A_303 = tpu.memref_slice %arg4[%add3A, %add3A_187, %dma_start3A_301, %dma_start3A_302] : memref<32x125x1x80xi32, #tpu.memory_space<hbm>> -> memref<1x1x1x80xi32, #tpu.memory_space<hbm>>
        %dma_start3A_304 = tpu.memref_squeeze %dma_start3A_303 : memref<1x1x1x80xi32, #tpu.memory_space<hbm>> -> memref<80xi32, #tpu.memory_space<hbm>>
        %dma_start3A_305 = arith.constant 0 : i32
        %dma_start3A_306 = tpu.memref_slice %arg4[%add3A, %add3A_187, %dma_start3A_301, %dma_start3A_305] : memref<32x125x1x80xi32, #tpu.memory_space<hbm>> -> memref<1x1x1x80xi32, #tpu.memory_space<hbm>>
        %dma_start3A_307 = tpu.memref_squeeze %dma_start3A_306 : memref<1x1x1x80xi32, #tpu.memory_space<hbm>> -> memref<80xi32, #tpu.memory_space<hbm>>
        tpu.enqueue_dma source(%dma_start3A_307 : memref<80xi32, #tpu.memory_space<hbm>>) target(%arg19 : memref<80xi32, #tpu.memory_space<vmem>>) target_semaphore(%arg35 : memref<!tpu.dma_semaphore, #tpu.memory_space<semaphore_mem>>)
      } else {
      }
      %dma_wait3A_193 = arith.constant 0 : i32
      %dma_wait3A_194 = arith.constant 0 : i32
      %dma_wait3A_195 = tpu.memref_slice %arg3[%add3A, %add3A_187, %dma_wait3A_193, %dma_wait3A_194] : memref<32x125x1x80xi32, #tpu.memory_space<hbm>> -> memref<1x1x1x80xi32, #tpu.memory_space<hbm>>
      %dma_wait3A_196 = tpu.memref_squeeze %dma_wait3A_195 : memref<1x1x1x80xi32, #tpu.memory_space<hbm>> -> memref<80xi32, #tpu.memory_space<hbm>>
      %dma_wait3A_197 = arith.constant 0 : i32
      %dma_wait3A_198 = tpu.memref_slice %arg3[%add3A, %add3A_187, %dma_wait3A_193, %dma_wait3A_197] : memref<32x125x1x80xi32, #tpu.memory_space<hbm>> -> memref<1x1x1x80xi32, #tpu.memory_space<hbm>>
      %dma_wait3A_199 = tpu.memref_squeeze %dma_wait3A_198 : memref<1x1x1x80xi32, #tpu.memory_space<hbm>> -> memref<80xi32, #tpu.memory_space<hbm>>
      tpu.wait_dma2 semaphore(%arg31 : memref<!tpu.dma_semaphore, #tpu.memory_space<semaphore_mem>>) src(%dma_wait3A_199 : memref<80xi32, #tpu.memory_space<hbm>>) dst(%arg15 : memref<80xi32, #tpu.memory_space<vmem>>)
      %dma_start3A_200 = arith.constant 0 : i32
      %dma_start3A_201 = arith.constant 0 : i32
      %dma_start3A_202 = tpu.memref_slice %arg2[%dma_start3A_200, %dma_start3A_201] : memref<10000x128xf32, #tpu.memory_space<hbm>> -> memref<10000x128xf32, #tpu.memory_space<hbm>>
      tpu.enqueue_indirect_dma source(%dma_start3A_202 : memref<10000x128xf32, #tpu.memory_space<hbm>>) target(%arg11 : memref<80x128xf32, #tpu.memory_space<vmem>>) offsets(%arg15 : memref<80xi32, #tpu.memory_space<vmem>>) semaphore(%arg23 : memref<!tpu.dma_semaphore, #tpu.memory_space<semaphore_mem>>)
      %mul3A_203 = arith.constant 4 : i32
      %mul3A_204 = arith.muli %scan3A_129, %mul3A_203 : i32
      %add3A_205 = arith.constant 0 : i32
      %add3A_206 = arith.addi %mul3A_204, %add3A_205 : i32
      %dma_wait3A_207 = arith.constant 0 : i32
      %dma_wait3A_208 = arith.constant 0 : i32
      %dma_wait3A_209 = tpu.memref_slice %arg2[%dma_wait3A_207, %dma_wait3A_208] : memref<10000x128xf32, #tpu.memory_space<hbm>> -> memref<10000x128xf32, #tpu.memory_space<hbm>>
      tpu.wait_indirect_dma semaphore(%arg20 : memref<!tpu.dma_semaphore, #tpu.memory_space<semaphore_mem>>) src(%dma_wait3A_209 : memref<10000x128xf32, #tpu.memory_space<hbm>>) dst(%arg8 : memref<80x128xf32, #tpu.memory_space<vmem>>)
      %add3A_210 = arith.constant 4 : i32
      %add3A_211 = arith.addi %add3A_206, %add3A_210 : i32
      %lt3A = arith.constant 125 : i32
      %lt3A_212 = arith.cmpi slt, %add3A_211, %lt3A : i32
      %convert_element_type3A_213 = arith.extui %lt3A_212 : i1 to i32
      %cond3A_214 = arith.constant 0 : i32
      %cond3A_215 = arith.cmpi ne, %convert_element_type3A_213, %cond3A_214 : i32
      scf.if %cond3A_215 {
        %add3A_298 = arith.constant 4 : i32
        %add3A_299 = arith.addi %add3A_206, %add3A_298 : i32
        %dma_start3A_300 = arith.constant 0 : i32
        %dma_start3A_301 = arith.constant 0 : i32
        %dma_start3A_302 = tpu.memref_slice %arg3[%add3A, %add3A_299, %dma_start3A_300, %dma_start3A_301] : memref<32x125x1x80xi32, #tpu.memory_space<hbm>> -> memref<1x1x1x80xi32, #tpu.memory_space<hbm>>
        %dma_start3A_303 = tpu.memref_squeeze %dma_start3A_302 : memref<1x1x1x80xi32, #tpu.memory_space<hbm>> -> memref<80xi32, #tpu.memory_space<hbm>>
        %dma_start3A_304 = arith.constant 0 : i32
        %dma_start3A_305 = tpu.memref_slice %arg3[%add3A, %add3A_299, %dma_start3A_300, %dma_start3A_304] : memref<32x125x1x80xi32, #tpu.memory_space<hbm>> -> memref<1x1x1x80xi32, #tpu.memory_space<hbm>>
        %dma_start3A_306 = tpu.memref_squeeze %dma_start3A_305 : memref<1x1x1x80xi32, #tpu.memory_space<hbm>> -> memref<80xi32, #tpu.memory_space<hbm>>
        tpu.enqueue_dma source(%dma_start3A_306 : memref<80xi32, #tpu.memory_space<hbm>>) target(%arg12 : memref<80xi32, #tpu.memory_space<vmem>>) target_semaphore(%arg28 : memref<!tpu.dma_semaphore, #tpu.memory_space<semaphore_mem>>)
      } else {
      }
      %dma_wait3A_216 = arith.constant 0 : i32
      %dma_wait3A_217 = arith.constant 0 : i32
      %dma_wait3A_218 = tpu.memref_slice %arg4[%add3A, %add3A_206, %dma_wait3A_216, %dma_wait3A_217] : memref<32x125x1x80xi32, #tpu.memory_space<hbm>> -> memref<1x1x1x80xi32, #tpu.memory_space<hbm>>
      %dma_wait3A_219 = tpu.memref_squeeze %dma_wait3A_218 : memref<1x1x1x80xi32, #tpu.memory_space<hbm>> -> memref<80xi32, #tpu.memory_space<hbm>>
      %dma_wait3A_220 = arith.constant 0 : i32
      %dma_wait3A_221 = tpu.memref_slice %arg4[%add3A, %add3A_206, %dma_wait3A_216, %dma_wait3A_220] : memref<32x125x1x80xi32, #tpu.memory_space<hbm>> -> memref<1x1x1x80xi32, #tpu.memory_space<hbm>>
      %dma_wait3A_222 = tpu.memref_squeeze %dma_wait3A_221 : memref<1x1x1x80xi32, #tpu.memory_space<hbm>> -> memref<80xi32, #tpu.memory_space<hbm>>
      tpu.wait_dma2 semaphore(%arg32 : memref<!tpu.dma_semaphore, #tpu.memory_space<semaphore_mem>>) src(%dma_wait3A_222 : memref<80xi32, #tpu.memory_space<hbm>>) dst(%arg16 : memref<80xi32, #tpu.memory_space<vmem>>)
      %dma_start3A_223 = arith.constant 0 : i32
      %dma_start3A_224 = arith.constant 0 : i32
      %dma_start3A_225 = tpu.memref_slice %arg6[%dma_start3A_223, %dma_start3A_224] : memref<10000x128xf32, #tpu.memory_space<vmem_shared>> -> memref<10000x128xf32, #tpu.memory_space<vmem_shared>>
      tpu.enqueue_indirect_dma source(%arg8 : memref<80x128xf32, #tpu.memory_space<vmem>>) target(%dma_start3A_225 : memref<10000x128xf32, #tpu.memory_space<vmem_shared>>) offsets(%arg16 : memref<80xi32, #tpu.memory_space<vmem>>) semaphore(%arg24 : memref<!tpu.dma_semaphore, #tpu.memory_space<semaphore_mem>>) {add = true}
      %mul3A_226 = arith.constant 4 : i32
      %mul3A_227 = arith.muli %scan3A_129, %mul3A_226 : i32
      %add3A_228 = arith.constant 1 : i32
      %add3A_229 = arith.addi %mul3A_227, %add3A_228 : i32
      %dma_wait3A_230 = arith.constant 0 : i32
      %dma_wait3A_231 = arith.constant 0 : i32
      %dma_wait3A_232 = tpu.memref_slice %arg2[%dma_wait3A_230, %dma_wait3A_231] : memref<10000x128xf32, #tpu.memory_space<hbm>> -> memref<10000x128xf32, #tpu.memory_space<hbm>>
      tpu.wait_indirect_dma semaphore(%arg21 : memref<!tpu.dma_semaphore, #tpu.memory_space<semaphore_mem>>) src(%dma_wait3A_232 : memref<10000x128xf32, #tpu.memory_space<hbm>>) dst(%arg9 : memref<80x128xf32, #tpu.memory_space<vmem>>)
      %add3A_233 = arith.constant 4 : i32
      %add3A_234 = arith.addi %add3A_229, %add3A_233 : i32
      %lt3A_235 = arith.constant 125 : i32
      %lt3A_236 = arith.cmpi slt, %add3A_234, %lt3A_235 : i32
      %convert_element_type3A_237 = arith.extui %lt3A_236 : i1 to i32
      %cond3A_238 = arith.constant 0 : i32
      %cond3A_239 = arith.cmpi ne, %convert_element_type3A_237, %cond3A_238 : i32
      scf.if %cond3A_239 {
        %add3A_298 = arith.constant 4 : i32
        %add3A_299 = arith.addi %add3A_229, %add3A_298 : i32
        %dma_start3A_300 = arith.constant 0 : i32
        %dma_start3A_301 = arith.constant 0 : i32
        %dma_start3A_302 = tpu.memref_slice %arg3[%add3A, %add3A_299, %dma_start3A_300, %dma_start3A_301] : memref<32x125x1x80xi32, #tpu.memory_space<hbm>> -> memref<1x1x1x80xi32, #tpu.memory_space<hbm>>
        %dma_start3A_303 = tpu.memref_squeeze %dma_start3A_302 : memref<1x1x1x80xi32, #tpu.memory_space<hbm>> -> memref<80xi32, #tpu.memory_space<hbm>>
        %dma_start3A_304 = arith.constant 0 : i32
        %dma_start3A_305 = tpu.memref_slice %arg3[%add3A, %add3A_299, %dma_start3A_300, %dma_start3A_304] : memref<32x125x1x80xi32, #tpu.memory_space<hbm>> -> memref<1x1x1x80xi32, #tpu.memory_space<hbm>>
        %dma_start3A_306 = tpu.memref_squeeze %dma_start3A_305 : memref<1x1x1x80xi32, #tpu.memory_space<hbm>> -> memref<80xi32, #tpu.memory_space<hbm>>
        tpu.enqueue_dma source(%dma_start3A_306 : memref<80xi32, #tpu.memory_space<hbm>>) target(%arg13 : memref<80xi32, #tpu.memory_space<vmem>>) target_semaphore(%arg29 : memref<!tpu.dma_semaphore, #tpu.memory_space<semaphore_mem>>)
      } else {
      }
      %dma_wait3A_240 = arith.constant 0 : i32
      %dma_wait3A_241 = arith.constant 0 : i32
      %dma_wait3A_242 = tpu.memref_slice %arg4[%add3A, %add3A_229, %dma_wait3A_240, %dma_wait3A_241] : memref<32x125x1x80xi32, #tpu.memory_space<hbm>> -> memref<1x1x1x80xi32, #tpu.memory_space<hbm>>
      %dma_wait3A_243 = tpu.memref_squeeze %dma_wait3A_242 : memref<1x1x1x80xi32, #tpu.memory_space<hbm>> -> memref<80xi32, #tpu.memory_space<hbm>>
      %dma_wait3A_244 = arith.constant 0 : i32
      %dma_wait3A_245 = tpu.memref_slice %arg4[%add3A, %add3A_229, %dma_wait3A_240, %dma_wait3A_244] : memref<32x125x1x80xi32, #tpu.memory_space<hbm>> -> memref<1x1x1x80xi32, #tpu.memory_space<hbm>>
      %dma_wait3A_246 = tpu.memref_squeeze %dma_wait3A_245 : memref<1x1x1x80xi32, #tpu.memory_space<hbm>> -> memref<80xi32, #tpu.memory_space<hbm>>
      tpu.wait_dma2 semaphore(%arg33 : memref<!tpu.dma_semaphore, #tpu.memory_space<semaphore_mem>>) src(%dma_wait3A_246 : memref<80xi32, #tpu.memory_space<hbm>>) dst(%arg17 : memref<80xi32, #tpu.memory_space<vmem>>)
      %dma_start3A_247 = arith.constant 0 : i32
      %dma_start3A_248 = arith.constant 0 : i32
      %dma_start3A_249 = tpu.memref_slice %arg6[%dma_start3A_247, %dma_start3A_248] : memref<10000x128xf32, #tpu.memory_space<vmem_shared>> -> memref<10000x128xf32, #tpu.memory_space<vmem_shared>>
      tpu.enqueue_indirect_dma source(%arg9 : memref<80x128xf32, #tpu.memory_space<vmem>>) target(%dma_start3A_249 : memref<10000x128xf32, #tpu.memory_space<vmem_shared>>) offsets(%arg17 : memref<80xi32, #tpu.memory_space<vmem>>) semaphore(%arg25 : memref<!tpu.dma_semaphore, #tpu.memory_space<semaphore_mem>>) {add = true}
      %mul3A_250 = arith.constant 4 : i32
      %mul3A_251 = arith.muli %scan3A_129, %mul3A_250 : i32
      %add3A_252 = arith.constant 2 : i32
      %add3A_253 = arith.addi %mul3A_251, %add3A_252 : i32
      %dma_wait3A_254 = arith.constant 0 : i32
      %dma_wait3A_255 = arith.constant 0 : i32
      %dma_wait3A_256 = tpu.memref_slice %arg2[%dma_wait3A_254, %dma_wait3A_255] : memref<10000x128xf32, #tpu.memory_space<hbm>> -> memref<10000x128xf32, #tpu.memory_space<hbm>>
      tpu.wait_indirect_dma semaphore(%arg22 : memref<!tpu.dma_semaphore, #tpu.memory_space<semaphore_mem>>) src(%dma_wait3A_256 : memref<10000x128xf32, #tpu.memory_space<hbm>>) dst(%arg10 : memref<80x128xf32, #tpu.memory_space<vmem>>)
      %add3A_257 = arith.constant 4 : i32
      %add3A_258 = arith.addi %add3A_253, %add3A_257 : i32
      %lt3A_259 = arith.constant 125 : i32
      %lt3A_260 = arith.cmpi slt, %add3A_258, %lt3A_259 : i32
      %convert_element_type3A_261 = arith.extui %lt3A_260 : i1 to i32
      %cond3A_262 = arith.constant 0 : i32
      %cond3A_263 = arith.cmpi ne, %convert_element_type3A_261, %cond3A_262 : i32
      scf.if %cond3A_263 {
        %add3A_298 = arith.constant 4 : i32
        %add3A_299 = arith.addi %add3A_253, %add3A_298 : i32
        %dma_start3A_300 = arith.constant 0 : i32
        %dma_start3A_301 = arith.constant 0 : i32
        %dma_start3A_302 = tpu.memref_slice %arg3[%add3A, %add3A_299, %dma_start3A_300, %dma_start3A_301] : memref<32x125x1x80xi32, #tpu.memory_space<hbm>> -> memref<1x1x1x80xi32, #tpu.memory_space<hbm>>
        %dma_start3A_303 = tpu.memref_squeeze %dma_start3A_302 : memref<1x1x1x80xi32, #tpu.memory_space<hbm>> -> memref<80xi32, #tpu.memory_space<hbm>>
        %dma_start3A_304 = arith.constant 0 : i32
        %dma_start3A_305 = tpu.memref_slice %arg3[%add3A, %add3A_299, %dma_start3A_300, %dma_start3A_304] : memref<32x125x1x80xi32, #tpu.memory_space<hbm>> -> memref<1x1x1x80xi32, #tpu.memory_space<hbm>>
        %dma_start3A_306 = tpu.memref_squeeze %dma_start3A_305 : memref<1x1x1x80xi32, #tpu.memory_space<hbm>> -> memref<80xi32, #tpu.memory_space<hbm>>
        tpu.enqueue_dma source(%dma_start3A_306 : memref<80xi32, #tpu.memory_space<hbm>>) target(%arg14 : memref<80xi32, #tpu.memory_space<vmem>>) target_semaphore(%arg30 : memref<!tpu.dma_semaphore, #tpu.memory_space<semaphore_mem>>)
      } else {
      }
      %dma_wait3A_264 = arith.constant 0 : i32
      %dma_wait3A_265 = arith.constant 0 : i32
      %dma_wait3A_266 = tpu.memref_slice %arg4[%add3A, %add3A_253, %dma_wait3A_264, %dma_wait3A_265] : memref<32x125x1x80xi32, #tpu.memory_space<hbm>> -> memref<1x1x1x80xi32, #tpu.memory_space<hbm>>
      %dma_wait3A_267 = tpu.memref_squeeze %dma_wait3A_266 : memref<1x1x1x80xi32, #tpu.memory_space<hbm>> -> memref<80xi32, #tpu.memory_space<hbm>>
      %dma_wait3A_268 = arith.constant 0 : i32
      %dma_wait3A_269 = tpu.memref_slice %arg4[%add3A, %add3A_253, %dma_wait3A_264, %dma_wait3A_268] : memref<32x125x1x80xi32, #tpu.memory_space<hbm>> -> memref<1x1x1x80xi32, #tpu.memory_space<hbm>>
      %dma_wait3A_270 = tpu.memref_squeeze %dma_wait3A_269 : memref<1x1x1x80xi32, #tpu.memory_space<hbm>> -> memref<80xi32, #tpu.memory_space<hbm>>
      tpu.wait_dma2 semaphore(%arg34 : memref<!tpu.dma_semaphore, #tpu.memory_space<semaphore_mem>>) src(%dma_wait3A_270 : memref<80xi32, #tpu.memory_space<hbm>>) dst(%arg18 : memref<80xi32, #tpu.memory_space<vmem>>)
      %dma_start3A_271 = arith.constant 0 : i32
      %dma_start3A_272 = arith.constant 0 : i32
      %dma_start3A_273 = tpu.memref_slice %arg6[%dma_start3A_271, %dma_start3A_272] : memref<10000x128xf32, #tpu.memory_space<vmem_shared>> -> memref<10000x128xf32, #tpu.memory_space<vmem_shared>>
      tpu.enqueue_indirect_dma source(%arg10 : memref<80x128xf32, #tpu.memory_space<vmem>>) target(%dma_start3A_273 : memref<10000x128xf32, #tpu.memory_space<vmem_shared>>) offsets(%arg18 : memref<80xi32, #tpu.memory_space<vmem>>) semaphore(%arg26 : memref<!tpu.dma_semaphore, #tpu.memory_space<semaphore_mem>>) {add = true}
      %mul3A_274 = arith.constant 4 : i32
      %mul3A_275 = arith.muli %scan3A_129, %mul3A_274 : i32
      %add3A_276 = arith.constant 3 : i32
      %add3A_277 = arith.addi %mul3A_275, %add3A_276 : i32
      %dma_wait3A_278 = arith.constant 0 : i32
      %dma_wait3A_279 = arith.constant 0 : i32
      %dma_wait3A_280 = tpu.memref_slice %arg2[%dma_wait3A_278, %dma_wait3A_279] : memref<10000x128xf32, #tpu.memory_space<hbm>> -> memref<10000x128xf32, #tpu.memory_space<hbm>>
      tpu.wait_indirect_dma semaphore(%arg23 : memref<!tpu.dma_semaphore, #tpu.memory_space<semaphore_mem>>) src(%dma_wait3A_280 : memref<10000x128xf32, #tpu.memory_space<hbm>>) dst(%arg11 : memref<80x128xf32, #tpu.memory_space<vmem>>)
      %add3A_281 = arith.constant 4 : i32
      %add3A_282 = arith.addi %add3A_277, %add3A_281 : i32
      %lt3A_283 = arith.constant 125 : i32
      %lt3A_284 = arith.cmpi slt, %add3A_282, %lt3A_283 : i32
      %convert_element_type3A_285 = arith.extui %lt3A_284 : i1 to i32
      %cond3A_286 = arith.constant 0 : i32
      %cond3A_287 = arith.cmpi ne, %convert_element_type3A_285, %cond3A_286 : i32
      scf.if %cond3A_287 {
        %add3A_298 = arith.constant 4 : i32
        %add3A_299 = arith.addi %add3A_277, %add3A_298 : i32
        %dma_start3A_300 = arith.constant 0 : i32
        %dma_start3A_301 = arith.constant 0 : i32
        %dma_start3A_302 = tpu.memref_slice %arg3[%add3A, %add3A_299, %dma_start3A_300, %dma_start3A_301] : memref<32x125x1x80xi32, #tpu.memory_space<hbm>> -> memref<1x1x1x80xi32, #tpu.memory_space<hbm>>
        %dma_start3A_303 = tpu.memref_squeeze %dma_start3A_302 : memref<1x1x1x80xi32, #tpu.memory_space<hbm>> -> memref<80xi32, #tpu.memory_space<hbm>>
        %dma_start3A_304 = arith.constant 0 : i32
        %dma_start3A_305 = tpu.memref_slice %arg3[%add3A, %add3A_299, %dma_start3A_300, %dma_start3A_304] : memref<32x125x1x80xi32, #tpu.memory_space<hbm>> -> memref<1x1x1x80xi32, #tpu.memory_space<hbm>>
        %dma_start3A_306 = tpu.memref_squeeze %dma_start3A_305 : memref<1x1x1x80xi32, #tpu.memory_space<hbm>> -> memref<80xi32, #tpu.memory_space<hbm>>
        tpu.enqueue_dma source(%dma_start3A_306 : memref<80xi32, #tpu.memory_space<hbm>>) target(%arg15 : memref<80xi32, #tpu.memory_space<vmem>>) target_semaphore(%arg31 : memref<!tpu.dma_semaphore, #tpu.memory_space<semaphore_mem>>)
      } else {
      }
      %dma_wait3A_288 = arith.constant 0 : i32
      %dma_wait3A_289 = arith.constant 0 : i32
      %dma_wait3A_290 = tpu.memref_slice %arg4[%add3A, %add3A_277, %dma_wait3A_288, %dma_wait3A_289] : memref<32x125x1x80xi32, #tpu.memory_space<hbm>> -> memref<1x1x1x80xi32, #tpu.memory_space<hbm>>
      %dma_wait3A_291 = tpu.memref_squeeze %dma_wait3A_290 : memref<1x1x1x80xi32, #tpu.memory_space<hbm>> -> memref<80xi32, #tpu.memory_space<hbm>>
      %dma_wait3A_292 = arith.constant 0 : i32
      %dma_wait3A_293 = tpu.memref_slice %arg4[%add3A, %add3A_277, %dma_wait3A_288, %dma_wait3A_292] : memref<32x125x1x80xi32, #tpu.memory_space<hbm>> -> memref<1x1x1x80xi32, #tpu.memory_space<hbm>>
      %dma_wait3A_294 = tpu.memref_squeeze %dma_wait3A_293 : memref<1x1x1x80xi32, #tpu.memory_space<hbm>> -> memref<80xi32, #tpu.memory_space<hbm>>
      tpu.wait_dma2 semaphore(%arg35 : memref<!tpu.dma_semaphore, #tpu.memory_space<semaphore_mem>>) src(%dma_wait3A_294 : memref<80xi32, #tpu.memory_space<hbm>>) dst(%arg19 : memref<80xi32, #tpu.memory_space<vmem>>)
      %dma_start3A_295 = arith.constant 0 : i32
      %dma_start3A_296 = arith.constant 0 : i32
      %dma_start3A_297 = tpu.memref_slice %arg6[%dma_start3A_295, %dma_start3A_296] : memref<10000x128xf32, #tpu.memory_space<vmem_shared>> -> memref<10000x128xf32, #tpu.memory_space<vmem_shared>>
      tpu.enqueue_indirect_dma source(%arg11 : memref<80x128xf32, #tpu.memory_space<vmem>>) target(%dma_start3A_297 : memref<10000x128xf32, #tpu.memory_space<vmem_shared>>) offsets(%arg19 : memref<80xi32, #tpu.memory_space<vmem>>) semaphore(%arg27 : memref<!tpu.dma_semaphore, #tpu.memory_space<semaphore_mem>>) {add = true}
    }
    %scan3A_78 = arith.constant 31 : i32
    %dma_wait3A = arith.constant 0 : i32
    %dma_wait3A_79 = arith.constant 0 : i32
    %dma_wait3A_80 = tpu.memref_slice %arg6[%dma_wait3A, %dma_wait3A_79] : memref<10000x128xf32, #tpu.memory_space<vmem_shared>> -> memref<10000x128xf32, #tpu.memory_space<vmem_shared>>
    tpu.wait_indirect_dma semaphore(%arg24 : memref<!tpu.dma_semaphore, #tpu.memory_space<semaphore_mem>>) src(%arg8 : memref<80x128xf32, #tpu.memory_space<vmem>>) dst(%dma_wait3A_80 : memref<10000x128xf32, #tpu.memory_space<vmem_shared>>)
    %dma_start3A_81 = arith.constant 124 : i32
    %dma_start3A_82 = arith.constant 0 : i32
    %dma_start3A_83 = arith.constant 0 : i32
    %dma_start3A_84 = tpu.memref_slice %arg4[%add3A, %dma_start3A_81, %dma_start3A_82, %dma_start3A_83] : memref<32x125x1x80xi32, #tpu.memory_space<hbm>> -> memref<1x1x1x80xi32, #tpu.memory_space<hbm>>
    %dma_start3A_85 = tpu.memref_squeeze %dma_start3A_84 : memref<1x1x1x80xi32, #tpu.memory_space<hbm>> -> memref<80xi32, #tpu.memory_space<hbm>>
    %dma_start3A_86 = arith.constant 0 : i32
    %dma_start3A_87 = tpu.memref_slice %arg4[%add3A, %dma_start3A_81, %dma_start3A_82, %dma_start3A_86] : memref<32x125x1x80xi32, #tpu.memory_space<hbm>> -> memref<1x1x1x80xi32, #tpu.memory_space<hbm>>
    %dma_start3A_88 = tpu.memref_squeeze %dma_start3A_87 : memref<1x1x1x80xi32, #tpu.memory_space<hbm>> -> memref<80xi32, #tpu.memory_space<hbm>>
    tpu.enqueue_dma source(%dma_start3A_88 : memref<80xi32, #tpu.memory_space<hbm>>) target(%arg16 : memref<80xi32, #tpu.memory_space<vmem>>) target_semaphore(%arg32 : memref<!tpu.dma_semaphore, #tpu.memory_space<semaphore_mem>>)
    %dma_wait3A_89 = arith.constant 124 : i32
    %dma_wait3A_90 = arith.constant 0 : i32
    %dma_wait3A_91 = arith.constant 0 : i32
    %dma_wait3A_92 = tpu.memref_slice %arg3[%add3A, %dma_wait3A_89, %dma_wait3A_90, %dma_wait3A_91] : memref<32x125x1x80xi32, #tpu.memory_space<hbm>> -> memref<1x1x1x80xi32, #tpu.memory_space<hbm>>
    %dma_wait3A_93 = tpu.memref_squeeze %dma_wait3A_92 : memref<1x1x1x80xi32, #tpu.memory_space<hbm>> -> memref<80xi32, #tpu.memory_space<hbm>>
    %dma_wait3A_94 = arith.constant 0 : i32
    %dma_wait3A_95 = tpu.memref_slice %arg3[%add3A, %dma_wait3A_89, %dma_wait3A_90, %dma_wait3A_94] : memref<32x125x1x80xi32, #tpu.memory_space<hbm>> -> memref<1x1x1x80xi32, #tpu.memory_space<hbm>>
    %dma_wait3A_96 = tpu.memref_squeeze %dma_wait3A_95 : memref<1x1x1x80xi32, #tpu.memory_space<hbm>> -> memref<80xi32, #tpu.memory_space<hbm>>
    tpu.wait_dma2 semaphore(%arg28 : memref<!tpu.dma_semaphore, #tpu.memory_space<semaphore_mem>>) src(%dma_wait3A_96 : memref<80xi32, #tpu.memory_space<hbm>>) dst(%arg12 : memref<80xi32, #tpu.memory_space<vmem>>)
    %dma_start3A_97 = arith.constant 0 : i32
    %dma_start3A_98 = arith.constant 0 : i32
    %dma_start3A_99 = tpu.memref_slice %arg2[%dma_start3A_97, %dma_start3A_98] : memref<10000x128xf32, #tpu.memory_space<hbm>> -> memref<10000x128xf32, #tpu.memory_space<hbm>>
    tpu.enqueue_indirect_dma source(%dma_start3A_99 : memref<10000x128xf32, #tpu.memory_space<hbm>>) target(%arg8 : memref<80x128xf32, #tpu.memory_space<vmem>>) offsets(%arg12 : memref<80xi32, #tpu.memory_space<vmem>>) semaphore(%arg20 : memref<!tpu.dma_semaphore, #tpu.memory_space<semaphore_mem>>)
    %dma_wait3A_100 = arith.constant 0 : i32
    %dma_wait3A_101 = arith.constant 0 : i32
    %dma_wait3A_102 = tpu.memref_slice %arg2[%dma_wait3A_100, %dma_wait3A_101] : memref<10000x128xf32, #tpu.memory_space<hbm>> -> memref<10000x128xf32, #tpu.memory_space<hbm>>
    tpu.wait_indirect_dma semaphore(%arg20 : memref<!tpu.dma_semaphore, #tpu.memory_space<semaphore_mem>>) src(%dma_wait3A_102 : memref<10000x128xf32, #tpu.memory_space<hbm>>) dst(%arg8 : memref<80x128xf32, #tpu.memory_space<vmem>>)
    %dma_wait3A_103 = arith.constant 124 : i32
    %dma_wait3A_104 = arith.constant 0 : i32
    %dma_wait3A_105 = arith.constant 0 : i32
    %dma_wait3A_106 = tpu.memref_slice %arg4[%add3A, %dma_wait3A_103, %dma_wait3A_104, %dma_wait3A_105] : memref<32x125x1x80xi32, #tpu.memory_space<hbm>> -> memref<1x1x1x80xi32, #tpu.memory_space<hbm>>
    %dma_wait3A_107 = tpu.memref_squeeze %dma_wait3A_106 : memref<1x1x1x80xi32, #tpu.memory_space<hbm>> -> memref<80xi32, #tpu.memory_space<hbm>>
    %dma_wait3A_108 = arith.constant 0 : i32
    %dma_wait3A_109 = tpu.memref_slice %arg4[%add3A, %dma_wait3A_103, %dma_wait3A_104, %dma_wait3A_108] : memref<32x125x1x80xi32, #tpu.memory_space<hbm>> -> memref<1x1x1x80xi32, #tpu.memory_space<hbm>>
    %dma_wait3A_110 = tpu.memref_squeeze %dma_wait3A_109 : memref<1x1x1x80xi32, #tpu.memory_space<hbm>> -> memref<80xi32, #tpu.memory_space<hbm>>
    tpu.wait_dma2 semaphore(%arg32 : memref<!tpu.dma_semaphore, #tpu.memory_space<semaphore_mem>>) src(%dma_wait3A_110 : memref<80xi32, #tpu.memory_space<hbm>>) dst(%arg16 : memref<80xi32, #tpu.memory_space<vmem>>)
    %dma_start3A_111 = arith.constant 0 : i32
    %dma_start3A_112 = arith.constant 0 : i32
    %dma_start3A_113 = tpu.memref_slice %arg6[%dma_start3A_111, %dma_start3A_112] : memref<10000x128xf32, #tpu.memory_space<vmem_shared>> -> memref<10000x128xf32, #tpu.memory_space<vmem_shared>>
    tpu.enqueue_indirect_dma source(%arg8 : memref<80x128xf32, #tpu.memory_space<vmem>>) target(%dma_start3A_113 : memref<10000x128xf32, #tpu.memory_space<vmem_shared>>) offsets(%arg16 : memref<80xi32, #tpu.memory_space<vmem>>) semaphore(%arg24 : memref<!tpu.dma_semaphore, #tpu.memory_space<semaphore_mem>>) {add = true}
    %dma_wait3A_114 = arith.constant 0 : i32
    %dma_wait3A_115 = arith.constant 0 : i32
    %dma_wait3A_116 = tpu.memref_slice %arg6[%dma_wait3A_114, %dma_wait3A_115] : memref<10000x128xf32, #tpu.memory_space<vmem_shared>> -> memref<10000x128xf32, #tpu.memory_space<vmem_shared>>
    tpu.wait_indirect_dma semaphore(%arg24 : memref<!tpu.dma_semaphore, #tpu.memory_space<semaphore_mem>>) src(%arg8 : memref<80x128xf32, #tpu.memory_space<vmem>>) dst(%dma_wait3A_116 : memref<10000x128xf32, #tpu.memory_space<vmem_shared>>)
    %dma_wait3A_117 = arith.constant 0 : i32
    %dma_wait3A_118 = arith.constant 0 : i32
    %dma_wait3A_119 = tpu.memref_slice %arg6[%dma_wait3A_117, %dma_wait3A_118] : memref<10000x128xf32, #tpu.memory_space<vmem_shared>> -> memref<10000x128xf32, #tpu.memory_space<vmem_shared>>
    tpu.wait_indirect_dma semaphore(%arg25 : memref<!tpu.dma_semaphore, #tpu.memory_space<semaphore_mem>>) src(%arg9 : memref<80x128xf32, #tpu.memory_space<vmem>>) dst(%dma_wait3A_119 : memref<10000x128xf32, #tpu.memory_space<vmem_shared>>)
    %dma_wait3A_120 = arith.constant 0 : i32
    %dma_wait3A_121 = arith.constant 0 : i32
    %dma_wait3A_122 = tpu.memref_slice %arg6[%dma_wait3A_120, %dma_wait3A_121] : memref<10000x128xf32, #tpu.memory_space<vmem_shared>> -> memref<10000x128xf32, #tpu.memory_space<vmem_shared>>
    tpu.wait_indirect_dma semaphore(%arg26 : memref<!tpu.dma_semaphore, #tpu.memory_space<semaphore_mem>>) src(%arg10 : memref<80x128xf32, #tpu.memory_space<vmem>>) dst(%dma_wait3A_122 : memref<10000x128xf32, #tpu.memory_space<vmem_shared>>)
    %dma_wait3A_123 = arith.constant 0 : i32
    %dma_wait3A_124 = arith.constant 0 : i32
    %dma_wait3A_125 = tpu.memref_slice %arg6[%dma_wait3A_123, %dma_wait3A_124] : memref<10000x128xf32, #tpu.memory_space<vmem_shared>> -> memref<10000x128xf32, #tpu.memory_space<vmem_shared>>
    tpu.wait_indirect_dma semaphore(%arg27 : memref<!tpu.dma_semaphore, #tpu.memory_space<semaphore_mem>>) src(%arg11 : memref<80x128xf32, #tpu.memory_space<vmem>>) dst(%dma_wait3A_125 : memref<10000x128xf32, #tpu.memory_space<vmem_shared>>)
    %barrier3A_126 = arith.constant 0 : index
    tpu.barrier barrier_id(%barrier3A_126)
    %mul3A_127 = arith.constant 625 : i32
    %mul3A_128 = arith.muli %arg1, %mul3A_127 : i32
    "tpu.region"() ({
      %run_scoped3A = tpu.sem_alloc : memref<!tpu.dma_semaphore, #tpu.memory_space<semaphore_mem>>
      %dma_start3A_129 = arith.constant 0 : i32
      %dma_start3A_130 = arith.constant 0 : i32
      %dma_start3A_131 = tpu.memref_slice %arg5[%arg0, %arg1, %dma_start3A_129, %dma_start3A_130] : memref<2x16x625x128xf32, #tpu.memory_space<hbm>> -> memref<1x1x625x128xf32, #tpu.memory_space<hbm>>
      %dma_start3A_132 = tpu.memref_squeeze %dma_start3A_131 : memref<1x1x625x128xf32, #tpu.memory_space<hbm>> -> memref<625x128xf32, #tpu.memory_space<hbm>>
      %dma_start3A_133 = arith.constant 0 : i32
      %dma_start3A_134 = tpu.memref_slice %arg6[%mul3A_128, %dma_start3A_133] : memref<10000x128xf32, #tpu.memory_space<vmem_shared>> -> memref<625x128xf32, #tpu.memory_space<vmem_shared>>
      tpu.enqueue_dma source(%dma_start3A_134 : memref<625x128xf32, #tpu.memory_space<vmem_shared>>) target(%dma_start3A_132 : memref<625x128xf32, #tpu.memory_space<hbm>>) target_semaphore(%run_scoped3A : memref<!tpu.dma_semaphore, #tpu.memory_space<semaphore_mem>>)
      %dma_wait3A_135 = arith.constant 0 : i32
      %dma_wait3A_136 = arith.constant 0 : i32
      %dma_wait3A_137 = tpu.memref_slice %arg5[%arg0, %arg1, %dma_wait3A_135, %dma_wait3A_136] : memref<2x16x625x128xf32, #tpu.memory_space<hbm>> -> memref<1x1x625x128xf32, #tpu.memory_space<hbm>>
      %dma_wait3A_138 = tpu.memref_squeeze %dma_wait3A_137 : memref<1x1x625x128xf32, #tpu.memory_space<hbm>> -> memref<625x128xf32, #tpu.memory_space<hbm>>
      %dma_wait3A_139 = arith.constant 0 : i32
      %dma_wait3A_140 = tpu.memref_slice %arg6[%mul3A_128, %dma_wait3A_139] : memref<10000x128xf32, #tpu.memory_space<vmem_shared>> -> memref<625x128xf32, #tpu.memory_space<vmem_shared>>
      tpu.wait_dma2 semaphore(%run_scoped3A : memref<!tpu.dma_semaphore, #tpu.memory_space<semaphore_mem>>) src(%dma_wait3A_140 : memref<625x128xf32, #tpu.memory_space<vmem_shared>>) dst(%dma_wait3A_138 : memref<625x128xf32, #tpu.memory_space<hbm>>)
      tpu.yield
    }) : () -> ()
    return
  }
}

#map = affine_map<(d0, d1) -> (0)>
#map1 = affine_map<(d0, d1) -> (0, 0, 0)>
module attributes {stable_mosaic.version = 14 : i64} {
  func.func @_sc_pre_body(%arg0: i32, %arg1: i32, %arg2: memref<320000xi32, #tpu.memory_space<hbm>>, %arg3: memref<320000xi32, #tpu.memory_space<hbm>>, %arg4: memref<32x1x10000xf32, #tpu.memory_space<hbm>>, %arg5: memref<32x100x128xf32, #tpu.memory_space<hbm>>, %arg6: memref<32x100x16xf32, #tpu.memory_space<hbm>>, %arg7: memref<10000xf32, #tpu.memory_space<vmem>>, %arg8: memref<100x128xf32, #tpu.memory_space<vmem>>, %arg9: memref<100x16xf32, #tpu.memory_space<vmem>>, %arg10: memref<10000xi32, #tpu.memory_space<vmem>>, %arg11: memref<10000xi32, #tpu.memory_space<vmem>>, %arg12: memref<!tpu.dma_semaphore, #tpu.memory_space<semaphore_mem>>) attributes {dimension_semantics = [#tpu.dimension_semantics<core_parallel>, #tpu.dimension_semantics<subcore_parallel>], iteration_bounds = array<i64: 2, 16>, scalar_prefetch = 0 : i64, scratch_operands = 6 : i64, tpu.core_type = #tpu.core_type<sc_vector_subcore>, window_params = [{transform_indices = #map}, {transform_indices = #map}, {transform_indices = #map1}, {transform_indices = #map1}, {transform_indices = #map1}]} {
    %mul3A = arith.constant 2 : i32
    %mul3A_0 = arith.muli %arg1, %mul3A : i32
    %add3A = arith.addi %mul3A_0, %arg0 : i32
    %mul3A_1 = arith.constant 10000 : i32
    %mul3A_2 = arith.muli %add3A, %mul3A_1 : i32
    %dma_start3A = tpu.memref_slice %arg2[%mul3A_2] : memref<320000xi32, #tpu.memory_space<hbm>> -> memref<10000xi32, #tpu.memory_space<hbm>>
    %dma_start3A_3 = tpu.memref_slice %arg2[%mul3A_2] : memref<320000xi32, #tpu.memory_space<hbm>> -> memref<10000xi32, #tpu.memory_space<hbm>>
    tpu.enqueue_dma source(%dma_start3A_3 : memref<10000xi32, #tpu.memory_space<hbm>>) target(%arg10 : memref<10000xi32, #tpu.memory_space<vmem>>) target_semaphore(%arg12 : memref<!tpu.dma_semaphore, #tpu.memory_space<semaphore_mem>>)
    %dma_start3A_4 = tpu.memref_slice %arg3[%mul3A_2] : memref<320000xi32, #tpu.memory_space<hbm>> -> memref<10000xi32, #tpu.memory_space<hbm>>
    %dma_start3A_5 = tpu.memref_slice %arg3[%mul3A_2] : memref<320000xi32, #tpu.memory_space<hbm>> -> memref<10000xi32, #tpu.memory_space<hbm>>
    tpu.enqueue_dma source(%dma_start3A_5 : memref<10000xi32, #tpu.memory_space<hbm>>) target(%arg11 : memref<10000xi32, #tpu.memory_space<vmem>>) target_semaphore(%arg12 : memref<!tpu.dma_semaphore, #tpu.memory_space<semaphore_mem>>)
    %broadcast_in_dim3A = arith.constant 0.000000e+00 : f32
    %broadcast_in_dim3A_6 = vector.broadcast %broadcast_in_dim3A : f32 to vector<16xf32>
    %scan3A = arith.constant 0 : i32
    %scan3A_7 = arith.constant 125 : i32
    %scan3A_8 = arith.addi %scan3A, %scan3A_7 : i32
    %scan3A_9 = arith.constant 1 : i32
    scf.for %scan3A_31 = %scan3A to %scan3A_8 step %scan3A_9  : i32 {
      %mul3A_32 = arith.constant 5 : i32
      %mul3A_33 = arith.muli %scan3A_31, %mul3A_32 : i32
      %add3A_34 = arith.constant 0 : i32
      %add3A_35 = arith.addi %mul3A_33, %add3A_34 : i32
      %mul3A_36 = arith.constant 16 : i32
      %mul3A_37 = arith.muli %add3A_35, %mul3A_36 : i32
      %swap3A = arith.index_cast %mul3A_37 : i32 to index
      %swap3A_38 = tpu.vector_load %arg7[%swap3A] {strides = array<i32>} : memref<10000xf32, #tpu.memory_space<vmem>>, vector<16xf32>,
      tpu.vector_store %arg7[%swap3A], %broadcast_in_dim3A_6 {strides = array<i32>} : memref<10000xf32, #tpu.memory_space<vmem>>, vector<16xf32>,
      %mul3A_39 = arith.constant 5 : i32
      %mul3A_40 = arith.muli %scan3A_31, %mul3A_39 : i32
      %add3A_41 = arith.constant 1 : i32
      %add3A_42 = arith.addi %mul3A_40, %add3A_41 : i32
      %mul3A_43 = arith.constant 16 : i32
      %mul3A_44 = arith.muli %add3A_42, %mul3A_43 : i32
      %swap3A_45 = arith.index_cast %mul3A_44 : i32 to index
      %swap3A_46 = tpu.vector_load %arg7[%swap3A_45] {strides = array<i32>} : memref<10000xf32, #tpu.memory_space<vmem>>, vector<16xf32>,
      tpu.vector_store %arg7[%swap3A_45], %broadcast_in_dim3A_6 {strides = array<i32>} : memref<10000xf32, #tpu.memory_space<vmem>>, vector<16xf32>,
      %mul3A_47 = arith.constant 5 : i32
      %mul3A_48 = arith.muli %scan3A_31, %mul3A_47 : i32
      %add3A_49 = arith.constant 2 : i32
      %add3A_50 = arith.addi %mul3A_48, %add3A_49 : i32
      %mul3A_51 = arith.constant 16 : i32
      %mul3A_52 = arith.muli %add3A_50, %mul3A_51 : i32
      %swap3A_53 = arith.index_cast %mul3A_52 : i32 to index
      %swap3A_54 = tpu.vector_load %arg7[%swap3A_53] {strides = array<i32>} : memref<10000xf32, #tpu.memory_space<vmem>>, vector<16xf32>,
      tpu.vector_store %arg7[%swap3A_53], %broadcast_in_dim3A_6 {strides = array<i32>} : memref<10000xf32, #tpu.memory_space<vmem>>, vector<16xf32>,
      %mul3A_55 = arith.constant 5 : i32
      %mul3A_56 = arith.muli %scan3A_31, %mul3A_55 : i32
      %add3A_57 = arith.constant 3 : i32
      %add3A_58 = arith.addi %mul3A_56, %add3A_57 : i32
      %mul3A_59 = arith.constant 16 : i32
      %mul3A_60 = arith.muli %add3A_58, %mul3A_59 : i32
      %swap3A_61 = arith.index_cast %mul3A_60 : i32 to index
      %swap3A_62 = tpu.vector_load %arg7[%swap3A_61] {strides = array<i32>} : memref<10000xf32, #tpu.memory_space<vmem>>, vector<16xf32>,
      tpu.vector_store %arg7[%swap3A_61], %broadcast_in_dim3A_6 {strides = array<i32>} : memref<10000xf32, #tpu.memory_space<vmem>>, vector<16xf32>,
      %mul3A_63 = arith.constant 5 : i32
      %mul3A_64 = arith.muli %scan3A_31, %mul3A_63 : i32
      %add3A_65 = arith.constant 4 : i32
      %add3A_66 = arith.addi %mul3A_64, %add3A_65 : i32
      %mul3A_67 = arith.constant 16 : i32
      %mul3A_68 = arith.muli %add3A_66, %mul3A_67 : i32
      %swap3A_69 = arith.index_cast %mul3A_68 : i32 to index
      %swap3A_70 = tpu.vector_load %arg7[%swap3A_69] {strides = array<i32>} : memref<10000xf32, #tpu.memory_space<vmem>>, vector<16xf32>,
      tpu.vector_store %arg7[%swap3A_69], %broadcast_in_dim3A_6 {strides = array<i32>} : memref<10000xf32, #tpu.memory_space<vmem>>, vector<16xf32>,
    }
    %scan3A_10 = arith.constant 125 : i32
    %scan3A_11 = arith.constant 0 : i32
    %scan3A_12 = arith.constant 100 : i32
    %scan3A_13 = arith.addi %scan3A_11, %scan3A_12 : i32
    %scan3A_14 = arith.constant 1 : i32
    scf.for %scan3A_31 = %scan3A_11 to %scan3A_13 step %scan3A_14  : i32 {
      %swap3A = arith.index_cast %scan3A_31 : i32 to index
      %swap3A_32 = arith.constant 0 : index
      %swap3A_33 = tpu.vector_load %arg8[%swap3A, %swap3A_32] {strides = array<i32>} : memref<100x128xf32, #tpu.memory_space<vmem>>, vector<16xf32>,
      tpu.vector_store %arg8[%swap3A, %swap3A_32], %broadcast_in_dim3A_6 {strides = array<i32>} : memref<100x128xf32, #tpu.memory_space<vmem>>, vector<16xf32>,
      %swap3A_34 = arith.index_cast %scan3A_31 : i32 to index
      %swap3A_35 = arith.constant 16 : index
      %swap3A_36 = tpu.vector_load %arg8[%swap3A_34, %swap3A_35] {strides = array<i32>} : memref<100x128xf32, #tpu.memory_space<vmem>>, vector<16xf32>,
      tpu.vector_store %arg8[%swap3A_34, %swap3A_35], %broadcast_in_dim3A_6 {strides = array<i32>} : memref<100x128xf32, #tpu.memory_space<vmem>>, vector<16xf32>,
      %swap3A_37 = arith.index_cast %scan3A_31 : i32 to index
      %swap3A_38 = arith.constant 32 : index
      %swap3A_39 = tpu.vector_load %arg8[%swap3A_37, %swap3A_38] {strides = array<i32>} : memref<100x128xf32, #tpu.memory_space<vmem>>, vector<16xf32>,
      tpu.vector_store %arg8[%swap3A_37, %swap3A_38], %broadcast_in_dim3A_6 {strides = array<i32>} : memref<100x128xf32, #tpu.memory_space<vmem>>, vector<16xf32>,
      %swap3A_40 = arith.index_cast %scan3A_31 : i32 to index
      %swap3A_41 = arith.constant 48 : index
      %swap3A_42 = tpu.vector_load %arg8[%swap3A_40, %swap3A_41] {strides = array<i32>} : memref<100x128xf32, #tpu.memory_space<vmem>>, vector<16xf32>,
      tpu.vector_store %arg8[%swap3A_40, %swap3A_41], %broadcast_in_dim3A_6 {strides = array<i32>} : memref<100x128xf32, #tpu.memory_space<vmem>>, vector<16xf32>,
      %swap3A_43 = arith.index_cast %scan3A_31 : i32 to index
      %swap3A_44 = arith.constant 64 : index
      %swap3A_45 = tpu.vector_load %arg8[%swap3A_43, %swap3A_44] {strides = array<i32>} : memref<100x128xf32, #tpu.memory_space<vmem>>, vector<16xf32>,
      tpu.vector_store %arg8[%swap3A_43, %swap3A_44], %broadcast_in_dim3A_6 {strides = array<i32>} : memref<100x128xf32, #tpu.memory_space<vmem>>, vector<16xf32>,
      %swap3A_46 = arith.index_cast %scan3A_31 : i32 to index
      %swap3A_47 = arith.constant 80 : index
      %swap3A_48 = tpu.vector_load %arg8[%swap3A_46, %swap3A_47] {strides = array<i32>} : memref<100x128xf32, #tpu.memory_space<vmem>>, vector<16xf32>,
      tpu.vector_store %arg8[%swap3A_46, %swap3A_47], %broadcast_in_dim3A_6 {strides = array<i32>} : memref<100x128xf32, #tpu.memory_space<vmem>>, vector<16xf32>,
      %swap3A_49 = arith.index_cast %scan3A_31 : i32 to index
      %swap3A_50 = arith.constant 96 : index
      %swap3A_51 = tpu.vector_load %arg8[%swap3A_49, %swap3A_50] {strides = array<i32>} : memref<100x128xf32, #tpu.memory_space<vmem>>, vector<16xf32>,
      tpu.vector_store %arg8[%swap3A_49, %swap3A_50], %broadcast_in_dim3A_6 {strides = array<i32>} : memref<100x128xf32, #tpu.memory_space<vmem>>, vector<16xf32>,
      %swap3A_52 = arith.index_cast %scan3A_31 : i32 to index
      %swap3A_53 = arith.constant 112 : index
      %swap3A_54 = tpu.vector_load %arg8[%swap3A_52, %swap3A_53] {strides = array<i32>} : memref<100x128xf32, #tpu.memory_space<vmem>>, vector<16xf32>,
      tpu.vector_store %arg8[%swap3A_52, %swap3A_53], %broadcast_in_dim3A_6 {strides = array<i32>} : memref<100x128xf32, #tpu.memory_space<vmem>>, vector<16xf32>,
    }
    %scan3A_15 = arith.constant 100 : i32
    %scan3A_16 = arith.constant 0 : i32
    %scan3A_17 = arith.constant 100 : i32
    %scan3A_18 = arith.addi %scan3A_16, %scan3A_17 : i32
    %scan3A_19 = arith.constant 1 : i32
    scf.for %scan3A_31 = %scan3A_16 to %scan3A_18 step %scan3A_19  : i32 {
      %broadcast_in_dim3A_32 = arith.constant 1.000000e+04 : f32
      %broadcast_in_dim3A_33 = vector.broadcast %broadcast_in_dim3A_32 : f32 to vector<16xf32>
      %swap3A = arith.index_cast %scan3A_31 : i32 to index
      %swap3A_34 = arith.constant 0 : index
      %swap3A_35 = tpu.vector_load %arg9[%swap3A, %swap3A_34] {strides = array<i32>} : memref<100x16xf32, #tpu.memory_space<vmem>>, vector<16xf32>,
      tpu.vector_store %arg9[%swap3A, %swap3A_34], %broadcast_in_dim3A_33 {strides = array<i32>} : memref<100x16xf32, #tpu.memory_space<vmem>>, vector<16xf32>,
    }
    %scan3A_20 = arith.constant 100 : i32
    %dma_wait3A = tpu.memref_slice %arg2[%mul3A_2] : memref<320000xi32, #tpu.memory_space<hbm>> -> memref<10000xi32, #tpu.memory_space<hbm>>
    %dma_wait3A_21 = tpu.memref_slice %arg2[%mul3A_2] : memref<320000xi32, #tpu.memory_space<hbm>> -> memref<10000xi32, #tpu.memory_space<hbm>>
    tpu.wait_dma2 semaphore(%arg12 : memref<!tpu.dma_semaphore, #tpu.memory_space<semaphore_mem>>) src(%dma_wait3A_21 : memref<10000xi32, #tpu.memory_space<hbm>>) dst(%arg10 : memref<10000xi32, #tpu.memory_space<vmem>>)
    %dma_wait3A_22 = tpu.memref_slice %arg3[%mul3A_2] : memref<320000xi32, #tpu.memory_space<hbm>> -> memref<10000xi32, #tpu.memory_space<hbm>>
    %dma_wait3A_23 = tpu.memref_slice %arg3[%mul3A_2] : memref<320000xi32, #tpu.memory_space<hbm>> -> memref<10000xi32, #tpu.memory_space<hbm>>
    tpu.wait_dma2 semaphore(%arg12 : memref<!tpu.dma_semaphore, #tpu.memory_space<semaphore_mem>>) src(%dma_wait3A_23 : memref<10000xi32, #tpu.memory_space<hbm>>) dst(%arg11 : memref<10000xi32, #tpu.memory_space<vmem>>)
    %iota3A = tpu.iota {dimensions = array<i32: 0>} : vector<16xi32>
    %broadcast_in_dim3A_24 = arith.constant 1.000000e+00 : f32
    %broadcast_in_dim3A_25 = vector.broadcast %broadcast_in_dim3A_24 : f32 to vector<16xf32>
    %scan3A_26 = arith.constant 0 : i32
    %scan3A_27 = arith.constant 125 : i32
    %scan3A_28 = arith.addi %scan3A_26, %scan3A_27 : i32
    %scan3A_29 = arith.constant 1 : i32
    scf.for %scan3A_31 = %scan3A_26 to %scan3A_28 step %scan3A_29  : i32 {
      %mul3A_32 = arith.constant 5 : i32
      %mul3A_33 = arith.muli %scan3A_31, %mul3A_32 : i32
      %add3A_34 = arith.constant 0 : i32
      %add3A_35 = arith.addi %mul3A_33, %add3A_34 : i32
      %mul3A_36 = arith.constant 16 : i32
      %mul3A_37 = arith.muli %add3A_35, %mul3A_36 : i32
      %get3A = arith.index_cast %mul3A_37 : i32 to index
      %get3A_38 = tpu.vector_load %arg10[%get3A] {strides = array<i32>} : memref<10000xi32, #tpu.memory_space<vmem>>, vector<16xi32>,
      %mul3A_39 = arith.constant 16 : i32
      %mul3A_40 = arith.muli %add3A_35, %mul3A_39 : i32
      %get3A_41 = arith.index_cast %mul3A_40 : i32 to index
      %get3A_42 = tpu.vector_load %arg11[%get3A_41] {strides = array<i32>} : memref<10000xi32, #tpu.memory_space<vmem>>, vector<16xi32>,
      tpu.vector_store_idx %arg7[%get3A_42], %broadcast_in_dim3A_25 {add = true} : memref<10000xf32, #tpu.memory_space<vmem>>[vector<16xi32>], vector<16xf32>,
      %convert_element_type3A = arith.sitofp %get3A_38 : vector<16xi32> to vector<16xf32>
      %mul3A_43 = arith.constant 0.00999999977 : f32
      %mul3A_44 = vector.broadcast %mul3A_43 : f32 to vector<16xf32>
      %mul3A_45 = arith.mulf %convert_element_type3A, %mul3A_44 : vector<16xf32>
      %add3A_46 = arith.constant 5.000000e-03 : f32
      %add3A_47 = vector.broadcast %add3A_46 : f32 to vector<16xf32>
      %add3A_48 = arith.addf %mul3A_45, %add3A_47 : vector<16xf32>
      %convert_element_type3A_49 = arith.fptosi %add3A_48 : vector<16xf32> to vector<16xi32>
      %mul3A_50 = arith.constant 100 : i32
      %mul3A_51 = vector.broadcast %mul3A_50 : i32 to vector<16xi32>
      %mul3A_52 = arith.muli %convert_element_type3A_49, %mul3A_51 : vector<16xi32>
      %sub3A = arith.subi %get3A_38, %mul3A_52 : vector<16xi32>
      %convert_element_type3A_53 = arith.sitofp %get3A_42 : vector<16xi32> to vector<16xf32>
      %mul3A_54 = arith.constant 0.00999999977 : f32
      %mul3A_55 = vector.broadcast %mul3A_54 : f32 to vector<16xf32>
      %mul3A_56 = arith.mulf %convert_element_type3A_53, %mul3A_55 : vector<16xf32>
      %add3A_57 = arith.constant 5.000000e-03 : f32
      %add3A_58 = vector.broadcast %add3A_57 : f32 to vector<16xf32>
      %add3A_59 = arith.addf %mul3A_56, %add3A_58 : vector<16xf32>
      %convert_element_type3A_60 = arith.fptosi %add3A_59 : vector<16xf32> to vector<16xi32>
      %mul3A_61 = arith.constant 100 : i32
      %mul3A_62 = vector.broadcast %mul3A_61 : i32 to vector<16xi32>
      %mul3A_63 = arith.muli %convert_element_type3A_60, %mul3A_62 : vector<16xi32>
      %sub3A_64 = arith.subi %get3A_42, %mul3A_63 : vector<16xi32>
      tpu.vector_store_idx %arg8[%convert_element_type3A_49, %sub3A], %broadcast_in_dim3A_25 : memref<100x128xf32, #tpu.memory_space<vmem>>[vector<16xi32>, vector<16xi32>], vector<16xf32>,
      %eq3A = arith.cmpi eq, %convert_element_type3A_49, %convert_element_type3A_60 : vector<16xi32>
      tpu.vector_store_idx %arg8[%convert_element_type3A_60, %sub3A_64], %broadcast_in_dim3A_25 masked %eq3A : memref<100x128xf32, #tpu.memory_space<vmem>>[vector<16xi32>, vector<16xi32>], vector<16xf32>, vector<16xi1>
      %gather3A = tpu.vector_load_idx %arg9[%convert_element_type3A_49, %iota3A] : memref<100x16xf32, #tpu.memory_space<vmem>>[vector<16xi32>, vector<16xi32>], vector<16xf32>,
      %min3A = arith.minsi %get3A_38, %get3A_42 : vector<16xi32>
      %convert_element_type3A_65 = arith.sitofp %min3A : vector<16xi32> to vector<16xf32>
      %min3A_66 = arith.minimumf %gather3A, %convert_element_type3A_65 : vector<16xf32>
      tpu.vector_store_idx %arg9[%convert_element_type3A_49, %iota3A], %min3A_66 : memref<100x16xf32, #tpu.memory_space<vmem>>[vector<16xi32>, vector<16xi32>], vector<16xf32>,
      %mul3A_67 = arith.constant 5 : i32
      %mul3A_68 = arith.muli %scan3A_31, %mul3A_67 : i32
      %add3A_69 = arith.constant 1 : i32
      %add3A_70 = arith.addi %mul3A_68, %add3A_69 : i32
      %mul3A_71 = arith.constant 16 : i32
      %mul3A_72 = arith.muli %add3A_70, %mul3A_71 : i32
      %get3A_73 = arith.index_cast %mul3A_72 : i32 to index
      %get3A_74 = tpu.vector_load %arg10[%get3A_73] {strides = array<i32>} : memref<10000xi32, #tpu.memory_space<vmem>>, vector<16xi32>,
      %mul3A_75 = arith.constant 16 : i32
      %mul3A_76 = arith.muli %add3A_70, %mul3A_75 : i32
      %get3A_77 = arith.index_cast %mul3A_76 : i32 to index
      %get3A_78 = tpu.vector_load %arg11[%get3A_77] {strides = array<i32>} : memref<10000xi32, #tpu.memory_space<vmem>>, vector<16xi32>,
      tpu.vector_store_idx %arg7[%get3A_78], %broadcast_in_dim3A_25 {add = true} : memref<10000xf32, #tpu.memory_space<vmem>>[vector<16xi32>], vector<16xf32>,
      %convert_element_type3A_79 = arith.sitofp %get3A_74 : vector<16xi32> to vector<16xf32>
      %mul3A_80 = arith.constant 0.00999999977 : f32
      %mul3A_81 = vector.broadcast %mul3A_80 : f32 to vector<16xf32>
      %mul3A_82 = arith.mulf %convert_element_type3A_79, %mul3A_81 : vector<16xf32>
      %add3A_83 = arith.constant 5.000000e-03 : f32
      %add3A_84 = vector.broadcast %add3A_83 : f32 to vector<16xf32>
      %add3A_85 = arith.addf %mul3A_82, %add3A_84 : vector<16xf32>
      %convert_element_type3A_86 = arith.fptosi %add3A_85 : vector<16xf32> to vector<16xi32>
      %mul3A_87 = arith.constant 100 : i32
      %mul3A_88 = vector.broadcast %mul3A_87 : i32 to vector<16xi32>
      %mul3A_89 = arith.muli %convert_element_type3A_86, %mul3A_88 : vector<16xi32>
      %sub3A_90 = arith.subi %get3A_74, %mul3A_89 : vector<16xi32>
      %convert_element_type3A_91 = arith.sitofp %get3A_78 : vector<16xi32> to vector<16xf32>
      %mul3A_92 = arith.constant 0.00999999977 : f32
      %mul3A_93 = vector.broadcast %mul3A_92 : f32 to vector<16xf32>
      %mul3A_94 = arith.mulf %convert_element_type3A_91, %mul3A_93 : vector<16xf32>
      %add3A_95 = arith.constant 5.000000e-03 : f32
      %add3A_96 = vector.broadcast %add3A_95 : f32 to vector<16xf32>
      %add3A_97 = arith.addf %mul3A_94, %add3A_96 : vector<16xf32>
      %convert_element_type3A_98 = arith.fptosi %add3A_97 : vector<16xf32> to vector<16xi32>
      %mul3A_99 = arith.constant 100 : i32
      %mul3A_100 = vector.broadcast %mul3A_99 : i32 to vector<16xi32>
      %mul3A_101 = arith.muli %convert_element_type3A_98, %mul3A_100 : vector<16xi32>
      %sub3A_102 = arith.subi %get3A_78, %mul3A_101 : vector<16xi32>
      tpu.vector_store_idx %arg8[%convert_element_type3A_86, %sub3A_90], %broadcast_in_dim3A_25 : memref<100x128xf32, #tpu.memory_space<vmem>>[vector<16xi32>, vector<16xi32>], vector<16xf32>,
      %eq3A_103 = arith.cmpi eq, %convert_element_type3A_86, %convert_element_type3A_98 : vector<16xi32>
      tpu.vector_store_idx %arg8[%convert_element_type3A_98, %sub3A_102], %broadcast_in_dim3A_25 masked %eq3A_103 : memref<100x128xf32, #tpu.memory_space<vmem>>[vector<16xi32>, vector<16xi32>], vector<16xf32>, vector<16xi1>
      %gather3A_104 = tpu.vector_load_idx %arg9[%convert_element_type3A_86, %iota3A] : memref<100x16xf32, #tpu.memory_space<vmem>>[vector<16xi32>, vector<16xi32>], vector<16xf32>,
      %min3A_105 = arith.minsi %get3A_74, %get3A_78 : vector<16xi32>
      %convert_element_type3A_106 = arith.sitofp %min3A_105 : vector<16xi32> to vector<16xf32>
      %min3A_107 = arith.minimumf %gather3A_104, %convert_element_type3A_106 : vector<16xf32>
      tpu.vector_store_idx %arg9[%convert_element_type3A_86, %iota3A], %min3A_107 : memref<100x16xf32, #tpu.memory_space<vmem>>[vector<16xi32>, vector<16xi32>], vector<16xf32>,
      %mul3A_108 = arith.constant 5 : i32
      %mul3A_109 = arith.muli %scan3A_31, %mul3A_108 : i32
      %add3A_110 = arith.constant 2 : i32
      %add3A_111 = arith.addi %mul3A_109, %add3A_110 : i32
      %mul3A_112 = arith.constant 16 : i32
      %mul3A_113 = arith.muli %add3A_111, %mul3A_112 : i32
      %get3A_114 = arith.index_cast %mul3A_113 : i32 to index
      %get3A_115 = tpu.vector_load %arg10[%get3A_114] {strides = array<i32>} : memref<10000xi32, #tpu.memory_space<vmem>>, vector<16xi32>,
      %mul3A_116 = arith.constant 16 : i32
      %mul3A_117 = arith.muli %add3A_111, %mul3A_116 : i32
      %get3A_118 = arith.index_cast %mul3A_117 : i32 to index
      %get3A_119 = tpu.vector_load %arg11[%get3A_118] {strides = array<i32>} : memref<10000xi32, #tpu.memory_space<vmem>>, vector<16xi32>,
      tpu.vector_store_idx %arg7[%get3A_119], %broadcast_in_dim3A_25 {add = true} : memref<10000xf32, #tpu.memory_space<vmem>>[vector<16xi32>], vector<16xf32>,
      %convert_element_type3A_120 = arith.sitofp %get3A_115 : vector<16xi32> to vector<16xf32>
      %mul3A_121 = arith.constant 0.00999999977 : f32
      %mul3A_122 = vector.broadcast %mul3A_121 : f32 to vector<16xf32>
      %mul3A_123 = arith.mulf %convert_element_type3A_120, %mul3A_122 : vector<16xf32>
      %add3A_124 = arith.constant 5.000000e-03 : f32
      %add3A_125 = vector.broadcast %add3A_124 : f32 to vector<16xf32>
      %add3A_126 = arith.addf %mul3A_123, %add3A_125 : vector<16xf32>
      %convert_element_type3A_127 = arith.fptosi %add3A_126 : vector<16xf32> to vector<16xi32>
      %mul3A_128 = arith.constant 100 : i32
      %mul3A_129 = vector.broadcast %mul3A_128 : i32 to vector<16xi32>
      %mul3A_130 = arith.muli %convert_element_type3A_127, %mul3A_129 : vector<16xi32>
      %sub3A_131 = arith.subi %get3A_115, %mul3A_130 : vector<16xi32>
      %convert_element_type3A_132 = arith.sitofp %get3A_119 : vector<16xi32> to vector<16xf32>
      %mul3A_133 = arith.constant 0.00999999977 : f32
      %mul3A_134 = vector.broadcast %mul3A_133 : f32 to vector<16xf32>
      %mul3A_135 = arith.mulf %convert_element_type3A_132, %mul3A_134 : vector<16xf32>
      %add3A_136 = arith.constant 5.000000e-03 : f32
      %add3A_137 = vector.broadcast %add3A_136 : f32 to vector<16xf32>
      %add3A_138 = arith.addf %mul3A_135, %add3A_137 : vector<16xf32>
      %convert_element_type3A_139 = arith.fptosi %add3A_138 : vector<16xf32> to vector<16xi32>
      %mul3A_140 = arith.constant 100 : i32
      %mul3A_141 = vector.broadcast %mul3A_140 : i32 to vector<16xi32>
      %mul3A_142 = arith.muli %convert_element_type3A_139, %mul3A_141 : vector<16xi32>
      %sub3A_143 = arith.subi %get3A_119, %mul3A_142 : vector<16xi32>
      tpu.vector_store_idx %arg8[%convert_element_type3A_127, %sub3A_131], %broadcast_in_dim3A_25 : memref<100x128xf32, #tpu.memory_space<vmem>>[vector<16xi32>, vector<16xi32>], vector<16xf32>,
      %eq3A_144 = arith.cmpi eq, %convert_element_type3A_127, %convert_element_type3A_139 : vector<16xi32>
      tpu.vector_store_idx %arg8[%convert_element_type3A_139, %sub3A_143], %broadcast_in_dim3A_25 masked %eq3A_144 : memref<100x128xf32, #tpu.memory_space<vmem>>[vector<16xi32>, vector<16xi32>], vector<16xf32>, vector<16xi1>
      %gather3A_145 = tpu.vector_load_idx %arg9[%convert_element_type3A_127, %iota3A] : memref<100x16xf32, #tpu.memory_space<vmem>>[vector<16xi32>, vector<16xi32>], vector<16xf32>,
      %min3A_146 = arith.minsi %get3A_115, %get3A_119 : vector<16xi32>
      %convert_element_type3A_147 = arith.sitofp %min3A_146 : vector<16xi32> to vector<16xf32>
      %min3A_148 = arith.minimumf %gather3A_145, %convert_element_type3A_147 : vector<16xf32>
      tpu.vector_store_idx %arg9[%convert_element_type3A_127, %iota3A], %min3A_148 : memref<100x16xf32, #tpu.memory_space<vmem>>[vector<16xi32>, vector<16xi32>], vector<16xf32>,
      %mul3A_149 = arith.constant 5 : i32
      %mul3A_150 = arith.muli %scan3A_31, %mul3A_149 : i32
      %add3A_151 = arith.constant 3 : i32
      %add3A_152 = arith.addi %mul3A_150, %add3A_151 : i32
      %mul3A_153 = arith.constant 16 : i32
      %mul3A_154 = arith.muli %add3A_152, %mul3A_153 : i32
      %get3A_155 = arith.index_cast %mul3A_154 : i32 to index
      %get3A_156 = tpu.vector_load %arg10[%get3A_155] {strides = array<i32>} : memref<10000xi32, #tpu.memory_space<vmem>>, vector<16xi32>,
      %mul3A_157 = arith.constant 16 : i32
      %mul3A_158 = arith.muli %add3A_152, %mul3A_157 : i32
      %get3A_159 = arith.index_cast %mul3A_158 : i32 to index
      %get3A_160 = tpu.vector_load %arg11[%get3A_159] {strides = array<i32>} : memref<10000xi32, #tpu.memory_space<vmem>>, vector<16xi32>,
      tpu.vector_store_idx %arg7[%get3A_160], %broadcast_in_dim3A_25 {add = true} : memref<10000xf32, #tpu.memory_space<vmem>>[vector<16xi32>], vector<16xf32>,
      %convert_element_type3A_161 = arith.sitofp %get3A_156 : vector<16xi32> to vector<16xf32>
      %mul3A_162 = arith.constant 0.00999999977 : f32
      %mul3A_163 = vector.broadcast %mul3A_162 : f32 to vector<16xf32>
      %mul3A_164 = arith.mulf %convert_element_type3A_161, %mul3A_163 : vector<16xf32>
      %add3A_165 = arith.constant 5.000000e-03 : f32
      %add3A_166 = vector.broadcast %add3A_165 : f32 to vector<16xf32>
      %add3A_167 = arith.addf %mul3A_164, %add3A_166 : vector<16xf32>
      %convert_element_type3A_168 = arith.fptosi %add3A_167 : vector<16xf32> to vector<16xi32>
      %mul3A_169 = arith.constant 100 : i32
      %mul3A_170 = vector.broadcast %mul3A_169 : i32 to vector<16xi32>
      %mul3A_171 = arith.muli %convert_element_type3A_168, %mul3A_170 : vector<16xi32>
      %sub3A_172 = arith.subi %get3A_156, %mul3A_171 : vector<16xi32>
      %convert_element_type3A_173 = arith.sitofp %get3A_160 : vector<16xi32> to vector<16xf32>
      %mul3A_174 = arith.constant 0.00999999977 : f32
      %mul3A_175 = vector.broadcast %mul3A_174 : f32 to vector<16xf32>
      %mul3A_176 = arith.mulf %convert_element_type3A_173, %mul3A_175 : vector<16xf32>
      %add3A_177 = arith.constant 5.000000e-03 : f32
      %add3A_178 = vector.broadcast %add3A_177 : f32 to vector<16xf32>
      %add3A_179 = arith.addf %mul3A_176, %add3A_178 : vector<16xf32>
      %convert_element_type3A_180 = arith.fptosi %add3A_179 : vector<16xf32> to vector<16xi32>
      %mul3A_181 = arith.constant 100 : i32
      %mul3A_182 = vector.broadcast %mul3A_181 : i32 to vector<16xi32>
      %mul3A_183 = arith.muli %convert_element_type3A_180, %mul3A_182 : vector<16xi32>
      %sub3A_184 = arith.subi %get3A_160, %mul3A_183 : vector<16xi32>
      tpu.vector_store_idx %arg8[%convert_element_type3A_168, %sub3A_172], %broadcast_in_dim3A_25 : memref<100x128xf32, #tpu.memory_space<vmem>>[vector<16xi32>, vector<16xi32>], vector<16xf32>,
      %eq3A_185 = arith.cmpi eq, %convert_element_type3A_168, %convert_element_type3A_180 : vector<16xi32>
      tpu.vector_store_idx %arg8[%convert_element_type3A_180, %sub3A_184], %broadcast_in_dim3A_25 masked %eq3A_185 : memref<100x128xf32, #tpu.memory_space<vmem>>[vector<16xi32>, vector<16xi32>], vector<16xf32>, vector<16xi1>
      %gather3A_186 = tpu.vector_load_idx %arg9[%convert_element_type3A_168, %iota3A] : memref<100x16xf32, #tpu.memory_space<vmem>>[vector<16xi32>, vector<16xi32>], vector<16xf32>,
      %min3A_187 = arith.minsi %get3A_156, %get3A_160 : vector<16xi32>
      %convert_element_type3A_188 = arith.sitofp %min3A_187 : vector<16xi32> to vector<16xf32>
      %min3A_189 = arith.minimumf %gather3A_186, %convert_element_type3A_188 : vector<16xf32>
      tpu.vector_store_idx %arg9[%convert_element_type3A_168, %iota3A], %min3A_189 : memref<100x16xf32, #tpu.memory_space<vmem>>[vector<16xi32>, vector<16xi32>], vector<16xf32>,
      %mul3A_190 = arith.constant 5 : i32
      %mul3A_191 = arith.muli %scan3A_31, %mul3A_190 : i32
      %add3A_192 = arith.constant 4 : i32
      %add3A_193 = arith.addi %mul3A_191, %add3A_192 : i32
      %mul3A_194 = arith.constant 16 : i32
      %mul3A_195 = arith.muli %add3A_193, %mul3A_194 : i32
      %get3A_196 = arith.index_cast %mul3A_195 : i32 to index
      %get3A_197 = tpu.vector_load %arg10[%get3A_196] {strides = array<i32>} : memref<10000xi32, #tpu.memory_space<vmem>>, vector<16xi32>,
      %mul3A_198 = arith.constant 16 : i32
      %mul3A_199 = arith.muli %add3A_193, %mul3A_198 : i32
      %get3A_200 = arith.index_cast %mul3A_199 : i32 to index
      %get3A_201 = tpu.vector_load %arg11[%get3A_200] {strides = array<i32>} : memref<10000xi32, #tpu.memory_space<vmem>>, vector<16xi32>,
      tpu.vector_store_idx %arg7[%get3A_201], %broadcast_in_dim3A_25 {add = true} : memref<10000xf32, #tpu.memory_space<vmem>>[vector<16xi32>], vector<16xf32>,
      %convert_element_type3A_202 = arith.sitofp %get3A_197 : vector<16xi32> to vector<16xf32>
      %mul3A_203 = arith.constant 0.00999999977 : f32
      %mul3A_204 = vector.broadcast %mul3A_203 : f32 to vector<16xf32>
      %mul3A_205 = arith.mulf %convert_element_type3A_202, %mul3A_204 : vector<16xf32>
      %add3A_206 = arith.constant 5.000000e-03 : f32
      %add3A_207 = vector.broadcast %add3A_206 : f32 to vector<16xf32>
      %add3A_208 = arith.addf %mul3A_205, %add3A_207 : vector<16xf32>
      %convert_element_type3A_209 = arith.fptosi %add3A_208 : vector<16xf32> to vector<16xi32>
      %mul3A_210 = arith.constant 100 : i32
      %mul3A_211 = vector.broadcast %mul3A_210 : i32 to vector<16xi32>
      %mul3A_212 = arith.muli %convert_element_type3A_209, %mul3A_211 : vector<16xi32>
      %sub3A_213 = arith.subi %get3A_197, %mul3A_212 : vector<16xi32>
      %convert_element_type3A_214 = arith.sitofp %get3A_201 : vector<16xi32> to vector<16xf32>
      %mul3A_215 = arith.constant 0.00999999977 : f32
      %mul3A_216 = vector.broadcast %mul3A_215 : f32 to vector<16xf32>
      %mul3A_217 = arith.mulf %convert_element_type3A_214, %mul3A_216 : vector<16xf32>
      %add3A_218 = arith.constant 5.000000e-03 : f32
      %add3A_219 = vector.broadcast %add3A_218 : f32 to vector<16xf32>
      %add3A_220 = arith.addf %mul3A_217, %add3A_219 : vector<16xf32>
      %convert_element_type3A_221 = arith.fptosi %add3A_220 : vector<16xf32> to vector<16xi32>
      %mul3A_222 = arith.constant 100 : i32
      %mul3A_223 = vector.broadcast %mul3A_222 : i32 to vector<16xi32>
      %mul3A_224 = arith.muli %convert_element_type3A_221, %mul3A_223 : vector<16xi32>
      %sub3A_225 = arith.subi %get3A_201, %mul3A_224 : vector<16xi32>
      tpu.vector_store_idx %arg8[%convert_element_type3A_209, %sub3A_213], %broadcast_in_dim3A_25 : memref<100x128xf32, #tpu.memory_space<vmem>>[vector<16xi32>, vector<16xi32>], vector<16xf32>,
      %eq3A_226 = arith.cmpi eq, %convert_element_type3A_209, %convert_element_type3A_221 : vector<16xi32>
      tpu.vector_store_idx %arg8[%convert_element_type3A_221, %sub3A_225], %broadcast_in_dim3A_25 masked %eq3A_226 : memref<100x128xf32, #tpu.memory_space<vmem>>[vector<16xi32>, vector<16xi32>], vector<16xf32>, vector<16xi1>
      %gather3A_227 = tpu.vector_load_idx %arg9[%convert_element_type3A_209, %iota3A] : memref<100x16xf32, #tpu.memory_space<vmem>>[vector<16xi32>, vector<16xi32>], vector<16xf32>,
      %min3A_228 = arith.minsi %get3A_197, %get3A_201 : vector<16xi32>
      %convert_element_type3A_229 = arith.sitofp %min3A_228 : vector<16xi32> to vector<16xf32>
      %min3A_230 = arith.minimumf %gather3A_227, %convert_element_type3A_229 : vector<16xf32>
      tpu.vector_store_idx %arg9[%convert_element_type3A_209, %iota3A], %min3A_230 : memref<100x16xf32, #tpu.memory_space<vmem>>[vector<16xi32>, vector<16xi32>], vector<16xf32>,
    }
    %scan3A_30 = arith.constant 125 : i32
    %run_scoped3A = arith.constant 0 : i32
    "tpu.region"() ({
      %run_scoped3A_31 = tpu.sem_alloc : memref<!tpu.dma_semaphore, #tpu.memory_space<semaphore_mem>>
      %dma_start3A_32 = arith.constant 0 : i32
      %dma_start3A_33 = tpu.memref_slice %arg4[%add3A, %run_scoped3A, %dma_start3A_32] : memref<32x1x10000xf32, #tpu.memory_space<hbm>> -> memref<1x1x10000xf32, #tpu.memory_space<hbm>>
      %dma_start3A_34 = tpu.memref_squeeze %dma_start3A_33 : memref<1x1x10000xf32, #tpu.memory_space<hbm>> -> memref<10000xf32, #tpu.memory_space<hbm>>
      %dma_start3A_35 = arith.constant 0 : i32
      %dma_start3A_36 = tpu.memref_slice %arg4[%add3A, %run_scoped3A, %dma_start3A_35] : memref<32x1x10000xf32, #tpu.memory_space<hbm>> -> memref<1x1x10000xf32, #tpu.memory_space<hbm>>
      %dma_start3A_37 = tpu.memref_squeeze %dma_start3A_36 : memref<1x1x10000xf32, #tpu.memory_space<hbm>> -> memref<10000xf32, #tpu.memory_space<hbm>>
      tpu.enqueue_dma source(%arg7 : memref<10000xf32, #tpu.memory_space<vmem>>) target(%dma_start3A_37 : memref<10000xf32, #tpu.memory_space<hbm>>) target_semaphore(%run_scoped3A_31 : memref<!tpu.dma_semaphore, #tpu.memory_space<semaphore_mem>>)
      %dma_wait3A_38 = arith.constant 0 : i32
      %dma_wait3A_39 = tpu.memref_slice %arg4[%add3A, %run_scoped3A, %dma_wait3A_38] : memref<32x1x10000xf32, #tpu.memory_space<hbm>> -> memref<1x1x10000xf32, #tpu.memory_space<hbm>>
      %dma_wait3A_40 = tpu.memref_squeeze %dma_wait3A_39 : memref<1x1x10000xf32, #tpu.memory_space<hbm>> -> memref<10000xf32, #tpu.memory_space<hbm>>
      %dma_wait3A_41 = arith.constant 0 : i32
      %dma_wait3A_42 = tpu.memref_slice %arg4[%add3A, %run_scoped3A, %dma_wait3A_41] : memref<32x1x10000xf32, #tpu.memory_space<hbm>> -> memref<1x1x10000xf32, #tpu.memory_space<hbm>>
      %dma_wait3A_43 = tpu.memref_squeeze %dma_wait3A_42 : memref<1x1x10000xf32, #tpu.memory_space<hbm>> -> memref<10000xf32, #tpu.memory_space<hbm>>
      tpu.wait_dma2 semaphore(%run_scoped3A_31 : memref<!tpu.dma_semaphore, #tpu.memory_space<semaphore_mem>>) src(%arg7 : memref<10000xf32, #tpu.memory_space<vmem>>) dst(%dma_wait3A_43 : memref<10000xf32, #tpu.memory_space<hbm>>)
      tpu.yield
    }) : () -> ()
    "tpu.region"() ({
      %run_scoped3A_31 = tpu.sem_alloc : memref<!tpu.dma_semaphore, #tpu.memory_space<semaphore_mem>>
      %dma_start3A_32 = arith.constant 0 : i32
      %dma_start3A_33 = arith.constant 0 : i32
      %dma_start3A_34 = tpu.memref_slice %arg5[%add3A, %dma_start3A_32, %dma_start3A_33] : memref<32x100x128xf32, #tpu.memory_space<hbm>> -> memref<1x100x128xf32, #tpu.memory_space<hbm>>
      %dma_start3A_35 = tpu.memref_squeeze %dma_start3A_34 : memref<1x100x128xf32, #tpu.memory_space<hbm>> -> memref<100x128xf32, #tpu.memory_space<hbm>>
      %dma_start3A_36 = arith.constant 0 : i32
      %dma_start3A_37 = arith.constant 0 : i32
      %dma_start3A_38 = tpu.memref_slice %arg5[%add3A, %dma_start3A_36, %dma_start3A_37] : memref<32x100x128xf32, #tpu.memory_space<hbm>> -> memref<1x100x128xf32, #tpu.memory_space<hbm>>
      %dma_start3A_39 = tpu.memref_squeeze %dma_start3A_38 : memref<1x100x128xf32, #tpu.memory_space<hbm>> -> memref<100x128xf32, #tpu.memory_space<hbm>>
      tpu.enqueue_dma source(%arg8 : memref<100x128xf32, #tpu.memory_space<vmem>>) target(%dma_start3A_39 : memref<100x128xf32, #tpu.memory_space<hbm>>) target_semaphore(%run_scoped3A_31 : memref<!tpu.dma_semaphore, #tpu.memory_space<semaphore_mem>>)
      %dma_wait3A_40 = arith.constant 0 : i32
      %dma_wait3A_41 = arith.constant 0 : i32
      %dma_wait3A_42 = tpu.memref_slice %arg5[%add3A, %dma_wait3A_40, %dma_wait3A_41] : memref<32x100x128xf32, #tpu.memory_space<hbm>> -> memref<1x100x128xf32, #tpu.memory_space<hbm>>
      %dma_wait3A_43 = tpu.memref_squeeze %dma_wait3A_42 : memref<1x100x128xf32, #tpu.memory_space<hbm>> -> memref<100x128xf32, #tpu.memory_space<hbm>>
      %dma_wait3A_44 = arith.constant 0 : i32
      %dma_wait3A_45 = arith.constant 0 : i32
      %dma_wait3A_46 = tpu.memref_slice %arg5[%add3A, %dma_wait3A_44, %dma_wait3A_45] : memref<32x100x128xf32, #tpu.memory_space<hbm>> -> memref<1x100x128xf32, #tpu.memory_space<hbm>>
      %dma_wait3A_47 = tpu.memref_squeeze %dma_wait3A_46 : memref<1x100x128xf32, #tpu.memory_space<hbm>> -> memref<100x128xf32, #tpu.memory_space<hbm>>
      tpu.wait_dma2 semaphore(%run_scoped3A_31 : memref<!tpu.dma_semaphore, #tpu.memory_space<semaphore_mem>>) src(%arg8 : memref<100x128xf32, #tpu.memory_space<vmem>>) dst(%dma_wait3A_47 : memref<100x128xf32, #tpu.memory_space<hbm>>)
      tpu.yield
    }) : () -> ()
    "tpu.region"() ({
      %run_scoped3A_31 = tpu.sem_alloc : memref<!tpu.dma_semaphore, #tpu.memory_space<semaphore_mem>>
      %dma_start3A_32 = arith.constant 0 : i32
      %dma_start3A_33 = arith.constant 0 : i32
      %dma_start3A_34 = tpu.memref_slice %arg6[%add3A, %dma_start3A_32, %dma_start3A_33] : memref<32x100x16xf32, #tpu.memory_space<hbm>> -> memref<1x100x16xf32, #tpu.memory_space<hbm>>
      %dma_start3A_35 = tpu.memref_squeeze %dma_start3A_34 : memref<1x100x16xf32, #tpu.memory_space<hbm>> -> memref<100x16xf32, #tpu.memory_space<hbm>>
      %dma_start3A_36 = arith.constant 0 : i32
      %dma_start3A_37 = arith.constant 0 : i32
      %dma_start3A_38 = tpu.memref_slice %arg6[%add3A, %dma_start3A_36, %dma_start3A_37] : memref<32x100x16xf32, #tpu.memory_space<hbm>> -> memref<1x100x16xf32, #tpu.memory_space<hbm>>
      %dma_start3A_39 = tpu.memref_squeeze %dma_start3A_38 : memref<1x100x16xf32, #tpu.memory_space<hbm>> -> memref<100x16xf32, #tpu.memory_space<hbm>>
      tpu.enqueue_dma source(%arg9 : memref<100x16xf32, #tpu.memory_space<vmem>>) target(%dma_start3A_39 : memref<100x16xf32, #tpu.memory_space<hbm>>) target_semaphore(%run_scoped3A_31 : memref<!tpu.dma_semaphore, #tpu.memory_space<semaphore_mem>>)
      %dma_wait3A_40 = arith.constant 0 : i32
      %dma_wait3A_41 = arith.constant 0 : i32
      %dma_wait3A_42 = tpu.memref_slice %arg6[%add3A, %dma_wait3A_40, %dma_wait3A_41] : memref<32x100x16xf32, #tpu.memory_space<hbm>> -> memref<1x100x16xf32, #tpu.memory_space<hbm>>
      %dma_wait3A_43 = tpu.memref_squeeze %dma_wait3A_42 : memref<1x100x16xf32, #tpu.memory_space<hbm>> -> memref<100x16xf32, #tpu.memory_space<hbm>>
      %dma_wait3A_44 = arith.constant 0 : i32
      %dma_wait3A_45 = arith.constant 0 : i32
      %dma_wait3A_46 = tpu.memref_slice %arg6[%add3A, %dma_wait3A_44, %dma_wait3A_45] : memref<32x100x16xf32, #tpu.memory_space<hbm>> -> memref<1x100x16xf32, #tpu.memory_space<hbm>>
      %dma_wait3A_47 = tpu.memref_squeeze %dma_wait3A_46 : memref<1x100x16xf32, #tpu.memory_space<hbm>> -> memref<100x16xf32, #tpu.memory_space<hbm>>
      tpu.wait_dma2 semaphore(%run_scoped3A_31 : memref<!tpu.dma_semaphore, #tpu.memory_space<semaphore_mem>>) src(%arg9 : memref<100x16xf32, #tpu.memory_space<vmem>>) dst(%dma_wait3A_47 : memref<100x16xf32, #tpu.memory_space<hbm>>)
      tpu.yield
    }) : () -> ()
    return
  }
}

#map = affine_map<(d0, d1) -> (0, 0)>
#map1 = affine_map<(d0, d1) -> (0, 0, 0, 0)>
module attributes {stable_mosaic.version = 14 : i64} {
  func.func @_sc_prop_body(%arg0: i32, %arg1: i32, %arg2: memref<10000x128xf32, #tpu.memory_space<hbm>>, %arg3: memref<32x125x1x80xi32, #tpu.memory_space<hbm>>, %arg4: memref<32x125x1x80xi32, #tpu.memory_space<hbm>>, %arg5: memref<2x16x625x128xf32, #tpu.memory_space<hbm>>, %arg6: memref<10000x128xf32, #tpu.memory_space<vmem_shared>>, %arg7: memref<25x128xf32, #tpu.memory_space<vmem>>, %arg8: memref<80x128xf32, #tpu.memory_space<vmem>>, %arg9: memref<80x128xf32, #tpu.memory_space<vmem>>, %arg10: memref<80x128xf32, #tpu.memory_space<vmem>>, %arg11: memref<80x128xf32, #tpu.memory_space<vmem>>, %arg12: memref<80xi32, #tpu.memory_space<vmem>>, %arg13: memref<80xi32, #tpu.memory_space<vmem>>, %arg14: memref<80xi32, #tpu.memory_space<vmem>>, %arg15: memref<80xi32, #tpu.memory_space<vmem>>, %arg16: memref<80xi32, #tpu.memory_space<vmem>>, %arg17: memref<80xi32, #tpu.memory_space<vmem>>, %arg18: memref<80xi32, #tpu.memory_space<vmem>>, %arg19: memref<80xi32, #tpu.memory_space<vmem>>, %arg20: memref<!tpu.dma_semaphore, #tpu.memory_space<semaphore_mem>>, %arg21: memref<!tpu.dma_semaphore, #tpu.memory_space<semaphore_mem>>, %arg22: memref<!tpu.dma_semaphore, #tpu.memory_space<semaphore_mem>>, %arg23: memref<!tpu.dma_semaphore, #tpu.memory_space<semaphore_mem>>, %arg24: memref<!tpu.dma_semaphore, #tpu.memory_space<semaphore_mem>>, %arg25: memref<!tpu.dma_semaphore, #tpu.memory_space<semaphore_mem>>, %arg26: memref<!tpu.dma_semaphore, #tpu.memory_space<semaphore_mem>>, %arg27: memref<!tpu.dma_semaphore, #tpu.memory_space<semaphore_mem>>, %arg28: memref<!tpu.dma_semaphore, #tpu.memory_space<semaphore_mem>>, %arg29: memref<!tpu.dma_semaphore, #tpu.memory_space<semaphore_mem>>, %arg30: memref<!tpu.dma_semaphore, #tpu.memory_space<semaphore_mem>>, %arg31: memref<!tpu.dma_semaphore, #tpu.memory_space<semaphore_mem>>, %arg32: memref<!tpu.dma_semaphore, #tpu.memory_space<semaphore_mem>>, %arg33: memref<!tpu.dma_semaphore, #tpu.memory_space<semaphore_mem>>, %arg34: memref<!tpu.dma_semaphore, #tpu.memory_space<semaphore_mem>>, %arg35: memref<!tpu.dma_semaphore, #tpu.memory_space<semaphore_mem>>) attributes {dimension_semantics = [#tpu.dimension_semantics<core_parallel>, #tpu.dimension_semantics<subcore_parallel>], iteration_bounds = array<i64: 2, 16>, scalar_prefetch = 0 : i64, scratch_operands = 30 : i64, tpu.core_type = #tpu.core_type<sc_vector_subcore>, window_params = [{transform_indices = #map}, {transform_indices = #map1}, {transform_indices = #map1}, {transform_indices = #map1}]} {
    %mul3A = arith.constant 16 : i32
    %mul3A_0 = arith.muli %arg0, %mul3A : i32
    %add3A = arith.addi %mul3A_0, %arg1 : i32
    %broadcast_in_dim3A = arith.constant 0.000000e+00 : f32
    %broadcast_in_dim3A_1 = vector.broadcast %broadcast_in_dim3A : f32 to vector<16xf32>
    %scan3A = arith.constant 0 : i32
    %scan3A_2 = arith.constant 200 : i32
    %scan3A_3 = arith.addi %scan3A, %scan3A_2 : i32
    %scan3A_4 = arith.constant 1 : i32
    scf.for %scan3A_129 = %scan3A to %scan3A_3 step %scan3A_4  : i32 {
      %jit3A = arith.constant 8 : i32
      %div3A = arith.divsi %scan3A_129, %jit3A : i32
      %sign3A = arith.constant 0 : i32
      %sign3A_130 = arith.cmpi sgt, %scan3A_129, %sign3A : i32
      %sign3A_131 = arith.extui %sign3A_130 : i1 to i32
      %sign3A_132 = arith.constant 0 : i32
      %sign3A_133 = arith.cmpi slt, %scan3A_129, %sign3A_132 : i32
      %sign3A_134 = arith.extui %sign3A_133 : i1 to i32
      %sign3A_135 = arith.subi %sign3A_131, %sign3A_134 : i32
      %sign3A_136 = arith.constant 0 : i32
      %sign3A_137 = arith.cmpi sgt, %jit3A, %sign3A_136 : i32
      %sign3A_138 = arith.extui %sign3A_137 : i1 to i32
      %sign3A_139 = arith.constant 0 : i32
      %sign3A_140 = arith.cmpi slt, %jit3A, %sign3A_139 : i32
      %sign3A_141 = arith.extui %sign3A_140 : i1 to i32
      %sign3A_142 = arith.subi %sign3A_138, %sign3A_141 : i32
      %ne3A = arith.cmpi ne, %sign3A_135, %sign3A_142 : i32
      %rem3A = arith.remsi %scan3A_129, %jit3A : i32
      %ne3A_143 = arith.constant 0 : i32
      %ne3A_144 = arith.cmpi ne, %rem3A, %ne3A_143 : i32
      %and3A = arith.andi %ne3A, %ne3A_144 : i1
      %sub3A = arith.constant 1 : i32
      %sub3A_145 = arith.subi %div3A, %sub3A : i32
      %select_n3A = arith.select %and3A, %sub3A_145, %div3A : i32
      %jit3A_146 = arith.constant 8 : i32
      %eq3A = arith.constant 0 : i32
      %eq3A_147 = arith.cmpi eq, %jit3A_146, %eq3A : i32
      %jit3A_148 = arith.constant 1 : i32
      %select_n3A_149 = arith.select %eq3A_147, %jit3A_148, %jit3A_146 : i32
      %rem3A_150 = arith.remsi %scan3A_129, %select_n3A_149 : i32
      %ne3A_151 = arith.constant 0 : i32
      %ne3A_152 = arith.cmpi ne, %rem3A_150, %ne3A_151 : i32
      %lt3A = arith.constant 0 : i32
      %lt3A_153 = arith.cmpi slt, %rem3A_150, %lt3A : i32
      %lt3A_154 = arith.constant 0 : i32
      %lt3A_155 = arith.cmpi slt, %select_n3A_149, %lt3A_154 : i32
      %ne3A_156 = arith.xori %lt3A_153, %lt3A_155 : i1
      %and3A_157 = arith.andi %ne3A_156, %ne3A_152 : i1
      %add3A_158 = arith.addi %rem3A_150, %select_n3A_149 : i32
      %select_n3A_159 = arith.select %and3A_157, %add3A_158, %rem3A_150 : i32
      %mul3A_160 = arith.constant 16 : i32
      %mul3A_161 = arith.muli %select_n3A_159, %mul3A_160 : i32
      %swap3A = arith.index_cast %select_n3A : i32 to index
      %swap3A_162 = arith.index_cast %mul3A_161 : i32 to index
      %swap3A_163 = tpu.vector_load %arg7[%swap3A, %swap3A_162] {strides = array<i32>} : memref<25x128xf32, #tpu.memory_space<vmem>>, vector<16xf32>,
      tpu.vector_store %arg7[%swap3A, %swap3A_162], %broadcast_in_dim3A_1 {strides = array<i32>} : memref<25x128xf32, #tpu.memory_space<vmem>>, vector<16xf32>,
    }
    %scan3A_5 = arith.constant 200 : i32
    %scan3A_6 = arith.constant 0 : i32
    %scan3A_7 = arith.constant 25 : i32
    %scan3A_8 = arith.addi %scan3A_6, %scan3A_7 : i32
    %scan3A_9 = arith.constant 1 : i32
    scf.for %scan3A_129 = %scan3A_6 to %scan3A_8 step %scan3A_9  : i32 {
      %mul3A_130 = arith.constant 625 : i32
      %mul3A_131 = arith.muli %arg1, %mul3A_130 : i32
      %mul3A_132 = arith.constant 25 : i32
      %mul3A_133 = arith.muli %scan3A_129, %mul3A_132 : i32
      %add3A_134 = arith.addi %mul3A_131, %mul3A_133 : i32
      "tpu.region"() ({
        %run_scoped3A = tpu.sem_alloc : memref<!tpu.dma_semaphore, #tpu.memory_space<semaphore_mem>>
        %dma_start3A_135 = arith.constant 0 : i32
        %dma_start3A_136 = tpu.memref_slice %arg6[%add3A_134, %dma_start3A_135] : memref<10000x128xf32, #tpu.memory_space<vmem_shared>> -> memref<25x128xf32, #tpu.memory_space<vmem_shared>>
        %dma_start3A_137 = arith.constant 0 : i32
        %dma_start3A_138 = tpu.memref_slice %arg6[%add3A_134, %dma_start3A_137] : memref<10000x128xf32, #tpu.memory_space<vmem_shared>> -> memref<25x128xf32, #tpu.memory_space<vmem_shared>>
        tpu.enqueue_dma source(%arg7 : memref<25x128xf32, #tpu.memory_space<vmem>>) target(%dma_start3A_138 : memref<25x128xf32, #tpu.memory_space<vmem_shared>>) target_semaphore(%run_scoped3A : memref<!tpu.dma_semaphore, #tpu.memory_space<semaphore_mem>>)
        %dma_wait3A_139 = arith.constant 0 : i32
        %dma_wait3A_140 = tpu.memref_slice %arg6[%add3A_134, %dma_wait3A_139] : memref<10000x128xf32, #tpu.memory_space<vmem_shared>> -> memref<25x128xf32, #tpu.memory_space<vmem_shared>>
        %dma_wait3A_141 = arith.constant 0 : i32
        %dma_wait3A_142 = tpu.memref_slice %arg6[%add3A_134, %dma_wait3A_141] : memref<10000x128xf32, #tpu.memory_space<vmem_shared>> -> memref<25x128xf32, #tpu.memory_space<vmem_shared>>
        tpu.wait_dma2 semaphore(%run_scoped3A : memref<!tpu.dma_semaphore, #tpu.memory_space<semaphore_mem>>) src(%arg7 : memref<25x128xf32, #tpu.memory_space<vmem>>) dst(%dma_wait3A_142 : memref<25x128xf32, #tpu.memory_space<vmem_shared>>)
        tpu.yield
      }) : () -> ()
    }
    %scan3A_10 = arith.constant 25 : i32
    %barrier3A = arith.constant 0 : index
    tpu.barrier barrier_id(%barrier3A)
    %dma_start3A = arith.constant 0 : i32
    %dma_start3A_11 = arith.constant 0 : i32
    %dma_start3A_12 = arith.constant 0 : i32
    %dma_start3A_13 = tpu.memref_slice %arg3[%add3A, %dma_start3A, %dma_start3A_11, %dma_start3A_12] : memref<32x125x1x80xi32, #tpu.memory_space<hbm>> -> memref<1x1x1x80xi32, #tpu.memory_space<hbm>>
    %dma_start3A_14 = tpu.memref_squeeze %dma_start3A_13 : memref<1x1x1x80xi32, #tpu.memory_space<hbm>> -> memref<80xi32, #tpu.memory_space<hbm>>
    %dma_start3A_15 = arith.constant 0 : i32
    %dma_start3A_16 = tpu.memref_slice %arg3[%add3A, %dma_start3A, %dma_start3A_11, %dma_start3A_15] : memref<32x125x1x80xi32, #tpu.memory_space<hbm>> -> memref<1x1x1x80xi32, #tpu.memory_space<hbm>>
    %dma_start3A_17 = tpu.memref_squeeze %dma_start3A_16 : memref<1x1x1x80xi32, #tpu.memory_space<hbm>> -> memref<80xi32, #tpu.memory_space<hbm>>
    tpu.enqueue_dma source(%dma_start3A_17 : memref<80xi32, #tpu.memory_space<hbm>>) target(%arg12 : memref<80xi32, #tpu.memory_space<vmem>>) target_semaphore(%arg28 : memref<!tpu.dma_semaphore, #tpu.memory_space<semaphore_mem>>)
    %dma_start3A_18 = arith.constant 0 : i32
    %dma_start3A_19 = arith.constant 0 : i32
    %dma_start3A_20 = arith.constant 0 : i32
    %dma_start3A_21 = tpu.memref_slice %arg4[%add3A, %dma_start3A_18, %dma_start3A_19, %dma_start3A_20] : memref<32x125x1x80xi32, #tpu.memory_space<hbm>> -> memref<1x1x1x80xi32, #tpu.memory_space<hbm>>
    %dma_start3A_22 = tpu.memref_squeeze %dma_start3A_21 : memref<1x1x1x80xi32, #tpu.memory_space<hbm>> -> memref<80xi32, #tpu.memory_space<hbm>>
    %dma_start3A_23 = arith.constant 0 : i32
    %dma_start3A_24 = tpu.memref_slice %arg4[%add3A, %dma_start3A_18, %dma_start3A_19, %dma_start3A_23] : memref<32x125x1x80xi32, #tpu.memory_space<hbm>> -> memref<1x1x1x80xi32, #tpu.memory_space<hbm>>
    %dma_start3A_25 = tpu.memref_squeeze %dma_start3A_24 : memref<1x1x1x80xi32, #tpu.memory_space<hbm>> -> memref<80xi32, #tpu.memory_space<hbm>>
    tpu.enqueue_dma source(%dma_start3A_25 : memref<80xi32, #tpu.memory_space<hbm>>) target(%arg16 : memref<80xi32, #tpu.memory_space<vmem>>) target_semaphore(%arg32 : memref<!tpu.dma_semaphore, #tpu.memory_space<semaphore_mem>>)
    %dma_start3A_26 = arith.constant 1 : i32
    %dma_start3A_27 = arith.constant 0 : i32
    %dma_start3A_28 = arith.constant 0 : i32
    %dma_start3A_29 = tpu.memref_slice %arg3[%add3A, %dma_start3A_26, %dma_start3A_27, %dma_start3A_28] : memref<32x125x1x80xi32, #tpu.memory_space<hbm>> -> memref<1x1x1x80xi32, #tpu.memory_space<hbm>>
    %dma_start3A_30 = tpu.memref_squeeze %dma_start3A_29 : memref<1x1x1x80xi32, #tpu.memory_space<hbm>> -> memref<80xi32, #tpu.memory_space<hbm>>
    %dma_start3A_31 = arith.constant 0 : i32
    %dma_start3A_32 = tpu.memref_slice %arg3[%add3A, %dma_start3A_26, %dma_start3A_27, %dma_start3A_31] : memref<32x125x1x80xi32, #tpu.memory_space<hbm>> -> memref<1x1x1x80xi32, #tpu.memory_space<hbm>>
    %dma_start3A_33 = tpu.memref_squeeze %dma_start3A_32 : memref<1x1x1x80xi32, #tpu.memory_space<hbm>> -> memref<80xi32, #tpu.memory_space<hbm>>
    tpu.enqueue_dma source(%dma_start3A_33 : memref<80xi32, #tpu.memory_space<hbm>>) target(%arg13 : memref<80xi32, #tpu.memory_space<vmem>>) target_semaphore(%arg29 : memref<!tpu.dma_semaphore, #tpu.memory_space<semaphore_mem>>)
    %dma_start3A_34 = arith.constant 1 : i32
    %dma_start3A_35 = arith.constant 0 : i32
    %dma_start3A_36 = arith.constant 0 : i32
    %dma_start3A_37 = tpu.memref_slice %arg4[%add3A, %dma_start3A_34, %dma_start3A_35, %dma_start3A_36] : memref<32x125x1x80xi32, #tpu.memory_space<hbm>> -> memref<1x1x1x80xi32, #tpu.memory_space<hbm>>
    %dma_start3A_38 = tpu.memref_squeeze %dma_start3A_37 : memref<1x1x1x80xi32, #tpu.memory_space<hbm>> -> memref<80xi32, #tpu.memory_space<hbm>>
    %dma_start3A_39 = arith.constant 0 : i32
    %dma_start3A_40 = tpu.memref_slice %arg4[%add3A, %dma_start3A_34, %dma_start3A_35, %dma_start3A_39] : memref<32x125x1x80xi32, #tpu.memory_space<hbm>> -> memref<1x1x1x80xi32, #tpu.memory_space<hbm>>
    %dma_start3A_41 = tpu.memref_squeeze %dma_start3A_40 : memref<1x1x1x80xi32, #tpu.memory_space<hbm>> -> memref<80xi32, #tpu.memory_space<hbm>>
    tpu.enqueue_dma source(%dma_start3A_41 : memref<80xi32, #tpu.memory_space<hbm>>) target(%arg17 : memref<80xi32, #tpu.memory_space<vmem>>) target_semaphore(%arg33 : memref<!tpu.dma_semaphore, #tpu.memory_space<semaphore_mem>>)
    %dma_start3A_42 = arith.constant 2 : i32
    %dma_start3A_43 = arith.constant 0 : i32
    %dma_start3A_44 = arith.constant 0 : i32
    %dma_start3A_45 = tpu.memref_slice %arg3[%add3A, %dma_start3A_42, %dma_start3A_43, %dma_start3A_44] : memref<32x125x1x80xi32, #tpu.memory_space<hbm>> -> memref<1x1x1x80xi32, #tpu.memory_space<hbm>>
    %dma_start3A_46 = tpu.memref_squeeze %dma_start3A_45 : memref<1x1x1x80xi32, #tpu.memory_space<hbm>> -> memref<80xi32, #tpu.memory_space<hbm>>
    %dma_start3A_47 = arith.constant 0 : i32
    %dma_start3A_48 = tpu.memref_slice %arg3[%add3A, %dma_start3A_42, %dma_start3A_43, %dma_start3A_47] : memref<32x125x1x80xi32, #tpu.memory_space<hbm>> -> memref<1x1x1x80xi32, #tpu.memory_space<hbm>>
    %dma_start3A_49 = tpu.memref_squeeze %dma_start3A_48 : memref<1x1x1x80xi32, #tpu.memory_space<hbm>> -> memref<80xi32, #tpu.memory_space<hbm>>
    tpu.enqueue_dma source(%dma_start3A_49 : memref<80xi32, #tpu.memory_space<hbm>>) target(%arg14 : memref<80xi32, #tpu.memory_space<vmem>>) target_semaphore(%arg30 : memref<!tpu.dma_semaphore, #tpu.memory_space<semaphore_mem>>)
    %dma_start3A_50 = arith.constant 2 : i32
    %dma_start3A_51 = arith.constant 0 : i32
    %dma_start3A_52 = arith.constant 0 : i32
    %dma_start3A_53 = tpu.memref_slice %arg4[%add3A, %dma_start3A_50, %dma_start3A_51, %dma_start3A_52] : memref<32x125x1x80xi32, #tpu.memory_space<hbm>> -> memref<1x1x1x80xi32, #tpu.memory_space<hbm>>
    %dma_start3A_54 = tpu.memref_squeeze %dma_start3A_53 : memref<1x1x1x80xi32, #tpu.memory_space<hbm>> -> memref<80xi32, #tpu.memory_space<hbm>>
    %dma_start3A_55 = arith.constant 0 : i32
    %dma_start3A_56 = tpu.memref_slice %arg4[%add3A, %dma_start3A_50, %dma_start3A_51, %dma_start3A_55] : memref<32x125x1x80xi32, #tpu.memory_space<hbm>> -> memref<1x1x1x80xi32, #tpu.memory_space<hbm>>
    %dma_start3A_57 = tpu.memref_squeeze %dma_start3A_56 : memref<1x1x1x80xi32, #tpu.memory_space<hbm>> -> memref<80xi32, #tpu.memory_space<hbm>>
    tpu.enqueue_dma source(%dma_start3A_57 : memref<80xi32, #tpu.memory_space<hbm>>) target(%arg18 : memref<80xi32, #tpu.memory_space<vmem>>) target_semaphore(%arg34 : memref<!tpu.dma_semaphore, #tpu.memory_space<semaphore_mem>>)
    %dma_start3A_58 = arith.constant 3 : i32
    %dma_start3A_59 = arith.constant 0 : i32
    %dma_start3A_60 = arith.constant 0 : i32
    %dma_start3A_61 = tpu.memref_slice %arg3[%add3A, %dma_start3A_58, %dma_start3A_59, %dma_start3A_60] : memref<32x125x1x80xi32, #tpu.memory_space<hbm>> -> memref<1x1x1x80xi32, #tpu.memory_space<hbm>>
    %dma_start3A_62 = tpu.memref_squeeze %dma_start3A_61 : memref<1x1x1x80xi32, #tpu.memory_space<hbm>> -> memref<80xi32, #tpu.memory_space<hbm>>
    %dma_start3A_63 = arith.constant 0 : i32
    %dma_start3A_64 = tpu.memref_slice %arg3[%add3A, %dma_start3A_58, %dma_start3A_59, %dma_start3A_63] : memref<32x125x1x80xi32, #tpu.memory_space<hbm>> -> memref<1x1x1x80xi32, #tpu.memory_space<hbm>>
    %dma_start3A_65 = tpu.memref_squeeze %dma_start3A_64 : memref<1x1x1x80xi32, #tpu.memory_space<hbm>> -> memref<80xi32, #tpu.memory_space<hbm>>
    tpu.enqueue_dma source(%dma_start3A_65 : memref<80xi32, #tpu.memory_space<hbm>>) target(%arg15 : memref<80xi32, #tpu.memory_space<vmem>>) target_semaphore(%arg31 : memref<!tpu.dma_semaphore, #tpu.memory_space<semaphore_mem>>)
    %dma_start3A_66 = arith.constant 3 : i32
    %dma_start3A_67 = arith.constant 0 : i32
    %dma_start3A_68 = arith.constant 0 : i32
    %dma_start3A_69 = tpu.memref_slice %arg4[%add3A, %dma_start3A_66, %dma_start3A_67, %dma_start3A_68] : memref<32x125x1x80xi32, #tpu.memory_space<hbm>> -> memref<1x1x1x80xi32, #tpu.memory_space<hbm>>
    %dma_start3A_70 = tpu.memref_squeeze %dma_start3A_69 : memref<1x1x1x80xi32, #tpu.memory_space<hbm>> -> memref<80xi32, #tpu.memory_space<hbm>>
    %dma_start3A_71 = arith.constant 0 : i32
    %dma_start3A_72 = tpu.memref_slice %arg4[%add3A, %dma_start3A_66, %dma_start3A_67, %dma_start3A_71] : memref<32x125x1x80xi32, #tpu.memory_space<hbm>> -> memref<1x1x1x80xi32, #tpu.memory_space<hbm>>
    %dma_start3A_73 = tpu.memref_squeeze %dma_start3A_72 : memref<1x1x1x80xi32, #tpu.memory_space<hbm>> -> memref<80xi32, #tpu.memory_space<hbm>>
    tpu.enqueue_dma source(%dma_start3A_73 : memref<80xi32, #tpu.memory_space<hbm>>) target(%arg19 : memref<80xi32, #tpu.memory_space<vmem>>) target_semaphore(%arg35 : memref<!tpu.dma_semaphore, #tpu.memory_space<semaphore_mem>>)
    %scan3A_74 = arith.constant 0 : i32
    %scan3A_75 = arith.constant 31 : i32
    %scan3A_76 = arith.addi %scan3A_74, %scan3A_75 : i32
    %scan3A_77 = arith.constant 1 : i32
    scf.for %scan3A_129 = %scan3A_74 to %scan3A_76 step %scan3A_77  : i32 {
      %mul3A_130 = arith.constant 4 : i32
      %mul3A_131 = arith.muli %scan3A_129, %mul3A_130 : i32
      %add3A_132 = arith.constant 0 : i32
      %add3A_133 = arith.addi %mul3A_131, %add3A_132 : i32
      %gt3A = arith.constant 0 : i32
      %gt3A_134 = arith.cmpi sgt, %scan3A_129, %gt3A : i32
      %convert_element_type3A = arith.extui %gt3A_134 : i1 to i32
      %cond3A = arith.constant 0 : i32
      %cond3A_135 = arith.cmpi ne, %convert_element_type3A, %cond3A : i32
      scf.if %cond3A_135 {
        %dma_wait3A_298 = arith.constant 0 : i32
        %dma_wait3A_299 = arith.constant 0 : i32
        %dma_wait3A_300 = tpu.memref_slice %arg6[%dma_wait3A_298, %dma_wait3A_299] : memref<10000x128xf32, #tpu.memory_space<vmem_shared>> -> memref<10000x128xf32, #tpu.memory_space<vmem_shared>>
        tpu.wait_indirect_dma semaphore(%arg24 : memref<!tpu.dma_semaphore, #tpu.memory_space<semaphore_mem>>) src(%arg8 : memref<80x128xf32, #tpu.memory_space<vmem>>) dst(%dma_wait3A_300 : memref<10000x128xf32, #tpu.memory_space<vmem_shared>>)
        %dma_start3A_301 = arith.constant 0 : i32
        %dma_start3A_302 = arith.constant 0 : i32
        %dma_start3A_303 = tpu.memref_slice %arg4[%add3A, %add3A_133, %dma_start3A_301, %dma_start3A_302] : memref<32x125x1x80xi32, #tpu.memory_space<hbm>> -> memref<1x1x1x80xi32, #tpu.memory_space<hbm>>
        %dma_start3A_304 = tpu.memref_squeeze %dma_start3A_303 : memref<1x1x1x80xi32, #tpu.memory_space<hbm>> -> memref<80xi32, #tpu.memory_space<hbm>>
        %dma_start3A_305 = arith.constant 0 : i32
        %dma_start3A_306 = tpu.memref_slice %arg4[%add3A, %add3A_133, %dma_start3A_301, %dma_start3A_305] : memref<32x125x1x80xi32, #tpu.memory_space<hbm>> -> memref<1x1x1x80xi32, #tpu.memory_space<hbm>>
        %dma_start3A_307 = tpu.memref_squeeze %dma_start3A_306 : memref<1x1x1x80xi32, #tpu.memory_space<hbm>> -> memref<80xi32, #tpu.memory_space<hbm>>
        tpu.enqueue_dma source(%dma_start3A_307 : memref<80xi32, #tpu.memory_space<hbm>>) target(%arg16 : memref<80xi32, #tpu.memory_space<vmem>>) target_semaphore(%arg32 : memref<!tpu.dma_semaphore, #tpu.memory_space<semaphore_mem>>)
      } else {
      }
      %dma_wait3A_136 = arith.constant 0 : i32
      %dma_wait3A_137 = arith.constant 0 : i32
      %dma_wait3A_138 = tpu.memref_slice %arg3[%add3A, %add3A_133, %dma_wait3A_136, %dma_wait3A_137] : memref<32x125x1x80xi32, #tpu.memory_space<hbm>> -> memref<1x1x1x80xi32, #tpu.memory_space<hbm>>
      %dma_wait3A_139 = tpu.memref_squeeze %dma_wait3A_138 : memref<1x1x1x80xi32, #tpu.memory_space<hbm>> -> memref<80xi32, #tpu.memory_space<hbm>>
      %dma_wait3A_140 = arith.constant 0 : i32
      %dma_wait3A_141 = tpu.memref_slice %arg3[%add3A, %add3A_133, %dma_wait3A_136, %dma_wait3A_140] : memref<32x125x1x80xi32, #tpu.memory_space<hbm>> -> memref<1x1x1x80xi32, #tpu.memory_space<hbm>>
      %dma_wait3A_142 = tpu.memref_squeeze %dma_wait3A_141 : memref<1x1x1x80xi32, #tpu.memory_space<hbm>> -> memref<80xi32, #tpu.memory_space<hbm>>
      tpu.wait_dma2 semaphore(%arg28 : memref<!tpu.dma_semaphore, #tpu.memory_space<semaphore_mem>>) src(%dma_wait3A_142 : memref<80xi32, #tpu.memory_space<hbm>>) dst(%arg12 : memref<80xi32, #tpu.memory_space<vmem>>)
      %dma_start3A_143 = arith.constant 0 : i32
      %dma_start3A_144 = arith.constant 0 : i32
      %dma_start3A_145 = tpu.memref_slice %arg2[%dma_start3A_143, %dma_start3A_144] : memref<10000x128xf32, #tpu.memory_space<hbm>> -> memref<10000x128xf32, #tpu.memory_space<hbm>>
      tpu.enqueue_indirect_dma source(%dma_start3A_145 : memref<10000x128xf32, #tpu.memory_space<hbm>>) target(%arg8 : memref<80x128xf32, #tpu.memory_space<vmem>>) offsets(%arg12 : memref<80xi32, #tpu.memory_space<vmem>>) semaphore(%arg20 : memref<!tpu.dma_semaphore, #tpu.memory_space<semaphore_mem>>)
      %mul3A_146 = arith.constant 4 : i32
      %mul3A_147 = arith.muli %scan3A_129, %mul3A_146 : i32
      %add3A_148 = arith.constant 1 : i32
      %add3A_149 = arith.addi %mul3A_147, %add3A_148 : i32
      %gt3A_150 = arith.constant 0 : i32
      %gt3A_151 = arith.cmpi sgt, %scan3A_129, %gt3A_150 : i32
      %convert_element_type3A_152 = arith.extui %gt3A_151 : i1 to i32
      %cond3A_153 = arith.constant 0 : i32
      %cond3A_154 = arith.cmpi ne, %convert_element_type3A_152, %cond3A_153 : i32
      scf.if %cond3A_154 {
        %dma_wait3A_298 = arith.constant 0 : i32
        %dma_wait3A_299 = arith.constant 0 : i32
        %dma_wait3A_300 = tpu.memref_slice %arg6[%dma_wait3A_298, %dma_wait3A_299] : memref<10000x128xf32, #tpu.memory_space<vmem_shared>> -> memref<10000x128xf32, #tpu.memory_space<vmem_shared>>
        tpu.wait_indirect_dma semaphore(%arg25 : memref<!tpu.dma_semaphore, #tpu.memory_space<semaphore_mem>>) src(%arg9 : memref<80x128xf32, #tpu.memory_space<vmem>>) dst(%dma_wait3A_300 : memref<10000x128xf32, #tpu.memory_space<vmem_shared>>)
        %dma_start3A_301 = arith.constant 0 : i32
        %dma_start3A_302 = arith.constant 0 : i32
        %dma_start3A_303 = tpu.memref_slice %arg4[%add3A, %add3A_149, %dma_start3A_301, %dma_start3A_302] : memref<32x125x1x80xi32, #tpu.memory_space<hbm>> -> memref<1x1x1x80xi32, #tpu.memory_space<hbm>>
        %dma_start3A_304 = tpu.memref_squeeze %dma_start3A_303 : memref<1x1x1x80xi32, #tpu.memory_space<hbm>> -> memref<80xi32, #tpu.memory_space<hbm>>
        %dma_start3A_305 = arith.constant 0 : i32
        %dma_start3A_306 = tpu.memref_slice %arg4[%add3A, %add3A_149, %dma_start3A_301, %dma_start3A_305] : memref<32x125x1x80xi32, #tpu.memory_space<hbm>> -> memref<1x1x1x80xi32, #tpu.memory_space<hbm>>
        %dma_start3A_307 = tpu.memref_squeeze %dma_start3A_306 : memref<1x1x1x80xi32, #tpu.memory_space<hbm>> -> memref<80xi32, #tpu.memory_space<hbm>>
        tpu.enqueue_dma source(%dma_start3A_307 : memref<80xi32, #tpu.memory_space<hbm>>) target(%arg17 : memref<80xi32, #tpu.memory_space<vmem>>) target_semaphore(%arg33 : memref<!tpu.dma_semaphore, #tpu.memory_space<semaphore_mem>>)
      } else {
      }
      %dma_wait3A_155 = arith.constant 0 : i32
      %dma_wait3A_156 = arith.constant 0 : i32
      %dma_wait3A_157 = tpu.memref_slice %arg3[%add3A, %add3A_149, %dma_wait3A_155, %dma_wait3A_156] : memref<32x125x1x80xi32, #tpu.memory_space<hbm>> -> memref<1x1x1x80xi32, #tpu.memory_space<hbm>>
      %dma_wait3A_158 = tpu.memref_squeeze %dma_wait3A_157 : memref<1x1x1x80xi32, #tpu.memory_space<hbm>> -> memref<80xi32, #tpu.memory_space<hbm>>
      %dma_wait3A_159 = arith.constant 0 : i32
      %dma_wait3A_160 = tpu.memref_slice %arg3[%add3A, %add3A_149, %dma_wait3A_155, %dma_wait3A_159] : memref<32x125x1x80xi32, #tpu.memory_space<hbm>> -> memref<1x1x1x80xi32, #tpu.memory_space<hbm>>
      %dma_wait3A_161 = tpu.memref_squeeze %dma_wait3A_160 : memref<1x1x1x80xi32, #tpu.memory_space<hbm>> -> memref<80xi32, #tpu.memory_space<hbm>>
      tpu.wait_dma2 semaphore(%arg29 : memref<!tpu.dma_semaphore, #tpu.memory_space<semaphore_mem>>) src(%dma_wait3A_161 : memref<80xi32, #tpu.memory_space<hbm>>) dst(%arg13 : memref<80xi32, #tpu.memory_space<vmem>>)
      %dma_start3A_162 = arith.constant 0 : i32
      %dma_start3A_163 = arith.constant 0 : i32
      %dma_start3A_164 = tpu.memref_slice %arg2[%dma_start3A_162, %dma_start3A_163] : memref<10000x128xf32, #tpu.memory_space<hbm>> -> memref<10000x128xf32, #tpu.memory_space<hbm>>
      tpu.enqueue_indirect_dma source(%dma_start3A_164 : memref<10000x128xf32, #tpu.memory_space<hbm>>) target(%arg9 : memref<80x128xf32, #tpu.memory_space<vmem>>) offsets(%arg13 : memref<80xi32, #tpu.memory_space<vmem>>) semaphore(%arg21 : memref<!tpu.dma_semaphore, #tpu.memory_space<semaphore_mem>>)
      %mul3A_165 = arith.constant 4 : i32
      %mul3A_166 = arith.muli %scan3A_129, %mul3A_165 : i32
      %add3A_167 = arith.constant 2 : i32
      %add3A_168 = arith.addi %mul3A_166, %add3A_167 : i32
      %gt3A_169 = arith.constant 0 : i32
      %gt3A_170 = arith.cmpi sgt, %scan3A_129, %gt3A_169 : i32
      %convert_element_type3A_171 = arith.extui %gt3A_170 : i1 to i32
      %cond3A_172 = arith.constant 0 : i32
      %cond3A_173 = arith.cmpi ne, %convert_element_type3A_171, %cond3A_172 : i32
      scf.if %cond3A_173 {
        %dma_wait3A_298 = arith.constant 0 : i32
        %dma_wait3A_299 = arith.constant 0 : i32
        %dma_wait3A_300 = tpu.memref_slice %arg6[%dma_wait3A_298, %dma_wait3A_299] : memref<10000x128xf32, #tpu.memory_space<vmem_shared>> -> memref<10000x128xf32, #tpu.memory_space<vmem_shared>>
        tpu.wait_indirect_dma semaphore(%arg26 : memref<!tpu.dma_semaphore, #tpu.memory_space<semaphore_mem>>) src(%arg10 : memref<80x128xf32, #tpu.memory_space<vmem>>) dst(%dma_wait3A_300 : memref<10000x128xf32, #tpu.memory_space<vmem_shared>>)
        %dma_start3A_301 = arith.constant 0 : i32
        %dma_start3A_302 = arith.constant 0 : i32
        %dma_start3A_303 = tpu.memref_slice %arg4[%add3A, %add3A_168, %dma_start3A_301, %dma_start3A_302] : memref<32x125x1x80xi32, #tpu.memory_space<hbm>> -> memref<1x1x1x80xi32, #tpu.memory_space<hbm>>
        %dma_start3A_304 = tpu.memref_squeeze %dma_start3A_303 : memref<1x1x1x80xi32, #tpu.memory_space<hbm>> -> memref<80xi32, #tpu.memory_space<hbm>>
        %dma_start3A_305 = arith.constant 0 : i32
        %dma_start3A_306 = tpu.memref_slice %arg4[%add3A, %add3A_168, %dma_start3A_301, %dma_start3A_305] : memref<32x125x1x80xi32, #tpu.memory_space<hbm>> -> memref<1x1x1x80xi32, #tpu.memory_space<hbm>>
        %dma_start3A_307 = tpu.memref_squeeze %dma_start3A_306 : memref<1x1x1x80xi32, #tpu.memory_space<hbm>> -> memref<80xi32, #tpu.memory_space<hbm>>
        tpu.enqueue_dma source(%dma_start3A_307 : memref<80xi32, #tpu.memory_space<hbm>>) target(%arg18 : memref<80xi32, #tpu.memory_space<vmem>>) target_semaphore(%arg34 : memref<!tpu.dma_semaphore, #tpu.memory_space<semaphore_mem>>)
      } else {
      }
      %dma_wait3A_174 = arith.constant 0 : i32
      %dma_wait3A_175 = arith.constant 0 : i32
      %dma_wait3A_176 = tpu.memref_slice %arg3[%add3A, %add3A_168, %dma_wait3A_174, %dma_wait3A_175] : memref<32x125x1x80xi32, #tpu.memory_space<hbm>> -> memref<1x1x1x80xi32, #tpu.memory_space<hbm>>
      %dma_wait3A_177 = tpu.memref_squeeze %dma_wait3A_176 : memref<1x1x1x80xi32, #tpu.memory_space<hbm>> -> memref<80xi32, #tpu.memory_space<hbm>>
      %dma_wait3A_178 = arith.constant 0 : i32
      %dma_wait3A_179 = tpu.memref_slice %arg3[%add3A, %add3A_168, %dma_wait3A_174, %dma_wait3A_178] : memref<32x125x1x80xi32, #tpu.memory_space<hbm>> -> memref<1x1x1x80xi32, #tpu.memory_space<hbm>>
      %dma_wait3A_180 = tpu.memref_squeeze %dma_wait3A_179 : memref<1x1x1x80xi32, #tpu.memory_space<hbm>> -> memref<80xi32, #tpu.memory_space<hbm>>
      tpu.wait_dma2 semaphore(%arg30 : memref<!tpu.dma_semaphore, #tpu.memory_space<semaphore_mem>>) src(%dma_wait3A_180 : memref<80xi32, #tpu.memory_space<hbm>>) dst(%arg14 : memref<80xi32, #tpu.memory_space<vmem>>)
      %dma_start3A_181 = arith.constant 0 : i32
      %dma_start3A_182 = arith.constant 0 : i32
      %dma_start3A_183 = tpu.memref_slice %arg2[%dma_start3A_181, %dma_start3A_182] : memref<10000x128xf32, #tpu.memory_space<hbm>> -> memref<10000x128xf32, #tpu.memory_space<hbm>>
      tpu.enqueue_indirect_dma source(%dma_start3A_183 : memref<10000x128xf32, #tpu.memory_space<hbm>>) target(%arg10 : memref<80x128xf32, #tpu.memory_space<vmem>>) offsets(%arg14 : memref<80xi32, #tpu.memory_space<vmem>>) semaphore(%arg22 : memref<!tpu.dma_semaphore, #tpu.memory_space<semaphore_mem>>)
      %mul3A_184 = arith.constant 4 : i32
      %mul3A_185 = arith.muli %scan3A_129, %mul3A_184 : i32
      %add3A_186 = arith.constant 3 : i32
      %add3A_187 = arith.addi %mul3A_185, %add3A_186 : i32
      %gt3A_188 = arith.constant 0 : i32
      %gt3A_189 = arith.cmpi sgt, %scan3A_129, %gt3A_188 : i32
      %convert_element_type3A_190 = arith.extui %gt3A_189 : i1 to i32
      %cond3A_191 = arith.constant 0 : i32
      %cond3A_192 = arith.cmpi ne, %convert_element_type3A_190, %cond3A_191 : i32
      scf.if %cond3A_192 {
        %dma_wait3A_298 = arith.constant 0 : i32
        %dma_wait3A_299 = arith.constant 0 : i32
        %dma_wait3A_300 = tpu.memref_slice %arg6[%dma_wait3A_298, %dma_wait3A_299] : memref<10000x128xf32, #tpu.memory_space<vmem_shared>> -> memref<10000x128xf32, #tpu.memory_space<vmem_shared>>
        tpu.wait_indirect_dma semaphore(%arg27 : memref<!tpu.dma_semaphore, #tpu.memory_space<semaphore_mem>>) src(%arg11 : memref<80x128xf32, #tpu.memory_space<vmem>>) dst(%dma_wait3A_300 : memref<10000x128xf32, #tpu.memory_space<vmem_shared>>)
        %dma_start3A_301 = arith.constant 0 : i32
        %dma_start3A_302 = arith.constant 0 : i32
        %dma_start3A_303 = tpu.memref_slice %arg4[%add3A, %add3A_187, %dma_start3A_301, %dma_start3A_302] : memref<32x125x1x80xi32, #tpu.memory_space<hbm>> -> memref<1x1x1x80xi32, #tpu.memory_space<hbm>>
        %dma_start3A_304 = tpu.memref_squeeze %dma_start3A_303 : memref<1x1x1x80xi32, #tpu.memory_space<hbm>> -> memref<80xi32, #tpu.memory_space<hbm>>
        %dma_start3A_305 = arith.constant 0 : i32
        %dma_start3A_306 = tpu.memref_slice %arg4[%add3A, %add3A_187, %dma_start3A_301, %dma_start3A_305] : memref<32x125x1x80xi32, #tpu.memory_space<hbm>> -> memref<1x1x1x80xi32, #tpu.memory_space<hbm>>
        %dma_start3A_307 = tpu.memref_squeeze %dma_start3A_306 : memref<1x1x1x80xi32, #tpu.memory_space<hbm>> -> memref<80xi32, #tpu.memory_space<hbm>>
        tpu.enqueue_dma source(%dma_start3A_307 : memref<80xi32, #tpu.memory_space<hbm>>) target(%arg19 : memref<80xi32, #tpu.memory_space<vmem>>) target_semaphore(%arg35 : memref<!tpu.dma_semaphore, #tpu.memory_space<semaphore_mem>>)
      } else {
      }
      %dma_wait3A_193 = arith.constant 0 : i32
      %dma_wait3A_194 = arith.constant 0 : i32
      %dma_wait3A_195 = tpu.memref_slice %arg3[%add3A, %add3A_187, %dma_wait3A_193, %dma_wait3A_194] : memref<32x125x1x80xi32, #tpu.memory_space<hbm>> -> memref<1x1x1x80xi32, #tpu.memory_space<hbm>>
      %dma_wait3A_196 = tpu.memref_squeeze %dma_wait3A_195 : memref<1x1x1x80xi32, #tpu.memory_space<hbm>> -> memref<80xi32, #tpu.memory_space<hbm>>
      %dma_wait3A_197 = arith.constant 0 : i32
      %dma_wait3A_198 = tpu.memref_slice %arg3[%add3A, %add3A_187, %dma_wait3A_193, %dma_wait3A_197] : memref<32x125x1x80xi32, #tpu.memory_space<hbm>> -> memref<1x1x1x80xi32, #tpu.memory_space<hbm>>
      %dma_wait3A_199 = tpu.memref_squeeze %dma_wait3A_198 : memref<1x1x1x80xi32, #tpu.memory_space<hbm>> -> memref<80xi32, #tpu.memory_space<hbm>>
      tpu.wait_dma2 semaphore(%arg31 : memref<!tpu.dma_semaphore, #tpu.memory_space<semaphore_mem>>) src(%dma_wait3A_199 : memref<80xi32, #tpu.memory_space<hbm>>) dst(%arg15 : memref<80xi32, #tpu.memory_space<vmem>>)
      %dma_start3A_200 = arith.constant 0 : i32
      %dma_start3A_201 = arith.constant 0 : i32
      %dma_start3A_202 = tpu.memref_slice %arg2[%dma_start3A_200, %dma_start3A_201] : memref<10000x128xf32, #tpu.memory_space<hbm>> -> memref<10000x128xf32, #tpu.memory_space<hbm>>
      tpu.enqueue_indirect_dma source(%dma_start3A_202 : memref<10000x128xf32, #tpu.memory_space<hbm>>) target(%arg11 : memref<80x128xf32, #tpu.memory_space<vmem>>) offsets(%arg15 : memref<80xi32, #tpu.memory_space<vmem>>) semaphore(%arg23 : memref<!tpu.dma_semaphore, #tpu.memory_space<semaphore_mem>>)
      %mul3A_203 = arith.constant 4 : i32
      %mul3A_204 = arith.muli %scan3A_129, %mul3A_203 : i32
      %add3A_205 = arith.constant 0 : i32
      %add3A_206 = arith.addi %mul3A_204, %add3A_205 : i32
      %dma_wait3A_207 = arith.constant 0 : i32
      %dma_wait3A_208 = arith.constant 0 : i32
      %dma_wait3A_209 = tpu.memref_slice %arg2[%dma_wait3A_207, %dma_wait3A_208] : memref<10000x128xf32, #tpu.memory_space<hbm>> -> memref<10000x128xf32, #tpu.memory_space<hbm>>
      tpu.wait_indirect_dma semaphore(%arg20 : memref<!tpu.dma_semaphore, #tpu.memory_space<semaphore_mem>>) src(%dma_wait3A_209 : memref<10000x128xf32, #tpu.memory_space<hbm>>) dst(%arg8 : memref<80x128xf32, #tpu.memory_space<vmem>>)
      %add3A_210 = arith.constant 4 : i32
      %add3A_211 = arith.addi %add3A_206, %add3A_210 : i32
      %lt3A = arith.constant 125 : i32
      %lt3A_212 = arith.cmpi slt, %add3A_211, %lt3A : i32
      %convert_element_type3A_213 = arith.extui %lt3A_212 : i1 to i32
      %cond3A_214 = arith.constant 0 : i32
      %cond3A_215 = arith.cmpi ne, %convert_element_type3A_213, %cond3A_214 : i32
      scf.if %cond3A_215 {
        %add3A_298 = arith.constant 4 : i32
        %add3A_299 = arith.addi %add3A_206, %add3A_298 : i32
        %dma_start3A_300 = arith.constant 0 : i32
        %dma_start3A_301 = arith.constant 0 : i32
        %dma_start3A_302 = tpu.memref_slice %arg3[%add3A, %add3A_299, %dma_start3A_300, %dma_start3A_301] : memref<32x125x1x80xi32, #tpu.memory_space<hbm>> -> memref<1x1x1x80xi32, #tpu.memory_space<hbm>>
        %dma_start3A_303 = tpu.memref_squeeze %dma_start3A_302 : memref<1x1x1x80xi32, #tpu.memory_space<hbm>> -> memref<80xi32, #tpu.memory_space<hbm>>
        %dma_start3A_304 = arith.constant 0 : i32
        %dma_start3A_305 = tpu.memref_slice %arg3[%add3A, %add3A_299, %dma_start3A_300, %dma_start3A_304] : memref<32x125x1x80xi32, #tpu.memory_space<hbm>> -> memref<1x1x1x80xi32, #tpu.memory_space<hbm>>
        %dma_start3A_306 = tpu.memref_squeeze %dma_start3A_305 : memref<1x1x1x80xi32, #tpu.memory_space<hbm>> -> memref<80xi32, #tpu.memory_space<hbm>>
        tpu.enqueue_dma source(%dma_start3A_306 : memref<80xi32, #tpu.memory_space<hbm>>) target(%arg12 : memref<80xi32, #tpu.memory_space<vmem>>) target_semaphore(%arg28 : memref<!tpu.dma_semaphore, #tpu.memory_space<semaphore_mem>>)
      } else {
      }
      %dma_wait3A_216 = arith.constant 0 : i32
      %dma_wait3A_217 = arith.constant 0 : i32
      %dma_wait3A_218 = tpu.memref_slice %arg4[%add3A, %add3A_206, %dma_wait3A_216, %dma_wait3A_217] : memref<32x125x1x80xi32, #tpu.memory_space<hbm>> -> memref<1x1x1x80xi32, #tpu.memory_space<hbm>>
      %dma_wait3A_219 = tpu.memref_squeeze %dma_wait3A_218 : memref<1x1x1x80xi32, #tpu.memory_space<hbm>> -> memref<80xi32, #tpu.memory_space<hbm>>
      %dma_wait3A_220 = arith.constant 0 : i32
      %dma_wait3A_221 = tpu.memref_slice %arg4[%add3A, %add3A_206, %dma_wait3A_216, %dma_wait3A_220] : memref<32x125x1x80xi32, #tpu.memory_space<hbm>> -> memref<1x1x1x80xi32, #tpu.memory_space<hbm>>
      %dma_wait3A_222 = tpu.memref_squeeze %dma_wait3A_221 : memref<1x1x1x80xi32, #tpu.memory_space<hbm>> -> memref<80xi32, #tpu.memory_space<hbm>>
      tpu.wait_dma2 semaphore(%arg32 : memref<!tpu.dma_semaphore, #tpu.memory_space<semaphore_mem>>) src(%dma_wait3A_222 : memref<80xi32, #tpu.memory_space<hbm>>) dst(%arg16 : memref<80xi32, #tpu.memory_space<vmem>>)
      %dma_start3A_223 = arith.constant 0 : i32
      %dma_start3A_224 = arith.constant 0 : i32
      %dma_start3A_225 = tpu.memref_slice %arg6[%dma_start3A_223, %dma_start3A_224] : memref<10000x128xf32, #tpu.memory_space<vmem_shared>> -> memref<10000x128xf32, #tpu.memory_space<vmem_shared>>
      tpu.enqueue_indirect_dma source(%arg8 : memref<80x128xf32, #tpu.memory_space<vmem>>) target(%dma_start3A_225 : memref<10000x128xf32, #tpu.memory_space<vmem_shared>>) offsets(%arg16 : memref<80xi32, #tpu.memory_space<vmem>>) semaphore(%arg24 : memref<!tpu.dma_semaphore, #tpu.memory_space<semaphore_mem>>) {add = true}
      %mul3A_226 = arith.constant 4 : i32
      %mul3A_227 = arith.muli %scan3A_129, %mul3A_226 : i32
      %add3A_228 = arith.constant 1 : i32
      %add3A_229 = arith.addi %mul3A_227, %add3A_228 : i32
      %dma_wait3A_230 = arith.constant 0 : i32
      %dma_wait3A_231 = arith.constant 0 : i32
      %dma_wait3A_232 = tpu.memref_slice %arg2[%dma_wait3A_230, %dma_wait3A_231] : memref<10000x128xf32, #tpu.memory_space<hbm>> -> memref<10000x128xf32, #tpu.memory_space<hbm>>
      tpu.wait_indirect_dma semaphore(%arg21 : memref<!tpu.dma_semaphore, #tpu.memory_space<semaphore_mem>>) src(%dma_wait3A_232 : memref<10000x128xf32, #tpu.memory_space<hbm>>) dst(%arg9 : memref<80x128xf32, #tpu.memory_space<vmem>>)
      %add3A_233 = arith.constant 4 : i32
      %add3A_234 = arith.addi %add3A_229, %add3A_233 : i32
      %lt3A_235 = arith.constant 125 : i32
      %lt3A_236 = arith.cmpi slt, %add3A_234, %lt3A_235 : i32
      %convert_element_type3A_237 = arith.extui %lt3A_236 : i1 to i32
      %cond3A_238 = arith.constant 0 : i32
      %cond3A_239 = arith.cmpi ne, %convert_element_type3A_237, %cond3A_238 : i32
      scf.if %cond3A_239 {
        %add3A_298 = arith.constant 4 : i32
        %add3A_299 = arith.addi %add3A_229, %add3A_298 : i32
        %dma_start3A_300 = arith.constant 0 : i32
        %dma_start3A_301 = arith.constant 0 : i32
        %dma_start3A_302 = tpu.memref_slice %arg3[%add3A, %add3A_299, %dma_start3A_300, %dma_start3A_301] : memref<32x125x1x80xi32, #tpu.memory_space<hbm>> -> memref<1x1x1x80xi32, #tpu.memory_space<hbm>>
        %dma_start3A_303 = tpu.memref_squeeze %dma_start3A_302 : memref<1x1x1x80xi32, #tpu.memory_space<hbm>> -> memref<80xi32, #tpu.memory_space<hbm>>
        %dma_start3A_304 = arith.constant 0 : i32
        %dma_start3A_305 = tpu.memref_slice %arg3[%add3A, %add3A_299, %dma_start3A_300, %dma_start3A_304] : memref<32x125x1x80xi32, #tpu.memory_space<hbm>> -> memref<1x1x1x80xi32, #tpu.memory_space<hbm>>
        %dma_start3A_306 = tpu.memref_squeeze %dma_start3A_305 : memref<1x1x1x80xi32, #tpu.memory_space<hbm>> -> memref<80xi32, #tpu.memory_space<hbm>>
        tpu.enqueue_dma source(%dma_start3A_306 : memref<80xi32, #tpu.memory_space<hbm>>) target(%arg13 : memref<80xi32, #tpu.memory_space<vmem>>) target_semaphore(%arg29 : memref<!tpu.dma_semaphore, #tpu.memory_space<semaphore_mem>>)
      } else {
      }
      %dma_wait3A_240 = arith.constant 0 : i32
      %dma_wait3A_241 = arith.constant 0 : i32
      %dma_wait3A_242 = tpu.memref_slice %arg4[%add3A, %add3A_229, %dma_wait3A_240, %dma_wait3A_241] : memref<32x125x1x80xi32, #tpu.memory_space<hbm>> -> memref<1x1x1x80xi32, #tpu.memory_space<hbm>>
      %dma_wait3A_243 = tpu.memref_squeeze %dma_wait3A_242 : memref<1x1x1x80xi32, #tpu.memory_space<hbm>> -> memref<80xi32, #tpu.memory_space<hbm>>
      %dma_wait3A_244 = arith.constant 0 : i32
      %dma_wait3A_245 = tpu.memref_slice %arg4[%add3A, %add3A_229, %dma_wait3A_240, %dma_wait3A_244] : memref<32x125x1x80xi32, #tpu.memory_space<hbm>> -> memref<1x1x1x80xi32, #tpu.memory_space<hbm>>
      %dma_wait3A_246 = tpu.memref_squeeze %dma_wait3A_245 : memref<1x1x1x80xi32, #tpu.memory_space<hbm>> -> memref<80xi32, #tpu.memory_space<hbm>>
      tpu.wait_dma2 semaphore(%arg33 : memref<!tpu.dma_semaphore, #tpu.memory_space<semaphore_mem>>) src(%dma_wait3A_246 : memref<80xi32, #tpu.memory_space<hbm>>) dst(%arg17 : memref<80xi32, #tpu.memory_space<vmem>>)
      %dma_start3A_247 = arith.constant 0 : i32
      %dma_start3A_248 = arith.constant 0 : i32
      %dma_start3A_249 = tpu.memref_slice %arg6[%dma_start3A_247, %dma_start3A_248] : memref<10000x128xf32, #tpu.memory_space<vmem_shared>> -> memref<10000x128xf32, #tpu.memory_space<vmem_shared>>
      tpu.enqueue_indirect_dma source(%arg9 : memref<80x128xf32, #tpu.memory_space<vmem>>) target(%dma_start3A_249 : memref<10000x128xf32, #tpu.memory_space<vmem_shared>>) offsets(%arg17 : memref<80xi32, #tpu.memory_space<vmem>>) semaphore(%arg25 : memref<!tpu.dma_semaphore, #tpu.memory_space<semaphore_mem>>) {add = true}
      %mul3A_250 = arith.constant 4 : i32
      %mul3A_251 = arith.muli %scan3A_129, %mul3A_250 : i32
      %add3A_252 = arith.constant 2 : i32
      %add3A_253 = arith.addi %mul3A_251, %add3A_252 : i32
      %dma_wait3A_254 = arith.constant 0 : i32
      %dma_wait3A_255 = arith.constant 0 : i32
      %dma_wait3A_256 = tpu.memref_slice %arg2[%dma_wait3A_254, %dma_wait3A_255] : memref<10000x128xf32, #tpu.memory_space<hbm>> -> memref<10000x128xf32, #tpu.memory_space<hbm>>
      tpu.wait_indirect_dma semaphore(%arg22 : memref<!tpu.dma_semaphore, #tpu.memory_space<semaphore_mem>>) src(%dma_wait3A_256 : memref<10000x128xf32, #tpu.memory_space<hbm>>) dst(%arg10 : memref<80x128xf32, #tpu.memory_space<vmem>>)
      %add3A_257 = arith.constant 4 : i32
      %add3A_258 = arith.addi %add3A_253, %add3A_257 : i32
      %lt3A_259 = arith.constant 125 : i32
      %lt3A_260 = arith.cmpi slt, %add3A_258, %lt3A_259 : i32
      %convert_element_type3A_261 = arith.extui %lt3A_260 : i1 to i32
      %cond3A_262 = arith.constant 0 : i32
      %cond3A_263 = arith.cmpi ne, %convert_element_type3A_261, %cond3A_262 : i32
      scf.if %cond3A_263 {
        %add3A_298 = arith.constant 4 : i32
        %add3A_299 = arith.addi %add3A_253, %add3A_298 : i32
        %dma_start3A_300 = arith.constant 0 : i32
        %dma_start3A_301 = arith.constant 0 : i32
        %dma_start3A_302 = tpu.memref_slice %arg3[%add3A, %add3A_299, %dma_start3A_300, %dma_start3A_301] : memref<32x125x1x80xi32, #tpu.memory_space<hbm>> -> memref<1x1x1x80xi32, #tpu.memory_space<hbm>>
        %dma_start3A_303 = tpu.memref_squeeze %dma_start3A_302 : memref<1x1x1x80xi32, #tpu.memory_space<hbm>> -> memref<80xi32, #tpu.memory_space<hbm>>
        %dma_start3A_304 = arith.constant 0 : i32
        %dma_start3A_305 = tpu.memref_slice %arg3[%add3A, %add3A_299, %dma_start3A_300, %dma_start3A_304] : memref<32x125x1x80xi32, #tpu.memory_space<hbm>> -> memref<1x1x1x80xi32, #tpu.memory_space<hbm>>
        %dma_start3A_306 = tpu.memref_squeeze %dma_start3A_305 : memref<1x1x1x80xi32, #tpu.memory_space<hbm>> -> memref<80xi32, #tpu.memory_space<hbm>>
        tpu.enqueue_dma source(%dma_start3A_306 : memref<80xi32, #tpu.memory_space<hbm>>) target(%arg14 : memref<80xi32, #tpu.memory_space<vmem>>) target_semaphore(%arg30 : memref<!tpu.dma_semaphore, #tpu.memory_space<semaphore_mem>>)
      } else {
      }
      %dma_wait3A_264 = arith.constant 0 : i32
      %dma_wait3A_265 = arith.constant 0 : i32
      %dma_wait3A_266 = tpu.memref_slice %arg4[%add3A, %add3A_253, %dma_wait3A_264, %dma_wait3A_265] : memref<32x125x1x80xi32, #tpu.memory_space<hbm>> -> memref<1x1x1x80xi32, #tpu.memory_space<hbm>>
      %dma_wait3A_267 = tpu.memref_squeeze %dma_wait3A_266 : memref<1x1x1x80xi32, #tpu.memory_space<hbm>> -> memref<80xi32, #tpu.memory_space<hbm>>
      %dma_wait3A_268 = arith.constant 0 : i32
      %dma_wait3A_269 = tpu.memref_slice %arg4[%add3A, %add3A_253, %dma_wait3A_264, %dma_wait3A_268] : memref<32x125x1x80xi32, #tpu.memory_space<hbm>> -> memref<1x1x1x80xi32, #tpu.memory_space<hbm>>
      %dma_wait3A_270 = tpu.memref_squeeze %dma_wait3A_269 : memref<1x1x1x80xi32, #tpu.memory_space<hbm>> -> memref<80xi32, #tpu.memory_space<hbm>>
      tpu.wait_dma2 semaphore(%arg34 : memref<!tpu.dma_semaphore, #tpu.memory_space<semaphore_mem>>) src(%dma_wait3A_270 : memref<80xi32, #tpu.memory_space<hbm>>) dst(%arg18 : memref<80xi32, #tpu.memory_space<vmem>>)
      %dma_start3A_271 = arith.constant 0 : i32
      %dma_start3A_272 = arith.constant 0 : i32
      %dma_start3A_273 = tpu.memref_slice %arg6[%dma_start3A_271, %dma_start3A_272] : memref<10000x128xf32, #tpu.memory_space<vmem_shared>> -> memref<10000x128xf32, #tpu.memory_space<vmem_shared>>
      tpu.enqueue_indirect_dma source(%arg10 : memref<80x128xf32, #tpu.memory_space<vmem>>) target(%dma_start3A_273 : memref<10000x128xf32, #tpu.memory_space<vmem_shared>>) offsets(%arg18 : memref<80xi32, #tpu.memory_space<vmem>>) semaphore(%arg26 : memref<!tpu.dma_semaphore, #tpu.memory_space<semaphore_mem>>) {add = true}
      %mul3A_274 = arith.constant 4 : i32
      %mul3A_275 = arith.muli %scan3A_129, %mul3A_274 : i32
      %add3A_276 = arith.constant 3 : i32
      %add3A_277 = arith.addi %mul3A_275, %add3A_276 : i32
      %dma_wait3A_278 = arith.constant 0 : i32
      %dma_wait3A_279 = arith.constant 0 : i32
      %dma_wait3A_280 = tpu.memref_slice %arg2[%dma_wait3A_278, %dma_wait3A_279] : memref<10000x128xf32, #tpu.memory_space<hbm>> -> memref<10000x128xf32, #tpu.memory_space<hbm>>
      tpu.wait_indirect_dma semaphore(%arg23 : memref<!tpu.dma_semaphore, #tpu.memory_space<semaphore_mem>>) src(%dma_wait3A_280 : memref<10000x128xf32, #tpu.memory_space<hbm>>) dst(%arg11 : memref<80x128xf32, #tpu.memory_space<vmem>>)
      %add3A_281 = arith.constant 4 : i32
      %add3A_282 = arith.addi %add3A_277, %add3A_281 : i32
      %lt3A_283 = arith.constant 125 : i32
      %lt3A_284 = arith.cmpi slt, %add3A_282, %lt3A_283 : i32
      %convert_element_type3A_285 = arith.extui %lt3A_284 : i1 to i32
      %cond3A_286 = arith.constant 0 : i32
      %cond3A_287 = arith.cmpi ne, %convert_element_type3A_285, %cond3A_286 : i32
      scf.if %cond3A_287 {
        %add3A_298 = arith.constant 4 : i32
        %add3A_299 = arith.addi %add3A_277, %add3A_298 : i32
        %dma_start3A_300 = arith.constant 0 : i32
        %dma_start3A_301 = arith.constant 0 : i32
        %dma_start3A_302 = tpu.memref_slice %arg3[%add3A, %add3A_299, %dma_start3A_300, %dma_start3A_301] : memref<32x125x1x80xi32, #tpu.memory_space<hbm>> -> memref<1x1x1x80xi32, #tpu.memory_space<hbm>>
        %dma_start3A_303 = tpu.memref_squeeze %dma_start3A_302 : memref<1x1x1x80xi32, #tpu.memory_space<hbm>> -> memref<80xi32, #tpu.memory_space<hbm>>
        %dma_start3A_304 = arith.constant 0 : i32
        %dma_start3A_305 = tpu.memref_slice %arg3[%add3A, %add3A_299, %dma_start3A_300, %dma_start3A_304] : memref<32x125x1x80xi32, #tpu.memory_space<hbm>> -> memref<1x1x1x80xi32, #tpu.memory_space<hbm>>
        %dma_start3A_306 = tpu.memref_squeeze %dma_start3A_305 : memref<1x1x1x80xi32, #tpu.memory_space<hbm>> -> memref<80xi32, #tpu.memory_space<hbm>>
        tpu.enqueue_dma source(%dma_start3A_306 : memref<80xi32, #tpu.memory_space<hbm>>) target(%arg15 : memref<80xi32, #tpu.memory_space<vmem>>) target_semaphore(%arg31 : memref<!tpu.dma_semaphore, #tpu.memory_space<semaphore_mem>>)
      } else {
      }
      %dma_wait3A_288 = arith.constant 0 : i32
      %dma_wait3A_289 = arith.constant 0 : i32
      %dma_wait3A_290 = tpu.memref_slice %arg4[%add3A, %add3A_277, %dma_wait3A_288, %dma_wait3A_289] : memref<32x125x1x80xi32, #tpu.memory_space<hbm>> -> memref<1x1x1x80xi32, #tpu.memory_space<hbm>>
      %dma_wait3A_291 = tpu.memref_squeeze %dma_wait3A_290 : memref<1x1x1x80xi32, #tpu.memory_space<hbm>> -> memref<80xi32, #tpu.memory_space<hbm>>
      %dma_wait3A_292 = arith.constant 0 : i32
      %dma_wait3A_293 = tpu.memref_slice %arg4[%add3A, %add3A_277, %dma_wait3A_288, %dma_wait3A_292] : memref<32x125x1x80xi32, #tpu.memory_space<hbm>> -> memref<1x1x1x80xi32, #tpu.memory_space<hbm>>
      %dma_wait3A_294 = tpu.memref_squeeze %dma_wait3A_293 : memref<1x1x1x80xi32, #tpu.memory_space<hbm>> -> memref<80xi32, #tpu.memory_space<hbm>>
      tpu.wait_dma2 semaphore(%arg35 : memref<!tpu.dma_semaphore, #tpu.memory_space<semaphore_mem>>) src(%dma_wait3A_294 : memref<80xi32, #tpu.memory_space<hbm>>) dst(%arg19 : memref<80xi32, #tpu.memory_space<vmem>>)
      %dma_start3A_295 = arith.constant 0 : i32
      %dma_start3A_296 = arith.constant 0 : i32
      %dma_start3A_297 = tpu.memref_slice %arg6[%dma_start3A_295, %dma_start3A_296] : memref<10000x128xf32, #tpu.memory_space<vmem_shared>> -> memref<10000x128xf32, #tpu.memory_space<vmem_shared>>
      tpu.enqueue_indirect_dma source(%arg11 : memref<80x128xf32, #tpu.memory_space<vmem>>) target(%dma_start3A_297 : memref<10000x128xf32, #tpu.memory_space<vmem_shared>>) offsets(%arg19 : memref<80xi32, #tpu.memory_space<vmem>>) semaphore(%arg27 : memref<!tpu.dma_semaphore, #tpu.memory_space<semaphore_mem>>) {add = true}
    }
    %scan3A_78 = arith.constant 31 : i32
    %dma_wait3A = arith.constant 0 : i32
    %dma_wait3A_79 = arith.constant 0 : i32
    %dma_wait3A_80 = tpu.memref_slice %arg6[%dma_wait3A, %dma_wait3A_79] : memref<10000x128xf32, #tpu.memory_space<vmem_shared>> -> memref<10000x128xf32, #tpu.memory_space<vmem_shared>>
    tpu.wait_indirect_dma semaphore(%arg24 : memref<!tpu.dma_semaphore, #tpu.memory_space<semaphore_mem>>) src(%arg8 : memref<80x128xf32, #tpu.memory_space<vmem>>) dst(%dma_wait3A_80 : memref<10000x128xf32, #tpu.memory_space<vmem_shared>>)
    %dma_start3A_81 = arith.constant 124 : i32
    %dma_start3A_82 = arith.constant 0 : i32
    %dma_start3A_83 = arith.constant 0 : i32
    %dma_start3A_84 = tpu.memref_slice %arg4[%add3A, %dma_start3A_81, %dma_start3A_82, %dma_start3A_83] : memref<32x125x1x80xi32, #tpu.memory_space<hbm>> -> memref<1x1x1x80xi32, #tpu.memory_space<hbm>>
    %dma_start3A_85 = tpu.memref_squeeze %dma_start3A_84 : memref<1x1x1x80xi32, #tpu.memory_space<hbm>> -> memref<80xi32, #tpu.memory_space<hbm>>
    %dma_start3A_86 = arith.constant 0 : i32
    %dma_start3A_87 = tpu.memref_slice %arg4[%add3A, %dma_start3A_81, %dma_start3A_82, %dma_start3A_86] : memref<32x125x1x80xi32, #tpu.memory_space<hbm>> -> memref<1x1x1x80xi32, #tpu.memory_space<hbm>>
    %dma_start3A_88 = tpu.memref_squeeze %dma_start3A_87 : memref<1x1x1x80xi32, #tpu.memory_space<hbm>> -> memref<80xi32, #tpu.memory_space<hbm>>
    tpu.enqueue_dma source(%dma_start3A_88 : memref<80xi32, #tpu.memory_space<hbm>>) target(%arg16 : memref<80xi32, #tpu.memory_space<vmem>>) target_semaphore(%arg32 : memref<!tpu.dma_semaphore, #tpu.memory_space<semaphore_mem>>)
    %dma_wait3A_89 = arith.constant 124 : i32
    %dma_wait3A_90 = arith.constant 0 : i32
    %dma_wait3A_91 = arith.constant 0 : i32
    %dma_wait3A_92 = tpu.memref_slice %arg3[%add3A, %dma_wait3A_89, %dma_wait3A_90, %dma_wait3A_91] : memref<32x125x1x80xi32, #tpu.memory_space<hbm>> -> memref<1x1x1x80xi32, #tpu.memory_space<hbm>>
    %dma_wait3A_93 = tpu.memref_squeeze %dma_wait3A_92 : memref<1x1x1x80xi32, #tpu.memory_space<hbm>> -> memref<80xi32, #tpu.memory_space<hbm>>
    %dma_wait3A_94 = arith.constant 0 : i32
    %dma_wait3A_95 = tpu.memref_slice %arg3[%add3A, %dma_wait3A_89, %dma_wait3A_90, %dma_wait3A_94] : memref<32x125x1x80xi32, #tpu.memory_space<hbm>> -> memref<1x1x1x80xi32, #tpu.memory_space<hbm>>
    %dma_wait3A_96 = tpu.memref_squeeze %dma_wait3A_95 : memref<1x1x1x80xi32, #tpu.memory_space<hbm>> -> memref<80xi32, #tpu.memory_space<hbm>>
    tpu.wait_dma2 semaphore(%arg28 : memref<!tpu.dma_semaphore, #tpu.memory_space<semaphore_mem>>) src(%dma_wait3A_96 : memref<80xi32, #tpu.memory_space<hbm>>) dst(%arg12 : memref<80xi32, #tpu.memory_space<vmem>>)
    %dma_start3A_97 = arith.constant 0 : i32
    %dma_start3A_98 = arith.constant 0 : i32
    %dma_start3A_99 = tpu.memref_slice %arg2[%dma_start3A_97, %dma_start3A_98] : memref<10000x128xf32, #tpu.memory_space<hbm>> -> memref<10000x128xf32, #tpu.memory_space<hbm>>
    tpu.enqueue_indirect_dma source(%dma_start3A_99 : memref<10000x128xf32, #tpu.memory_space<hbm>>) target(%arg8 : memref<80x128xf32, #tpu.memory_space<vmem>>) offsets(%arg12 : memref<80xi32, #tpu.memory_space<vmem>>) semaphore(%arg20 : memref<!tpu.dma_semaphore, #tpu.memory_space<semaphore_mem>>)
    %dma_wait3A_100 = arith.constant 0 : i32
    %dma_wait3A_101 = arith.constant 0 : i32
    %dma_wait3A_102 = tpu.memref_slice %arg2[%dma_wait3A_100, %dma_wait3A_101] : memref<10000x128xf32, #tpu.memory_space<hbm>> -> memref<10000x128xf32, #tpu.memory_space<hbm>>
    tpu.wait_indirect_dma semaphore(%arg20 : memref<!tpu.dma_semaphore, #tpu.memory_space<semaphore_mem>>) src(%dma_wait3A_102 : memref<10000x128xf32, #tpu.memory_space<hbm>>) dst(%arg8 : memref<80x128xf32, #tpu.memory_space<vmem>>)
    %dma_wait3A_103 = arith.constant 124 : i32
    %dma_wait3A_104 = arith.constant 0 : i32
    %dma_wait3A_105 = arith.constant 0 : i32
    %dma_wait3A_106 = tpu.memref_slice %arg4[%add3A, %dma_wait3A_103, %dma_wait3A_104, %dma_wait3A_105] : memref<32x125x1x80xi32, #tpu.memory_space<hbm>> -> memref<1x1x1x80xi32, #tpu.memory_space<hbm>>
    %dma_wait3A_107 = tpu.memref_squeeze %dma_wait3A_106 : memref<1x1x1x80xi32, #tpu.memory_space<hbm>> -> memref<80xi32, #tpu.memory_space<hbm>>
    %dma_wait3A_108 = arith.constant 0 : i32
    %dma_wait3A_109 = tpu.memref_slice %arg4[%add3A, %dma_wait3A_103, %dma_wait3A_104, %dma_wait3A_108] : memref<32x125x1x80xi32, #tpu.memory_space<hbm>> -> memref<1x1x1x80xi32, #tpu.memory_space<hbm>>
    %dma_wait3A_110 = tpu.memref_squeeze %dma_wait3A_109 : memref<1x1x1x80xi32, #tpu.memory_space<hbm>> -> memref<80xi32, #tpu.memory_space<hbm>>
    tpu.wait_dma2 semaphore(%arg32 : memref<!tpu.dma_semaphore, #tpu.memory_space<semaphore_mem>>) src(%dma_wait3A_110 : memref<80xi32, #tpu.memory_space<hbm>>) dst(%arg16 : memref<80xi32, #tpu.memory_space<vmem>>)
    %dma_start3A_111 = arith.constant 0 : i32
    %dma_start3A_112 = arith.constant 0 : i32
    %dma_start3A_113 = tpu.memref_slice %arg6[%dma_start3A_111, %dma_start3A_112] : memref<10000x128xf32, #tpu.memory_space<vmem_shared>> -> memref<10000x128xf32, #tpu.memory_space<vmem_shared>>
    tpu.enqueue_indirect_dma source(%arg8 : memref<80x128xf32, #tpu.memory_space<vmem>>) target(%dma_start3A_113 : memref<10000x128xf32, #tpu.memory_space<vmem_shared>>) offsets(%arg16 : memref<80xi32, #tpu.memory_space<vmem>>) semaphore(%arg24 : memref<!tpu.dma_semaphore, #tpu.memory_space<semaphore_mem>>) {add = true}
    %dma_wait3A_114 = arith.constant 0 : i32
    %dma_wait3A_115 = arith.constant 0 : i32
    %dma_wait3A_116 = tpu.memref_slice %arg6[%dma_wait3A_114, %dma_wait3A_115] : memref<10000x128xf32, #tpu.memory_space<vmem_shared>> -> memref<10000x128xf32, #tpu.memory_space<vmem_shared>>
    tpu.wait_indirect_dma semaphore(%arg24 : memref<!tpu.dma_semaphore, #tpu.memory_space<semaphore_mem>>) src(%arg8 : memref<80x128xf32, #tpu.memory_space<vmem>>) dst(%dma_wait3A_116 : memref<10000x128xf32, #tpu.memory_space<vmem_shared>>)
    %dma_wait3A_117 = arith.constant 0 : i32
    %dma_wait3A_118 = arith.constant 0 : i32
    %dma_wait3A_119 = tpu.memref_slice %arg6[%dma_wait3A_117, %dma_wait3A_118] : memref<10000x128xf32, #tpu.memory_space<vmem_shared>> -> memref<10000x128xf32, #tpu.memory_space<vmem_shared>>
    tpu.wait_indirect_dma semaphore(%arg25 : memref<!tpu.dma_semaphore, #tpu.memory_space<semaphore_mem>>) src(%arg9 : memref<80x128xf32, #tpu.memory_space<vmem>>) dst(%dma_wait3A_119 : memref<10000x128xf32, #tpu.memory_space<vmem_shared>>)
    %dma_wait3A_120 = arith.constant 0 : i32
    %dma_wait3A_121 = arith.constant 0 : i32
    %dma_wait3A_122 = tpu.memref_slice %arg6[%dma_wait3A_120, %dma_wait3A_121] : memref<10000x128xf32, #tpu.memory_space<vmem_shared>> -> memref<10000x128xf32, #tpu.memory_space<vmem_shared>>
    tpu.wait_indirect_dma semaphore(%arg26 : memref<!tpu.dma_semaphore, #tpu.memory_space<semaphore_mem>>) src(%arg10 : memref<80x128xf32, #tpu.memory_space<vmem>>) dst(%dma_wait3A_122 : memref<10000x128xf32, #tpu.memory_space<vmem_shared>>)
    %dma_wait3A_123 = arith.constant 0 : i32
    %dma_wait3A_124 = arith.constant 0 : i32
    %dma_wait3A_125 = tpu.memref_slice %arg6[%dma_wait3A_123, %dma_wait3A_124] : memref<10000x128xf32, #tpu.memory_space<vmem_shared>> -> memref<10000x128xf32, #tpu.memory_space<vmem_shared>>
    tpu.wait_indirect_dma semaphore(%arg27 : memref<!tpu.dma_semaphore, #tpu.memory_space<semaphore_mem>>) src(%arg11 : memref<80x128xf32, #tpu.memory_space<vmem>>) dst(%dma_wait3A_125 : memref<10000x128xf32, #tpu.memory_space<vmem_shared>>)
    %barrier3A_126 = arith.constant 0 : index
    tpu.barrier barrier_id(%barrier3A_126)
    %mul3A_127 = arith.constant 625 : i32
    %mul3A_128 = arith.muli %arg1, %mul3A_127 : i32
    "tpu.region"() ({
      %run_scoped3A = tpu.sem_alloc : memref<!tpu.dma_semaphore, #tpu.memory_space<semaphore_mem>>
      %dma_start3A_129 = arith.constant 0 : i32
      %dma_start3A_130 = arith.constant 0 : i32
      %dma_start3A_131 = tpu.memref_slice %arg5[%arg0, %arg1, %dma_start3A_129, %dma_start3A_130] : memref<2x16x625x128xf32, #tpu.memory_space<hbm>> -> memref<1x1x625x128xf32, #tpu.memory_space<hbm>>
      %dma_start3A_132 = tpu.memref_squeeze %dma_start3A_131 : memref<1x1x625x128xf32, #tpu.memory_space<hbm>> -> memref<625x128xf32, #tpu.memory_space<hbm>>
      %dma_start3A_133 = arith.constant 0 : i32
      %dma_start3A_134 = tpu.memref_slice %arg6[%mul3A_128, %dma_start3A_133] : memref<10000x128xf32, #tpu.memory_space<vmem_shared>> -> memref<625x128xf32, #tpu.memory_space<vmem_shared>>
      tpu.enqueue_dma source(%dma_start3A_134 : memref<625x128xf32, #tpu.memory_space<vmem_shared>>) target(%dma_start3A_132 : memref<625x128xf32, #tpu.memory_space<hbm>>) target_semaphore(%run_scoped3A : memref<!tpu.dma_semaphore, #tpu.memory_space<semaphore_mem>>)
      %dma_wait3A_135 = arith.constant 0 : i32
      %dma_wait3A_136 = arith.constant 0 : i32
      %dma_wait3A_137 = tpu.memref_slice %arg5[%arg0, %arg1, %dma_wait3A_135, %dma_wait3A_136] : memref<2x16x625x128xf32, #tpu.memory_space<hbm>> -> memref<1x1x625x128xf32, #tpu.memory_space<hbm>>
      %dma_wait3A_138 = tpu.memref_squeeze %dma_wait3A_137 : memref<1x1x625x128xf32, #tpu.memory_space<hbm>> -> memref<625x128xf32, #tpu.memory_space<hbm>>
      %dma_wait3A_139 = arith.constant 0 : i32
      %dma_wait3A_140 = tpu.memref_slice %arg6[%mul3A_128, %dma_wait3A_139] : memref<10000x128xf32, #tpu.memory_space<vmem_shared>> -> memref<625x128xf32, #tpu.memory_space<vmem_shared>>
      tpu.wait_dma2 semaphore(%run_scoped3A : memref<!tpu.dma_semaphore, #tpu.memory_space<semaphore_mem>>) src(%dma_wait3A_140 : memref<625x128xf32, #tpu.memory_space<vmem_shared>>) dst(%dma_wait3A_138 : memref<625x128xf32, #tpu.memory_space<hbm>>)
      tpu.yield
    }) : () -> ()
    return
  }
}

#map = affine_map<(d0, d1) -> (0, 0)>
#map1 = affine_map<(d0, d1) -> (0, 0, 0, 0)>
module attributes {stable_mosaic.version = 14 : i64} {
  func.func @_sc_prop_body(%arg0: i32, %arg1: i32, %arg2: memref<10000x128xf32, #tpu.memory_space<hbm>>, %arg3: memref<32x125x1x80xi32, #tpu.memory_space<hbm>>, %arg4: memref<32x125x1x80xi32, #tpu.memory_space<hbm>>, %arg5: memref<2x16x625x128xf32, #tpu.memory_space<hbm>>, %arg6: memref<10000x128xf32, #tpu.memory_space<vmem_shared>>, %arg7: memref<25x128xf32, #tpu.memory_space<vmem>>, %arg8: memref<80x128xf32, #tpu.memory_space<vmem>>, %arg9: memref<80x128xf32, #tpu.memory_space<vmem>>, %arg10: memref<80x128xf32, #tpu.memory_space<vmem>>, %arg11: memref<80x128xf32, #tpu.memory_space<vmem>>, %arg12: memref<80xi32, #tpu.memory_space<vmem>>, %arg13: memref<80xi32, #tpu.memory_space<vmem>>, %arg14: memref<80xi32, #tpu.memory_space<vmem>>, %arg15: memref<80xi32, #tpu.memory_space<vmem>>, %arg16: memref<80xi32, #tpu.memory_space<vmem>>, %arg17: memref<80xi32, #tpu.memory_space<vmem>>, %arg18: memref<80xi32, #tpu.memory_space<vmem>>, %arg19: memref<80xi32, #tpu.memory_space<vmem>>, %arg20: memref<!tpu.dma_semaphore, #tpu.memory_space<semaphore_mem>>, %arg21: memref<!tpu.dma_semaphore, #tpu.memory_space<semaphore_mem>>, %arg22: memref<!tpu.dma_semaphore, #tpu.memory_space<semaphore_mem>>, %arg23: memref<!tpu.dma_semaphore, #tpu.memory_space<semaphore_mem>>, %arg24: memref<!tpu.dma_semaphore, #tpu.memory_space<semaphore_mem>>, %arg25: memref<!tpu.dma_semaphore, #tpu.memory_space<semaphore_mem>>, %arg26: memref<!tpu.dma_semaphore, #tpu.memory_space<semaphore_mem>>, %arg27: memref<!tpu.dma_semaphore, #tpu.memory_space<semaphore_mem>>, %arg28: memref<!tpu.dma_semaphore, #tpu.memory_space<semaphore_mem>>, %arg29: memref<!tpu.dma_semaphore, #tpu.memory_space<semaphore_mem>>, %arg30: memref<!tpu.dma_semaphore, #tpu.memory_space<semaphore_mem>>, %arg31: memref<!tpu.dma_semaphore, #tpu.memory_space<semaphore_mem>>, %arg32: memref<!tpu.dma_semaphore, #tpu.memory_space<semaphore_mem>>, %arg33: memref<!tpu.dma_semaphore, #tpu.memory_space<semaphore_mem>>, %arg34: memref<!tpu.dma_semaphore, #tpu.memory_space<semaphore_mem>>, %arg35: memref<!tpu.dma_semaphore, #tpu.memory_space<semaphore_mem>>) attributes {dimension_semantics = [#tpu.dimension_semantics<core_parallel>, #tpu.dimension_semantics<subcore_parallel>], iteration_bounds = array<i64: 2, 16>, scalar_prefetch = 0 : i64, scratch_operands = 30 : i64, tpu.core_type = #tpu.core_type<sc_vector_subcore>, window_params = [{transform_indices = #map}, {transform_indices = #map1}, {transform_indices = #map1}, {transform_indices = #map1}]} {
    %mul3A = arith.constant 16 : i32
    %mul3A_0 = arith.muli %arg0, %mul3A : i32
    %add3A = arith.addi %mul3A_0, %arg1 : i32
    %broadcast_in_dim3A = arith.constant 0.000000e+00 : f32
    %broadcast_in_dim3A_1 = vector.broadcast %broadcast_in_dim3A : f32 to vector<16xf32>
    %scan3A = arith.constant 0 : i32
    %scan3A_2 = arith.constant 200 : i32
    %scan3A_3 = arith.addi %scan3A, %scan3A_2 : i32
    %scan3A_4 = arith.constant 1 : i32
    scf.for %scan3A_129 = %scan3A to %scan3A_3 step %scan3A_4  : i32 {
      %jit3A = arith.constant 8 : i32
      %div3A = arith.divsi %scan3A_129, %jit3A : i32
      %sign3A = arith.constant 0 : i32
      %sign3A_130 = arith.cmpi sgt, %scan3A_129, %sign3A : i32
      %sign3A_131 = arith.extui %sign3A_130 : i1 to i32
      %sign3A_132 = arith.constant 0 : i32
      %sign3A_133 = arith.cmpi slt, %scan3A_129, %sign3A_132 : i32
      %sign3A_134 = arith.extui %sign3A_133 : i1 to i32
      %sign3A_135 = arith.subi %sign3A_131, %sign3A_134 : i32
      %sign3A_136 = arith.constant 0 : i32
      %sign3A_137 = arith.cmpi sgt, %jit3A, %sign3A_136 : i32
      %sign3A_138 = arith.extui %sign3A_137 : i1 to i32
      %sign3A_139 = arith.constant 0 : i32
      %sign3A_140 = arith.cmpi slt, %jit3A, %sign3A_139 : i32
      %sign3A_141 = arith.extui %sign3A_140 : i1 to i32
      %sign3A_142 = arith.subi %sign3A_138, %sign3A_141 : i32
      %ne3A = arith.cmpi ne, %sign3A_135, %sign3A_142 : i32
      %rem3A = arith.remsi %scan3A_129, %jit3A : i32
      %ne3A_143 = arith.constant 0 : i32
      %ne3A_144 = arith.cmpi ne, %rem3A, %ne3A_143 : i32
      %and3A = arith.andi %ne3A, %ne3A_144 : i1
      %sub3A = arith.constant 1 : i32
      %sub3A_145 = arith.subi %div3A, %sub3A : i32
      %select_n3A = arith.select %and3A, %sub3A_145, %div3A : i32
      %jit3A_146 = arith.constant 8 : i32
      %eq3A = arith.constant 0 : i32
      %eq3A_147 = arith.cmpi eq, %jit3A_146, %eq3A : i32
      %jit3A_148 = arith.constant 1 : i32
      %select_n3A_149 = arith.select %eq3A_147, %jit3A_148, %jit3A_146 : i32
      %rem3A_150 = arith.remsi %scan3A_129, %select_n3A_149 : i32
      %ne3A_151 = arith.constant 0 : i32
      %ne3A_152 = arith.cmpi ne, %rem3A_150, %ne3A_151 : i32
      %lt3A = arith.constant 0 : i32
      %lt3A_153 = arith.cmpi slt, %rem3A_150, %lt3A : i32
      %lt3A_154 = arith.constant 0 : i32
      %lt3A_155 = arith.cmpi slt, %select_n3A_149, %lt3A_154 : i32
      %ne3A_156 = arith.xori %lt3A_153, %lt3A_155 : i1
      %and3A_157 = arith.andi %ne3A_156, %ne3A_152 : i1
      %add3A_158 = arith.addi %rem3A_150, %select_n3A_149 : i32
      %select_n3A_159 = arith.select %and3A_157, %add3A_158, %rem3A_150 : i32
      %mul3A_160 = arith.constant 16 : i32
      %mul3A_161 = arith.muli %select_n3A_159, %mul3A_160 : i32
      %swap3A = arith.index_cast %select_n3A : i32 to index
      %swap3A_162 = arith.index_cast %mul3A_161 : i32 to index
      %swap3A_163 = tpu.vector_load %arg7[%swap3A, %swap3A_162] {strides = array<i32>} : memref<25x128xf32, #tpu.memory_space<vmem>>, vector<16xf32>,
      tpu.vector_store %arg7[%swap3A, %swap3A_162], %broadcast_in_dim3A_1 {strides = array<i32>} : memref<25x128xf32, #tpu.memory_space<vmem>>, vector<16xf32>,
    }
    %scan3A_5 = arith.constant 200 : i32
    %scan3A_6 = arith.constant 0 : i32
    %scan3A_7 = arith.constant 25 : i32
    %scan3A_8 = arith.addi %scan3A_6, %scan3A_7 : i32
    %scan3A_9 = arith.constant 1 : i32
    scf.for %scan3A_129 = %scan3A_6 to %scan3A_8 step %scan3A_9  : i32 {
      %mul3A_130 = arith.constant 625 : i32
      %mul3A_131 = arith.muli %arg1, %mul3A_130 : i32
      %mul3A_132 = arith.constant 25 : i32
      %mul3A_133 = arith.muli %scan3A_129, %mul3A_132 : i32
      %add3A_134 = arith.addi %mul3A_131, %mul3A_133 : i32
      "tpu.region"() ({
        %run_scoped3A = tpu.sem_alloc : memref<!tpu.dma_semaphore, #tpu.memory_space<semaphore_mem>>
        %dma_start3A_135 = arith.constant 0 : i32
        %dma_start3A_136 = tpu.memref_slice %arg6[%add3A_134, %dma_start3A_135] : memref<10000x128xf32, #tpu.memory_space<vmem_shared>> -> memref<25x128xf32, #tpu.memory_space<vmem_shared>>
        %dma_start3A_137 = arith.constant 0 : i32
        %dma_start3A_138 = tpu.memref_slice %arg6[%add3A_134, %dma_start3A_137] : memref<10000x128xf32, #tpu.memory_space<vmem_shared>> -> memref<25x128xf32, #tpu.memory_space<vmem_shared>>
        tpu.enqueue_dma source(%arg7 : memref<25x128xf32, #tpu.memory_space<vmem>>) target(%dma_start3A_138 : memref<25x128xf32, #tpu.memory_space<vmem_shared>>) target_semaphore(%run_scoped3A : memref<!tpu.dma_semaphore, #tpu.memory_space<semaphore_mem>>)
        %dma_wait3A_139 = arith.constant 0 : i32
        %dma_wait3A_140 = tpu.memref_slice %arg6[%add3A_134, %dma_wait3A_139] : memref<10000x128xf32, #tpu.memory_space<vmem_shared>> -> memref<25x128xf32, #tpu.memory_space<vmem_shared>>
        %dma_wait3A_141 = arith.constant 0 : i32
        %dma_wait3A_142 = tpu.memref_slice %arg6[%add3A_134, %dma_wait3A_141] : memref<10000x128xf32, #tpu.memory_space<vmem_shared>> -> memref<25x128xf32, #tpu.memory_space<vmem_shared>>
        tpu.wait_dma2 semaphore(%run_scoped3A : memref<!tpu.dma_semaphore, #tpu.memory_space<semaphore_mem>>) src(%arg7 : memref<25x128xf32, #tpu.memory_space<vmem>>) dst(%dma_wait3A_142 : memref<25x128xf32, #tpu.memory_space<vmem_shared>>)
        tpu.yield
      }) : () -> ()
    }
    %scan3A_10 = arith.constant 25 : i32
    %barrier3A = arith.constant 0 : index
    tpu.barrier barrier_id(%barrier3A)
    %dma_start3A = arith.constant 0 : i32
    %dma_start3A_11 = arith.constant 0 : i32
    %dma_start3A_12 = arith.constant 0 : i32
    %dma_start3A_13 = tpu.memref_slice %arg3[%add3A, %dma_start3A, %dma_start3A_11, %dma_start3A_12] : memref<32x125x1x80xi32, #tpu.memory_space<hbm>> -> memref<1x1x1x80xi32, #tpu.memory_space<hbm>>
    %dma_start3A_14 = tpu.memref_squeeze %dma_start3A_13 : memref<1x1x1x80xi32, #tpu.memory_space<hbm>> -> memref<80xi32, #tpu.memory_space<hbm>>
    %dma_start3A_15 = arith.constant 0 : i32
    %dma_start3A_16 = tpu.memref_slice %arg3[%add3A, %dma_start3A, %dma_start3A_11, %dma_start3A_15] : memref<32x125x1x80xi32, #tpu.memory_space<hbm>> -> memref<1x1x1x80xi32, #tpu.memory_space<hbm>>
    %dma_start3A_17 = tpu.memref_squeeze %dma_start3A_16 : memref<1x1x1x80xi32, #tpu.memory_space<hbm>> -> memref<80xi32, #tpu.memory_space<hbm>>
    tpu.enqueue_dma source(%dma_start3A_17 : memref<80xi32, #tpu.memory_space<hbm>>) target(%arg12 : memref<80xi32, #tpu.memory_space<vmem>>) target_semaphore(%arg28 : memref<!tpu.dma_semaphore, #tpu.memory_space<semaphore_mem>>)
    %dma_start3A_18 = arith.constant 0 : i32
    %dma_start3A_19 = arith.constant 0 : i32
    %dma_start3A_20 = arith.constant 0 : i32
    %dma_start3A_21 = tpu.memref_slice %arg4[%add3A, %dma_start3A_18, %dma_start3A_19, %dma_start3A_20] : memref<32x125x1x80xi32, #tpu.memory_space<hbm>> -> memref<1x1x1x80xi32, #tpu.memory_space<hbm>>
    %dma_start3A_22 = tpu.memref_squeeze %dma_start3A_21 : memref<1x1x1x80xi32, #tpu.memory_space<hbm>> -> memref<80xi32, #tpu.memory_space<hbm>>
    %dma_start3A_23 = arith.constant 0 : i32
    %dma_start3A_24 = tpu.memref_slice %arg4[%add3A, %dma_start3A_18, %dma_start3A_19, %dma_start3A_23] : memref<32x125x1x80xi32, #tpu.memory_space<hbm>> -> memref<1x1x1x80xi32, #tpu.memory_space<hbm>>
    %dma_start3A_25 = tpu.memref_squeeze %dma_start3A_24 : memref<1x1x1x80xi32, #tpu.memory_space<hbm>> -> memref<80xi32, #tpu.memory_space<hbm>>
    tpu.enqueue_dma source(%dma_start3A_25 : memref<80xi32, #tpu.memory_space<hbm>>) target(%arg16 : memref<80xi32, #tpu.memory_space<vmem>>) target_semaphore(%arg32 : memref<!tpu.dma_semaphore, #tpu.memory_space<semaphore_mem>>)
    %dma_start3A_26 = arith.constant 1 : i32
    %dma_start3A_27 = arith.constant 0 : i32
    %dma_start3A_28 = arith.constant 0 : i32
    %dma_start3A_29 = tpu.memref_slice %arg3[%add3A, %dma_start3A_26, %dma_start3A_27, %dma_start3A_28] : memref<32x125x1x80xi32, #tpu.memory_space<hbm>> -> memref<1x1x1x80xi32, #tpu.memory_space<hbm>>
    %dma_start3A_30 = tpu.memref_squeeze %dma_start3A_29 : memref<1x1x1x80xi32, #tpu.memory_space<hbm>> -> memref<80xi32, #tpu.memory_space<hbm>>
    %dma_start3A_31 = arith.constant 0 : i32
    %dma_start3A_32 = tpu.memref_slice %arg3[%add3A, %dma_start3A_26, %dma_start3A_27, %dma_start3A_31] : memref<32x125x1x80xi32, #tpu.memory_space<hbm>> -> memref<1x1x1x80xi32, #tpu.memory_space<hbm>>
    %dma_start3A_33 = tpu.memref_squeeze %dma_start3A_32 : memref<1x1x1x80xi32, #tpu.memory_space<hbm>> -> memref<80xi32, #tpu.memory_space<hbm>>
    tpu.enqueue_dma source(%dma_start3A_33 : memref<80xi32, #tpu.memory_space<hbm>>) target(%arg13 : memref<80xi32, #tpu.memory_space<vmem>>) target_semaphore(%arg29 : memref<!tpu.dma_semaphore, #tpu.memory_space<semaphore_mem>>)
    %dma_start3A_34 = arith.constant 1 : i32
    %dma_start3A_35 = arith.constant 0 : i32
    %dma_start3A_36 = arith.constant 0 : i32
    %dma_start3A_37 = tpu.memref_slice %arg4[%add3A, %dma_start3A_34, %dma_start3A_35, %dma_start3A_36] : memref<32x125x1x80xi32, #tpu.memory_space<hbm>> -> memref<1x1x1x80xi32, #tpu.memory_space<hbm>>
    %dma_start3A_38 = tpu.memref_squeeze %dma_start3A_37 : memref<1x1x1x80xi32, #tpu.memory_space<hbm>> -> memref<80xi32, #tpu.memory_space<hbm>>
    %dma_start3A_39 = arith.constant 0 : i32
    %dma_start3A_40 = tpu.memref_slice %arg4[%add3A, %dma_start3A_34, %dma_start3A_35, %dma_start3A_39] : memref<32x125x1x80xi32, #tpu.memory_space<hbm>> -> memref<1x1x1x80xi32, #tpu.memory_space<hbm>>
    %dma_start3A_41 = tpu.memref_squeeze %dma_start3A_40 : memref<1x1x1x80xi32, #tpu.memory_space<hbm>> -> memref<80xi32, #tpu.memory_space<hbm>>
    tpu.enqueue_dma source(%dma_start3A_41 : memref<80xi32, #tpu.memory_space<hbm>>) target(%arg17 : memref<80xi32, #tpu.memory_space<vmem>>) target_semaphore(%arg33 : memref<!tpu.dma_semaphore, #tpu.memory_space<semaphore_mem>>)
    %dma_start3A_42 = arith.constant 2 : i32
    %dma_start3A_43 = arith.constant 0 : i32
    %dma_start3A_44 = arith.constant 0 : i32
    %dma_start3A_45 = tpu.memref_slice %arg3[%add3A, %dma_start3A_42, %dma_start3A_43, %dma_start3A_44] : memref<32x125x1x80xi32, #tpu.memory_space<hbm>> -> memref<1x1x1x80xi32, #tpu.memory_space<hbm>>
    %dma_start3A_46 = tpu.memref_squeeze %dma_start3A_45 : memref<1x1x1x80xi32, #tpu.memory_space<hbm>> -> memref<80xi32, #tpu.memory_space<hbm>>
    %dma_start3A_47 = arith.constant 0 : i32
    %dma_start3A_48 = tpu.memref_slice %arg3[%add3A, %dma_start3A_42, %dma_start3A_43, %dma_start3A_47] : memref<32x125x1x80xi32, #tpu.memory_space<hbm>> -> memref<1x1x1x80xi32, #tpu.memory_space<hbm>>
    %dma_start3A_49 = tpu.memref_squeeze %dma_start3A_48 : memref<1x1x1x80xi32, #tpu.memory_space<hbm>> -> memref<80xi32, #tpu.memory_space<hbm>>
    tpu.enqueue_dma source(%dma_start3A_49 : memref<80xi32, #tpu.memory_space<hbm>>) target(%arg14 : memref<80xi32, #tpu.memory_space<vmem>>) target_semaphore(%arg30 : memref<!tpu.dma_semaphore, #tpu.memory_space<semaphore_mem>>)
    %dma_start3A_50 = arith.constant 2 : i32
    %dma_start3A_51 = arith.constant 0 : i32
    %dma_start3A_52 = arith.constant 0 : i32
    %dma_start3A_53 = tpu.memref_slice %arg4[%add3A, %dma_start3A_50, %dma_start3A_51, %dma_start3A_52] : memref<32x125x1x80xi32, #tpu.memory_space<hbm>> -> memref<1x1x1x80xi32, #tpu.memory_space<hbm>>
    %dma_start3A_54 = tpu.memref_squeeze %dma_start3A_53 : memref<1x1x1x80xi32, #tpu.memory_space<hbm>> -> memref<80xi32, #tpu.memory_space<hbm>>
    %dma_start3A_55 = arith.constant 0 : i32
    %dma_start3A_56 = tpu.memref_slice %arg4[%add3A, %dma_start3A_50, %dma_start3A_51, %dma_start3A_55] : memref<32x125x1x80xi32, #tpu.memory_space<hbm>> -> memref<1x1x1x80xi32, #tpu.memory_space<hbm>>
    %dma_start3A_57 = tpu.memref_squeeze %dma_start3A_56 : memref<1x1x1x80xi32, #tpu.memory_space<hbm>> -> memref<80xi32, #tpu.memory_space<hbm>>
    tpu.enqueue_dma source(%dma_start3A_57 : memref<80xi32, #tpu.memory_space<hbm>>) target(%arg18 : memref<80xi32, #tpu.memory_space<vmem>>) target_semaphore(%arg34 : memref<!tpu.dma_semaphore, #tpu.memory_space<semaphore_mem>>)
    %dma_start3A_58 = arith.constant 3 : i32
    %dma_start3A_59 = arith.constant 0 : i32
    %dma_start3A_60 = arith.constant 0 : i32
    %dma_start3A_61 = tpu.memref_slice %arg3[%add3A, %dma_start3A_58, %dma_start3A_59, %dma_start3A_60] : memref<32x125x1x80xi32, #tpu.memory_space<hbm>> -> memref<1x1x1x80xi32, #tpu.memory_space<hbm>>
    %dma_start3A_62 = tpu.memref_squeeze %dma_start3A_61 : memref<1x1x1x80xi32, #tpu.memory_space<hbm>> -> memref<80xi32, #tpu.memory_space<hbm>>
    %dma_start3A_63 = arith.constant 0 : i32
    %dma_start3A_64 = tpu.memref_slice %arg3[%add3A, %dma_start3A_58, %dma_start3A_59, %dma_start3A_63] : memref<32x125x1x80xi32, #tpu.memory_space<hbm>> -> memref<1x1x1x80xi32, #tpu.memory_space<hbm>>
    %dma_start3A_65 = tpu.memref_squeeze %dma_start3A_64 : memref<1x1x1x80xi32, #tpu.memory_space<hbm>> -> memref<80xi32, #tpu.memory_space<hbm>>
    tpu.enqueue_dma source(%dma_start3A_65 : memref<80xi32, #tpu.memory_space<hbm>>) target(%arg15 : memref<80xi32, #tpu.memory_space<vmem>>) target_semaphore(%arg31 : memref<!tpu.dma_semaphore, #tpu.memory_space<semaphore_mem>>)
    %dma_start3A_66 = arith.constant 3 : i32
    %dma_start3A_67 = arith.constant 0 : i32
    %dma_start3A_68 = arith.constant 0 : i32
    %dma_start3A_69 = tpu.memref_slice %arg4[%add3A, %dma_start3A_66, %dma_start3A_67, %dma_start3A_68] : memref<32x125x1x80xi32, #tpu.memory_space<hbm>> -> memref<1x1x1x80xi32, #tpu.memory_space<hbm>>
    %dma_start3A_70 = tpu.memref_squeeze %dma_start3A_69 : memref<1x1x1x80xi32, #tpu.memory_space<hbm>> -> memref<80xi32, #tpu.memory_space<hbm>>
    %dma_start3A_71 = arith.constant 0 : i32
    %dma_start3A_72 = tpu.memref_slice %arg4[%add3A, %dma_start3A_66, %dma_start3A_67, %dma_start3A_71] : memref<32x125x1x80xi32, #tpu.memory_space<hbm>> -> memref<1x1x1x80xi32, #tpu.memory_space<hbm>>
    %dma_start3A_73 = tpu.memref_squeeze %dma_start3A_72 : memref<1x1x1x80xi32, #tpu.memory_space<hbm>> -> memref<80xi32, #tpu.memory_space<hbm>>
    tpu.enqueue_dma source(%dma_start3A_73 : memref<80xi32, #tpu.memory_space<hbm>>) target(%arg19 : memref<80xi32, #tpu.memory_space<vmem>>) target_semaphore(%arg35 : memref<!tpu.dma_semaphore, #tpu.memory_space<semaphore_mem>>)
    %scan3A_74 = arith.constant 0 : i32
    %scan3A_75 = arith.constant 31 : i32
    %scan3A_76 = arith.addi %scan3A_74, %scan3A_75 : i32
    %scan3A_77 = arith.constant 1 : i32
    scf.for %scan3A_129 = %scan3A_74 to %scan3A_76 step %scan3A_77  : i32 {
      %mul3A_130 = arith.constant 4 : i32
      %mul3A_131 = arith.muli %scan3A_129, %mul3A_130 : i32
      %add3A_132 = arith.constant 0 : i32
      %add3A_133 = arith.addi %mul3A_131, %add3A_132 : i32
      %gt3A = arith.constant 0 : i32
      %gt3A_134 = arith.cmpi sgt, %scan3A_129, %gt3A : i32
      %convert_element_type3A = arith.extui %gt3A_134 : i1 to i32
      %cond3A = arith.constant 0 : i32
      %cond3A_135 = arith.cmpi ne, %convert_element_type3A, %cond3A : i32
      scf.if %cond3A_135 {
        %dma_wait3A_298 = arith.constant 0 : i32
        %dma_wait3A_299 = arith.constant 0 : i32
        %dma_wait3A_300 = tpu.memref_slice %arg6[%dma_wait3A_298, %dma_wait3A_299] : memref<10000x128xf32, #tpu.memory_space<vmem_shared>> -> memref<10000x128xf32, #tpu.memory_space<vmem_shared>>
        tpu.wait_indirect_dma semaphore(%arg24 : memref<!tpu.dma_semaphore, #tpu.memory_space<semaphore_mem>>) src(%arg8 : memref<80x128xf32, #tpu.memory_space<vmem>>) dst(%dma_wait3A_300 : memref<10000x128xf32, #tpu.memory_space<vmem_shared>>)
        %dma_start3A_301 = arith.constant 0 : i32
        %dma_start3A_302 = arith.constant 0 : i32
        %dma_start3A_303 = tpu.memref_slice %arg4[%add3A, %add3A_133, %dma_start3A_301, %dma_start3A_302] : memref<32x125x1x80xi32, #tpu.memory_space<hbm>> -> memref<1x1x1x80xi32, #tpu.memory_space<hbm>>
        %dma_start3A_304 = tpu.memref_squeeze %dma_start3A_303 : memref<1x1x1x80xi32, #tpu.memory_space<hbm>> -> memref<80xi32, #tpu.memory_space<hbm>>
        %dma_start3A_305 = arith.constant 0 : i32
        %dma_start3A_306 = tpu.memref_slice %arg4[%add3A, %add3A_133, %dma_start3A_301, %dma_start3A_305] : memref<32x125x1x80xi32, #tpu.memory_space<hbm>> -> memref<1x1x1x80xi32, #tpu.memory_space<hbm>>
        %dma_start3A_307 = tpu.memref_squeeze %dma_start3A_306 : memref<1x1x1x80xi32, #tpu.memory_space<hbm>> -> memref<80xi32, #tpu.memory_space<hbm>>
        tpu.enqueue_dma source(%dma_start3A_307 : memref<80xi32, #tpu.memory_space<hbm>>) target(%arg16 : memref<80xi32, #tpu.memory_space<vmem>>) target_semaphore(%arg32 : memref<!tpu.dma_semaphore, #tpu.memory_space<semaphore_mem>>)
      } else {
      }
      %dma_wait3A_136 = arith.constant 0 : i32
      %dma_wait3A_137 = arith.constant 0 : i32
      %dma_wait3A_138 = tpu.memref_slice %arg3[%add3A, %add3A_133, %dma_wait3A_136, %dma_wait3A_137] : memref<32x125x1x80xi32, #tpu.memory_space<hbm>> -> memref<1x1x1x80xi32, #tpu.memory_space<hbm>>
      %dma_wait3A_139 = tpu.memref_squeeze %dma_wait3A_138 : memref<1x1x1x80xi32, #tpu.memory_space<hbm>> -> memref<80xi32, #tpu.memory_space<hbm>>
      %dma_wait3A_140 = arith.constant 0 : i32
      %dma_wait3A_141 = tpu.memref_slice %arg3[%add3A, %add3A_133, %dma_wait3A_136, %dma_wait3A_140] : memref<32x125x1x80xi32, #tpu.memory_space<hbm>> -> memref<1x1x1x80xi32, #tpu.memory_space<hbm>>
      %dma_wait3A_142 = tpu.memref_squeeze %dma_wait3A_141 : memref<1x1x1x80xi32, #tpu.memory_space<hbm>> -> memref<80xi32, #tpu.memory_space<hbm>>
      tpu.wait_dma2 semaphore(%arg28 : memref<!tpu.dma_semaphore, #tpu.memory_space<semaphore_mem>>) src(%dma_wait3A_142 : memref<80xi32, #tpu.memory_space<hbm>>) dst(%arg12 : memref<80xi32, #tpu.memory_space<vmem>>)
      %dma_start3A_143 = arith.constant 0 : i32
      %dma_start3A_144 = arith.constant 0 : i32
      %dma_start3A_145 = tpu.memref_slice %arg2[%dma_start3A_143, %dma_start3A_144] : memref<10000x128xf32, #tpu.memory_space<hbm>> -> memref<10000x128xf32, #tpu.memory_space<hbm>>
      tpu.enqueue_indirect_dma source(%dma_start3A_145 : memref<10000x128xf32, #tpu.memory_space<hbm>>) target(%arg8 : memref<80x128xf32, #tpu.memory_space<vmem>>) offsets(%arg12 : memref<80xi32, #tpu.memory_space<vmem>>) semaphore(%arg20 : memref<!tpu.dma_semaphore, #tpu.memory_space<semaphore_mem>>)
      %mul3A_146 = arith.constant 4 : i32
      %mul3A_147 = arith.muli %scan3A_129, %mul3A_146 : i32
      %add3A_148 = arith.constant 1 : i32
      %add3A_149 = arith.addi %mul3A_147, %add3A_148 : i32
      %gt3A_150 = arith.constant 0 : i32
      %gt3A_151 = arith.cmpi sgt, %scan3A_129, %gt3A_150 : i32
      %convert_element_type3A_152 = arith.extui %gt3A_151 : i1 to i32
      %cond3A_153 = arith.constant 0 : i32
      %cond3A_154 = arith.cmpi ne, %convert_element_type3A_152, %cond3A_153 : i32
      scf.if %cond3A_154 {
        %dma_wait3A_298 = arith.constant 0 : i32
        %dma_wait3A_299 = arith.constant 0 : i32
        %dma_wait3A_300 = tpu.memref_slice %arg6[%dma_wait3A_298, %dma_wait3A_299] : memref<10000x128xf32, #tpu.memory_space<vmem_shared>> -> memref<10000x128xf32, #tpu.memory_space<vmem_shared>>
        tpu.wait_indirect_dma semaphore(%arg25 : memref<!tpu.dma_semaphore, #tpu.memory_space<semaphore_mem>>) src(%arg9 : memref<80x128xf32, #tpu.memory_space<vmem>>) dst(%dma_wait3A_300 : memref<10000x128xf32, #tpu.memory_space<vmem_shared>>)
        %dma_start3A_301 = arith.constant 0 : i32
        %dma_start3A_302 = arith.constant 0 : i32
        %dma_start3A_303 = tpu.memref_slice %arg4[%add3A, %add3A_149, %dma_start3A_301, %dma_start3A_302] : memref<32x125x1x80xi32, #tpu.memory_space<hbm>> -> memref<1x1x1x80xi32, #tpu.memory_space<hbm>>
        %dma_start3A_304 = tpu.memref_squeeze %dma_start3A_303 : memref<1x1x1x80xi32, #tpu.memory_space<hbm>> -> memref<80xi32, #tpu.memory_space<hbm>>
        %dma_start3A_305 = arith.constant 0 : i32
        %dma_start3A_306 = tpu.memref_slice %arg4[%add3A, %add3A_149, %dma_start3A_301, %dma_start3A_305] : memref<32x125x1x80xi32, #tpu.memory_space<hbm>> -> memref<1x1x1x80xi32, #tpu.memory_space<hbm>>
        %dma_start3A_307 = tpu.memref_squeeze %dma_start3A_306 : memref<1x1x1x80xi32, #tpu.memory_space<hbm>> -> memref<80xi32, #tpu.memory_space<hbm>>
        tpu.enqueue_dma source(%dma_start3A_307 : memref<80xi32, #tpu.memory_space<hbm>>) target(%arg17 : memref<80xi32, #tpu.memory_space<vmem>>) target_semaphore(%arg33 : memref<!tpu.dma_semaphore, #tpu.memory_space<semaphore_mem>>)
      } else {
      }
      %dma_wait3A_155 = arith.constant 0 : i32
      %dma_wait3A_156 = arith.constant 0 : i32
      %dma_wait3A_157 = tpu.memref_slice %arg3[%add3A, %add3A_149, %dma_wait3A_155, %dma_wait3A_156] : memref<32x125x1x80xi32, #tpu.memory_space<hbm>> -> memref<1x1x1x80xi32, #tpu.memory_space<hbm>>
      %dma_wait3A_158 = tpu.memref_squeeze %dma_wait3A_157 : memref<1x1x1x80xi32, #tpu.memory_space<hbm>> -> memref<80xi32, #tpu.memory_space<hbm>>
      %dma_wait3A_159 = arith.constant 0 : i32
      %dma_wait3A_160 = tpu.memref_slice %arg3[%add3A, %add3A_149, %dma_wait3A_155, %dma_wait3A_159] : memref<32x125x1x80xi32, #tpu.memory_space<hbm>> -> memref<1x1x1x80xi32, #tpu.memory_space<hbm>>
      %dma_wait3A_161 = tpu.memref_squeeze %dma_wait3A_160 : memref<1x1x1x80xi32, #tpu.memory_space<hbm>> -> memref<80xi32, #tpu.memory_space<hbm>>
      tpu.wait_dma2 semaphore(%arg29 : memref<!tpu.dma_semaphore, #tpu.memory_space<semaphore_mem>>) src(%dma_wait3A_161 : memref<80xi32, #tpu.memory_space<hbm>>) dst(%arg13 : memref<80xi32, #tpu.memory_space<vmem>>)
      %dma_start3A_162 = arith.constant 0 : i32
      %dma_start3A_163 = arith.constant 0 : i32
      %dma_start3A_164 = tpu.memref_slice %arg2[%dma_start3A_162, %dma_start3A_163] : memref<10000x128xf32, #tpu.memory_space<hbm>> -> memref<10000x128xf32, #tpu.memory_space<hbm>>
      tpu.enqueue_indirect_dma source(%dma_start3A_164 : memref<10000x128xf32, #tpu.memory_space<hbm>>) target(%arg9 : memref<80x128xf32, #tpu.memory_space<vmem>>) offsets(%arg13 : memref<80xi32, #tpu.memory_space<vmem>>) semaphore(%arg21 : memref<!tpu.dma_semaphore, #tpu.memory_space<semaphore_mem>>)
      %mul3A_165 = arith.constant 4 : i32
      %mul3A_166 = arith.muli %scan3A_129, %mul3A_165 : i32
      %add3A_167 = arith.constant 2 : i32
      %add3A_168 = arith.addi %mul3A_166, %add3A_167 : i32
      %gt3A_169 = arith.constant 0 : i32
      %gt3A_170 = arith.cmpi sgt, %scan3A_129, %gt3A_169 : i32
      %convert_element_type3A_171 = arith.extui %gt3A_170 : i1 to i32
      %cond3A_172 = arith.constant 0 : i32
      %cond3A_173 = arith.cmpi ne, %convert_element_type3A_171, %cond3A_172 : i32
      scf.if %cond3A_173 {
        %dma_wait3A_298 = arith.constant 0 : i32
        %dma_wait3A_299 = arith.constant 0 : i32
        %dma_wait3A_300 = tpu.memref_slice %arg6[%dma_wait3A_298, %dma_wait3A_299] : memref<10000x128xf32, #tpu.memory_space<vmem_shared>> -> memref<10000x128xf32, #tpu.memory_space<vmem_shared>>
        tpu.wait_indirect_dma semaphore(%arg26 : memref<!tpu.dma_semaphore, #tpu.memory_space<semaphore_mem>>) src(%arg10 : memref<80x128xf32, #tpu.memory_space<vmem>>) dst(%dma_wait3A_300 : memref<10000x128xf32, #tpu.memory_space<vmem_shared>>)
        %dma_start3A_301 = arith.constant 0 : i32
        %dma_start3A_302 = arith.constant 0 : i32
        %dma_start3A_303 = tpu.memref_slice %arg4[%add3A, %add3A_168, %dma_start3A_301, %dma_start3A_302] : memref<32x125x1x80xi32, #tpu.memory_space<hbm>> -> memref<1x1x1x80xi32, #tpu.memory_space<hbm>>
        %dma_start3A_304 = tpu.memref_squeeze %dma_start3A_303 : memref<1x1x1x80xi32, #tpu.memory_space<hbm>> -> memref<80xi32, #tpu.memory_space<hbm>>
        %dma_start3A_305 = arith.constant 0 : i32
        %dma_start3A_306 = tpu.memref_slice %arg4[%add3A, %add3A_168, %dma_start3A_301, %dma_start3A_305] : memref<32x125x1x80xi32, #tpu.memory_space<hbm>> -> memref<1x1x1x80xi32, #tpu.memory_space<hbm>>
        %dma_start3A_307 = tpu.memref_squeeze %dma_start3A_306 : memref<1x1x1x80xi32, #tpu.memory_space<hbm>> -> memref<80xi32, #tpu.memory_space<hbm>>
        tpu.enqueue_dma source(%dma_start3A_307 : memref<80xi32, #tpu.memory_space<hbm>>) target(%arg18 : memref<80xi32, #tpu.memory_space<vmem>>) target_semaphore(%arg34 : memref<!tpu.dma_semaphore, #tpu.memory_space<semaphore_mem>>)
      } else {
      }
      %dma_wait3A_174 = arith.constant 0 : i32
      %dma_wait3A_175 = arith.constant 0 : i32
      %dma_wait3A_176 = tpu.memref_slice %arg3[%add3A, %add3A_168, %dma_wait3A_174, %dma_wait3A_175] : memref<32x125x1x80xi32, #tpu.memory_space<hbm>> -> memref<1x1x1x80xi32, #tpu.memory_space<hbm>>
      %dma_wait3A_177 = tpu.memref_squeeze %dma_wait3A_176 : memref<1x1x1x80xi32, #tpu.memory_space<hbm>> -> memref<80xi32, #tpu.memory_space<hbm>>
      %dma_wait3A_178 = arith.constant 0 : i32
      %dma_wait3A_179 = tpu.memref_slice %arg3[%add3A, %add3A_168, %dma_wait3A_174, %dma_wait3A_178] : memref<32x125x1x80xi32, #tpu.memory_space<hbm>> -> memref<1x1x1x80xi32, #tpu.memory_space<hbm>>
      %dma_wait3A_180 = tpu.memref_squeeze %dma_wait3A_179 : memref<1x1x1x80xi32, #tpu.memory_space<hbm>> -> memref<80xi32, #tpu.memory_space<hbm>>
      tpu.wait_dma2 semaphore(%arg30 : memref<!tpu.dma_semaphore, #tpu.memory_space<semaphore_mem>>) src(%dma_wait3A_180 : memref<80xi32, #tpu.memory_space<hbm>>) dst(%arg14 : memref<80xi32, #tpu.memory_space<vmem>>)
      %dma_start3A_181 = arith.constant 0 : i32
      %dma_start3A_182 = arith.constant 0 : i32
      %dma_start3A_183 = tpu.memref_slice %arg2[%dma_start3A_181, %dma_start3A_182] : memref<10000x128xf32, #tpu.memory_space<hbm>> -> memref<10000x128xf32, #tpu.memory_space<hbm>>
      tpu.enqueue_indirect_dma source(%dma_start3A_183 : memref<10000x128xf32, #tpu.memory_space<hbm>>) target(%arg10 : memref<80x128xf32, #tpu.memory_space<vmem>>) offsets(%arg14 : memref<80xi32, #tpu.memory_space<vmem>>) semaphore(%arg22 : memref<!tpu.dma_semaphore, #tpu.memory_space<semaphore_mem>>)
      %mul3A_184 = arith.constant 4 : i32
      %mul3A_185 = arith.muli %scan3A_129, %mul3A_184 : i32
      %add3A_186 = arith.constant 3 : i32
      %add3A_187 = arith.addi %mul3A_185, %add3A_186 : i32
      %gt3A_188 = arith.constant 0 : i32
      %gt3A_189 = arith.cmpi sgt, %scan3A_129, %gt3A_188 : i32
      %convert_element_type3A_190 = arith.extui %gt3A_189 : i1 to i32
      %cond3A_191 = arith.constant 0 : i32
      %cond3A_192 = arith.cmpi ne, %convert_element_type3A_190, %cond3A_191 : i32
      scf.if %cond3A_192 {
        %dma_wait3A_298 = arith.constant 0 : i32
        %dma_wait3A_299 = arith.constant 0 : i32
        %dma_wait3A_300 = tpu.memref_slice %arg6[%dma_wait3A_298, %dma_wait3A_299] : memref<10000x128xf32, #tpu.memory_space<vmem_shared>> -> memref<10000x128xf32, #tpu.memory_space<vmem_shared>>
        tpu.wait_indirect_dma semaphore(%arg27 : memref<!tpu.dma_semaphore, #tpu.memory_space<semaphore_mem>>) src(%arg11 : memref<80x128xf32, #tpu.memory_space<vmem>>) dst(%dma_wait3A_300 : memref<10000x128xf32, #tpu.memory_space<vmem_shared>>)
        %dma_start3A_301 = arith.constant 0 : i32
        %dma_start3A_302 = arith.constant 0 : i32
        %dma_start3A_303 = tpu.memref_slice %arg4[%add3A, %add3A_187, %dma_start3A_301, %dma_start3A_302] : memref<32x125x1x80xi32, #tpu.memory_space<hbm>> -> memref<1x1x1x80xi32, #tpu.memory_space<hbm>>
        %dma_start3A_304 = tpu.memref_squeeze %dma_start3A_303 : memref<1x1x1x80xi32, #tpu.memory_space<hbm>> -> memref<80xi32, #tpu.memory_space<hbm>>
        %dma_start3A_305 = arith.constant 0 : i32
        %dma_start3A_306 = tpu.memref_slice %arg4[%add3A, %add3A_187, %dma_start3A_301, %dma_start3A_305] : memref<32x125x1x80xi32, #tpu.memory_space<hbm>> -> memref<1x1x1x80xi32, #tpu.memory_space<hbm>>
        %dma_start3A_307 = tpu.memref_squeeze %dma_start3A_306 : memref<1x1x1x80xi32, #tpu.memory_space<hbm>> -> memref<80xi32, #tpu.memory_space<hbm>>
        tpu.enqueue_dma source(%dma_start3A_307 : memref<80xi32, #tpu.memory_space<hbm>>) target(%arg19 : memref<80xi32, #tpu.memory_space<vmem>>) target_semaphore(%arg35 : memref<!tpu.dma_semaphore, #tpu.memory_space<semaphore_mem>>)
      } else {
      }
      %dma_wait3A_193 = arith.constant 0 : i32
      %dma_wait3A_194 = arith.constant 0 : i32
      %dma_wait3A_195 = tpu.memref_slice %arg3[%add3A, %add3A_187, %dma_wait3A_193, %dma_wait3A_194] : memref<32x125x1x80xi32, #tpu.memory_space<hbm>> -> memref<1x1x1x80xi32, #tpu.memory_space<hbm>>
      %dma_wait3A_196 = tpu.memref_squeeze %dma_wait3A_195 : memref<1x1x1x80xi32, #tpu.memory_space<hbm>> -> memref<80xi32, #tpu.memory_space<hbm>>
      %dma_wait3A_197 = arith.constant 0 : i32
      %dma_wait3A_198 = tpu.memref_slice %arg3[%add3A, %add3A_187, %dma_wait3A_193, %dma_wait3A_197] : memref<32x125x1x80xi32, #tpu.memory_space<hbm>> -> memref<1x1x1x80xi32, #tpu.memory_space<hbm>>
      %dma_wait3A_199 = tpu.memref_squeeze %dma_wait3A_198 : memref<1x1x1x80xi32, #tpu.memory_space<hbm>> -> memref<80xi32, #tpu.memory_space<hbm>>
      tpu.wait_dma2 semaphore(%arg31 : memref<!tpu.dma_semaphore, #tpu.memory_space<semaphore_mem>>) src(%dma_wait3A_199 : memref<80xi32, #tpu.memory_space<hbm>>) dst(%arg15 : memref<80xi32, #tpu.memory_space<vmem>>)
      %dma_start3A_200 = arith.constant 0 : i32
      %dma_start3A_201 = arith.constant 0 : i32
      %dma_start3A_202 = tpu.memref_slice %arg2[%dma_start3A_200, %dma_start3A_201] : memref<10000x128xf32, #tpu.memory_space<hbm>> -> memref<10000x128xf32, #tpu.memory_space<hbm>>
      tpu.enqueue_indirect_dma source(%dma_start3A_202 : memref<10000x128xf32, #tpu.memory_space<hbm>>) target(%arg11 : memref<80x128xf32, #tpu.memory_space<vmem>>) offsets(%arg15 : memref<80xi32, #tpu.memory_space<vmem>>) semaphore(%arg23 : memref<!tpu.dma_semaphore, #tpu.memory_space<semaphore_mem>>)
      %mul3A_203 = arith.constant 4 : i32
      %mul3A_204 = arith.muli %scan3A_129, %mul3A_203 : i32
      %add3A_205 = arith.constant 0 : i32
      %add3A_206 = arith.addi %mul3A_204, %add3A_205 : i32
      %dma_wait3A_207 = arith.constant 0 : i32
      %dma_wait3A_208 = arith.constant 0 : i32
      %dma_wait3A_209 = tpu.memref_slice %arg2[%dma_wait3A_207, %dma_wait3A_208] : memref<10000x128xf32, #tpu.memory_space<hbm>> -> memref<10000x128xf32, #tpu.memory_space<hbm>>
      tpu.wait_indirect_dma semaphore(%arg20 : memref<!tpu.dma_semaphore, #tpu.memory_space<semaphore_mem>>) src(%dma_wait3A_209 : memref<10000x128xf32, #tpu.memory_space<hbm>>) dst(%arg8 : memref<80x128xf32, #tpu.memory_space<vmem>>)
      %add3A_210 = arith.constant 4 : i32
      %add3A_211 = arith.addi %add3A_206, %add3A_210 : i32
      %lt3A = arith.constant 125 : i32
      %lt3A_212 = arith.cmpi slt, %add3A_211, %lt3A : i32
      %convert_element_type3A_213 = arith.extui %lt3A_212 : i1 to i32
      %cond3A_214 = arith.constant 0 : i32
      %cond3A_215 = arith.cmpi ne, %convert_element_type3A_213, %cond3A_214 : i32
      scf.if %cond3A_215 {
        %add3A_298 = arith.constant 4 : i32
        %add3A_299 = arith.addi %add3A_206, %add3A_298 : i32
        %dma_start3A_300 = arith.constant 0 : i32
        %dma_start3A_301 = arith.constant 0 : i32
        %dma_start3A_302 = tpu.memref_slice %arg3[%add3A, %add3A_299, %dma_start3A_300, %dma_start3A_301] : memref<32x125x1x80xi32, #tpu.memory_space<hbm>> -> memref<1x1x1x80xi32, #tpu.memory_space<hbm>>
        %dma_start3A_303 = tpu.memref_squeeze %dma_start3A_302 : memref<1x1x1x80xi32, #tpu.memory_space<hbm>> -> memref<80xi32, #tpu.memory_space<hbm>>
        %dma_start3A_304 = arith.constant 0 : i32
        %dma_start3A_305 = tpu.memref_slice %arg3[%add3A, %add3A_299, %dma_start3A_300, %dma_start3A_304] : memref<32x125x1x80xi32, #tpu.memory_space<hbm>> -> memref<1x1x1x80xi32, #tpu.memory_space<hbm>>
        %dma_start3A_306 = tpu.memref_squeeze %dma_start3A_305 : memref<1x1x1x80xi32, #tpu.memory_space<hbm>> -> memref<80xi32, #tpu.memory_space<hbm>>
        tpu.enqueue_dma source(%dma_start3A_306 : memref<80xi32, #tpu.memory_space<hbm>>) target(%arg12 : memref<80xi32, #tpu.memory_space<vmem>>) target_semaphore(%arg28 : memref<!tpu.dma_semaphore, #tpu.memory_space<semaphore_mem>>)
      } else {
      }
      %dma_wait3A_216 = arith.constant 0 : i32
      %dma_wait3A_217 = arith.constant 0 : i32
      %dma_wait3A_218 = tpu.memref_slice %arg4[%add3A, %add3A_206, %dma_wait3A_216, %dma_wait3A_217] : memref<32x125x1x80xi32, #tpu.memory_space<hbm>> -> memref<1x1x1x80xi32, #tpu.memory_space<hbm>>
      %dma_wait3A_219 = tpu.memref_squeeze %dma_wait3A_218 : memref<1x1x1x80xi32, #tpu.memory_space<hbm>> -> memref<80xi32, #tpu.memory_space<hbm>>
      %dma_wait3A_220 = arith.constant 0 : i32
      %dma_wait3A_221 = tpu.memref_slice %arg4[%add3A, %add3A_206, %dma_wait3A_216, %dma_wait3A_220] : memref<32x125x1x80xi32, #tpu.memory_space<hbm>> -> memref<1x1x1x80xi32, #tpu.memory_space<hbm>>
      %dma_wait3A_222 = tpu.memref_squeeze %dma_wait3A_221 : memref<1x1x1x80xi32, #tpu.memory_space<hbm>> -> memref<80xi32, #tpu.memory_space<hbm>>
      tpu.wait_dma2 semaphore(%arg32 : memref<!tpu.dma_semaphore, #tpu.memory_space<semaphore_mem>>) src(%dma_wait3A_222 : memref<80xi32, #tpu.memory_space<hbm>>) dst(%arg16 : memref<80xi32, #tpu.memory_space<vmem>>)
      %dma_start3A_223 = arith.constant 0 : i32
      %dma_start3A_224 = arith.constant 0 : i32
      %dma_start3A_225 = tpu.memref_slice %arg6[%dma_start3A_223, %dma_start3A_224] : memref<10000x128xf32, #tpu.memory_space<vmem_shared>> -> memref<10000x128xf32, #tpu.memory_space<vmem_shared>>
      tpu.enqueue_indirect_dma source(%arg8 : memref<80x128xf32, #tpu.memory_space<vmem>>) target(%dma_start3A_225 : memref<10000x128xf32, #tpu.memory_space<vmem_shared>>) offsets(%arg16 : memref<80xi32, #tpu.memory_space<vmem>>) semaphore(%arg24 : memref<!tpu.dma_semaphore, #tpu.memory_space<semaphore_mem>>) {add = true}
      %mul3A_226 = arith.constant 4 : i32
      %mul3A_227 = arith.muli %scan3A_129, %mul3A_226 : i32
      %add3A_228 = arith.constant 1 : i32
      %add3A_229 = arith.addi %mul3A_227, %add3A_228 : i32
      %dma_wait3A_230 = arith.constant 0 : i32
      %dma_wait3A_231 = arith.constant 0 : i32
      %dma_wait3A_232 = tpu.memref_slice %arg2[%dma_wait3A_230, %dma_wait3A_231] : memref<10000x128xf32, #tpu.memory_space<hbm>> -> memref<10000x128xf32, #tpu.memory_space<hbm>>
      tpu.wait_indirect_dma semaphore(%arg21 : memref<!tpu.dma_semaphore, #tpu.memory_space<semaphore_mem>>) src(%dma_wait3A_232 : memref<10000x128xf32, #tpu.memory_space<hbm>>) dst(%arg9 : memref<80x128xf32, #tpu.memory_space<vmem>>)
      %add3A_233 = arith.constant 4 : i32
      %add3A_234 = arith.addi %add3A_229, %add3A_233 : i32
      %lt3A_235 = arith.constant 125 : i32
      %lt3A_236 = arith.cmpi slt, %add3A_234, %lt3A_235 : i32
      %convert_element_type3A_237 = arith.extui %lt3A_236 : i1 to i32
      %cond3A_238 = arith.constant 0 : i32
      %cond3A_239 = arith.cmpi ne, %convert_element_type3A_237, %cond3A_238 : i32
      scf.if %cond3A_239 {
        %add3A_298 = arith.constant 4 : i32
        %add3A_299 = arith.addi %add3A_229, %add3A_298 : i32
        %dma_start3A_300 = arith.constant 0 : i32
        %dma_start3A_301 = arith.constant 0 : i32
        %dma_start3A_302 = tpu.memref_slice %arg3[%add3A, %add3A_299, %dma_start3A_300, %dma_start3A_301] : memref<32x125x1x80xi32, #tpu.memory_space<hbm>> -> memref<1x1x1x80xi32, #tpu.memory_space<hbm>>
        %dma_start3A_303 = tpu.memref_squeeze %dma_start3A_302 : memref<1x1x1x80xi32, #tpu.memory_space<hbm>> -> memref<80xi32, #tpu.memory_space<hbm>>
        %dma_start3A_304 = arith.constant 0 : i32
        %dma_start3A_305 = tpu.memref_slice %arg3[%add3A, %add3A_299, %dma_start3A_300, %dma_start3A_304] : memref<32x125x1x80xi32, #tpu.memory_space<hbm>> -> memref<1x1x1x80xi32, #tpu.memory_space<hbm>>
        %dma_start3A_306 = tpu.memref_squeeze %dma_start3A_305 : memref<1x1x1x80xi32, #tpu.memory_space<hbm>> -> memref<80xi32, #tpu.memory_space<hbm>>
        tpu.enqueue_dma source(%dma_start3A_306 : memref<80xi32, #tpu.memory_space<hbm>>) target(%arg13 : memref<80xi32, #tpu.memory_space<vmem>>) target_semaphore(%arg29 : memref<!tpu.dma_semaphore, #tpu.memory_space<semaphore_mem>>)
      } else {
      }
      %dma_wait3A_240 = arith.constant 0 : i32
      %dma_wait3A_241 = arith.constant 0 : i32
      %dma_wait3A_242 = tpu.memref_slice %arg4[%add3A, %add3A_229, %dma_wait3A_240, %dma_wait3A_241] : memref<32x125x1x80xi32, #tpu.memory_space<hbm>> -> memref<1x1x1x80xi32, #tpu.memory_space<hbm>>
      %dma_wait3A_243 = tpu.memref_squeeze %dma_wait3A_242 : memref<1x1x1x80xi32, #tpu.memory_space<hbm>> -> memref<80xi32, #tpu.memory_space<hbm>>
      %dma_wait3A_244 = arith.constant 0 : i32
      %dma_wait3A_245 = tpu.memref_slice %arg4[%add3A, %add3A_229, %dma_wait3A_240, %dma_wait3A_244] : memref<32x125x1x80xi32, #tpu.memory_space<hbm>> -> memref<1x1x1x80xi32, #tpu.memory_space<hbm>>
      %dma_wait3A_246 = tpu.memref_squeeze %dma_wait3A_245 : memref<1x1x1x80xi32, #tpu.memory_space<hbm>> -> memref<80xi32, #tpu.memory_space<hbm>>
      tpu.wait_dma2 semaphore(%arg33 : memref<!tpu.dma_semaphore, #tpu.memory_space<semaphore_mem>>) src(%dma_wait3A_246 : memref<80xi32, #tpu.memory_space<hbm>>) dst(%arg17 : memref<80xi32, #tpu.memory_space<vmem>>)
      %dma_start3A_247 = arith.constant 0 : i32
      %dma_start3A_248 = arith.constant 0 : i32
      %dma_start3A_249 = tpu.memref_slice %arg6[%dma_start3A_247, %dma_start3A_248] : memref<10000x128xf32, #tpu.memory_space<vmem_shared>> -> memref<10000x128xf32, #tpu.memory_space<vmem_shared>>
      tpu.enqueue_indirect_dma source(%arg9 : memref<80x128xf32, #tpu.memory_space<vmem>>) target(%dma_start3A_249 : memref<10000x128xf32, #tpu.memory_space<vmem_shared>>) offsets(%arg17 : memref<80xi32, #tpu.memory_space<vmem>>) semaphore(%arg25 : memref<!tpu.dma_semaphore, #tpu.memory_space<semaphore_mem>>) {add = true}
      %mul3A_250 = arith.constant 4 : i32
      %mul3A_251 = arith.muli %scan3A_129, %mul3A_250 : i32
      %add3A_252 = arith.constant 2 : i32
      %add3A_253 = arith.addi %mul3A_251, %add3A_252 : i32
      %dma_wait3A_254 = arith.constant 0 : i32
      %dma_wait3A_255 = arith.constant 0 : i32
      %dma_wait3A_256 = tpu.memref_slice %arg2[%dma_wait3A_254, %dma_wait3A_255] : memref<10000x128xf32, #tpu.memory_space<hbm>> -> memref<10000x128xf32, #tpu.memory_space<hbm>>
      tpu.wait_indirect_dma semaphore(%arg22 : memref<!tpu.dma_semaphore, #tpu.memory_space<semaphore_mem>>) src(%dma_wait3A_256 : memref<10000x128xf32, #tpu.memory_space<hbm>>) dst(%arg10 : memref<80x128xf32, #tpu.memory_space<vmem>>)
      %add3A_257 = arith.constant 4 : i32
      %add3A_258 = arith.addi %add3A_253, %add3A_257 : i32
      %lt3A_259 = arith.constant 125 : i32
      %lt3A_260 = arith.cmpi slt, %add3A_258, %lt3A_259 : i32
      %convert_element_type3A_261 = arith.extui %lt3A_260 : i1 to i32
      %cond3A_262 = arith.constant 0 : i32
      %cond3A_263 = arith.cmpi ne, %convert_element_type3A_261, %cond3A_262 : i32
      scf.if %cond3A_263 {
        %add3A_298 = arith.constant 4 : i32
        %add3A_299 = arith.addi %add3A_253, %add3A_298 : i32
        %dma_start3A_300 = arith.constant 0 : i32
        %dma_start3A_301 = arith.constant 0 : i32
        %dma_start3A_302 = tpu.memref_slice %arg3[%add3A, %add3A_299, %dma_start3A_300, %dma_start3A_301] : memref<32x125x1x80xi32, #tpu.memory_space<hbm>> -> memref<1x1x1x80xi32, #tpu.memory_space<hbm>>
        %dma_start3A_303 = tpu.memref_squeeze %dma_start3A_302 : memref<1x1x1x80xi32, #tpu.memory_space<hbm>> -> memref<80xi32, #tpu.memory_space<hbm>>
        %dma_start3A_304 = arith.constant 0 : i32
        %dma_start3A_305 = tpu.memref_slice %arg3[%add3A, %add3A_299, %dma_start3A_300, %dma_start3A_304] : memref<32x125x1x80xi32, #tpu.memory_space<hbm>> -> memref<1x1x1x80xi32, #tpu.memory_space<hbm>>
        %dma_start3A_306 = tpu.memref_squeeze %dma_start3A_305 : memref<1x1x1x80xi32, #tpu.memory_space<hbm>> -> memref<80xi32, #tpu.memory_space<hbm>>
        tpu.enqueue_dma source(%dma_start3A_306 : memref<80xi32, #tpu.memory_space<hbm>>) target(%arg14 : memref<80xi32, #tpu.memory_space<vmem>>) target_semaphore(%arg30 : memref<!tpu.dma_semaphore, #tpu.memory_space<semaphore_mem>>)
      } else {
      }
      %dma_wait3A_264 = arith.constant 0 : i32
      %dma_wait3A_265 = arith.constant 0 : i32
      %dma_wait3A_266 = tpu.memref_slice %arg4[%add3A, %add3A_253, %dma_wait3A_264, %dma_wait3A_265] : memref<32x125x1x80xi32, #tpu.memory_space<hbm>> -> memref<1x1x1x80xi32, #tpu.memory_space<hbm>>
      %dma_wait3A_267 = tpu.memref_squeeze %dma_wait3A_266 : memref<1x1x1x80xi32, #tpu.memory_space<hbm>> -> memref<80xi32, #tpu.memory_space<hbm>>
      %dma_wait3A_268 = arith.constant 0 : i32
      %dma_wait3A_269 = tpu.memref_slice %arg4[%add3A, %add3A_253, %dma_wait3A_264, %dma_wait3A_268] : memref<32x125x1x80xi32, #tpu.memory_space<hbm>> -> memref<1x1x1x80xi32, #tpu.memory_space<hbm>>
      %dma_wait3A_270 = tpu.memref_squeeze %dma_wait3A_269 : memref<1x1x1x80xi32, #tpu.memory_space<hbm>> -> memref<80xi32, #tpu.memory_space<hbm>>
      tpu.wait_dma2 semaphore(%arg34 : memref<!tpu.dma_semaphore, #tpu.memory_space<semaphore_mem>>) src(%dma_wait3A_270 : memref<80xi32, #tpu.memory_space<hbm>>) dst(%arg18 : memref<80xi32, #tpu.memory_space<vmem>>)
      %dma_start3A_271 = arith.constant 0 : i32
      %dma_start3A_272 = arith.constant 0 : i32
      %dma_start3A_273 = tpu.memref_slice %arg6[%dma_start3A_271, %dma_start3A_272] : memref<10000x128xf32, #tpu.memory_space<vmem_shared>> -> memref<10000x128xf32, #tpu.memory_space<vmem_shared>>
      tpu.enqueue_indirect_dma source(%arg10 : memref<80x128xf32, #tpu.memory_space<vmem>>) target(%dma_start3A_273 : memref<10000x128xf32, #tpu.memory_space<vmem_shared>>) offsets(%arg18 : memref<80xi32, #tpu.memory_space<vmem>>) semaphore(%arg26 : memref<!tpu.dma_semaphore, #tpu.memory_space<semaphore_mem>>) {add = true}
      %mul3A_274 = arith.constant 4 : i32
      %mul3A_275 = arith.muli %scan3A_129, %mul3A_274 : i32
      %add3A_276 = arith.constant 3 : i32
      %add3A_277 = arith.addi %mul3A_275, %add3A_276 : i32
      %dma_wait3A_278 = arith.constant 0 : i32
      %dma_wait3A_279 = arith.constant 0 : i32
      %dma_wait3A_280 = tpu.memref_slice %arg2[%dma_wait3A_278, %dma_wait3A_279] : memref<10000x128xf32, #tpu.memory_space<hbm>> -> memref<10000x128xf32, #tpu.memory_space<hbm>>
      tpu.wait_indirect_dma semaphore(%arg23 : memref<!tpu.dma_semaphore, #tpu.memory_space<semaphore_mem>>) src(%dma_wait3A_280 : memref<10000x128xf32, #tpu.memory_space<hbm>>) dst(%arg11 : memref<80x128xf32, #tpu.memory_space<vmem>>)
      %add3A_281 = arith.constant 4 : i32
      %add3A_282 = arith.addi %add3A_277, %add3A_281 : i32
      %lt3A_283 = arith.constant 125 : i32
      %lt3A_284 = arith.cmpi slt, %add3A_282, %lt3A_283 : i32
      %convert_element_type3A_285 = arith.extui %lt3A_284 : i1 to i32
      %cond3A_286 = arith.constant 0 : i32
      %cond3A_287 = arith.cmpi ne, %convert_element_type3A_285, %cond3A_286 : i32
      scf.if %cond3A_287 {
        %add3A_298 = arith.constant 4 : i32
        %add3A_299 = arith.addi %add3A_277, %add3A_298 : i32
        %dma_start3A_300 = arith.constant 0 : i32
        %dma_start3A_301 = arith.constant 0 : i32
        %dma_start3A_302 = tpu.memref_slice %arg3[%add3A, %add3A_299, %dma_start3A_300, %dma_start3A_301] : memref<32x125x1x80xi32, #tpu.memory_space<hbm>> -> memref<1x1x1x80xi32, #tpu.memory_space<hbm>>
        %dma_start3A_303 = tpu.memref_squeeze %dma_start3A_302 : memref<1x1x1x80xi32, #tpu.memory_space<hbm>> -> memref<80xi32, #tpu.memory_space<hbm>>
        %dma_start3A_304 = arith.constant 0 : i32
        %dma_start3A_305 = tpu.memref_slice %arg3[%add3A, %add3A_299, %dma_start3A_300, %dma_start3A_304] : memref<32x125x1x80xi32, #tpu.memory_space<hbm>> -> memref<1x1x1x80xi32, #tpu.memory_space<hbm>>
        %dma_start3A_306 = tpu.memref_squeeze %dma_start3A_305 : memref<1x1x1x80xi32, #tpu.memory_space<hbm>> -> memref<80xi32, #tpu.memory_space<hbm>>
        tpu.enqueue_dma source(%dma_start3A_306 : memref<80xi32, #tpu.memory_space<hbm>>) target(%arg15 : memref<80xi32, #tpu.memory_space<vmem>>) target_semaphore(%arg31 : memref<!tpu.dma_semaphore, #tpu.memory_space<semaphore_mem>>)
      } else {
      }
      %dma_wait3A_288 = arith.constant 0 : i32
      %dma_wait3A_289 = arith.constant 0 : i32
      %dma_wait3A_290 = tpu.memref_slice %arg4[%add3A, %add3A_277, %dma_wait3A_288, %dma_wait3A_289] : memref<32x125x1x80xi32, #tpu.memory_space<hbm>> -> memref<1x1x1x80xi32, #tpu.memory_space<hbm>>
      %dma_wait3A_291 = tpu.memref_squeeze %dma_wait3A_290 : memref<1x1x1x80xi32, #tpu.memory_space<hbm>> -> memref<80xi32, #tpu.memory_space<hbm>>
      %dma_wait3A_292 = arith.constant 0 : i32
      %dma_wait3A_293 = tpu.memref_slice %arg4[%add3A, %add3A_277, %dma_wait3A_288, %dma_wait3A_292] : memref<32x125x1x80xi32, #tpu.memory_space<hbm>> -> memref<1x1x1x80xi32, #tpu.memory_space<hbm>>
      %dma_wait3A_294 = tpu.memref_squeeze %dma_wait3A_293 : memref<1x1x1x80xi32, #tpu.memory_space<hbm>> -> memref<80xi32, #tpu.memory_space<hbm>>
      tpu.wait_dma2 semaphore(%arg35 : memref<!tpu.dma_semaphore, #tpu.memory_space<semaphore_mem>>) src(%dma_wait3A_294 : memref<80xi32, #tpu.memory_space<hbm>>) dst(%arg19 : memref<80xi32, #tpu.memory_space<vmem>>)
      %dma_start3A_295 = arith.constant 0 : i32
      %dma_start3A_296 = arith.constant 0 : i32
      %dma_start3A_297 = tpu.memref_slice %arg6[%dma_start3A_295, %dma_start3A_296] : memref<10000x128xf32, #tpu.memory_space<vmem_shared>> -> memref<10000x128xf32, #tpu.memory_space<vmem_shared>>
      tpu.enqueue_indirect_dma source(%arg11 : memref<80x128xf32, #tpu.memory_space<vmem>>) target(%dma_start3A_297 : memref<10000x128xf32, #tpu.memory_space<vmem_shared>>) offsets(%arg19 : memref<80xi32, #tpu.memory_space<vmem>>) semaphore(%arg27 : memref<!tpu.dma_semaphore, #tpu.memory_space<semaphore_mem>>) {add = true}
    }
    %scan3A_78 = arith.constant 31 : i32
    %dma_wait3A = arith.constant 0 : i32
    %dma_wait3A_79 = arith.constant 0 : i32
    %dma_wait3A_80 = tpu.memref_slice %arg6[%dma_wait3A, %dma_wait3A_79] : memref<10000x128xf32, #tpu.memory_space<vmem_shared>> -> memref<10000x128xf32, #tpu.memory_space<vmem_shared>>
    tpu.wait_indirect_dma semaphore(%arg24 : memref<!tpu.dma_semaphore, #tpu.memory_space<semaphore_mem>>) src(%arg8 : memref<80x128xf32, #tpu.memory_space<vmem>>) dst(%dma_wait3A_80 : memref<10000x128xf32, #tpu.memory_space<vmem_shared>>)
    %dma_start3A_81 = arith.constant 124 : i32
    %dma_start3A_82 = arith.constant 0 : i32
    %dma_start3A_83 = arith.constant 0 : i32
    %dma_start3A_84 = tpu.memref_slice %arg4[%add3A, %dma_start3A_81, %dma_start3A_82, %dma_start3A_83] : memref<32x125x1x80xi32, #tpu.memory_space<hbm>> -> memref<1x1x1x80xi32, #tpu.memory_space<hbm>>
    %dma_start3A_85 = tpu.memref_squeeze %dma_start3A_84 : memref<1x1x1x80xi32, #tpu.memory_space<hbm>> -> memref<80xi32, #tpu.memory_space<hbm>>
    %dma_start3A_86 = arith.constant 0 : i32
    %dma_start3A_87 = tpu.memref_slice %arg4[%add3A, %dma_start3A_81, %dma_start3A_82, %dma_start3A_86] : memref<32x125x1x80xi32, #tpu.memory_space<hbm>> -> memref<1x1x1x80xi32, #tpu.memory_space<hbm>>
    %dma_start3A_88 = tpu.memref_squeeze %dma_start3A_87 : memref<1x1x1x80xi32, #tpu.memory_space<hbm>> -> memref<80xi32, #tpu.memory_space<hbm>>
    tpu.enqueue_dma source(%dma_start3A_88 : memref<80xi32, #tpu.memory_space<hbm>>) target(%arg16 : memref<80xi32, #tpu.memory_space<vmem>>) target_semaphore(%arg32 : memref<!tpu.dma_semaphore, #tpu.memory_space<semaphore_mem>>)
    %dma_wait3A_89 = arith.constant 124 : i32
    %dma_wait3A_90 = arith.constant 0 : i32
    %dma_wait3A_91 = arith.constant 0 : i32
    %dma_wait3A_92 = tpu.memref_slice %arg3[%add3A, %dma_wait3A_89, %dma_wait3A_90, %dma_wait3A_91] : memref<32x125x1x80xi32, #tpu.memory_space<hbm>> -> memref<1x1x1x80xi32, #tpu.memory_space<hbm>>
    %dma_wait3A_93 = tpu.memref_squeeze %dma_wait3A_92 : memref<1x1x1x80xi32, #tpu.memory_space<hbm>> -> memref<80xi32, #tpu.memory_space<hbm>>
    %dma_wait3A_94 = arith.constant 0 : i32
    %dma_wait3A_95 = tpu.memref_slice %arg3[%add3A, %dma_wait3A_89, %dma_wait3A_90, %dma_wait3A_94] : memref<32x125x1x80xi32, #tpu.memory_space<hbm>> -> memref<1x1x1x80xi32, #tpu.memory_space<hbm>>
    %dma_wait3A_96 = tpu.memref_squeeze %dma_wait3A_95 : memref<1x1x1x80xi32, #tpu.memory_space<hbm>> -> memref<80xi32, #tpu.memory_space<hbm>>
    tpu.wait_dma2 semaphore(%arg28 : memref<!tpu.dma_semaphore, #tpu.memory_space<semaphore_mem>>) src(%dma_wait3A_96 : memref<80xi32, #tpu.memory_space<hbm>>) dst(%arg12 : memref<80xi32, #tpu.memory_space<vmem>>)
    %dma_start3A_97 = arith.constant 0 : i32
    %dma_start3A_98 = arith.constant 0 : i32
    %dma_start3A_99 = tpu.memref_slice %arg2[%dma_start3A_97, %dma_start3A_98] : memref<10000x128xf32, #tpu.memory_space<hbm>> -> memref<10000x128xf32, #tpu.memory_space<hbm>>
    tpu.enqueue_indirect_dma source(%dma_start3A_99 : memref<10000x128xf32, #tpu.memory_space<hbm>>) target(%arg8 : memref<80x128xf32, #tpu.memory_space<vmem>>) offsets(%arg12 : memref<80xi32, #tpu.memory_space<vmem>>) semaphore(%arg20 : memref<!tpu.dma_semaphore, #tpu.memory_space<semaphore_mem>>)
    %dma_wait3A_100 = arith.constant 0 : i32
    %dma_wait3A_101 = arith.constant 0 : i32
    %dma_wait3A_102 = tpu.memref_slice %arg2[%dma_wait3A_100, %dma_wait3A_101] : memref<10000x128xf32, #tpu.memory_space<hbm>> -> memref<10000x128xf32, #tpu.memory_space<hbm>>
    tpu.wait_indirect_dma semaphore(%arg20 : memref<!tpu.dma_semaphore, #tpu.memory_space<semaphore_mem>>) src(%dma_wait3A_102 : memref<10000x128xf32, #tpu.memory_space<hbm>>) dst(%arg8 : memref<80x128xf32, #tpu.memory_space<vmem>>)
    %dma_wait3A_103 = arith.constant 124 : i32
    %dma_wait3A_104 = arith.constant 0 : i32
    %dma_wait3A_105 = arith.constant 0 : i32
    %dma_wait3A_106 = tpu.memref_slice %arg4[%add3A, %dma_wait3A_103, %dma_wait3A_104, %dma_wait3A_105] : memref<32x125x1x80xi32, #tpu.memory_space<hbm>> -> memref<1x1x1x80xi32, #tpu.memory_space<hbm>>
    %dma_wait3A_107 = tpu.memref_squeeze %dma_wait3A_106 : memref<1x1x1x80xi32, #tpu.memory_space<hbm>> -> memref<80xi32, #tpu.memory_space<hbm>>
    %dma_wait3A_108 = arith.constant 0 : i32
    %dma_wait3A_109 = tpu.memref_slice %arg4[%add3A, %dma_wait3A_103, %dma_wait3A_104, %dma_wait3A_108] : memref<32x125x1x80xi32, #tpu.memory_space<hbm>> -> memref<1x1x1x80xi32, #tpu.memory_space<hbm>>
    %dma_wait3A_110 = tpu.memref_squeeze %dma_wait3A_109 : memref<1x1x1x80xi32, #tpu.memory_space<hbm>> -> memref<80xi32, #tpu.memory_space<hbm>>
    tpu.wait_dma2 semaphore(%arg32 : memref<!tpu.dma_semaphore, #tpu.memory_space<semaphore_mem>>) src(%dma_wait3A_110 : memref<80xi32, #tpu.memory_space<hbm>>) dst(%arg16 : memref<80xi32, #tpu.memory_space<vmem>>)
    %dma_start3A_111 = arith.constant 0 : i32
    %dma_start3A_112 = arith.constant 0 : i32
    %dma_start3A_113 = tpu.memref_slice %arg6[%dma_start3A_111, %dma_start3A_112] : memref<10000x128xf32, #tpu.memory_space<vmem_shared>> -> memref<10000x128xf32, #tpu.memory_space<vmem_shared>>
    tpu.enqueue_indirect_dma source(%arg8 : memref<80x128xf32, #tpu.memory_space<vmem>>) target(%dma_start3A_113 : memref<10000x128xf32, #tpu.memory_space<vmem_shared>>) offsets(%arg16 : memref<80xi32, #tpu.memory_space<vmem>>) semaphore(%arg24 : memref<!tpu.dma_semaphore, #tpu.memory_space<semaphore_mem>>) {add = true}
    %dma_wait3A_114 = arith.constant 0 : i32
    %dma_wait3A_115 = arith.constant 0 : i32
    %dma_wait3A_116 = tpu.memref_slice %arg6[%dma_wait3A_114, %dma_wait3A_115] : memref<10000x128xf32, #tpu.memory_space<vmem_shared>> -> memref<10000x128xf32, #tpu.memory_space<vmem_shared>>
    tpu.wait_indirect_dma semaphore(%arg24 : memref<!tpu.dma_semaphore, #tpu.memory_space<semaphore_mem>>) src(%arg8 : memref<80x128xf32, #tpu.memory_space<vmem>>) dst(%dma_wait3A_116 : memref<10000x128xf32, #tpu.memory_space<vmem_shared>>)
    %dma_wait3A_117 = arith.constant 0 : i32
    %dma_wait3A_118 = arith.constant 0 : i32
    %dma_wait3A_119 = tpu.memref_slice %arg6[%dma_wait3A_117, %dma_wait3A_118] : memref<10000x128xf32, #tpu.memory_space<vmem_shared>> -> memref<10000x128xf32, #tpu.memory_space<vmem_shared>>
    tpu.wait_indirect_dma semaphore(%arg25 : memref<!tpu.dma_semaphore, #tpu.memory_space<semaphore_mem>>) src(%arg9 : memref<80x128xf32, #tpu.memory_space<vmem>>) dst(%dma_wait3A_119 : memref<10000x128xf32, #tpu.memory_space<vmem_shared>>)
    %dma_wait3A_120 = arith.constant 0 : i32
    %dma_wait3A_121 = arith.constant 0 : i32
    %dma_wait3A_122 = tpu.memref_slice %arg6[%dma_wait3A_120, %dma_wait3A_121] : memref<10000x128xf32, #tpu.memory_space<vmem_shared>> -> memref<10000x128xf32, #tpu.memory_space<vmem_shared>>
    tpu.wait_indirect_dma semaphore(%arg26 : memref<!tpu.dma_semaphore, #tpu.memory_space<semaphore_mem>>) src(%arg10 : memref<80x128xf32, #tpu.memory_space<vmem>>) dst(%dma_wait3A_122 : memref<10000x128xf32, #tpu.memory_space<vmem_shared>>)
    %dma_wait3A_123 = arith.constant 0 : i32
    %dma_wait3A_124 = arith.constant 0 : i32
    %dma_wait3A_125 = tpu.memref_slice %arg6[%dma_wait3A_123, %dma_wait3A_124] : memref<10000x128xf32, #tpu.memory_space<vmem_shared>> -> memref<10000x128xf32, #tpu.memory_space<vmem_shared>>
    tpu.wait_indirect_dma semaphore(%arg27 : memref<!tpu.dma_semaphore, #tpu.memory_space<semaphore_mem>>) src(%arg11 : memref<80x128xf32, #tpu.memory_space<vmem>>) dst(%dma_wait3A_125 : memref<10000x128xf32, #tpu.memory_space<vmem_shared>>)
    %barrier3A_126 = arith.constant 0 : index
    tpu.barrier barrier_id(%barrier3A_126)
    %mul3A_127 = arith.constant 625 : i32
    %mul3A_128 = arith.muli %arg1, %mul3A_127 : i32
    "tpu.region"() ({
      %run_scoped3A = tpu.sem_alloc : memref<!tpu.dma_semaphore, #tpu.memory_space<semaphore_mem>>
      %dma_start3A_129 = arith.constant 0 : i32
      %dma_start3A_130 = arith.constant 0 : i32
      %dma_start3A_131 = tpu.memref_slice %arg5[%arg0, %arg1, %dma_start3A_129, %dma_start3A_130] : memref<2x16x625x128xf32, #tpu.memory_space<hbm>> -> memref<1x1x625x128xf32, #tpu.memory_space<hbm>>
      %dma_start3A_132 = tpu.memref_squeeze %dma_start3A_131 : memref<1x1x625x128xf32, #tpu.memory_space<hbm>> -> memref<625x128xf32, #tpu.memory_space<hbm>>
      %dma_start3A_133 = arith.constant 0 : i32
      %dma_start3A_134 = tpu.memref_slice %arg6[%mul3A_128, %dma_start3A_133] : memref<10000x128xf32, #tpu.memory_space<vmem_shared>> -> memref<625x128xf32, #tpu.memory_space<vmem_shared>>
      tpu.enqueue_dma source(%dma_start3A_134 : memref<625x128xf32, #tpu.memory_space<vmem_shared>>) target(%dma_start3A_132 : memref<625x128xf32, #tpu.memory_space<hbm>>) target_semaphore(%run_scoped3A : memref<!tpu.dma_semaphore, #tpu.memory_space<semaphore_mem>>)
      %dma_wait3A_135 = arith.constant 0 : i32
      %dma_wait3A_136 = arith.constant 0 : i32
      %dma_wait3A_137 = tpu.memref_slice %arg5[%arg0, %arg1, %dma_wait3A_135, %dma_wait3A_136] : memref<2x16x625x128xf32, #tpu.memory_space<hbm>> -> memref<1x1x625x128xf32, #tpu.memory_space<hbm>>
      %dma_wait3A_138 = tpu.memref_squeeze %dma_wait3A_137 : memref<1x1x625x128xf32, #tpu.memory_space<hbm>> -> memref<625x128xf32, #tpu.memory_space<hbm>>
      %dma_wait3A_139 = arith.constant 0 : i32
      %dma_wait3A_140 = tpu.memref_slice %arg6[%mul3A_128, %dma_wait3A_139] : memref<10000x128xf32, #tpu.memory_space<vmem_shared>> -> memref<625x128xf32, #tpu.memory_space<vmem_shared>>
      tpu.wait_dma2 semaphore(%run_scoped3A : memref<!tpu.dma_semaphore, #tpu.memory_space<semaphore_mem>>) src(%dma_wait3A_140 : memref<625x128xf32, #tpu.memory_space<vmem_shared>>) dst(%dma_wait3A_138 : memref<625x128xf32, #tpu.memory_space<hbm>>)
      tpu.yield
    }) : () -> ()
    return
  }
}

module attributes {stable_mosaic.version = 14 : i64} {
  func.func @_tc_mm_body(%arg0: i32, %arg1: memref<400x128xf32, #tpu.memory_space<vmem>>, %arg2: memref<128x128xf32, #tpu.memory_space<vmem>>, %arg3: memref<400x128xf32, #tpu.memory_space<vmem>>) attributes {dimension_semantics = [#tpu.dimension_semantics<arbitrary>], iteration_bounds = array<i64: 25>, scalar_prefetch = 0 : i64, scratch_operands = 0 : i64, tpu.core_type = #tpu.core_type<tc>, window_params = [{transform_indices = @transform_0, window_bounds = array<i64: 400, 128>}, {pipeline_mode = #tpu.pipeline_mode<synchronous>, transform_indices = @transform_1, window_bounds = array<i64: 128, 128>}, {transform_indices = @transform_2, window_bounds = array<i64: 400, 128>}]} {
    %get3A = arith.constant 0 : index
    %get3A_0 = arith.constant 0 : index
    %get3A_1 = vector.load %arg1[%get3A, %get3A_0] : memref<400x128xf32, #tpu.memory_space<vmem>>, vector<400x128xf32>
    %get3A_2 = arith.constant 0 : index
    %get3A_3 = arith.constant 0 : index
    %get3A_4 = vector.load %arg2[%get3A_2, %get3A_3] : memref<128x128xf32, #tpu.memory_space<vmem>>, vector<128x128xf32>
    %dot_general3A = arith.constant dense<0.000000e+00> : vector<400x128xf32>
    %dot_general3A_5 = tpu.matmul %get3A_1, %get3A_4, %dot_general3A {dimension_numbers = #tpu.dot_dimension_numbers<[1], [0], [0], [1], [0, 0, 1, 1], [], []>, transpose_lhs_hint = false} : vector<400x128xf32>, vector<128x128xf32>, vector<400x128xf32> -> vector<400x128xf32>
    %swap3A = arith.constant 0 : index
    %swap3A_6 = arith.constant 0 : index
    %swap3A_7 = vector.load %arg3[%swap3A, %swap3A_6] : memref<400x128xf32, #tpu.memory_space<vmem>>, vector<400x128xf32>
    tpu.vector_store %arg3[%swap3A, %swap3A_6], %dot_general3A_5 {strides = array<i32>} : memref<400x128xf32, #tpu.memory_space<vmem>>, vector<400x128xf32>,
    return
  }
  func.func @transform_0(%arg0: i32) -> (i32, i32) {
    %c0_i32 = arith.constant 0 : i32
    %c0_i32_0 = arith.constant 0 : i32
    return %arg0, %c0_i32 : i32, i32
  }
  func.func @transform_1(%arg0: i32) -> (i32, i32) {
    %c0_i32 = arith.constant 0 : i32
    %c0_i32_0 = arith.constant 0 : i32
    %c0_i32_1 = arith.constant 0 : i32
    return %c0_i32, %c0_i32_0 : i32, i32
  }
  func.func @transform_2(%arg0: i32) -> (i32, i32) {
    %c0_i32 = arith.constant 0 : i32
    %c0_i32_0 = arith.constant 0 : i32
    return %arg0, %c0_i32 : i32, i32
  }
}

module attributes {stable_mosaic.version = 14 : i64} {
  func.func @_tc0_body(%arg0: i32, %arg1: memref<400x128xf32, #tpu.memory_space<vmem>>, %arg2: memref<32x1x1x400xf32, #tpu.memory_space<vmem>>, %arg3: memref<400x128xf32, #tpu.memory_space<vmem>>, %arg4: memref<400x1xf32, #tpu.memory_space<vmem>>) attributes {dimension_semantics = [#tpu.dimension_semantics<arbitrary>], iteration_bounds = array<i64: 25>, scalar_prefetch = 0 : i64, scratch_operands = 0 : i64, tpu.core_type = #tpu.core_type<tc>, window_params = [{transform_indices = @transform_0, window_bounds = array<i64: 400, 128>}, {transform_indices = @transform_1, window_bounds = array<i64: 32, 1, 1, 400>}, {transform_indices = @transform_2, window_bounds = array<i64: 400, 128>}, {transform_indices = @transform_3, window_bounds = array<i64: 400, 1>}]} {
    %get3A = arith.constant 0 : index
    %get3A_0 = arith.constant 0 : index
    %get3A_1 = arith.constant 0 : index
    %get3A_2 = arith.constant 0 : index
    %get3A_3 = vector.load %arg2[%get3A, %get3A_0, %get3A_1, %get3A_2] : memref<32x1x1x400xf32, #tpu.memory_space<vmem>>, vector<32x1x1x400xf32>
    %squeeze3A = vector.shape_cast %get3A_3 : vector<32x1x1x400xf32> to vector<32x400xf32>
    %reduce_sum3A = arith.constant dense<0.000000e+00> : vector<400xf32>
    %reduce_sum3A_4 = vector.multi_reduction <add>, %squeeze3A, %reduce_sum3A [0] : vector<32x400xf32> to vector<400xf32>
    %add3A = arith.constant 1.000000e+00 : f32
    %add3A_5 = vector.broadcast %add3A : f32 to vector<400xf32>
    %add3A_6 = arith.addf %reduce_sum3A_4, %add3A_5 : vector<400xf32>
    %rsqrt3A = math.rsqrt %add3A_6 : vector<400xf32>
    %get3A_7 = arith.constant 0 : index
    %get3A_8 = arith.constant 0 : index
    %get3A_9 = vector.load %arg1[%get3A_7, %get3A_8] : memref<400x128xf32, #tpu.memory_space<vmem>>, vector<400x128xf32>
    %broadcast_in_dim3A = vector.shape_cast %rsqrt3A : vector<400xf32> to vector<400x1xf32>
    %mul3A = vector.broadcast %broadcast_in_dim3A : vector<400x1xf32> to vector<400x128xf32>
    %mul3A_10 = arith.mulf %get3A_9, %mul3A : vector<400x128xf32>
    %swap3A = arith.constant 0 : index
    %swap3A_11 = arith.constant 0 : index
    %swap3A_12 = vector.load %arg3[%swap3A, %swap3A_11] : memref<400x128xf32, #tpu.memory_space<vmem>>, vector<400x128xf32>
    tpu.vector_store %arg3[%swap3A, %swap3A_11], %mul3A_10 {strides = array<i32>} : memref<400x128xf32, #tpu.memory_space<vmem>>, vector<400x128xf32>,
    %broadcast_in_dim3A_13 = vector.shape_cast %rsqrt3A : vector<400xf32> to vector<400x1xf32>
    %swap3A_14 = arith.constant 0 : index
    %swap3A_15 = arith.constant 0 : index
    %swap3A_16 = vector.load %arg4[%swap3A_14, %swap3A_15] : memref<400x1xf32, #tpu.memory_space<vmem>>, vector<400x1xf32>
    tpu.vector_store %arg4[%swap3A_14, %swap3A_15], %broadcast_in_dim3A_13 {strides = array<i32>} : memref<400x1xf32, #tpu.memory_space<vmem>>, vector<400x1xf32>,
    return
  }
  func.func @transform_0(%arg0: i32) -> (i32, i32) {
    %c0_i32 = arith.constant 0 : i32
    %c0_i32_0 = arith.constant 0 : i32
    return %arg0, %c0_i32 : i32, i32
  }
  func.func @transform_1(%arg0: i32) -> (i32, i32, i32, i32) {
    %c0_i32 = arith.constant 0 : i32
    %c0_i32_0 = arith.constant 0 : i32
    %c0_i32_1 = arith.constant 0 : i32
    %c0_i32_2 = arith.constant 0 : i32
    return %c0_i32, %arg0, %c0_i32_0, %c0_i32_1 : i32, i32, i32, i32
  }
  func.func @transform_2(%arg0: i32) -> (i32, i32) {
    %c0_i32 = arith.constant 0 : i32
    %c0_i32_0 = arith.constant 0 : i32
    return %arg0, %c0_i32 : i32, i32
  }
  func.func @transform_3(%arg0: i32) -> (i32, i32) {
    %c0_i32 = arith.constant 0 : i32
    %c0_i32_0 = arith.constant 0 : i32
    return %arg0, %c0_i32 : i32, i32
  }
}

module attributes {stable_mosaic.version = 14 : i64} {
  func.func @_tc_mid_body(%arg0: i32, %arg1: memref<2x400x128xf32, #tpu.memory_space<vmem>>, %arg2: memref<400x128xf32, #tpu.memory_space<vmem>>, %arg3: memref<400x1xf32, #tpu.memory_space<vmem>>, %arg4: memref<1x128xf32, #tpu.memory_space<vmem>>, %arg5: memref<1x128xf32, #tpu.memory_space<vmem>>, %arg6: memref<1x128xf32, #tpu.memory_space<vmem>>, %arg7: memref<128x128xf32, #tpu.memory_space<vmem>>, %arg8: memref<400x128xf32, #tpu.memory_space<vmem>>) attributes {dimension_semantics = [#tpu.dimension_semantics<arbitrary>], iteration_bounds = array<i64: 25>, scalar_prefetch = 0 : i64, scratch_operands = 0 : i64, tpu.core_type = #tpu.core_type<tc>, window_params = [{transform_indices = @transform_0, window_bounds = array<i64: 2, 400, 128>}, {transform_indices = @transform_1, window_bounds = array<i64: 400, 128>}, {transform_indices = @transform_2, window_bounds = array<i64: 400, 1>}, {pipeline_mode = #tpu.pipeline_mode<synchronous>, transform_indices = @transform_3, window_bounds = array<i64: 1, 128>}, {pipeline_mode = #tpu.pipeline_mode<synchronous>, transform_indices = @transform_4, window_bounds = array<i64: 1, 128>}, {pipeline_mode = #tpu.pipeline_mode<synchronous>, transform_indices = @transform_5, window_bounds = array<i64: 1, 128>}, {pipeline_mode = #tpu.pipeline_mode<synchronous>, transform_indices = @transform_6, window_bounds = array<i64: 128, 128>}, {transform_indices = @transform_7, window_bounds = array<i64: 400, 128>}]} {
    %get3A = arith.constant 0 : index
    %get3A_0 = arith.constant 0 : index
    %get3A_1 = vector.load %arg3[%get3A, %get3A_0] : memref<400x1xf32, #tpu.memory_space<vmem>>, vector<400x1xf32>
    %get3A_2 = arith.constant 0 : index
    %get3A_3 = arith.constant 0 : index
    %get3A_4 = arith.constant 0 : index
    %get3A_5 = vector.load %arg1[%get3A_2, %get3A_3, %get3A_4] : memref<2x400x128xf32, #tpu.memory_space<vmem>>, vector<2x400x128xf32>
    %slice3A = vector.extract_strided_slice %get3A_5 {offsets = [0, 0, 0], sizes = [1, 400, 128], strides = [1, 1, 1]} : vector<2x400x128xf32> to vector<1x400x128xf32>
    %squeeze3A = vector.shape_cast %slice3A : vector<1x400x128xf32> to vector<400x128xf32>
    %slice3A_6 = vector.extract_strided_slice %get3A_5 {offsets = [1, 0, 0], sizes = [1, 400, 128], strides = [1, 1, 1]} : vector<2x400x128xf32> to vector<1x400x128xf32>
    %squeeze3A_7 = vector.shape_cast %slice3A_6 : vector<1x400x128xf32> to vector<400x128xf32>
    %add3A = arith.addf %squeeze3A, %squeeze3A_7 : vector<400x128xf32>
    %get3A_8 = arith.constant 0 : index
    %get3A_9 = arith.constant 0 : index
    %get3A_10 = vector.load %arg2[%get3A_8, %get3A_9] : memref<400x128xf32, #tpu.memory_space<vmem>>, vector<400x128xf32>
    %add3A_11 = arith.addf %add3A, %get3A_10 : vector<400x128xf32>
    %mul3A = vector.broadcast %get3A_1 : vector<400x1xf32> to vector<400x128xf32>
    %mul3A_12 = arith.mulf %mul3A, %add3A_11 : vector<400x128xf32>
    %get3A_13 = arith.constant 0 : index
    %get3A_14 = arith.constant 0 : index
    %get3A_15 = vector.load %arg4[%get3A_13, %get3A_14] : memref<1x128xf32, #tpu.memory_space<vmem>>, vector<1x128xf32>
    %add3A_16 = vector.broadcast %get3A_15 : vector<1x128xf32> to vector<400x128xf32>
    %add3A_17 = arith.addf %mul3A_12, %add3A_16 : vector<400x128xf32>
    %mul3A_18 = arith.constant 0.999994993 : f32
    %mul3A_19 = vector.broadcast %mul3A_18 : f32 to vector<400x128xf32>
    %mul3A_20 = arith.mulf %add3A_17, %mul3A_19 : vector<400x128xf32>
    %get3A_21 = arith.constant 0 : index
    %get3A_22 = arith.constant 0 : index
    %get3A_23 = vector.load %arg5[%get3A_21, %get3A_22] : memref<1x128xf32, #tpu.memory_space<vmem>>, vector<1x128xf32>
    %mul3A_24 = vector.broadcast %get3A_23 : vector<1x128xf32> to vector<400x128xf32>
    %mul3A_25 = arith.mulf %mul3A_20, %mul3A_24 : vector<400x128xf32>
    %get3A_26 = arith.constant 0 : index
    %get3A_27 = arith.constant 0 : index
    %get3A_28 = vector.load %arg6[%get3A_26, %get3A_27] : memref<1x128xf32, #tpu.memory_space<vmem>>, vector<1x128xf32>
    %add3A_29 = vector.broadcast %get3A_28 : vector<1x128xf32> to vector<400x128xf32>
    %add3A_30 = arith.addf %mul3A_25, %add3A_29 : vector<400x128xf32>
    %max3A = arith.constant 0.000000e+00 : f32
    %max3A_31 = vector.broadcast %max3A : f32 to vector<400x128xf32>
    %max3A_32 = arith.maximumf %add3A_30, %max3A_31 : vector<400x128xf32>
    %get3A_33 = arith.constant 0 : index
    %get3A_34 = arith.constant 0 : index
    %get3A_35 = vector.load %arg7[%get3A_33, %get3A_34] : memref<128x128xf32, #tpu.memory_space<vmem>>, vector<128x128xf32>
    %dot_general3A = arith.constant dense<0.000000e+00> : vector<400x128xf32>
    %dot_general3A_36 = tpu.matmul %max3A_32, %get3A_35, %dot_general3A {dimension_numbers = #tpu.dot_dimension_numbers<[1], [0], [0], [1], [0, 0, 1, 1], [], []>, transpose_lhs_hint = false} : vector<400x128xf32>, vector<128x128xf32>, vector<400x128xf32> -> vector<400x128xf32>
    %mul3A_37 = vector.broadcast %get3A_1 : vector<400x1xf32> to vector<400x128xf32>
    %mul3A_38 = arith.mulf %dot_general3A_36, %mul3A_37 : vector<400x128xf32>
    %swap3A = arith.constant 0 : index
    %swap3A_39 = arith.constant 0 : index
    %swap3A_40 = vector.load %arg8[%swap3A, %swap3A_39] : memref<400x128xf32, #tpu.memory_space<vmem>>, vector<400x128xf32>
    tpu.vector_store %arg8[%swap3A, %swap3A_39], %mul3A_38 {strides = array<i32>} : memref<400x128xf32, #tpu.memory_space<vmem>>, vector<400x128xf32>,
    return
  }
  func.func @transform_0(%arg0: i32) -> (i32, i32, i32) {
    %c0_i32 = arith.constant 0 : i32
    %c0_i32_0 = arith.constant 0 : i32
    %c0_i32_1 = arith.constant 0 : i32
    return %c0_i32, %arg0, %c0_i32_0 : i32, i32, i32
  }
  func.func @transform_1(%arg0: i32) -> (i32, i32) {
    %c0_i32 = arith.constant 0 : i32
    %c0_i32_0 = arith.constant 0 : i32
    return %arg0, %c0_i32 : i32, i32
  }
  func.func @transform_2(%arg0: i32) -> (i32, i32) {
    %c0_i32 = arith.constant 0 : i32
    %c0_i32_0 = arith.constant 0 : i32
    return %arg0, %c0_i32 : i32, i32
  }
  func.func @transform_3(%arg0: i32) -> (i32, i32) {
    %c0_i32 = arith.constant 0 : i32
    %c0_i32_0 = arith.constant 0 : i32
    %c0_i32_1 = arith.constant 0 : i32
    return %c0_i32, %c0_i32_0 : i32, i32
  }
  func.func @transform_4(%arg0: i32) -> (i32, i32) {
    %c0_i32 = arith.constant 0 : i32
    %c0_i32_0 = arith.constant 0 : i32
    %c0_i32_1 = arith.constant 0 : i32
    return %c0_i32, %c0_i32_0 : i32, i32
  }
  func.func @transform_5(%arg0: i32) -> (i32, i32) {
    %c0_i32 = arith.constant 0 : i32
    %c0_i32_0 = arith.constant 0 : i32
    %c0_i32_1 = arith.constant 0 : i32
    return %c0_i32, %c0_i32_0 : i32, i32
  }
  func.func @transform_6(%arg0: i32) -> (i32, i32) {
    %c0_i32 = arith.constant 0 : i32
    %c0_i32_0 = arith.constant 0 : i32
    %c0_i32_1 = arith.constant 0 : i32
    return %c0_i32, %c0_i32_0 : i32, i32
  }
  func.func @transform_7(%arg0: i32) -> (i32, i32) {
    %c0_i32 = arith.constant 0 : i32
    %c0_i32_0 = arith.constant 0 : i32
    return %arg0, %c0_i32 : i32, i32
  }
}

module attributes {stable_mosaic.version = 14 : i64} {
  func.func @_tc_fin_body(%arg0: i32, %arg1: memref<2x400x128xf32, #tpu.memory_space<vmem>>, %arg2: memref<400x128xf32, #tpu.memory_space<vmem>>, %arg3: memref<400x1xf32, #tpu.memory_space<vmem>>, %arg4: memref<1x128xf32, #tpu.memory_space<vmem>>, %arg5: memref<32x1x4x128xf32, #tpu.memory_space<vmem>>, %arg6: memref<32x1x4x16xf32, #tpu.memory_space<vmem>>, %arg7: memref<1x4x100xf32, #tpu.memory_space<vmem>>) attributes {dimension_semantics = [#tpu.dimension_semantics<arbitrary>], iteration_bounds = array<i64: 25>, scalar_prefetch = 0 : i64, scratch_operands = 0 : i64, tpu.core_type = #tpu.core_type<tc>, window_params = [{transform_indices = @transform_0, window_bounds = array<i64: 2, 400, 128>}, {transform_indices = @transform_1, window_bounds = array<i64: 400, 128>}, {transform_indices = @transform_2, window_bounds = array<i64: 400, 1>}, {pipeline_mode = #tpu.pipeline_mode<synchronous>, transform_indices = @transform_3, window_bounds = array<i64: 1, 128>}, {transform_indices = @transform_4, window_bounds = array<i64: 32, 1, 4, 128>}, {transform_indices = @transform_5, window_bounds = array<i64: 32, 1, 4, 16>}, {transform_indices = @transform_6, window_bounds = array<i64: 1, 4, 100>}]} {
    %get3A = arith.constant 0 : index
    %get3A_0 = arith.constant 0 : index
    %get3A_1 = arith.constant 0 : index
    %get3A_2 = vector.load %arg1[%get3A, %get3A_0, %get3A_1] : memref<2x400x128xf32, #tpu.memory_space<vmem>>, vector<2x400x128xf32>
    %get3A_3 = arith.constant 0 : index
    %get3A_4 = arith.constant 0 : index
    %get3A_5 = vector.load %arg3[%get3A_3, %get3A_4] : memref<400x1xf32, #tpu.memory_space<vmem>>, vector<400x1xf32>
    %slice3A = vector.extract_strided_slice %get3A_2 {offsets = [0, 0, 0], sizes = [1, 400, 128], strides = [1, 1, 1]} : vector<2x400x128xf32> to vector<1x400x128xf32>
    %squeeze3A = vector.shape_cast %slice3A : vector<1x400x128xf32> to vector<400x128xf32>
    %slice3A_6 = vector.extract_strided_slice %get3A_2 {offsets = [1, 0, 0], sizes = [1, 400, 128], strides = [1, 1, 1]} : vector<2x400x128xf32> to vector<1x400x128xf32>
    %squeeze3A_7 = vector.shape_cast %slice3A_6 : vector<1x400x128xf32> to vector<400x128xf32>
    %add3A = arith.addf %squeeze3A, %squeeze3A_7 : vector<400x128xf32>
    %get3A_8 = arith.constant 0 : index
    %get3A_9 = arith.constant 0 : index
    %get3A_10 = vector.load %arg2[%get3A_8, %get3A_9] : memref<400x128xf32, #tpu.memory_space<vmem>>, vector<400x128xf32>
    %add3A_11 = arith.addf %add3A, %get3A_10 : vector<400x128xf32>
    %mul3A = vector.broadcast %get3A_5 : vector<400x1xf32> to vector<400x128xf32>
    %mul3A_12 = arith.mulf %mul3A, %add3A_11 : vector<400x128xf32>
    %get3A_13 = arith.constant 0 : index
    %get3A_14 = arith.constant 0 : index
    %get3A_15 = vector.load %arg4[%get3A_13, %get3A_14] : memref<1x128xf32, #tpu.memory_space<vmem>>, vector<1x128xf32>
    %add3A_16 = vector.broadcast %get3A_15 : vector<1x128xf32> to vector<400x128xf32>
    %add3A_17 = arith.addf %mul3A_12, %add3A_16 : vector<400x128xf32>
    %iota3A = tpu.iota {dimensions = array<i32: 0>} : vector<4x400xi32>
    %iota3A_18 = tpu.iota {dimensions = array<i32: 1>} : vector<4x400xi32>
    %jit3A = arith.constant 100 : i32
    %div3A = vector.broadcast %jit3A : i32 to vector<4x400xi32>
    %div3A_19 = arith.divsi %iota3A_18, %div3A : vector<4x400xi32>
    %sign3A = arith.constant 0 : i32
    %sign3A_20 = vector.broadcast %sign3A : i32 to vector<4x400xi32>
    %sign3A_21 = arith.cmpi sgt, %iota3A_18, %sign3A_20 : vector<4x400xi32>
    %sign3A_22 = arith.extui %sign3A_21 : vector<4x400xi1> to vector<4x400xi32>
    %sign3A_23 = arith.constant 0 : i32
    %sign3A_24 = vector.broadcast %sign3A_23 : i32 to vector<4x400xi32>
    %sign3A_25 = arith.cmpi slt, %iota3A_18, %sign3A_24 : vector<4x400xi32>
    %sign3A_26 = arith.extui %sign3A_25 : vector<4x400xi1> to vector<4x400xi32>
    %sign3A_27 = arith.subi %sign3A_22, %sign3A_26 : vector<4x400xi32>
    %sign3A_28 = arith.constant 0 : i32
    %sign3A_29 = arith.cmpi sgt, %jit3A, %sign3A_28 : i32
    %sign3A_30 = arith.extui %sign3A_29 : i1 to i32
    %sign3A_31 = arith.constant 0 : i32
    %sign3A_32 = arith.cmpi slt, %jit3A, %sign3A_31 : i32
    %sign3A_33 = arith.extui %sign3A_32 : i1 to i32
    %sign3A_34 = arith.subi %sign3A_30, %sign3A_33 : i32
    %ne3A = vector.broadcast %sign3A_34 : i32 to vector<4x400xi32>
    %ne3A_35 = arith.cmpi ne, %sign3A_27, %ne3A : vector<4x400xi32>
    %rem3A = vector.broadcast %jit3A : i32 to vector<4x400xi32>
    %rem3A_36 = arith.remsi %iota3A_18, %rem3A : vector<4x400xi32>
    %ne3A_37 = arith.constant 0 : i32
    %ne3A_38 = vector.broadcast %ne3A_37 : i32 to vector<4x400xi32>
    %ne3A_39 = arith.cmpi ne, %rem3A_36, %ne3A_38 : vector<4x400xi32>
    %and3A = arith.andi %ne3A_35, %ne3A_39 : vector<4x400xi1>
    %sub3A = arith.constant 1 : i32
    %sub3A_40 = vector.broadcast %sub3A : i32 to vector<4x400xi32>
    %sub3A_41 = arith.subi %div3A_19, %sub3A_40 : vector<4x400xi32>
    %select_n3A = arith.select %and3A, %sub3A_41, %div3A_19 : vector<4x400xi1>, vector<4x400xi32>
    %eq3A = arith.cmpi eq, %iota3A, %select_n3A : vector<4x400xi32>
    %jit3A_42 = arith.constant 0.00999999977 : f32
    %jit3A_43 = arith.constant 0.000000e+00 : f32
    %broadcast_in_dim3A = vector.broadcast %jit3A_42 : f32 to vector<4x400xf32>
    %broadcast_in_dim3A_44 = vector.broadcast %jit3A_43 : f32 to vector<4x400xf32>
    %select_n3A_45 = arith.select %eq3A, %broadcast_in_dim3A, %broadcast_in_dim3A_44 : vector<4x400xi1>, vector<4x400xf32>
    %dot_general3A = arith.constant dense<0.000000e+00> : vector<4x128xf32>
    %dot_general3A_46 = tpu.matmul %select_n3A_45, %add3A_17, %dot_general3A {dimension_numbers = #tpu.dot_dimension_numbers<[1], [0], [0], [1], [0, 0, 1, 1], [], []>, transpose_lhs_hint = false} : vector<4x400xf32>, vector<400x128xf32>, vector<4x128xf32> -> vector<4x128xf32>
    %get3A_47 = arith.constant 0 : index
    %get3A_48 = arith.constant 0 : index
    %get3A_49 = arith.constant 0 : index
    %get3A_50 = arith.constant 0 : index
    %get3A_51 = vector.load %arg5[%get3A_47, %get3A_48, %get3A_49, %get3A_50] : memref<32x1x4x128xf32, #tpu.memory_space<vmem>>, vector<32x1x4x128xf32>
    %squeeze3A_52 = vector.shape_cast %get3A_51 : vector<32x1x4x128xf32> to vector<32x4x128xf32>
    %reduce_max3A = arith.constant dense<0xFF800000> : vector<4x128xf32>
    %reduce_max3A_53 = vector.multi_reduction <maximumf>, %squeeze3A_52, %reduce_max3A [0] : vector<32x4x128xf32> to vector<4x128xf32>
    %get3A_54 = arith.constant 0 : index
    %get3A_55 = arith.constant 0 : index
    %get3A_56 = arith.constant 0 : index
    %get3A_57 = arith.constant 0 : index
    %get3A_58 = vector.load %arg6[%get3A_54, %get3A_55, %get3A_56, %get3A_57] : memref<32x1x4x16xf32, #tpu.memory_space<vmem>>, vector<32x1x4x16xf32>
    %squeeze3A_59 = vector.shape_cast %get3A_58 : vector<32x1x4x16xf32> to vector<32x4x16xf32>
    %reduce_min3A = arith.constant dense<0x7F800000> : vector<32x4xf32>
    %reduce_min3A_60 = vector.multi_reduction <minimumf>, %squeeze3A_59, %reduce_min3A [2] : vector<32x4x16xf32> to vector<32x4xf32>
    %reduce_min3A_61 = arith.constant dense<0x7F800000> : vector<4xf32>
    %reduce_min3A_62 = vector.multi_reduction <minimumf>, %reduce_min3A_60, %reduce_min3A_61 [0] : vector<32x4xf32> to vector<4xf32>
    %iota3A_63 = tpu.iota {dimensions = array<i32: 0>} : vector<4x128xi32>
    %iota3A_64 = tpu.iota {dimensions = array<i32: 1>} : vector<4x128xi32>
    %mul3A_65 = arith.constant 4 : i32
    %mul3A_66 = arith.muli %arg0, %mul3A_65 : i32
    %add3A_67 = vector.broadcast %mul3A_66 : i32 to vector<4x128xi32>
    %add3A_68 = arith.addi %add3A_67, %iota3A_63 : vector<4x128xi32>
    %mul3A_69 = arith.constant 100 : i32
    %mul3A_70 = vector.broadcast %mul3A_69 : i32 to vector<4x128xi32>
    %mul3A_71 = arith.muli %add3A_68, %mul3A_70 : vector<4x128xi32>
    %add3A_72 = arith.addi %mul3A_71, %iota3A_64 : vector<4x128xi32>
    %convert_element_type3A = arith.sitofp %add3A_72 : vector<4x128xi32> to vector<4x128xf32>
    %gt3A = arith.constant 5.000000e-01 : f32
    %gt3A_73 = vector.broadcast %gt3A : f32 to vector<4x128xf32>
    %gt3A_74 = arith.cmpf ogt, %reduce_max3A_53, %gt3A_73 : vector<4x128xf32>
    %broadcast_in_dim3A_75 = vector.shape_cast %reduce_min3A_62 : vector<4xf32> to vector<4x1xf32>
    %ne3A_76 = vector.broadcast %broadcast_in_dim3A_75 : vector<4x1xf32> to vector<4x128xf32>
    %ne3A_77 = arith.cmpf one, %convert_element_type3A, %ne3A_76 : vector<4x128xf32>
    %and3A_78 = arith.andi %gt3A_74, %ne3A_77 : vector<4x128xi1>
    %jit3A_79 = arith.constant -1.000000e+10 : f32
    %broadcast_in_dim3A_80 = vector.broadcast %jit3A_79 : f32 to vector<4x128xf32>
    %select_n3A_81 = arith.select %and3A_78, %broadcast_in_dim3A_80, %dot_general3A_46 : vector<4x128xi1>, vector<4x128xf32>
    %slice3A_82 = vector.extract_strided_slice %select_n3A_81 {offsets = [0, 0], sizes = [4, 100], strides = [1, 1]} : vector<4x128xf32> to vector<4x100xf32>
    %broadcast_in_dim3A_83 = vector.shape_cast %slice3A_82 : vector<4x100xf32> to vector<1x4x100xf32>
    %swap3A = arith.constant 0 : index
    %swap3A_84 = arith.constant 0 : index
    %swap3A_85 = arith.constant 0 : index
    %swap3A_86 = vector.load %arg7[%swap3A, %swap3A_84, %swap3A_85] : memref<1x4x100xf32, #tpu.memory_space<vmem>>, vector<1x4x100xf32>
    tpu.vector_store %arg7[%swap3A, %swap3A_84, %swap3A_85], %broadcast_in_dim3A_83 {strides = array<i32>} : memref<1x4x100xf32, #tpu.memory_space<vmem>>, vector<1x4x100xf32>,
    return
  }
  func.func @transform_0(%arg0: i32) -> (i32, i32, i32) {
    %c0_i32 = arith.constant 0 : i32
    %c0_i32_0 = arith.constant 0 : i32
    %c0_i32_1 = arith.constant 0 : i32
    return %c0_i32, %arg0, %c0_i32_0 : i32, i32, i32
  }
  func.func @transform_1(%arg0: i32) -> (i32, i32) {
    %c0_i32 = arith.constant 0 : i32
    %c0_i32_0 = arith.constant 0 : i32
    return %arg0, %c0_i32 : i32, i32
  }
  func.func @transform_2(%arg0: i32) -> (i32, i32) {
    %c0_i32 = arith.constant 0 : i32
    %c0_i32_0 = arith.constant 0 : i32
    return %arg0, %c0_i32 : i32, i32
  }
  func.func @transform_3(%arg0: i32) -> (i32, i32) {
    %c0_i32 = arith.constant 0 : i32
    %c0_i32_0 = arith.constant 0 : i32
    %c0_i32_1 = arith.constant 0 : i32
    return %c0_i32, %c0_i32_0 : i32, i32
  }
  func.func @transform_4(%arg0: i32) -> (i32, i32, i32, i32) {
    %c0_i32 = arith.constant 0 : i32
    %c0_i32_0 = arith.constant 0 : i32
    %c0_i32_1 = arith.constant 0 : i32
    %c0_i32_2 = arith.constant 0 : i32
    return %c0_i32, %arg0, %c0_i32_0, %c0_i32_1 : i32, i32, i32, i32
  }
  func.func @transform_5(%arg0: i32) -> (i32, i32, i32, i32) {
    %c0_i32 = arith.constant 0 : i32
    %c0_i32_0 = arith.constant 0 : i32
    %c0_i32_1 = arith.constant 0 : i32
    %c0_i32_2 = arith.constant 0 : i32
    return %c0_i32, %arg0, %c0_i32_0, %c0_i32_1 : i32, i32, i32, i32
  }
  func.func @transform_6(%arg0: i32) -> (i32, i32, i32) {
    %c0_i32 = arith.constant 0 : i32
    %c0_i32_0 = arith.constant 0 : i32
    %c0_i32_1 = arith.constant 0 : i32
    return %arg0, %c0_i32, %c0_i32_0 : i32, i32, i32
  }
}

</mosaic_0001>

<sc_bundles>
// kernel: kernel.11.cloned.1.call-start
scs
__scs_entry_jumppad:
0x0: {  	(pc) =	sbr.rel $0x88, $3  }
0x1: {  	(tag) =	ssettag $0x0;
	lr =	simm.s32 $0x1  }
0x2: {  	[smem:$0x3F95] =	sst lr;
	_ =	strace $0xD0000000  }
0x3: {  	_ = 	snop  }
0x4: {  	_ = 	snop  }
0x5: {  	_ = 	snop  }
0x6: {  	_ = 	snop  }
0x7: {  	_ = 	snop  }
__scs_overlays_trampoline_lowered:
0x8: {  	[smem:$0x3FA4] =	sst s0  }
0x9: {  	[smem:$0x3FA5] =	sst s1  }
0xa: {  	[smem:$0x3FA6] =	sst s2  }
0xb: {  	[smem:$0x3FA7] =	sst s3  }
0xc: {  	[smem:$0x3FA8] =	sst s4  }
0xd: {  	[smem:$0x3FA9] =	sst s5  }
0xe: {  	[smem:$0x3FAA] =	sst s6  }
0xf: {  	[smem:$0x3FAB] =	sst s7  }
0x10: {  	[smem:$0x3FAC] =	sst s8  }
0x11: {  	[smem:$0x3FAD] =	sst s9;
	s0 =	simm.s32 @!p0 $0x0  }
0x12: {  	s1 =	sld [smem:$0x3F93];
	s0 =	simm.s32 @p0 $0x1  }
0x13: {  	[smem:$0x3FAE] =	sst s0;
	s0 =	simm.s32 @!p1 $0x0  }
0x14: {  	s2 =	sld [smem:$0x3F92];
	s0 =	simm.s32 @p1 $0x1  }
0x15: {  	[smem:$0x3FAF] =	sst s0;
	s0 =	simm.s32 @!p2 $0x0  }
0x16: {  	s3 =	sld [smem:$0x3FDB];
	s0 =	simm.s32 @p2 $0x1  }
0x17: {  	s4 =	simm.s32 $0x1BF5;
	[smem:$0x3FB1] =	sst s0  }
0x18: {  	s0 =	sld [smem:$0x3F94];
	_ =	swait.ge [sflag:s4], $0x0  }
0x19: {  	s7 =	sld [smem:$0x3F95]  }
0x1a: {  	s8 =	sadd.s32 $0xFFFFE003, lr  }
0x1b: {  	s9 =	sadd.s32 $0xFFFFFEF7, lr;
	s5 =	simm.s32 $0xFFFFFFFF;
	p2 =	slt.u32 s8, $0xFFFFF086  }
0x1c: {  	p1 =	slt.u32 s9, $0xF7A;
	s5 =	simm.s32 @!p2 $0x0  }
0x1d: {  	s5 =	simm.s32 @p1 $0x1;
	p0 =	seq.s32 s7, s2  }
0x1e: {  	s7 =	smul.u32 @!p0 $0xF7A, s2;
	p2 =	seq.s32 @!p0 s5, $0x0  }
0x1f: {  	s9 =	smul.u32 $0xF7A, s1;
	s8 =	simm.s32 @!p0 $0x1BF5;
	p2 =	por !p2, p0  }
0x20: {  	[sflag:s8] =	ssyncset.s32 @!p0 $0xFFFFF086;
	s6 =	sadd.s32 @!p0 s3, s7;
	s7 =	simm.s32 @!p0 $0x108  }
0x21: {  	s3 =	sadd.s32 s3, s9;
	s6 =	sadd.s32 @!p0 $0x88, s6;
	s7 =	simm.s32 @p2 $0x1082  }
0x22: {  	[simem:s7], [sflag:s8] =	dma.local @!p0 [hbm:s6], $0xF7A  }
0x23: {  	s9 =	sor.u32 $0xD0000000, s2;
	s6 =	simm.s32 $0x108;
	_ =	swait.ge @!p0 [sflag:s8], $0x0  }
0x24: {  	s3 =	sadd.s32 $0x88, s3;
	s6 =	simm.s32 @!p1 $0x1082;
	[sflag:s4] =	ssyncset.s32 $0xFFFFF086  }
0x25: {  	[simem:s6], [sflag:s4] =	dma.local [hbm:s3], $0xF7A  }
0x26: {  	[smem:$0x3F95] =	sst s1;
	(tag) =	ssettag s2;
	_ =	strace s9  }
0x27: {  	s1 =	sld [smem:$0x3FA5]  }
0x28: {  	s2 =	sld [smem:$0x3FA6]  }
0x29: {  	s4 =	sld [smem:$0x3FA8]  }
0x2a: {  	p0 =	seq.s32 s5, $0x0;
	s5 =	sld [smem:$0x3FA9]  }
0x2b: {  	s6 =	sld [smem:$0x3FAA]  }
0x2c: {  	s7 =	sld [smem:$0x3FAB]  }
0x2d: {  	s3 =	simm.s32 $0x108;
	s8 =	sld [smem:$0x3FAC]  }
0x2e: {  	s3 =	simm.s32 @!p0 $0x1082;
	s9 =	sld [smem:$0x3FAD]  }
0x2f: {  	lr =	sadd.s32 s0, s3;
	s0 =	sld [smem:$0x3FA4]  }
0x30: {  	s3 =	sld [smem:$0x3FA7]  }
0x31: {  	[smem:$0x3FB0] =	sst s10  }
0x32: {  	s10 =	sld [smem:$0x3FAE];
	_ =	sdelay $0x3  }
0x33: {  	p0 =	seq.s32 s10, $0x1;
	s10 =	sld [smem:$0x3FB0];
	_ =	sdelay $0x3  }
0x34: {  	[smem:$0x3FB0] =	sst s10  }
0x35: {  	s10 =	sld [smem:$0x3FAF];
	_ =	sdelay $0x3  }
0x36: {  	p1 =	seq.s32 s10, $0x1;
	s10 =	sld [smem:$0x3FB0];
	_ =	sdelay $0x3  }
0x37: {  	[smem:$0x3FB0] =	sst s10  }
0x38: {  	s10 =	sld [smem:$0x3FB1]  }
0x39: {  	_ = 	snop;
	(pc) =	sbr.ind lr, $3  }
0x3a: {  	_ = 	snop  }
0x3b: {  	_ = 	snop  }
0x3c: {  	p2 =	seq.s32 s10, $0x1;
	s10 =	sld [smem:$0x3FB0]  }
0x3d: {  	_ =	shalt  }
0x3e: {  	_ =	shalt  }
0x3f: {  	_ =	shalt  }
0x40: {  	_ =	shalt  }
0x41: {  	_ =	shalt  }
0x42: {  	_ =	shalt  }
0x43: {  	_ =	shalt  }
0x44: {  	_ =	shalt  }
0x45: {  	_ =	shalt  }
0x46: {  	_ =	shalt  }
0x47: {  	_ =	shalt  }
0x48: {  	_ =	shalt  }
0x49: {  	_ =	shalt  }
0x4a: {  	_ =	shalt  }
0x4b: {  	_ =	shalt  }
0x4c: {  	_ =	shalt  }
0x4d: {  	_ =	shalt  }
0x4e: {  	_ =	shalt  }
0x4f: {  	_ =	shalt  }
0x50: {  	_ =	shalt  }
0x51: {  	_ =	shalt  }
0x52: {  	_ =	shalt  }
0x53: {  	_ =	shalt  }
0x54: {  	_ =	shalt  }
0x55: {  	_ =	shalt  }
0x56: {  	_ =	shalt  }
0x57: {  	_ =	shalt  }
0x58: {  	_ =	shalt  }
0x59: {  	_ =	shalt  }
0x5a: {  	_ =	shalt  }
0x5b: {  	_ =	shalt  }
0x5c: {  	_ =	shalt  }
0x5d: {  	_ =	shalt  }
0x5e: {  	_ =	shalt  }
0x5f: {  	_ =	shalt  }
0x60: {  	_ =	shalt  }
0x61: {  	_ =	shalt  }
0x62: {  	_ =	shalt  }
0x63: {  	_ =	shalt  }
0x64: {  	_ =	shalt  }
0x65: {  	_ =	shalt  }
0x66: {  	_ =	shalt  }
0x67: {  	_ =	shalt  }
0x68: {  	_ =	shalt  }
0x69: {  	_ =	shalt  }
0x6a: {  	_ =	shalt  }
0x6b: {  	_ =	shalt  }
0x6c: {  	_ =	shalt  }
0x6d: {  	_ =	shalt  }
0x6e: {  	_ =	shalt  }
0x6f: {  	_ =	shalt  }
0x70: {  	_ =	shalt  }
0x71: {  	_ =	shalt  }
0x72: {  	_ =	shalt  }
0x73: {  	_ =	shalt  }
0x74: {  	_ =	shalt  }
0x75: {  	_ =	shalt  }
0x76: {  	_ =	shalt  }
0x77: {  	_ =	shalt  }
0x78: {  	_ =	shalt  }
0x79: {  	_ =	shalt  }
0x7a: {  	_ =	shalt  }
0x7b: {  	_ =	shalt  }
0x7c: {  	_ =	shalt  }
0x7d: {  	_ =	shalt  }
0x7e: {  	_ =	shalt  }
0x7f: {  	_ =	shalt  }
0x80: {  	_ =	shalt  }
0x81: {  	_ =	shalt  }
0x82: {  	_ =	shalt  }
0x83: {  	_ =	shalt  }
0x84: {  	_ =	shalt  }
0x85: {  	_ =	shalt  }
0x86: {  	_ =	shalt  }
0x87: {  	_ =	shalt  }
.Lfunc_end0:
.L_simem_size_0:
called_computation_lowered:
.L_overlay_start_0:
0x88: {  	s2 =	sld [smem:$0x3FD9]  }
0x89: {  	s3 =	sld [smem:$0x3FFE];
	_ =	sdelay $0x1  }
0x8a: {  	s1 =	srdreg.scid  }
0x8b: {  	s0 =	sand.u32 $0x1, s1  }
0x8c: {  	s16 =	sshll.u32 s0, $0xA;
	s2 =	sadd.s32 s3, s2  }
0x8d: {  	s2 =	sadd.s32 s2, s16  }
0x8e: {  	[smem:$0x3FBC] =	sst s2  }
0x8f: {  	_ = 	snop  }
0x90: {  	(tm) =	ssettm $0x1  }
0x91: {  	s17 =	sld [smem:$0x3FFB];
	_ =	sdelay $0x3  }
0x92: {  	_ =	strace s17  }
0x93: {  	s2 =	sld [smem:$0x3FFC];
	_ =	sdelay $0x3  }
0x94: {  	_ =	strace s2  }
0x95: {  	s2 =	sld [smem:$0x3FFD];
	_ =	sdelay $0x3  }
0x96: {  	_ =	strace s2  }
0x97: {  	_ =	strace $0x8FFFFFFF  }
0x98: {  	s18 =	sld [smem:$0x3FDB];
	_ =	sdelay $0x1  }
0x99: {  	s19 =	simm.s32 $_scs_section_size  }
0x9a: {  	s4 =	simm.s32 $_size__tile_overlayer_lowered;
	s5 =	simm.s32 $_tile_overlayer_lowered  }
0x9b: {  	s22 =	simm.s32 $0x1BFF;
	s21 =	sshll.u32 s5, $0x1;
	s2 =	sadd.s32 s19, s18  }
0x9c: {  	s6 =	simm.s32 $0x0;
	s20 =	sshll.u32 s4, $0x1;
	s4 =	sadd.s32 s21, s2  }
0x9d: {  	[timem:s6], [sflag:s22] =	dma.local [hbm:s4], s20  }
0x9e: {  	_ =	swait.ge [sflag:s22], s20  }
0x9f: {  	s3 =	ssub.s32 $0x0, s20;
	[sflag:s22] =	ssyncset.done $0x0  }
0xa0: {  	[sflag:s22] =	ssyncadd.s32 s3;
	_ =	sdelay $0x1  }
0xa1: {  	s23 =	simm.s32 $0x1B8B  }
0xa2: {  	_ =	swait.ge [sflag:s23], $0x1  }
0xa3: {  	[sflag:s23] =	ssyncset.done $0x0  }
0xa4: {  	s25 =	simm.s32 $0x1B8E;
	s24 =	sld [smem:$0x3FFE];
	[sflag:s23] =	ssyncadd.s32 $0xFFFFFFFF  }
0xa5: {  	s26 =	simm.s32 $execute0_lowered;
	[smem:$0x3FD2] =	sst s25  }
0xa6: {  	s4 =	sshll.u32 s26, $0x1;
	_ =	strace $0x80000046;
	[dreg:$0x1] =	wrdreg $0xFFFFFFFF  }
0xa7: {  	s28 =	simm.s32 $_size_execute0_lowered;
	s2 =	sadd.s32 s2, s4;
	[dreg:$0x0] =	wrdreg $0x0  }
0xa8: {  	s4 =	sshll.u32 s28, $0x1;
	[dreg:$0x2] =	wrdreg s2  }
0xa9: {  	[dreg:$0x3] =	wrdreg s4  }
0xaa: {  	[dreg:$0x4] =	wrdreg $0xC0  }
0xab: {  	_ =	task [dreg:s6], $0x5FFFF  }
0xac: {  	[dreg:$0x1] =	wrdreg $0xFFFFFFFF  }
0xad: {  	[dreg:$0x0] =	wrdreg $0x60  }
0xae: {  	[dreg:$0x2] =	wrdreg s24  }
0xaf: {  	[dreg:$0x3] =	wrdreg $0x9  }
0xb0: {  	_ =	task.clear_ibuf [dreg:s6], $0x4FFFF;
	_ =	strace $0x90000046  }
0xb1: {  	s29 =	simm.s32 $0x9;
	_ =	strace $0x80000048  }
0xb2: {  	_ =	swait.ge [sflag:s29], $0x1  }
0xb3: {  	[sflag:s29] =	ssyncadd.s32 $0xFFFFFFFF  }
0xb4: {  	_ =	strace $0x90000048  }
0xb5: {  	_ =	sfence  }
0xb6: {  	s30 =	sld [smem:$0x0];
	_ =	sdelay $0x2  }
0xb7: {  	s31 =	sshll.u32 s1, $0xD;
	s1 =	sshrl.u32 s1, $0x2  }
0xb8: {  	s3 =	sand.u32 $0x4000, s31;
	s1 =	sadd.s32 s1, s30  }
0xb9: {  	s0 =	sor.u32 s3, s0;
	s1 =	sshll.u32 s1, $0x11  }
0xba: {  	s0 =	sor.u32 s1, s0  }
0xbb: {  	s0 =	sadd.s32 $0x8F2B, s0  }
0xbc: {  	[sflag:s0] =	ssyncadd.remote.s32 $0x1  }
0xbd: {  	_ =	sfence.sel $0xFFFF  }
0xbe: {  	[dreg:$0x0] =	wrdreg $0xFFFFFFFF;
	(pc) =	sbr.abs _section_cstart, $3  }
0xbf: {  	[dreg:$0x1] =	wrdreg $0xFFFFFFFF  }
0xc0: {  	_ =	task.clear_ibuf [dreg:s6], $0x2FFFF;
	_ =	strace $0x9FFFFFFF  }
0xc1: {  	(tm) =	ssettm $0x7FFFFFFF  }
tec
execute0_lowered:
.L_overlay_start_1:
0x0: {  	(tag) =	ssettag $0x1  }
0x1: {  	s1 =	srdreg.scid;
	s0 =	stileid.u32  }
0x2: {  	s4 =	rddreg [dreg:$0x0];
	s2 =	simm.s32 $0x0;
	s10 =	simm.s32 $0xB700  }
0x3: {  	s11 =	simm.s32 $0x1;
	s3 =	sand.u32 $0x1, s1;
	s31 =	sshll.u32 s0, $0x1  }
0x4: {  	s12 =	simm.s32 $0x2780;
	s13 =	simm.s32 $0x5B80;
	s5 =	sor.u32 s3, s31  }
0x5: {  	s14 =	simm.s32 $0x2;
	s15 =	simm.s32 $0x0;
	s6 =	smul.u32 $0x4E2, s5  }
0x6: {  	s1 =	rddreg [dreg:$0x1];
	s3 =	ssub.s32 $0x2, s3;
	s7 =	smul.u32 $0x4F0, s5  }
0x7: {  	[smem:$0x7FF] =	sst s2;
	s5 =	smul.u32 $0x680, s5;
	s8 =	sshrl.u32 s3, $0x1  }
0x8: {  	_ =	strace $0x80000047;
	s8 =	ssub.s32 s3, s8;
	s6 =	sadd.s32 s6, s4  }
0x9: {  	s7 =	sadd.s32 s7, s4;
	s9 =	sadd.s32 s5, s4;
	s8 =	smax.u32 s8, $0x1  }
0xa: {  	v0 =	vimm.f32 $0.0e+00;
	s3 =	sadd.s32 $0xE800, s6;
	s4 =	sadd.s32 $0x4A00, s6;
	s5 =	sadd.s32 $0x18600, s7  }
0xb: {  	v1 =	vimm.f32 $1.000000000e+04;
	v2 =	vimm.f32 $1.000000000e+00;
	v3 =	vlaneseq.u32;
	s6 =	sadd.s32 $0x2F400, s9;
	s7 =	sadd.s32 $0x22400, s9;
	s9 =	simm.s32 $0x8F80  }
.LBB2_1:
0xc: {  	[tilespmem:s9], [sflag:$0x1] =	stream.linear.gather [hbm4b:s3+s2], $0x2710, $0x38;
	[tilespmem:$0xDE80] =	vst v63  }
0xd: {  	s17 =	simm.s32 $0x140;
	s16 =	simm.s32 $0x0  }
0xe: {  	[tilespmem:s10], [sflag:$0x1] =	stream.linear.gather [hbm4b:s4+s2], $0x2710, $0x38;
	[tilespmem:$0xDE80] =	vst v63  }
.LBB2_2:
0xf: {  	p0 =	sne.s32 s17, $0x9B00;
	[tilespmem:s16+$0x40] =	vst v0;
	s18 =	smov.u32 s17;
	s17 =	sadd.s32 $0x140, s17  }
.Ltmp0:
0x10: {  	[tilespmem:s16+$0x30] =	vst v0;
	(pc) =	sbr.rel @p0 .LBB2_2-.Ltmp0, $4  }
0x11: {  	[tilespmem:s16+$0x20] =	vst v0  }
0x12: {  	[tilespmem:s16+$0x0] =	vst v0  }
0x13: {  	[tilespmem:s16+$0x10] =	vst v0  }
0x14: {  	s16 =	sshra.s32 s18, $0x2  }
0x15: {  	[tilespmem:s16+$0x40] =	vst v0  }
0x16: {  	[tilespmem:s16+$0x30] =	vst v0  }
0x17: {  	[tilespmem:s16+$0x20] =	vst v0  }
0x18: {  	[tilespmem:s16+$0x0] =	vst v0  }
0x19: {  	[tilespmem:s16+$0x10] =	vst v0;
	s16 =	simm.s32 $0x0;
	s17 =	simm.s32 $0x200  }
.LBB2_4:
0x1a: {  	p0 =	sne.s32 s17, $0xC600;
	[tilespmem:s16+$0x27F0] =	vst v0  }
0x1b: {  	[tilespmem:s16+$0x2780] =	vst v0  }
0x1c: {  	[tilespmem:s16+$0x2790] =	vst v0  }
.Ltmp1:
0x1d: {  	[tilespmem:s16+$0x27A0] =	vst v0;
	(pc) =	sbr.rel @p0 .LBB2_4-.Ltmp1, $4  }
0x1e: {  	[tilespmem:s16+$0x27B0] =	vst v0  }
0x1f: {  	[tilespmem:s16+$0x27C0] =	vst v0  }
0x20: {  	[tilespmem:s16+$0x27D0] =	vst v0  }
0x21: {  	[tilespmem:s16+$0x27E0] =	vst v0;
	s16 =	sshra.s32 s17, $0x2;
	s17 =	sadd.s32 $0x200, s17  }
0x22: {  	[tilespmem:s16+$0x27F0] =	vst v0  }
0x23: {  	[tilespmem:s16+$0x2780] =	vst v0  }
0x24: {  	[tilespmem:s16+$0x2790] =	vst v0  }
0x25: {  	[tilespmem:s16+$0x27A0] =	vst v0  }
0x26: {  	[tilespmem:s16+$0x27B0] =	vst v0  }
0x27: {  	[tilespmem:s16+$0x27C0] =	vst v0  }
0x28: {  	[tilespmem:s16+$0x27D0] =	vst v0  }
0x29: {  	[tilespmem:s16+$0x27E0] =	vst v0;
	s16 =	simm.s32 $0x200;
	s17 =	simm.s32 $0x0  }
.LBB2_6:
0x2a: {  	p0 =	sne.s32 s16, $0xC600;
	[tilespmem:s17+$0x5B80] =	vst v1;
	s17 =	smov.u32 s16;
	s16 =	sadd.s32 $0x200, s16  }
.Ltmp2:
0x2b: {  	(pc) =	sbr.rel @p0 .LBB2_6-.Ltmp2, $2  }
0x2c: {  	_ =	sdelay $0x2  }
0x2d: {  	s17 =	sshra.s32 s17, $0x2  }
0x2e: {  	[tilespmem:s17+$0x5B80] =	vst v1  }
0x2f: {  	_ =	swait.ge [sflag:s11], $0x2710  }
0x30: {  	[sflag:s11] =	ssyncset.done $0x0  }
0x31: {  	[sflag:s11] =	ssyncadd.s32 $0xFFFFD8F0  }
0x32: {  	_ =	swait.ge [sflag:s11], $0x2710  }
0x33: {  	[sflag:s11] =	ssyncset.done $0x0  }
0x34: {  	s16 =	simm.s32 $0x0;
	[sflag:s11] =	ssyncadd.s32 $0xFFFFD8F0  }
.LBB2_8:
0x35: {  	s17 =	sshra.s32 s16, $0x2  }
0x36: {  	v4 =	vld [tilespmem:s17+$0x8F80]  }
0x37: {  	v5 =	vld [tilespmem:s17+$0xB700];
	_ =	sdelay $0x3  }
0x38: {  	v6 =	vcvt.s32.f32 v4  }
0x39: {  	v7 =	vcvt.s32.f32 v5  }
0x3a: {  	v6 =	vmul.f32 $9.999999770e-03, v6  }
0x3b: {  	v7 =	vmul.f32 $9.999999770e-03, v7  }
0x3c: {  	v6 =	vadd.f32 $4.999999890e-03, v6  }
0x3d: {  	v7 =	vadd.f32 $4.999999890e-03, v7  }
0x3e: {  	v6 =	vtrunc.f32 v6  }
0x3f: {  	v7 =	vtrunc.f32 v7;
	v6 =	vcvt.f32.s32 v6  }
0x40: {  	v7 =	vcvt.f32.s32 v7  }
0x41: {  	v8 =	vmul.u32 $0xFFFFFF9C, v6  }
0x42: {  	v9 =	vmul.u32 $0xFFFFFF9C, v7  }
0x43: {  	v11 =	vshll.u32 v6, $0x7;
	vm0 =	veq.s32 v6, v7;
	v8 =	vadd.s32 v4, v8  }
0x44: {  	v7 =	vshll.u32 v7, $0x7;
	v9 =	vadd.s32 v5, v9;
	v10 =	vand.u32 $0xFFFFFF80, v8  }
0x45: {  	v8 =	vand.u32 $0x7F, v8;
	v30 =	vand.u32 $0xFFFFFF80, v9;
	v10 =	vadd.s32 v11, v10  }
0x46: {  	v9 =	vand.u32 $0x7F, v9;
	v6 =	vadd.s32 v7, v30;
	v8 =	vor.u32 v8, v10  }
0x47: {  	v6 =	vor.u32 v9, v6  }
0x48: {  	v31 =	vor.u32 v3, v11;
	_ =	sdelay $0x1  }
0x49: {  	[tilespmem:v5+s2+$0x0] =	vst.idx.add.f32.msk $0xffff, v2  }
0x4a: {  	[tilespmem:v8+s12+$0x0] =	vst.idx.msk $0xffff, v2  }
0x4b: {  	[tilespmem:v6+s12+$0x0] =	vst.idx.msk vm0, v2  }
0x4c: {  	v6 =	vld.idx.msk [tilespmem:v31+s13+$0x0], $0xffff  }
0x4d: {  	vm7 =	vlt.s32 v4, v5  }
0x4e: {  	v4 =	vsel vm7, v4, v5  }
0x4f: {  	v4 =	vcvt.s32.f32 v4;
	_ =	sdelay $0x1  }
0x50: {  	v4 =	vmin.f32 v6, v4  }
0x51: {  	[tilespmem:v31+s13+$0x0] =	vst.idx.msk $0xffff, v4  }
0x52: {  	v4 =	vld [tilespmem:s17+$0x8F90]  }
0x53: {  	v5 =	vld [tilespmem:s17+$0xB710];
	_ =	sdelay $0x3  }
0x54: {  	v32 =	vcvt.s32.f32 v4  }
0x55: {  	v33 =	vcvt.s32.f32 v5  }
0x56: {  	v6 =	vmul.f32 $9.999999770e-03, v32  }
0x57: {  	v7 =	vmul.f32 $9.999999770e-03, v33  }
0x58: {  	v6 =	vadd.f32 $4.999999890e-03, v6  }
0x59: {  	v7 =	vadd.f32 $4.999999890e-03, v7  }
0x5a: {  	v6 =	vtrunc.f32 v6  }
0x5b: {  	v7 =	vtrunc.f32 v7;
	v6 =	vcvt.f32.s32 v6  }
0x5c: {  	v7 =	vcvt.f32.s32 v7  }
0x5d: {  	v34 =	vmul.u32 $0xFFFFFF9C, v6  }
0x5e: {  	v35 =	vmul.u32 $0xFFFFFF9C, v7  }
0x5f: {  	v37 =	vshll.u32 v6, $0x7;
	vm8 =	veq.s32 v6, v7;
	v8 =	vadd.s32 v4, v34  }
0x60: {  	v7 =	vshll.u32 v7, $0x7;
	v9 =	vadd.s32 v5, v35;
	v36 =	vand.u32 $0xFFFFFF80, v8  }
0x61: {  	v8 =	vand.u32 $0x7F, v8;
	v38 =	vand.u32 $0xFFFFFF80, v9;
	v10 =	vadd.s32 v37, v36  }
0x62: {  	v9 =	vand.u32 $0x7F, v9;
	v6 =	vadd.s32 v7, v38;
	v8 =	vor.u32 v8, v10  }
0x63: {  	v6 =	vor.u32 v9, v6  }
0x64: {  	v39 =	vor.u32 v3, v37;
	_ =	sdelay $0x1  }
0x65: {  	[tilespmem:v5+s2+$0x0] =	vst.idx.add.f32.msk $0xffff, v2  }
0x66: {  	[tilespmem:v8+s12+$0x0] =	vst.idx.msk $0xffff, v2  }
0x67: {  	[tilespmem:v6+s12+$0x0] =	vst.idx.msk vm8, v2  }
0x68: {  	v6 =	vld.idx.msk [tilespmem:v39+s13+$0x0], $0xffff  }
0x69: {  	vm9 =	vlt.s32 v4, v5  }
0x6a: {  	v4 =	vsel vm9, v4, v5  }
0x6b: {  	v4 =	vcvt.s32.f32 v4;
	_ =	sdelay $0x1  }
0x6c: {  	v4 =	vmin.f32 v6, v4  }
0x6d: {  	[tilespmem:v39+s13+$0x0] =	vst.idx.msk $0xffff, v4  }
0x6e: {  	v4 =	vld [tilespmem:s17+$0x8FA0]  }
0x6f: {  	v5 =	vld [tilespmem:s17+$0xB720];
	_ =	sdelay $0x3  }
0x70: {  	v40 =	vcvt.s32.f32 v4  }
0x71: {  	v41 =	vcvt.s32.f32 v5  }
0x72: {  	v6 =	vmul.f32 $9.999999770e-03, v40  }
0x73: {  	v7 =	vmul.f32 $9.999999770e-03, v41  }
0x74: {  	v6 =	vadd.f32 $4.999999890e-03, v6  }
0x75: {  	v7 =	vadd.f32 $4.999999890e-03, v7  }
0x76: {  	v6 =	vtrunc.f32 v6  }
0x77: {  	v7 =	vtrunc.f32 v7;
	v6 =	vcvt.f32.s32 v6  }
0x78: {  	v7 =	vcvt.f32.s32 v7  }
0x79: {  	v42 =	vmul.u32 $0xFFFFFF9C, v6  }
0x7a: {  	v43 =	vmul.u32 $0xFFFFFF9C, v7  }
0x7b: {  	v45 =	vshll.u32 v6, $0x7;
	vm10 =	veq.s32 v6, v7;
	v8 =	vadd.s32 v4, v42  }
0x7c: {  	v7 =	vshll.u32 v7, $0x7;
	v9 =	vadd.s32 v5, v43;
	v44 =	vand.u32 $0xFFFFFF80, v8  }
0x7d: {  	v8 =	vand.u32 $0x7F, v8;
	v46 =	vand.u32 $0xFFFFFF80, v9;
	v10 =	vadd.s32 v45, v44  }
0x7e: {  	v9 =	vand.u32 $0x7F, v9;
	v6 =	vadd.s32 v7, v46;
	v8 =	vor.u32 v8, v10  }
0x7f: {  	v6 =	vor.u32 v9, v6  }
0x80: {  	v47 =	vor.u32 v3, v45;
	_ =	sdelay $0x1  }
0x81: {  	[tilespmem:v5+s2+$0x0] =	vst.idx.add.f32.msk $0xffff, v2  }
0x82: {  	[tilespmem:v8+s12+$0x0] =	vst.idx.msk $0xffff, v2  }
0x83: {  	[tilespmem:v6+s12+$0x0] =	vst.idx.msk vm10, v2  }
0x84: {  	v6 =	vld.idx.msk [tilespmem:v47+s13+$0x0], $0xffff  }
0x85: {  	vm11 =	vlt.s32 v4, v5  }
0x86: {  	v4 =	vsel vm11, v4, v5  }
0x87: {  	v4 =	vcvt.s32.f32 v4;
	_ =	sdelay $0x1  }
0x88: {  	v4 =	vmin.f32 v6, v4  }
0x89: {  	[tilespmem:v47+s13+$0x0] =	vst.idx.msk $0xffff, v4  }
0x8a: {  	v4 =	vld [tilespmem:s17+$0x8FB0]  }
0x8b: {  	v5 =	vld [tilespmem:s17+$0xB730];
	_ =	sdelay $0x3  }
0x8c: {  	v48 =	vcvt.s32.f32 v4  }
0x8d: {  	v49 =	vcvt.s32.f32 v5  }
0x8e: {  	v6 =	vmul.f32 $9.999999770e-03, v48  }
0x8f: {  	v7 =	vmul.f32 $9.999999770e-03, v49  }
0x90: {  	v6 =	vadd.f32 $4.999999890e-03, v6  }
0x91: {  	v7 =	vadd.f32 $4.999999890e-03, v7  }
0x92: {  	v6 =	vtrunc.f32 v6  }
0x93: {  	v7 =	vtrunc.f32 v7;
	v6 =	vcvt.f32.s32 v6  }
0x94: {  	v7 =	vcvt.f32.s32 v7  }
0x95: {  	v50 =	vmul.u32 $0xFFFFFF9C, v6  }
0x96: {  	v51 =	vmul.u32 $0xFFFFFF9C, v7  }
0x97: {  	v53 =	vshll.u32 v6, $0x7;
	vm12 =	veq.s32 v6, v7;
	v8 =	vadd.s32 v4, v50  }
0x98: {  	v7 =	vshll.u32 v7, $0x7;
	v9 =	vadd.s32 v5, v51;
	v52 =	vand.u32 $0xFFFFFF80, v8  }
0x99: {  	v8 =	vand.u32 $0x7F, v8;
	v54 =	vand.u32 $0xFFFFFF80, v9;
	v10 =	vadd.s32 v53, v52  }
0x9a: {  	v9 =	vand.u32 $0x7F, v9;
	v6 =	vadd.s32 v7, v54;
	v8 =	vor.u32 v8, v10  }
0x9b: {  	v6 =	vor.u32 v9, v6  }
0x9c: {  	v55 =	vor.u32 v3, v53;
	_ =	sdelay $0x1  }
0x9d: {  	[tilespmem:v5+s2+$0x0] =	vst.idx.add.f32.msk $0xffff, v2  }
0x9e: {  	[tilespmem:v8+s12+$0x0] =	vst.idx.msk $0xffff, v2  }
0x9f: {  	[tilespmem:v6+s12+$0x0] =	vst.idx.msk vm12, v2  }
0xa0: {  	v6 =	vld.idx.msk [tilespmem:v55+s13+$0x0], $0xffff  }
0xa1: {  	vm13 =	vlt.s32 v4, v5  }
0xa2: {  	v4 =	vsel vm13, v4, v5  }
0xa3: {  	v4 =	vcvt.s32.f32 v4;
	_ =	sdelay $0x1  }
0xa4: {  	v4 =	vmin.f32 v6, v4  }
0xa5: {  	[tilespmem:v55+s13+$0x0] =	vst.idx.msk $0xffff, v4  }
0xa6: {  	v4 =	vld [tilespmem:s17+$0x8FC0]  }
0xa7: {  	v5 =	vld [tilespmem:s17+$0xB740];
	_ =	sdelay $0x3  }
0xa8: {  	v56 =	vcvt.s32.f32 v4  }
0xa9: {  	v57 =	vcvt.s32.f32 v5  }
0xaa: {  	v6 =	vmul.f32 $9.999999770e-03, v56  }
0xab: {  	v7 =	vmul.f32 $9.999999770e-03, v57  }
0xac: {  	v6 =	vadd.f32 $4.999999890e-03, v6  }
0xad: {  	v7 =	vadd.f32 $4.999999890e-03, v7  }
0xae: {  	v6 =	vtrunc.f32 v6  }
0xaf: {  	v7 =	vtrunc.f32 v7;
	v6 =	vcvt.f32.s32 v6  }
0xb0: {  	v7 =	vcvt.f32.s32 v7  }
0xb1: {  	v58 =	vmul.u32 $0xFFFFFF9C, v6  }
0xb2: {  	v59 =	vmul.u32 $0xFFFFFF9C, v7  }
0xb3: {  	v61 =	vshll.u32 v6, $0x7;
	vm14 =	veq.s32 v6, v7;
	v8 =	vadd.s32 v4, v58  }
0xb4: {  	v7 =	vshll.u32 v7, $0x7;
	v9 =	vadd.s32 v5, v59;
	v60 =	vand.u32 $0xFFFFFF80, v8  }
0xb5: {  	v8 =	vand.u32 $0x7F, v8;
	v62 =	vand.u32 $0xFFFFFF80, v9;
	v10 =	vadd.s32 v61, v60  }
0xb6: {  	v9 =	vand.u32 $0x7F, v9;
	v6 =	vadd.s32 v7, v62;
	v8 =	vor.u32 v8, v10  }
0xb7: {  	v6 =	vor.u32 v9, v6  }
0xb8: {  	v63 =	vor.u32 v3, v61;
	_ =	sdelay $0x1  }
0xb9: {  	[tilespmem:v5+s2+$0x0] =	vst.idx.add.f32.msk $0xffff, v2  }
0xba: {  	[tilespmem:v8+s12+$0x0] =	vst.idx.msk $0xffff, v2  }
0xbb: {  	[tilespmem:v6+s12+$0x0] =	vst.idx.msk vm14, v2  }
0xbc: {  	v6 =	vld.idx.msk [tilespmem:v63+s13+$0x0], $0xffff  }
0xbd: {  	p0 =	sne.s32 s16, $0x9B00;
	vm15 =	vlt.s32 v4, v5  }
.Ltmp3:
0xbe: {  	v4 =	vsel vm15, v4, v5;
	(pc) =	sbr.rel @p0 .LBB2_8-.Ltmp3, $3  }
0xbf: {  	v4 =	vcvt.s32.f32 v4;
	_ =	sdelay $0x1  }
0xc0: {  	v4 =	vmin.f32 v6, v4  }
0xc1: {  	s16 =	sadd.s32 $0x140, s16;
	[tilespmem:v63+s13+$0x0] =	vst.idx.msk $0xffff, v4  }
0xc2: {  	[hbm4b:s5+s2] =	stream.linear.scatter [tilespmem:s2], [sflag:$0x2], $0x2780, $0x38;
	[tilespmem:$0xDE80] =	vst v63  }
0xc3: {  	_ =	swait.ge [sflag:s14], $0x2780  }
0xc4: {  	[sflag:s14] =	ssyncset.done $0x0  }
0xc5: {  	[sflag:s14] =	ssyncadd.s32 $0xFFFFD880  }
0xc6: {  	[hbm4b:s6+s2] =	stream.linear.scatter [tilespmem:s12], [sflag:$0x2], $0x3200, $0x38;
	[tilespmem:$0xDE80] =	vst v63  }
0xc7: {  	s15 =	sadd.s32 $0x1, s15;
	_ =	swait.ge [sflag:s14], $0x3200  }
0xc8: {  	p0 =	sne.s32 s15, s8;
	[sflag:s14] =	ssyncset.done $0x0  }
.Ltmp4:
0xc9: {  	[sflag:s14] =	ssyncadd.s32 $0xFFFFCE00;
	(pc) =	sbr.rel @p0 .LBB2_1-.Ltmp4, $4  }
0xca: {  	[hbm4b:s7+s2] =	stream.linear.scatter [tilespmem:s13], [sflag:$0x2], $0x3200, $0x38;
	[tilespmem:$0xDE80] =	vst v63  }
0xcb: {  	_ =	swait.ge [sflag:s14], $0x3200  }
0xcc: {  	[sflag:s14] =	ssyncset.done $0x0  }
0xcd: {  	[sflag:s14] =	ssyncadd.s32 $0xFFFFCE00  }
0xce: {  	_ =	sfence.sel $0x180000  }
0xcf: {  	[bflag:$0x0] =	sbarrier.arrive $0xFFFF  }
0xd0: {  	p0 =	sne.s32 s0, $0x0;
	_ =	strace $0x90000047  }
0xd1: {  	s0 =	sadd.s32 @!p0 $0x100000, s1;
	[bflag:$0x2] =	sbarrier.arrive $0xFFFF  }
0xd2: {  	[sflag:s0] =	ssyncadd.tile.s32 @!p0 $0x1;
	_ =	shalt  }
.Lfunc_end2:
_tile_overlayer_lowered:
.L_overlay_start_2:
0xd3: {  	(tag) =	ssettag $0x2  }
0xd4: {  	s0 =	rddreg [dreg:$0x0];
	s2 =	stileid.u32  }
0xd5: {  	s1 =	rddreg [dreg:$0x1];
	p0 =	sne.s32 s2, $0x0  }
0xd6: {  	s3 =	rddreg [dreg:$0x2];
	[bflag:$0x3] =	sbarrier.arrive $0xFFFF;
	s2 =	simm.s32 @!p0 $0x1C02  }
0xd7: {  	[timem:s3], [sflag:s2] =	dma.local @!p0 [hbm:s0], s1  }
0xd8: {  	s0 =	simm.s32 @!p0 $0x2  }
0xd9: {  	_ =	swait.ge @!p0 [sflag:s0], s1  }
0xda: {  	s1 =	ssub.s32 @!p0 $0x0, s1;
	[sflag:s0] =	ssyncset.done @!p0 $0x0  }
0xdb: {  	[sflag:s0] =	ssyncadd.s32 @!p0 s1  }
0xdc: {  	[bflag:$0x3] =	sbarrier.arrive $0xFFFF  }
0xdd: {  	_ =	shalt  }

// kernel: kernel.14.cloned.1.call-start
scs
__scs_entry_jumppad:
0x0: {  	(pc) =	sbr.rel $0x88, $3  }
0x1: {  	(tag) =	ssettag $0x0;
	lr =	simm.s32 $0x1  }
0x2: {  	[smem:$0x3F95] =	sst lr;
	_ =	strace $0xD0000000  }
0x3: {  	_ = 	snop  }
0x4: {  	_ = 	snop  }
0x5: {  	_ = 	snop  }
0x6: {  	_ = 	snop  }
0x7: {  	_ = 	snop  }
__scs_overlays_trampoline_lowered:
0x8: {  	[smem:$0x3FA4] =	sst s0  }
0x9: {  	[smem:$0x3FA5] =	sst s1  }
0xa: {  	[smem:$0x3FA6] =	sst s2  }
0xb: {  	[smem:$0x3FA7] =	sst s3  }
0xc: {  	[smem:$0x3FA8] =	sst s4  }
0xd: {  	[smem:$0x3FA9] =	sst s5  }
0xe: {  	[smem:$0x3FAA] =	sst s6  }
0xf: {  	[smem:$0x3FAB] =	sst s7  }
0x10: {  	[smem:$0x3FAC] =	sst s8  }
0x11: {  	[smem:$0x3FAD] =	sst s9;
	s0 =	simm.s32 @!p0 $0x0  }
0x12: {  	s1 =	sld [smem:$0x3F93];
	s0 =	simm.s32 @p0 $0x1  }
0x13: {  	[smem:$0x3FAE] =	sst s0;
	s0 =	simm.s32 @!p1 $0x0  }
0x14: {  	s2 =	sld [smem:$0x3F92];
	s0 =	simm.s32 @p1 $0x1  }
0x15: {  	[smem:$0x3FAF] =	sst s0;
	s0 =	simm.s32 @!p2 $0x0  }
0x16: {  	s3 =	sld [smem:$0x3FDB];
	s0 =	simm.s32 @p2 $0x1  }
0x17: {  	s4 =	simm.s32 $0x1BF5;
	[smem:$0x3FB1] =	sst s0  }
0x18: {  	s0 =	sld [smem:$0x3F94];
	_ =	swait.ge [sflag:s4], $0x0  }
0x19: {  	s7 =	sld [smem:$0x3F95]  }
0x1a: {  	s8 =	sadd.s32 $0xFFFFE003, lr  }
0x1b: {  	s9 =	sadd.s32 $0xFFFFFEF7, lr;
	s5 =	simm.s32 $0xFFFFFFFF;
	p2 =	slt.u32 s8, $0xFFFFF086  }
0x1c: {  	p1 =	slt.u32 s9, $0xF7A;
	s5 =	simm.s32 @!p2 $0x0  }
0x1d: {  	s5 =	simm.s32 @p1 $0x1;
	p0 =	seq.s32 s7, s2  }
0x1e: {  	s7 =	smul.u32 @!p0 $0xF7A, s2;
	p2 =	seq.s32 @!p0 s5, $0x0  }
0x1f: {  	s9 =	smul.u32 $0xF7A, s1;
	s8 =	simm.s32 @!p0 $0x1BF5;
	p2 =	por !p2, p0  }
0x20: {  	[sflag:s8] =	ssyncset.s32 @!p0 $0xFFFFF086;
	s6 =	sadd.s32 @!p0 s3, s7;
	s7 =	simm.s32 @!p0 $0x108  }
0x21: {  	s3 =	sadd.s32 s3, s9;
	s6 =	sadd.s32 @!p0 $0x88, s6;
	s7 =	simm.s32 @p2 $0x1082  }
0x22: {  	[simem:s7], [sflag:s8] =	dma.local @!p0 [hbm:s6], $0xF7A  }
0x23: {  	s9 =	sor.u32 $0xD0000000, s2;
	s6 =	simm.s32 $0x108;
	_ =	swait.ge @!p0 [sflag:s8], $0x0  }
0x24: {  	s3 =	sadd.s32 $0x88, s3;
	s6 =	simm.s32 @!p1 $0x1082;
	[sflag:s4] =	ssyncset.s32 $0xFFFFF086  }
0x25: {  	[simem:s6], [sflag:s4] =	dma.local [hbm:s3], $0xF7A  }
0x26: {  	[smem:$0x3F95] =	sst s1;
	(tag) =	ssettag s2;
	_ =	strace s9  }
0x27: {  	s1 =	sld [smem:$0x3FA5]  }
0x28: {  	s2 =	sld [smem:$0x3FA6]  }
0x29: {  	s4 =	sld [smem:$0x3FA8]  }
0x2a: {  	p0 =	seq.s32 s5, $0x0;
	s5 =	sld [smem:$0x3FA9]  }
0x2b: {  	s6 =	sld [smem:$0x3FAA]  }
0x2c: {  	s7 =	sld [smem:$0x3FAB]  }
0x2d: {  	s3 =	simm.s32 $0x108;
	s8 =	sld [smem:$0x3FAC]  }
0x2e: {  	s3 =	simm.s32 @!p0 $0x1082;
	s9 =	sld [smem:$0x3FAD]  }
0x2f: {  	lr =	sadd.s32 s0, s3;
	s0 =	sld [smem:$0x3FA4]  }
0x30: {  	s3 =	sld [smem:$0x3FA7]  }
0x31: {  	[smem:$0x3FB0] =	sst s10  }
0x32: {  	s10 =	sld [smem:$0x3FAE];
	_ =	sdelay $0x3  }
0x33: {  	p0 =	seq.s32 s10, $0x1;
	s10 =	sld [smem:$0x3FB0];
	_ =	sdelay $0x3  }
0x34: {  	[smem:$0x3FB0] =	sst s10  }
0x35: {  	s10 =	sld [smem:$0x3FAF];
	_ =	sdelay $0x3  }
0x36: {  	p1 =	seq.s32 s10, $0x1;
	s10 =	sld [smem:$0x3FB0];
	_ =	sdelay $0x3  }
0x37: {  	[smem:$0x3FB0] =	sst s10  }
0x38: {  	s10 =	sld [smem:$0x3FB1]  }
0x39: {  	_ = 	snop;
	(pc) =	sbr.ind lr, $3  }
0x3a: {  	_ = 	snop  }
0x3b: {  	_ = 	snop  }
0x3c: {  	p2 =	seq.s32 s10, $0x1;
	s10 =	sld [smem:$0x3FB0]  }
0x3d: {  	_ =	shalt  }
0x3e: {  	_ =	shalt  }
0x3f: {  	_ =	shalt  }
0x40: {  	_ =	shalt  }
0x41: {  	_ =	shalt  }
0x42: {  	_ =	shalt  }
0x43: {  	_ =	shalt  }
0x44: {  	_ =	shalt  }
0x45: {  	_ =	shalt  }
0x46: {  	_ =	shalt  }
0x47: {  	_ =	shalt  }
0x48: {  	_ =	shalt  }
0x49: {  	_ =	shalt  }
0x4a: {  	_ =	shalt  }
0x4b: {  	_ =	shalt  }
0x4c: {  	_ =	shalt  }
0x4d: {  	_ =	shalt  }
0x4e: {  	_ =	shalt  }
0x4f: {  	_ =	shalt  }
0x50: {  	_ =	shalt  }
0x51: {  	_ =	shalt  }
0x52: {  	_ =	shalt  }
0x53: {  	_ =	shalt  }
0x54: {  	_ =	shalt  }
0x55: {  	_ =	shalt  }
0x56: {  	_ =	shalt  }
0x57: {  	_ =	shalt  }
0x58: {  	_ =	shalt  }
0x59: {  	_ =	shalt  }
0x5a: {  	_ =	shalt  }
0x5b: {  	_ =	shalt  }
0x5c: {  	_ =	shalt  }
0x5d: {  	_ =	shalt  }
0x5e: {  	_ =	shalt  }
0x5f: {  	_ =	shalt  }
0x60: {  	_ =	shalt  }
0x61: {  	_ =	shalt  }
0x62: {  	_ =	shalt  }
0x63: {  	_ =	shalt  }
0x64: {  	_ =	shalt  }
0x65: {  	_ =	shalt  }
0x66: {  	_ =	shalt  }
0x67: {  	_ =	shalt  }
0x68: {  	_ =	shalt  }
0x69: {  	_ =	shalt  }
0x6a: {  	_ =	shalt  }
0x6b: {  	_ =	shalt  }
0x6c: {  	_ =	shalt  }
0x6d: {  	_ =	shalt  }
0x6e: {  	_ =	shalt  }
0x6f: {  	_ =	shalt  }
0x70: {  	_ =	shalt  }
0x71: {  	_ =	shalt  }
0x72: {  	_ =	shalt  }
0x73: {  	_ =	shalt  }
0x74: {  	_ =	shalt  }
0x75: {  	_ =	shalt  }
0x76: {  	_ =	shalt  }
0x77: {  	_ =	shalt  }
0x78: {  	_ =	shalt  }
0x79: {  	_ =	shalt  }
0x7a: {  	_ =	shalt  }
0x7b: {  	_ =	shalt  }
0x7c: {  	_ =	shalt  }
0x7d: {  	_ =	shalt  }
0x7e: {  	_ =	shalt  }
0x7f: {  	_ =	shalt  }
0x80: {  	_ =	shalt  }
0x81: {  	_ =	shalt  }
0x82: {  	_ =	shalt  }
0x83: {  	_ =	shalt  }
0x84: {  	_ =	shalt  }
0x85: {  	_ =	shalt  }
0x86: {  	_ =	shalt  }
0x87: {  	_ =	shalt  }
.Lfunc_end0:
.L_simem_size_0:
called_computation.1_lowered:
.L_overlay_start_0:
0x88: {  	s2 =	sld [smem:$0x3FD9]  }
0x89: {  	s3 =	sld [smem:$0x3FFE];
	_ =	sdelay $0x1  }
0x8a: {  	s1 =	srdreg.scid  }
0x8b: {  	s0 =	sand.u32 $0x1, s1  }
0x8c: {  	s16 =	sshll.u32 s0, $0xA;
	s2 =	sadd.s32 s3, s2  }
0x8d: {  	s2 =	sadd.s32 s2, s16  }
0x8e: {  	[smem:$0x3FBC] =	sst s2  }
0x8f: {  	_ = 	snop  }
0x90: {  	(tm) =	ssettm $0x1  }
0x91: {  	s17 =	sld [smem:$0x3FFB];
	_ =	sdelay $0x3  }
0x92: {  	_ =	strace s17  }
0x93: {  	s2 =	sld [smem:$0x3FFC];
	_ =	sdelay $0x3  }
0x94: {  	_ =	strace s2  }
0x95: {  	s2 =	sld [smem:$0x3FFD];
	_ =	sdelay $0x3  }
0x96: {  	_ =	strace s2  }
0x97: {  	_ =	strace $0x8FFFFFFF  }
0x98: {  	s18 =	sld [smem:$0x3FDB];
	_ =	sdelay $0x1  }
0x99: {  	s19 =	simm.s32 $_scs_section_size  }
0x9a: {  	s4 =	simm.s32 $_size__tile_overlayer_lowered;
	s5 =	simm.s32 $_tile_overlayer_lowered  }
0x9b: {  	s22 =	simm.s32 $0x1BFF;
	s21 =	sshll.u32 s5, $0x1;
	s2 =	sadd.s32 s19, s18  }
0x9c: {  	s6 =	simm.s32 $0x0;
	s20 =	sshll.u32 s4, $0x1;
	s4 =	sadd.s32 s21, s2  }
0x9d: {  	[timem:s6], [sflag:s22] =	dma.local [hbm:s4], s20  }
0x9e: {  	_ =	swait.ge [sflag:s22], s20  }
0x9f: {  	s3 =	ssub.s32 $0x0, s20;
	[sflag:s22] =	ssyncset.done $0x0  }
0xa0: {  	[sflag:s22] =	ssyncadd.s32 s3;
	_ =	sdelay $0x1  }
0xa1: {  	s23 =	simm.s32 $0x1B8B  }
0xa2: {  	_ =	swait.ge [sflag:s23], $0x1  }
0xa3: {  	[sflag:s23] =	ssyncset.done $0x0  }
0xa4: {  	s25 =	simm.s32 $0x1B8E;
	s24 =	sld [smem:$0x3FFE];
	[sflag:s23] =	ssyncadd.s32 $0xFFFFFFFF  }
0xa5: {  	s26 =	simm.s32 $execute0_lowered;
	[smem:$0x3FD2] =	sst s25  }
0xa6: {  	s4 =	sshll.u32 s26, $0x1;
	_ =	strace $0x80000049;
	[dreg:$0x1] =	wrdreg $0xFFFFFFFF  }
0xa7: {  	s28 =	simm.s32 $_size_execute0_lowered;
	s2 =	sadd.s32 s2, s4;
	[dreg:$0x0] =	wrdreg $0x0  }
0xa8: {  	s4 =	sshll.u32 s28, $0x1;
	[dreg:$0x2] =	wrdreg s2  }
0xa9: {  	[dreg:$0x3] =	wrdreg s4  }
0xaa: {  	[dreg:$0x4] =	wrdreg $0xC0  }
0xab: {  	_ =	task [dreg:s6], $0x5FFFF  }
0xac: {  	[dreg:$0x1] =	wrdreg $0xFFFFFFFF  }
0xad: {  	[dreg:$0x0] =	wrdreg $0x60  }
0xae: {  	[dreg:$0x2] =	wrdreg s24  }
0xaf: {  	[dreg:$0x3] =	wrdreg $0x0  }
0xb0: {  	[dreg:$0x4] =	wrdreg $0x9  }
0xb1: {  	_ =	task.clear_ibuf [dreg:s6], $0x5FFFF;
	_ =	strace $0x90000049  }
0xb2: {  	s29 =	simm.s32 $0x9;
	_ =	strace $0x8000004B  }
0xb3: {  	_ =	swait.ge [sflag:s29], $0x1  }
0xb4: {  	[sflag:s29] =	ssyncadd.s32 $0xFFFFFFFF  }
0xb5: {  	_ =	strace $0x9000004B  }
0xb6: {  	_ =	sfence  }
0xb7: {  	s30 =	sld [smem:$0x0];
	_ =	sdelay $0x2  }
0xb8: {  	s31 =	sshll.u32 s1, $0xD;
	s1 =	sshrl.u32 s1, $0x2  }
0xb9: {  	s3 =	sand.u32 $0x4000, s31;
	s1 =	sadd.s32 s1, s30  }
0xba: {  	s0 =	sor.u32 s3, s0;
	s1 =	sshll.u32 s1, $0x11  }
0xbb: {  	s0 =	sor.u32 s1, s0  }
0xbc: {  	s0 =	sadd.s32 $0x8F2B, s0  }
0xbd: {  	[sflag:s0] =	ssyncadd.remote.s32 $0x1  }
0xbe: {  	_ =	sfence.sel $0xFFFF  }
0xbf: {  	[dreg:$0x0] =	wrdreg $0xFFFFFFFF;
	(pc) =	sbr.abs _section_cstart, $3  }
0xc0: {  	[dreg:$0x1] =	wrdreg $0xFFFFFFFF  }
0xc1: {  	_ =	task.clear_ibuf [dreg:s6], $0x2FFFF;
	_ =	strace $0x9FFFFFFF  }
0xc2: {  	(tm) =	ssettm $0x7FFFFFFF  }
0xc3: {  	_ =	shalt  }
tec
execute0_lowered:
.L_overlay_start_1:
0x0: {  	(tag) =	ssettag $0x1  }
0x1: {  	s0 =	rddreg [dreg:$0x0]  }
0x2: {  	s1 =	rddreg [dreg:$0x1];
	s21 =	simm.s32 $0x0;
	s2 =	srdreg.scid  }
0x3: {  	s3 =	stileid.u32;
	s30 =	simm.s32 $0xA;
	s31 =	simm.s32 $0x50  }
0x4: {  	s29 =	simm.s32 $0x1EA00;
	s28 =	simm.s32 $0x1EC00;
	s7 =	smul.u32 $0x13C00, s3  }
0x5: {  	[smem:$0x7FF] =	sst s21;
	s2 =	sand.u32 $0x1, s2;
	s17 =	smul.u32 $0x3E80, s3  }
0x6: {  	s5 =	sadd.s32 $0x4BE00, s0;
	s9 =	sadd.s32 $0x3C400, s0;
	s19 =	smul.u32 $0x4E200, s3  }
0x7: {  	s6 =	smul.u32 $0x13C000, s2;
	s4 =	sshll.u32 s2, $0x4;
	_ =	strace $0x8000004A  }
0x8: {  	s11 =	ssub.s32 $0x2, s2;
	s2 =	smul.u32 $0x3E800, s2;
	s8 =	sor.u32 s3, s4  }
0x9: {  	s4 =	sadd.s32 $0x5B800, s0;
	s10 =	sshrl.u32 s11, $0x1;
	s23 =	sshrl.u32 s19, $0x2  }
0xa: {  	s8 =	smul.u32 $0x3E80, s8;
	s6 =	sadd.s32 s7, s6;
	s2 =	sadd.s32 s17, s2  }
0xb: {  	s6 =	sshrl.u32 s6, $0x3;
	s24 =	sadd.s32 $0x380, s2;
	s26 =	sadd.s32 $0x300, s2  }
0xc: {  	s3 =	sadd.s32 $0x280, s2;
	s17 =	sadd.s32 $0x80, s2;
	s8 =	sshrl.u32 s8, $0x3  }
0xd: {  	s0 =	sadd.s32 s6, s0;
	s6 =	ssub.s32 s11, s10;
	s25 =	sshrl.u32 s24, $0x3  }
0xe: {  	s19 =	sshrl.u32 s17, $0x3;
	s17 =	simm.s32 $0x1E880;
	s13 =	sadd.s32 s5, s8  }
0xf: {  	s12 =	sadd.s32 $0x10, s8;
	s11 =	sadd.s32 s9, s8;
	[dreg:$0xc] =	wrdreg s13  }
0x10: {  	s15 =	sadd.s32 $0x20, s8;
	s0 =	sadd.s32 $0x82A00, s0;
	[dreg:$0xd] =	wrdreg s11  }
0x11: {  	s8 =	sadd.s32 $0x30, s8;
	s14 =	sadd.s32 s5, s12;
	[dreg:$0x15] =	wrdreg s0  }
0x12: {  	s7 =	sadd.s32 s9, s12;
	s16 =	sadd.s32 s5, s15;
	[dreg:$0xe] =	wrdreg s14  }
0x13: {  	s18 =	sadd.s32 s5, s8;
	s20 =	sadd.s32 s9, s8;
	[dreg:$0xf] =	wrdreg s7  }
0x14: {  	s22 =	sadd.s32 $0x7C0, s11;
	s0 =	sadd.s32 s25, s5;
	[dreg:$0x10] =	wrdreg s16  }
0x15: {  	s11 =	sshrl.u32 s3, $0x3;
	s13 =	sadd.s32 $0x180, s2;
	[dreg:$0x12] =	wrdreg s18  }
0x16: {  	s3 =	simm.s32 $0x13880;
	s25 =	simm.s32 $0x17080;
	[dreg:$0x13] =	wrdreg s20  }
0x17: {  	s8 =	simm.s32 $0x2;
	s7 =	sadd.s32 s9, s15;
	[dreg:$0x14] =	wrdreg s22  }
0x18: {  	s16 =	sadd.s32 s23, s1;
	[dreg:$0x3] =	wrdreg s0;
	s12 =	sadd.s32 s11, s5  }
0x19: {  	s14 =	sshrl.u32 s13, $0x3;
	s15 =	sadd.s32 $0x100, s2;
	s20 =	sadd.s32 s19, s9  }
0x1a: {  	s22 =	sshrl.u32 s2, $0x3;
	s23 =	smax.u32 s6, $0x1;
	[dreg:$0xa] =	wrdreg s25  }
0x1b: {  	s2 =	sadd.s32 $0x200, s2;
	s19 =	simm.s32 $0x1E900;
	[dreg:$0x11] =	wrdreg s7  }
0x1c: {  	s6 =	simm.s32 $0x1EC00;
	s25 =	simm.s32 $0x1;
	[dreg:$0x5] =	wrdreg s12  }
0x1d: {  	s11 =	simm.s32 $0x10;
	s7 =	sshrl.u32 s26, $0x3;
	[dreg:$0x16] =	wrdreg s23  }
0x1e: {  	s0 =	sadd.s32 s14, s9;
	[dreg:$0x8] =	wrdreg s20;
	s24 =	sadd.s32 s22, s9  }
0x1f: {  	[dreg:$0x17] =	wrdreg s2;
	s20 =	simm.s32 $0x11;
	s26 =	simm.s32 $0x19880  }
0x20: {  	s22 =	simm.s32 $0x1EB80;
	s23 =	simm.s32 $0x1EA00;
	[dreg:$0x6] =	wrdreg s0  }
0x21: {  	s2 =	simm.s32 $0xD;
	s10 =	sadd.s32 s7, s5;
	[dreg:$0x9] =	wrdreg s24  }
0x22: {  	s7 =	sshrl.u32 s15, $0x3;
	[dreg:$0xb] =	wrdreg s26;
	s0 =	simm.s32 $0xC  }
0x23: {  	s24 =	simm.s32 $0x1C080;
	s26 =	simm.s32 $0x14880;
	[dreg:$0x4] =	wrdreg s10  }
0x24: {  	s18 =	sadd.s32 s7, s9;
	s9 =	simm.s32 $0xF;
	s10 =	simm.s32 $0x4  }
0x25: {  	v0 =	vimm.f32 $0.0e+00;
	s7 =	simm.s32 $0x0;
	[dreg:$0x7] =	wrdreg s18;
	s18 =	simm.s32 $0x1EA80  }
.LBB2_1:
0x26: {  	[dreg:$0x18] =	wrdreg s7;
	s7 =	simm.s32 $0x0;
	s12 =	simm.s32 $0x0  }
.LBB2_2:
0x27: {  	p0 =	sne.s32 s12, $0x31C0  }
.Ltmp0:
0x28: {  	_ = 	snop;
	(pc) =	sbr.rel @p0 .LBB2_2-.Ltmp0, $4  }
0x29: {  	s13 =	sand.u32 $0x3E00, s12  }
0x2a: {  	s14 =	sand.u32 $0x70, s7;
	s13 =	sshrl.u32 s13, $0x2  }
0x2b: {  	s13 =	sor.u32 s14, s13  }
0x2c: {  	s7 =	sadd.s32 $0x10, s7;
	s12 =	sadd.s32 $0x40, s12;
	[tilespmem:s13+$0x13880] =	vst v0  }
0x2d: {  	s7 =	sadd.s32 $0x0, s16  }
0x2e: {  	[spmem:s7] =	stream.linear.scatter [tilespmem:s3], [sflag:$0x11], $0xC80, $0x38;
	[tilespmem:$0x1EC80] =	vst v63  }
0x2f: {  	s7 =	simm.s32 $0x3200;
	_ =	swait.ge [sflag:s20], $0xC80  }
.LBB2_4:
0x30: {  	s12 =	sshra.s32 s7, $0x2;
	[sflag:s20] =	ssyncset.done $0x0;
	p0 =	sne.s32 s7, $0x4B000  }
.Ltmp1:
0x31: {  	s12 =	sadd.s32 s12, s16;
	[sflag:s20] =	ssyncadd.s32 $0xFFFFF380;
	(pc) =	sbr.rel @p0 .LBB2_4-.Ltmp1, $3  }
0x32: {  	[spmem:s12] =	stream.linear.scatter [tilespmem:s3], [sflag:$0x11], $0xC80, $0x38;
	[tilespmem:$0x1EC80] =	vst v63  }
0x33: {  	s7 =	sadd.s32 $0x3200, s7;
	_ =	sdelay $0x1  }
0x34: {  	_ =	swait.ge [sflag:s20], $0xC80  }
0x35: {  	[sflag:s20] =	ssyncset.done $0x0  }
0x36: {  	[sflag:s20] =	ssyncadd.s32 $0xFFFFF380  }
0x37: {  	[bflag:$0x0] =	sbarrier.arrive $0xFFFF  }
0x38: {  	s7 =	simm.s32 $0x0;
	s3 =	rddreg [dreg:$0xc]  }
0x39: {  	[tilespmem:s17], [sflag:$0x9] =	stream.linear.gather [hbm4b:s3+s7], $0x80, $0x38;
	[tilespmem:$0x1EC80] =	vst v63  }
0x3a: {  	s15 =	rddreg [dreg:$0xd]  }
0x3b: {  	[tilespmem:s18], [sflag:$0xD] =	stream.linear.gather [hbm4b:s15+s7], $0x80, $0x38;
	[tilespmem:$0x1EC80] =	vst v63  }
0x3c: {  	s12 =	rddreg [dreg:$0xe]  }
0x3d: {  	[tilespmem:s19], [sflag:$0xA] =	stream.linear.gather [hbm4b:s12+s7], $0x80, $0x38;
	[tilespmem:$0x1EC80] =	vst v63  }
0x3e: {  	s13 =	rddreg [dreg:$0xf];
	s12 =	simm.s32 $0x1EB00  }
0x3f: {  	[tilespmem:s12], [sflag:$0xE] =	stream.linear.gather [hbm4b:s13+s7], $0x80, $0x38;
	[tilespmem:$0x1EC80] =	vst v63  }
0x40: {  	s14 =	rddreg [dreg:$0x10];
	s15 =	simm.s32 $0x1E980  }
0x41: {  	[tilespmem:s15], [sflag:$0xB] =	stream.linear.gather [hbm4b:s14+s7], $0x80, $0x38;
	[tilespmem:$0x1EC80] =	vst v63  }
0x42: {  	s13 =	rddreg [dreg:$0x11]  }
0x43: {  	[tilespmem:s22], [sflag:$0xF] =	stream.linear.gather [hbm4b:s13+s7], $0x80, $0x38;
	[tilespmem:$0x1EC80] =	vst v63  }
0x44: {  	s14 =	rddreg [dreg:$0x12]  }
0x45: {  	[tilespmem:s23], [sflag:$0xC] =	stream.linear.gather [hbm4b:s14+s7], $0x80, $0x38;
	[tilespmem:$0x1EC80] =	vst v63  }
0x46: {  	p0 =	por $0x1, $0x1;
	s15 =	rddreg [dreg:$0x13]  }
0x47: {  	[tilespmem:s6], [sflag:$0x10] =	stream.linear.gather [hbm4b:s15+s7], $0x80, $0x38;
	[tilespmem:$0x1EC80] =	vst v63  }
0x48: {  	s7 =	simm.s32 @p0 $0x9  }
0x49: {  	_ =	swait.ge @p0 [sflag:s7], $0x80  }
0x4a: {  	s12 =	simm.s32 @p0 $0x14880;
	s13 =	simm.s32 @!p0 $0x5;
	[sflag:s7] =	ssyncset.done @p0 $0x0  }
0x4b: {  	s14 =	simm.s32 @p0 $0x1E880;
	[sflag:s7] =	ssyncadd.s32 @p0 $0xFFFFFF80;
	s7 =	simm.s32 @p0 $0x50  }
0x4c: {  	[tilespmem:s12], [sflag:$0x1] =	stream.indirect.gather @p0 [hbm4b:s4+s7], $0x80, s14, s7, $0xb8;
	[tilespmem:$0x1EC80] =	vst v63  }
0x4d: {  	s15 =	simm.s32 @!p0 $0x1EA80;
	_ =	swait.ge @!p0 [sflag:s13], $0x2800  }
0x4e: {  	s14 =	simm.s32 @!p0 $0x0;
	s12 =	rddreg [dreg:$0x9];
	[sflag:s13] =	ssyncset.done @!p0 $0x0  }
0x4f: {  	[sflag:s13] =	ssyncadd.s32 @!p0 $0xFFFFD800;
	s13 =	simm.s32 @!p0 $0x9;
	s12 =	sadd.s32 @!p0 $0x0, s12  }
0x50: {  	[tilespmem:s15], [sflag:$0xD] =	stream.linear.gather @!p0 [hbm4b:s12+s14], $0x80, $0x38;
	[tilespmem:$0x1EC80] =	vst v63  }
0x51: {  	_ =	swait.ge @!p0 [sflag:s13], $0x80  }
0x52: {  	s12 =	simm.s32 @!p0 $0x14880;
	[sflag:s13] =	ssyncset.done @!p0 $0x0  }
0x53: {  	s15 =	simm.s32 @!p0 $0x1E880;
	[sflag:s13] =	ssyncadd.s32 @!p0 $0xFFFFFF80;
	s13 =	simm.s32 @!p0 $0x50  }
0x54: {  	[tilespmem:s12], [sflag:$0x1] =	stream.indirect.gather @!p0 [hbm4b:s4+s13], $0x80, s15, s13, $0xb8;
	[tilespmem:$0x1EC80] =	vst v63  }
0x55: {  	s12 =	simm.s32 @!p0 $0x6  }
0x56: {  	_ =	swait.ge @!p0 [sflag:s12], $0x2800  }
0x57: {  	s15 =	rddreg [dreg:$0x8];
	[sflag:s12] =	ssyncset.done @!p0 $0x0  }
0x58: {  	[sflag:s12] =	ssyncadd.s32 @!p0 $0xFFFFD800;
	s12 =	sadd.s32 @!p0 $0x0, s15;
	s15 =	simm.s32 @!p0 $0x1EB00  }
0x59: {  	[tilespmem:s15], [sflag:$0xE] =	stream.linear.gather @!p0 [hbm4b:s12+s14], $0x80, $0x38;
	[tilespmem:$0x1EC80] =	vst v63  }
0x5a: {  	_ =	swait.ge [sflag:s30], $0x80  }
0x5b: {  	[sflag:s30] =	ssyncset.done $0x0  }
0x5c: {  	s15 =	simm.s32 @p0 $0xB;
	s6 =	rddreg [dreg:$0xa];
	[sflag:s30] =	ssyncadd.s32 $0xFFFFFF80  }
0x5d: {  	[tilespmem:s6], [sflag:$0x2] =	stream.indirect.gather [hbm4b:s4+s31], $0x80, s19, s31, $0xb8;
	[tilespmem:$0x1EC80] =	vst v63  }
0x5e: {  	_ =	swait.ge @p0 [sflag:s15], $0x80  }
0x5f: {  	[sflag:s15] =	ssyncset.done @p0 $0x0  }
0x60: {  	s12 =	simm.s32 @p0 $0x1E980;
	[sflag:s15] =	ssyncadd.s32 @p0 $0xFFFFFF80;
	s15 =	simm.s32 @p0 $0x19880  }
0x61: {  	[tilespmem:s15], [sflag:$0x3] =	stream.indirect.gather @p0 [hbm4b:s4+s7], $0x80, s12, s7, $0xb8;
	[tilespmem:$0x1EC80] =	vst v63  }
0x62: {  	s7 =	simm.s32 @!p0 $0x7  }
0x63: {  	_ =	swait.ge @!p0 [sflag:s7], $0x2800  }
0x64: {  	s12 =	rddreg [dreg:$0x7];
	[sflag:s7] =	ssyncset.done @!p0 $0x0  }
0x65: {  	[sflag:s7] =	ssyncadd.s32 @!p0 $0xFFFFD800;
	s7 =	sadd.s32 @!p0 $0x0, s12;
	s12 =	simm.s32 @!p0 $0x1EB80  }
0x66: {  	[tilespmem:s12], [sflag:$0xF] =	stream.linear.gather @!p0 [hbm4b:s7+s14], $0x80, $0x38;
	[tilespmem:$0x1EC80] =	vst v63  }
0x67: {  	s7 =	simm.s32 @!p0 $0xB  }
0x68: {  	_ =	swait.ge @!p0 [sflag:s7], $0x80  }
0x69: {  	[sflag:s7] =	ssyncset.done @!p0 $0x0  }
0x6a: {  	s12 =	simm.s32 @!p0 $0x19880;
	[sflag:s7] =	ssyncadd.s32 @!p0 $0xFFFFFF80;
	s7 =	simm.s32 @!p0 $0x1E980  }
0x6b: {  	[tilespmem:s12], [sflag:$0x3] =	stream.indirect.gather @!p0 [hbm4b:s4+s13], $0x80, s7, s13, $0xb8;
	[tilespmem:$0x1EC80] =	vst v63  }
0x6c: {  	s7 =	simm.s32 @!p0 $0x8  }
0x6d: {  	_ =	swait.ge @!p0 [sflag:s7], $0x2800  }
0x6e: {  	s12 =	rddreg [dreg:$0x6];
	[sflag:s7] =	ssyncset.done @!p0 $0x0  }
0x6f: {  	[sflag:s7] =	ssyncadd.s32 @!p0 $0xFFFFD800;
	s7 =	sadd.s32 @!p0 $0x0, s12;
	s12 =	simm.s32 @!p0 $0x1EC00  }
0x70: {  	[tilespmem:s12], [sflag:$0x10] =	stream.linear.gather @!p0 [hbm4b:s7+s14], $0x80, $0x38;
	[tilespmem:$0x1EC80] =	vst v63  }
0x71: {  	_ =	swait.ge [sflag:s0], $0x80  }
0x72: {  	[sflag:s0] =	ssyncset.done $0x0  }
0x73: {  	[sflag:s0] =	ssyncadd.s32 $0xFFFFFF80  }
0x74: {  	[tilespmem:s24], [sflag:$0x4] =	stream.indirect.gather [hbm4b:s4+s31], $0x80, s23, s31, $0xb8;
	[tilespmem:$0x1EC80] =	vst v63  }
0x75: {  	_ =	swait.ge [sflag:s25], $0x2800  }
0x76: {  	s19 =	rddreg [dreg:$0x17]  }
0x77: {  	[sflag:s25] =	ssyncset.done $0x0;
	s23 =	sshrl.u32 s19, $0x3  }
0x78: {  	[sflag:s25] =	ssyncadd.s32 $0xFFFFD800;
	s7 =	sadd.s32 s5, s23  }
0x79: {  	[tilespmem:s17], [sflag:$0x9] =	stream.linear.gather [hbm4b:s7+s21], $0x80, $0x38;
	[tilespmem:$0x1EC80] =	vst v63  }
0x7a: {  	_ =	swait.ge [sflag:s2], $0x80  }
0x7b: {  	[sflag:s2] =	ssyncset.done $0x0  }
0x7c: {  	[sflag:s2] =	ssyncadd.s32 $0xFFFFFF80  }
0x7d: {  	[spmem:s1] =	stream.indirect.scatter.add.f32 [tilespmem:s26], [sflag:$0x5], $0x80, s18, s31, $0xb8;
	[tilespmem:$0x1EC80] =	vst v63  }
0x7e: {  	_ =	swait.ge [sflag:s8], $0x2800  }
0x7f: {  	p0 =	por $0x0, $0x0;
	[sflag:s8] =	ssyncset.done $0x0  }
0x80: {  	s7 =	simm.s32 @p0 $0xE;
	[sflag:s8] =	ssyncadd.s32 $0xFFFFD800  }
0x81: {  	_ =	swait.ge @p0 [sflag:s7], $0x80  }
0x82: {  	s12 =	simm.s32 @p0 $0x17080;
	s13 =	simm.s32 @p0 $0x3;
	[sflag:s7] =	ssyncset.done @p0 $0x0  }
0x83: {  	s14 =	simm.s32 @p0 $0x1EB00;
	[sflag:s7] =	ssyncadd.s32 @p0 $0xFFFFFF80;
	s7 =	simm.s32 @p0 $0x50  }
0x84: {  	[spmem:s1] =	stream.indirect.scatter.add.f32 @p0 [tilespmem:s12], [sflag:$0x6], $0x80, s14, s7, $0xb8;
	[tilespmem:$0x1EC80] =	vst v63  }
0x85: {  	s12 =	simm.s32 @!p0 $0x1E900;
	_ =	swait.ge @p0 [sflag:s13], $0x2800  }
0x86: {  	s14 =	simm.s32 @!p0 $0xE;
	s7 =	rddreg [dreg:$0x5];
	[sflag:s13] =	ssyncset.done @p0 $0x0  }
0x87: {  	[sflag:s13] =	ssyncadd.s32 @p0 $0xFFFFD800;
	s7 =	sadd.s32 @!p0 $0x0, s7;
	s13 =	simm.s32 @!p0 $0x0  }
0x88: {  	[tilespmem:s12], [sflag:$0xA] =	stream.linear.gather @!p0 [hbm4b:s7+s13], $0x80, $0x38;
	[tilespmem:$0x1EC80] =	vst v63  }
0x89: {  	_ =	swait.ge @!p0 [sflag:s14], $0x80  }
0x8a: {  	s7 =	simm.s32 @!p0 $0x17080;
	[sflag:s14] =	ssyncset.done @!p0 $0x0  }
0x8b: {  	s12 =	simm.s32 @!p0 $0x50;
	[sflag:s14] =	ssyncadd.s32 @!p0 $0xFFFFFF80;
	s14 =	simm.s32 @!p0 $0x1EB00  }
0x8c: {  	[spmem:s1] =	stream.indirect.scatter.add.f32 @!p0 [tilespmem:s7], [sflag:$0x6], $0x80, s14, s12, $0xb8;
	[tilespmem:$0x1EC80] =	vst v63  }
0x8d: {  	s7 =	simm.s32 @!p0 $0x3  }
0x8e: {  	_ =	swait.ge @!p0 [sflag:s7], $0x2800  }
0x8f: {  	s12 =	rddreg [dreg:$0x4];
	[sflag:s7] =	ssyncset.done @!p0 $0x0  }
0x90: {  	[sflag:s7] =	ssyncadd.s32 @!p0 $0xFFFFD800;
	s7 =	sadd.s32 @!p0 $0x0, s12;
	s12 =	simm.s32 @!p0 $0x1E980  }
0x91: {  	[tilespmem:s12], [sflag:$0xB] =	stream.linear.gather @!p0 [hbm4b:s7+s13], $0x80, $0x38;
	[tilespmem:$0x1EC80] =	vst v63  }
0x92: {  	_ =	swait.ge [sflag:s9], $0x80  }
0x93: {  	[sflag:s9] =	ssyncset.done $0x0  }
0x94: {  	p1 =	por $0x0, $0x0;
	s26 =	rddreg [dreg:$0xb];
	[sflag:s9] =	ssyncadd.s32 $0xFFFFFF80  }
0x95: {  	[spmem:s1] =	stream.indirect.scatter.add.f32 [tilespmem:s26], [sflag:$0x7], $0x80, s22, s31, $0xb8;
	[tilespmem:$0x1EC80] =	vst v63  }
0x96: {  	s6 =	simm.s32 $0x1E880;
	s15 =	simm.s32 $0x80;
	_ =	swait.ge [sflag:s10], $0x2800  }
0x97: {  	s23 =	simm.s32 $0x1EA80;
	s7 =	rddreg [dreg:$0x3];
	[sflag:s10] =	ssyncset.done $0x0  }
0x98: {  	s12 =	simm.s32 @!p0 $0x1EA00;
	[sflag:s10] =	ssyncadd.s32 $0xFFFFD800;
	s7 =	sadd.s32 @!p0 $0x0, s7  }
0x99: {  	[tilespmem:s12], [sflag:$0xC] =	stream.linear.gather @!p0 [hbm4b:s7+s13], $0x80, $0x38;
	[tilespmem:$0x1EC80] =	vst v63  }
0x9a: {  	s14 =	sadd.s32 $0x200, s19;
	s22 =	simm.s32 $0x14880;
	_ =	swait.ge [sflag:s11], $0x80  }
0x9b: {  	s26 =	simm.s32 $0x1E900;
	s13 =	simm.s32 $0x40;
	[sflag:s11] =	ssyncset.done $0x0  }
.LBB2_6:
0x9c: {  	s12 =	simm.s32 @p1 $0x9;
	[sflag:s11] =	ssyncadd.s32 $0xFFFFFF80  }
0x9d: {  	[spmem:s1] =	stream.indirect.scatter.add.f32 [tilespmem:s24], [sflag:$0x8], $0x80, s28, s31, $0xb8;
	[tilespmem:$0x1EC80] =	vst v63  }
0x9e: {  	_ =	swait.ge @p1 [sflag:s12], $0x80  }
0x9f: {  	s17 =	simm.s32 @p1 $0x14880;
	s18 =	simm.s32 @!p1 $0x5;
	[sflag:s12] =	ssyncset.done @p1 $0x0  }
0xa0: {  	s3 =	simm.s32 @p1 $0x1E880;
	[sflag:s12] =	ssyncadd.s32 @p1 $0xFFFFFF80;
	s12 =	simm.s32 @p1 $0x50  }
0xa1: {  	[tilespmem:s17], [sflag:$0x1] =	stream.indirect.gather @p1 [hbm4b:s4+s12], $0x80, s3, s12, $0xb8;
	[tilespmem:$0x1EC80] =	vst v63  }
0xa2: {  	s19 =	simm.s32 @!p1 $0x1EA80;
	_ =	swait.ge @!p1 [sflag:s18], $0x2800  }
0xa3: {  	s17 =	simm.s32 @!p1 $0x9;
	[sflag:s18] =	ssyncset.done @!p1 $0x0;
	s3 =	rddreg [dreg:$0x9]  }
0xa4: {  	[sflag:s18] =	ssyncadd.s32 @!p1 $0xFFFFD800;
	s3 =	sadd.s32 @!p1 s13, s3;
	s18 =	simm.s32 @!p1 $0x0  }
0xa5: {  	[tilespmem:s19], [sflag:$0xD] =	stream.linear.gather @!p1 [hbm4b:s3+s18], $0x80, $0x38;
	[tilespmem:$0x1EC80] =	vst v63  }
0xa6: {  	_ =	swait.ge @!p1 [sflag:s17], $0x80  }
0xa7: {  	s21 =	simm.s32 @!p1 $0x1E880;
	s3 =	simm.s32 @!p1 $0x14880;
	[sflag:s17] =	ssyncset.done @!p1 $0x0  }
0xa8: {  	s19 =	simm.s32 @!p1 $0x6;
	[sflag:s17] =	ssyncadd.s32 @!p1 $0xFFFFFF80;
	s17 =	simm.s32 @!p1 $0x50  }
0xa9: {  	[tilespmem:s3], [sflag:$0x1] =	stream.indirect.gather @!p1 [hbm4b:s4+s17], $0x80, s21, s17, $0xb8;
	[tilespmem:$0x1EC80] =	vst v63  }
0xaa: {  	_ =	swait.ge @!p1 [sflag:s19], $0x2800  }
0xab: {  	[sflag:s19] =	ssyncset.done @!p1 $0x0;
	s3 =	rddreg [dreg:$0x8]  }
0xac: {  	[sflag:s19] =	ssyncadd.s32 @!p1 $0xFFFFD800;
	s3 =	sadd.s32 @!p1 s13, s3;
	s19 =	simm.s32 @!p1 $0x1EB00  }
0xad: {  	[tilespmem:s19], [sflag:$0xE] =	stream.linear.gather @!p1 [hbm4b:s3+s18], $0x80, $0x38;
	[tilespmem:$0x1EC80] =	vst v63  }
0xae: {  	_ =	swait.ge [sflag:s30], $0x80  }
0xaf: {  	[sflag:s30] =	ssyncset.done $0x0  }
0xb0: {  	s19 =	simm.s32 @p1 $0xB;
	s21 =	rddreg [dreg:$0xa];
	[sflag:s30] =	ssyncadd.s32 $0xFFFFFF80  }
0xb1: {  	[tilespmem:s21], [sflag:$0x2] =	stream.indirect.gather [hbm4b:s4+s31], $0x80, s26, s31, $0xb8;
	[tilespmem:$0x1EC80] =	vst v63  }
0xb2: {  	_ =	swait.ge @p1 [sflag:s19], $0x80  }
0xb3: {  	s3 =	simm.s32 @!p1 $0x7;
	[sflag:s19] =	ssyncset.done @p1 $0x0  }
0xb4: {  	s21 =	simm.s32 @p1 $0x19880;
	[sflag:s19] =	ssyncadd.s32 @p1 $0xFFFFFF80;
	s19 =	simm.s32 @p1 $0x1E980  }
0xb5: {  	[tilespmem:s21], [sflag:$0x3] =	stream.indirect.gather @p1 [hbm4b:s4+s12], $0x80, s19, s12, $0xb8;
	[tilespmem:$0x1EC80] =	vst v63  }
0xb6: {  	_ =	swait.ge @!p1 [sflag:s3], $0x2800  }
0xb7: {  	s19 =	simm.s32 @!p1 $0xB;
	[sflag:s3] =	ssyncset.done @!p1 $0x0;
	s12 =	rddreg [dreg:$0x7]  }
0xb8: {  	[sflag:s3] =	ssyncadd.s32 @!p1 $0xFFFFD800;
	s3 =	sadd.s32 @!p1 s13, s12;
	s12 =	simm.s32 @!p1 $0x1EB80  }
0xb9: {  	[tilespmem:s12], [sflag:$0xF] =	stream.linear.gather @!p1 [hbm4b:s3+s18], $0x80, $0x38;
	[tilespmem:$0x1EC80] =	vst v63  }
0xba: {  	_ =	swait.ge @!p1 [sflag:s19], $0x80  }
0xbb: {  	s3 =	simm.s32 @!p1 $0x8;
	[sflag:s19] =	ssyncset.done @!p1 $0x0  }
0xbc: {  	s12 =	simm.s32 @!p1 $0x1E980;
	[sflag:s19] =	ssyncadd.s32 @!p1 $0xFFFFFF80;
	s19 =	simm.s32 @!p1 $0x19880  }
0xbd: {  	[tilespmem:s19], [sflag:$0x3] =	stream.indirect.gather @!p1 [hbm4b:s4+s17], $0x80, s12, s17, $0xb8;
	[tilespmem:$0x1EC80] =	vst v63  }
0xbe: {  	_ =	swait.ge @!p1 [sflag:s3], $0x2800  }
0xbf: {  	[sflag:s3] =	ssyncset.done @!p1 $0x0;
	s12 =	rddreg [dreg:$0x6]  }
0xc0: {  	[sflag:s3] =	ssyncadd.s32 @!p1 $0xFFFFD800;
	s3 =	sadd.s32 @!p1 s13, s12;
	s12 =	simm.s32 @!p1 $0x1EC00  }
0xc1: {  	[tilespmem:s12], [sflag:$0x10] =	stream.linear.gather @!p1 [hbm4b:s3+s18], $0x80, $0x38;
	[tilespmem:$0x1EC80] =	vst v63  }
0xc2: {  	_ =	swait.ge [sflag:s0], $0x80  }
0xc3: {  	[sflag:s0] =	ssyncset.done $0x0  }
0xc4: {  	[sflag:s0] =	ssyncadd.s32 $0xFFFFFF80  }
0xc5: {  	[tilespmem:s24], [sflag:$0x4] =	stream.indirect.gather [hbm4b:s4+s31], $0x80, s29, s31, $0xb8;
	[tilespmem:$0x1EC80] =	vst v63  }
0xc6: {  	_ =	swait.ge [sflag:s25], $0x2800  }
0xc7: {  	s17 =	sshrl.u32 s14, $0x3;
	[sflag:s25] =	ssyncset.done $0x0  }
0xc8: {  	s21 =	simm.s32 $0x0;
	s3 =	sadd.s32 s5, s17;
	[sflag:s25] =	ssyncadd.s32 $0xFFFFD800  }
0xc9: {  	[tilespmem:s6], [sflag:$0x9] =	stream.linear.gather [hbm4b:s3+s21], $0x80, $0x38;
	[tilespmem:$0x1EC80] =	vst v63  }
0xca: {  	_ =	swait.ge [sflag:s2], $0x80  }
0xcb: {  	[sflag:s2] =	ssyncset.done $0x0  }
0xcc: {  	[sflag:s2] =	ssyncadd.s32 $0xFFFFFF80  }
0xcd: {  	[spmem:s1] =	stream.indirect.scatter.add.f32 [tilespmem:s22], [sflag:$0x5], $0x80, s23, s31, $0xb8;
	[tilespmem:$0x1EC80] =	vst v63  }
0xce: {  	_ =	swait.ge [sflag:s8], $0x2800  }
0xcf: {  	p1 =	seq.s32 s13, $0x780;
	[sflag:s8] =	ssyncset.done $0x0  }
0xd0: {  	s3 =	simm.s32 @p1 $0xE;
	[sflag:s8] =	ssyncadd.s32 $0xFFFFD800  }
0xd1: {  	_ =	swait.ge @p1 [sflag:s3], $0x80  }
0xd2: {  	s12 =	simm.s32 @p1 $0x17080;
	s17 =	simm.s32 @p1 $0x3;
	[sflag:s3] =	ssyncset.done @p1 $0x0  }
0xd3: {  	s18 =	simm.s32 @p1 $0x1EB00;
	[sflag:s3] =	ssyncadd.s32 @p1 $0xFFFFFF80;
	s3 =	simm.s32 @p1 $0x50  }
0xd4: {  	[spmem:s1] =	stream.indirect.scatter.add.f32 @p1 [tilespmem:s12], [sflag:$0x6], $0x80, s18, s3, $0xb8;
	[tilespmem:$0x1EC80] =	vst v63  }
0xd5: {  	s12 =	simm.s32 @!p1 $0x1E900;
	_ =	swait.ge @p1 [sflag:s17], $0x2800  }
0xd6: {  	s18 =	simm.s32 @!p1 $0xE;
	s3 =	rddreg [dreg:$0x5];
	[sflag:s17] =	ssyncset.done @p1 $0x0  }
0xd7: {  	[sflag:s17] =	ssyncadd.s32 @p1 $0xFFFFD800;
	s3 =	sadd.s32 @!p1 s13, s3;
	s17 =	simm.s32 @!p1 $0x0  }
0xd8: {  	[tilespmem:s12], [sflag:$0xA] =	stream.linear.gather @!p1 [hbm4b:s3+s17], $0x80, $0x38;
	[tilespmem:$0x1EC80] =	vst v63  }
0xd9: {  	_ =	swait.ge @!p1 [sflag:s18], $0x80  }
0xda: {  	s19 =	simm.s32 @!p1 $0x1EB00;
	s3 =	simm.s32 @!p1 $0x17080;
	[sflag:s18] =	ssyncset.done @!p1 $0x0  }
0xdb: {  	s12 =	simm.s32 @!p1 $0x3;
	[sflag:s18] =	ssyncadd.s32 @!p1 $0xFFFFFF80;
	s18 =	simm.s32 @!p1 $0x50  }
0xdc: {  	[spmem:s1] =	stream.indirect.scatter.add.f32 @!p1 [tilespmem:s3], [sflag:$0x6], $0x80, s19, s18, $0xb8;
	[tilespmem:$0x1EC80] =	vst v63  }
0xdd: {  	_ =	swait.ge @!p1 [sflag:s12], $0x2800  }
0xde: {  	s3 =	rddreg [dreg:$0x4];
	[sflag:s12] =	ssyncset.done @!p1 $0x0  }
0xdf: {  	[sflag:s12] =	ssyncadd.s32 @!p1 $0xFFFFD800;
	s3 =	sadd.s32 @!p1 s13, s3;
	s12 =	simm.s32 @!p1 $0x1E980  }
0xe0: {  	[tilespmem:s12], [sflag:$0xB] =	stream.linear.gather @!p1 [hbm4b:s3+s17], $0x80, $0x38;
	[tilespmem:$0x1EC80] =	vst v63  }
0xe1: {  	_ =	swait.ge [sflag:s9], $0x80  }
0xe2: {  	s7 =	smov.u32 s15;
	s15 =	sadd.s32 $0x40, s15;
	[sflag:s9] =	ssyncset.done $0x0  }
0xe3: {  	s19 =	simm.s32 $0x1EB80;
	s18 =	rddreg [dreg:$0xb];
	[sflag:s9] =	ssyncadd.s32 $0xFFFFFF80  }
0xe4: {  	[spmem:s1] =	stream.indirect.scatter.add.f32 [tilespmem:s18], [sflag:$0x7], $0x80, s19, s31, $0xb8;
	[tilespmem:$0x1EC80] =	vst v63  }
0xe5: {  	p0 =	sne.s32 s15, $0x7C0;
	_ =	swait.ge [sflag:s10], $0x2800  }
.Ltmp2:
0xe6: {  	s3 =	rddreg [dreg:$0x3];
	[sflag:s10] =	ssyncset.done $0x0;
	(pc) =	sbr.rel @p0 .LBB2_6-.Ltmp2, $4  }
0xe7: {  	s12 =	simm.s32 @!p1 $0x1EA00;
	[sflag:s10] =	ssyncadd.s32 $0xFFFFD800;
	s3 =	sadd.s32 @!p1 s13, s3  }
0xe8: {  	[tilespmem:s12], [sflag:$0xC] =	stream.linear.gather @!p1 [hbm4b:s3+s17], $0x80, $0x38;
	[tilespmem:$0x1EC80] =	vst v63  }
0xe9: {  	s13 =	smov.u32 s7;
	_ =	swait.ge [sflag:s11], $0x80  }
0xea: {  	s14 =	sadd.s32 $0x200, s14;
	p1 =	seq.s32 s13, $0x0;
	[sflag:s11] =	ssyncset.done $0x0  }
0xeb: {  	s3 =	simm.s32 @p1 $0x9;
	[sflag:s11] =	ssyncadd.s32 $0xFFFFFF80;
	s6 =	simm.s32 $0x1EC00  }
0xec: {  	[spmem:s1] =	stream.indirect.scatter.add.f32 [tilespmem:s24], [sflag:$0x8], $0x80, s6, s31, $0xb8;
	[tilespmem:$0x1EC80] =	vst v63  }
0xed: {  	_ =	swait.ge @p1 [sflag:s3], $0x80  }
0xee: {  	s7 =	simm.s32 @p1 $0x14880;
	s12 =	simm.s32 @!p1 $0x5;
	[sflag:s3] =	ssyncset.done @p1 $0x0  }
0xef: {  	s15 =	simm.s32 @p1 $0x1E880;
	[sflag:s3] =	ssyncadd.s32 @p1 $0xFFFFFF80;
	s3 =	simm.s32 @p1 $0x50  }
0xf0: {  	[tilespmem:s7], [sflag:$0x1] =	stream.indirect.gather @p1 [hbm4b:s4+s3], $0x80, s15, s3, $0xb8;
	[tilespmem:$0x1EC80] =	vst v63  }
0xf1: {  	s17 =	simm.s32 @!p1 $0x1EA80;
	_ =	swait.ge @!p1 [sflag:s12], $0x2800  }
0xf2: {  	s15 =	simm.s32 @!p1 $0x0;
	s7 =	rddreg [dreg:$0x9];
	[sflag:s12] =	ssyncset.done @!p1 $0x0  }
0xf3: {  	[sflag:s12] =	ssyncadd.s32 @!p1 $0xFFFFD800;
	s12 =	simm.s32 @!p1 $0x9;
	s7 =	sadd.s32 @!p1 s13, s7  }
0xf4: {  	[tilespmem:s17], [sflag:$0xD] =	stream.linear.gather @!p1 [hbm4b:s7+s15], $0x80, $0x38;
	[tilespmem:$0x1EC80] =	vst v63  }
0xf5: {  	_ =	swait.ge @!p1 [sflag:s12], $0x80  }
0xf6: {  	s7 =	simm.s32 @!p1 $0x14880;
	[sflag:s12] =	ssyncset.done @!p1 $0x0  }
0xf7: {  	s17 =	simm.s32 @!p1 $0x1E880;
	[sflag:s12] =	ssyncadd.s32 @!p1 $0xFFFFFF80;
	s12 =	simm.s32 @!p1 $0x50  }
0xf8: {  	[tilespmem:s7], [sflag:$0x1] =	stream.indirect.gather @!p1 [hbm4b:s4+s12], $0x80, s17, s12, $0xb8;
	[tilespmem:$0x1EC80] =	vst v63  }
0xf9: {  	s7 =	simm.s32 @!p1 $0x6  }
0xfa: {  	_ =	swait.ge @!p1 [sflag:s7], $0x2800  }
0xfb: {  	s17 =	rddreg [dreg:$0x8];
	[sflag:s7] =	ssyncset.done @!p1 $0x0  }
0xfc: {  	[sflag:s7] =	ssyncadd.s32 @!p1 $0xFFFFD800;
	s7 =	sadd.s32 @!p1 s13, s17;
	s17 =	simm.s32 @!p1 $0x1EB00  }
0xfd: {  	[tilespmem:s17], [sflag:$0xE] =	stream.linear.gather @!p1 [hbm4b:s7+s15], $0x80, $0x38;
	[tilespmem:$0x1EC80] =	vst v63  }
0xfe: {  	_ =	swait.ge [sflag:s30], $0x80  }
0xff: {  	[sflag:s30] =	ssyncset.done $0x0  }
0x100: {  	s17 =	simm.s32 @p1 $0xB;
	s23 =	rddreg [dreg:$0xa];
	[sflag:s30] =	ssyncadd.s32 $0xFFFFFF80  }
0x101: {  	[tilespmem:s23], [sflag:$0x2] =	stream.indirect.gather [hbm4b:s4+s31], $0x80, s26, s31, $0xb8;
	[tilespmem:$0x1EC80] =	vst v63  }
0x102: {  	_ =	swait.ge @p1 [sflag:s17], $0x80  }
0x103: {  	[sflag:s17] =	ssyncset.done @p1 $0x0  }
0x104: {  	s7 =	simm.s32 @p1 $0x1E980;
	[sflag:s17] =	ssyncadd.s32 @p1 $0xFFFFFF80;
	s17 =	simm.s32 @p1 $0x19880  }
0x105: {  	[tilespmem:s17], [sflag:$0x3] =	stream.indirect.gather @p1 [hbm4b:s4+s3], $0x80, s7, s3, $0xb8;
	[tilespmem:$0x1EC80] =	vst v63  }
0x106: {  	s3 =	simm.s32 @!p1 $0x7  }
0x107: {  	_ =	swait.ge @!p1 [sflag:s3], $0x2800  }
0x108: {  	s7 =	rddreg [dreg:$0x7];
	[sflag:s3] =	ssyncset.done @!p1 $0x0  }
0x109: {  	[sflag:s3] =	ssyncadd.s32 @!p1 $0xFFFFD800;
	s3 =	sadd.s32 @!p1 s13, s7;
	s7 =	simm.s32 @!p1 $0x1EB80  }
0x10a: {  	[tilespmem:s7], [sflag:$0xF] =	stream.linear.gather @!p1 [hbm4b:s3+s15], $0x80, $0x38;
	[tilespmem:$0x1EC80] =	vst v63  }
0x10b: {  	s3 =	simm.s32 @!p1 $0xB  }
0x10c: {  	_ =	swait.ge @!p1 [sflag:s3], $0x80  }
0x10d: {  	[sflag:s3] =	ssyncset.done @!p1 $0x0  }
0x10e: {  	s7 =	simm.s32 @!p1 $0x19880;
	[sflag:s3] =	ssyncadd.s32 @!p1 $0xFFFFFF80;
	s3 =	simm.s32 @!p1 $0x1E980  }
0x10f: {  	[tilespmem:s7], [sflag:$0x3] =	stream.indirect.gather @!p1 [hbm4b:s4+s12], $0x80, s3, s12, $0xb8;
	[tilespmem:$0x1EC80] =	vst v63  }
0x110: {  	s3 =	simm.s32 @!p1 $0x8  }
0x111: {  	_ =	swait.ge @!p1 [sflag:s3], $0x2800  }
0x112: {  	s7 =	rddreg [dreg:$0x6];
	[sflag:s3] =	ssyncset.done @!p1 $0x0  }
0x113: {  	[sflag:s3] =	ssyncadd.s32 @!p1 $0xFFFFD800;
	s3 =	sadd.s32 @!p1 s13, s7;
	s7 =	simm.s32 @!p1 $0x1EC00  }
0x114: {  	[tilespmem:s7], [sflag:$0x10] =	stream.linear.gather @!p1 [hbm4b:s3+s15], $0x80, $0x38;
	[tilespmem:$0x1EC80] =	vst v63  }
0x115: {  	_ =	swait.ge [sflag:s0], $0x80  }
0x116: {  	[sflag:s0] =	ssyncset.done $0x0  }
0x117: {  	[sflag:s0] =	ssyncadd.s32 $0xFFFFFF80  }
0x118: {  	[tilespmem:s24], [sflag:$0x4] =	stream.indirect.gather [hbm4b:s4+s31], $0x80, s29, s31, $0xb8;
	[tilespmem:$0x1EC80] =	vst v63  }
0x119: {  	_ =	swait.ge [sflag:s25], $0x2800  }
0x11a: {  	s18 =	sshrl.u32 s14, $0x3;
	[sflag:s25] =	ssyncset.done $0x0  }
0x11b: {  	s3 =	sadd.s32 s5, s18;
	s18 =	simm.s32 $0x1E880;
	[sflag:s25] =	ssyncadd.s32 $0xFFFFD800  }
0x11c: {  	[tilespmem:s18], [sflag:$0x9] =	stream.linear.gather [hbm4b:s3+s21], $0x80, $0x38;
	[tilespmem:$0x1EC80] =	vst v63  }
0x11d: {  	_ =	swait.ge [sflag:s2], $0x80  }
0x11e: {  	[sflag:s2] =	ssyncset.done $0x0  }
0x11f: {  	s19 =	simm.s32 $0x1EA80;
	s22 =	simm.s32 $0x14880;
	[sflag:s2] =	ssyncadd.s32 $0xFFFFFF80  }
0x120: {  	[spmem:s1] =	stream.indirect.scatter.add.f32 [tilespmem:s22], [sflag:$0x5], $0x80, s19, s31, $0xb8;
	[tilespmem:$0x1EC80] =	vst v63  }
0x121: {  	_ =	swait.ge [sflag:s8], $0x2800  }
0x122: {  	p0 =	seq.s32 s13, $0x780;
	[sflag:s8] =	ssyncset.done $0x0  }
0x123: {  	s3 =	simm.s32 @p0 $0xE;
	[sflag:s8] =	ssyncadd.s32 $0xFFFFD800  }
0x124: {  	_ =	swait.ge @p0 [sflag:s3], $0x80  }
0x125: {  	s14 =	simm.s32 @p0 $0x1EB00;
	s12 =	simm.s32 @p0 $0x3;
	[sflag:s3] =	ssyncset.done @p0 $0x0  }
0x126: {  	s7 =	simm.s32 @p0 $0x17080;
	[sflag:s3] =	ssyncadd.s32 @p0 $0xFFFFFF80;
	s3 =	simm.s32 @p0 $0x50  }
0x127: {  	[spmem:s1] =	stream.indirect.scatter.add.f32 @p0 [tilespmem:s7], [sflag:$0x6], $0x80, s14, s3, $0xb8;
	[tilespmem:$0x1EC80] =	vst v63  }
0x128: {  	s7 =	simm.s32 @!p0 $0x1E900;
	_ =	swait.ge @p0 [sflag:s12], $0x2800  }
0x129: {  	s14 =	simm.s32 @!p0 $0xE;
	s3 =	rddreg [dreg:$0x5];
	[sflag:s12] =	ssyncset.done @p0 $0x0  }
0x12a: {  	[sflag:s12] =	ssyncadd.s32 @p0 $0xFFFFD800;
	s3 =	sadd.s32 @!p0 s13, s3;
	s12 =	simm.s32 @!p0 $0x0  }
0x12b: {  	[tilespmem:s7], [sflag:$0xA] =	stream.linear.gather @!p0 [hbm4b:s3+s12], $0x80, $0x38;
	[tilespmem:$0x1EC80] =	vst v63  }
0x12c: {  	_ =	swait.ge @!p0 [sflag:s14], $0x80  }
0x12d: {  	s3 =	simm.s32 @!p0 $0x17080;
	[sflag:s14] =	ssyncset.done @!p0 $0x0  }
0x12e: {  	s7 =	simm.s32 @!p0 $0x50;
	[sflag:s14] =	ssyncadd.s32 @!p0 $0xFFFFFF80;
	s14 =	simm.s32 @!p0 $0x1EB00  }
0x12f: {  	[spmem:s1] =	stream.indirect.scatter.add.f32 @!p0 [tilespmem:s3], [sflag:$0x6], $0x80, s14, s7, $0xb8;
	[tilespmem:$0x1EC80] =	vst v63  }
0x130: {  	s3 =	simm.s32 @!p0 $0x3  }
0x131: {  	_ =	swait.ge @!p0 [sflag:s3], $0x2800  }
0x132: {  	s7 =	rddreg [dreg:$0x4];
	[sflag:s3] =	ssyncset.done @!p0 $0x0  }
0x133: {  	[sflag:s3] =	ssyncadd.s32 @!p0 $0xFFFFD800;
	s3 =	sadd.s32 @!p0 s13, s7;
	s7 =	simm.s32 @!p0 $0x1E980  }
0x134: {  	[tilespmem:s7], [sflag:$0xB] =	stream.linear.gather @!p0 [hbm4b:s3+s12], $0x80, $0x38;
	[tilespmem:$0x1EC80] =	vst v63  }
0x135: {  	_ =	swait.ge [sflag:s9], $0x80  }
0x136: {  	[sflag:s9] =	ssyncset.done $0x0  }
0x137: {  	s26 =	simm.s32 $0x1EB80;
	s23 =	rddreg [dreg:$0xb];
	[sflag:s9] =	ssyncadd.s32 $0xFFFFFF80  }
0x138: {  	[spmem:s1] =	stream.indirect.scatter.add.f32 [tilespmem:s23], [sflag:$0x7], $0x80, s26, s31, $0xb8;
	[tilespmem:$0x1EC80] =	vst v63  }
0x139: {  	_ =	swait.ge [sflag:s10], $0x2800  }
0x13a: {  	s3 =	rddreg [dreg:$0x3];
	[sflag:s10] =	ssyncset.done $0x0  }
0x13b: {  	s7 =	simm.s32 @!p0 $0x1EA00;
	[sflag:s10] =	ssyncadd.s32 $0xFFFFD800;
	s3 =	sadd.s32 @!p0 s13, s3  }
0x13c: {  	[tilespmem:s7], [sflag:$0xC] =	stream.linear.gather @!p0 [hbm4b:s3+s12], $0x80, $0x38;
	[tilespmem:$0x1EC80] =	vst v63  }
0x13d: {  	_ =	swait.ge [sflag:s11], $0x80  }
0x13e: {  	[sflag:s11] =	ssyncset.done $0x0  }
0x13f: {  	s7 =	simm.s32 $0x5;
	[sflag:s11] =	ssyncadd.s32 $0xFFFFFF80  }
0x140: {  	[spmem:s1] =	stream.indirect.scatter.add.f32 [tilespmem:s24], [sflag:$0x8], $0x80, s6, s31, $0xb8;
	[tilespmem:$0x1EC80] =	vst v63  }
0x141: {  	_ =	swait.ge [sflag:s7], $0x2800  }
0x142: {  	[sflag:s7] =	ssyncset.done $0x0  }
0x143: {  	s13 =	simm.s32 $0x9;
	s12 =	rddreg [dreg:$0x14];
	[sflag:s7] =	ssyncadd.s32 $0xFFFFD800  }
0x144: {  	[tilespmem:s19], [sflag:$0xD] =	stream.linear.gather [hbm4b:s12+s21], $0x80, $0x38;
	[tilespmem:$0x1EC80] =	vst v63  }
0x145: {  	_ =	swait.ge [sflag:s13], $0x80  }
0x146: {  	[sflag:s13] =	ssyncset.done $0x0  }
0x147: {  	[sflag:s13] =	ssyncadd.s32 $0xFFFFFF80  }
0x148: {  	[tilespmem:s22], [sflag:$0x1] =	stream.indirect.gather [hbm4b:s4+s31], $0x80, s18, s31, $0xb8;
	[tilespmem:$0x1EC80] =	vst v63  }
0x149: {  	_ =	swait.ge [sflag:s25], $0x2800  }
0x14a: {  	[sflag:s25] =	ssyncset.done $0x0  }
0x14b: {  	[sflag:s25] =	ssyncadd.s32 $0xFFFFD800  }
0x14c: {  	_ =	swait.ge [sflag:s2], $0x80  }
0x14d: {  	[sflag:s2] =	ssyncset.done $0x0  }
0x14e: {  	[sflag:s2] =	ssyncadd.s32 $0xFFFFFF80  }
0x14f: {  	[spmem:s1] =	stream.indirect.scatter.add.f32 [tilespmem:s22], [sflag:$0x5], $0x80, s19, s31, $0xb8;
	[tilespmem:$0x1EC80] =	vst v63  }
0x150: {  	_ =	swait.ge [sflag:s7], $0x2800  }
0x151: {  	[sflag:s7] =	ssyncset.done $0x0  }
0x152: {  	s14 =	simm.s32 $0x6;
	[sflag:s7] =	ssyncadd.s32 $0xFFFFD800  }
0x153: {  	_ =	swait.ge [sflag:s14], $0x2800  }
0x154: {  	[sflag:s14] =	ssyncset.done $0x0  }
0x155: {  	s15 =	simm.s32 $0x7;
	[sflag:s14] =	ssyncadd.s32 $0xFFFFD800  }
0x156: {  	_ =	swait.ge [sflag:s15], $0x2800  }
0x157: {  	[sflag:s15] =	ssyncset.done $0x0  }
0x158: {  	s17 =	simm.s32 $0x8;
	[sflag:s15] =	ssyncadd.s32 $0xFFFFD800  }
0x159: {  	_ =	swait.ge [sflag:s17], $0x2800  }
0x15a: {  	[sflag:s17] =	ssyncset.done $0x0  }
0x15b: {  	s18 =	stileid.u32;
	[sflag:s17] =	ssyncadd.s32 $0xFFFFD800  }
0x15c: {  	s3 =	sshll.u32 s18, $0x6;
	[bflag:$0x0] =	sbarrier.arrive $0xFFFF  }
0x15d: {  	s3 =	sor.u32 $0x1C11, s3;
	s19 =	sshrl.u32 s16, $0x3;
	s22 =	rddreg [dreg:$0x15]  }
0x15e: {  	[hbm:s22], [sflag:s3] =	dma.local [spmem:s19], $0x2710  }
0x15f: {  	_ =	swait.ge [sflag:s20], $0x2710  }
0x160: {  	s23 =	rddreg [dreg:$0x18]  }
0x161: {  	s26 =	rddreg [dreg:$0x16];
	s7 =	sadd.s32 $0x1, s23  }
0x162: {  	p0 =	sne.s32 s7, s26  }
.Ltmp3:
0x163: {  	_ = 	snop;
	(pc) =	sbr.rel @p0 .LBB2_1-.Ltmp3, $4  }
0x164: {  	s6 =	simm.s32 $0x1EC00  }
0x165: {  	s18 =	simm.s32 $0x1EA80;
	s17 =	simm.s32 $0x1E880;
	s3 =	simm.s32 $0x13880  }
0x166: {  	s19 =	simm.s32 $0x1E900;
	s22 =	simm.s32 $0x1EB80;
	[sflag:s20] =	ssyncset.done $0x0  }
0x167: {  	[sflag:s20] =	ssyncadd.s32 $0xFFFFD8F0;
	s23 =	simm.s32 $0x1EA00;
	s26 =	simm.s32 $0x14880  }
0x168: {  	_ =	sfence.sel $0x180000  }
0x169: {  	[bflag:$0x0] =	sbarrier.arrive $0xFFFF  }
0x16a: {  	_ =	strace $0x9000004A  }
0x16b: {  	s0 =	stileid.u32;
	[bflag:$0x2] =	sbarrier.arrive $0xFFFF  }
0x16c: {  	p0 =	sne.s32 s0, $0x0;
	s0 =	rddreg [dreg:$0x2]  }
0x16d: {  	s0 =	sadd.s32 @!p0 $0x100000, s0  }
0x16e: {  	[sflag:s0] =	ssyncadd.tile.s32 @!p0 $0x1;
	_ =	shalt  }
.Lfunc_end2:
_tile_overlayer_lowered:
.L_overlay_start_2:
0x16f: {  	(tag) =	ssettag $0x2  }
0x170: {  	s0 =	rddreg [dreg:$0x0];
	s2 =	stileid.u32  }
0x171: {  	s1 =	rddreg [dreg:$0x1];
	p0 =	sne.s32 s2, $0x0  }
0x172: {  	s3 =	rddreg [dreg:$0x2];
	[bflag:$0x3] =	sbarrier.arrive $0xFFFF;
	s2 =	simm.s32 @!p0 $0x1C11  }
0x173: {  	[timem:s3], [sflag:s2] =	dma.local @!p0 [hbm:s0], s1  }
0x174: {  	s0 =	simm.s32 @!p0 $0x11  }
0x175: {  	_ =	swait.ge @!p0 [sflag:s0], s1  }
0x176: {  	s1 =	ssub.s32 @!p0 $0x0, s1;
	[sflag:s0] =	ssyncset.done @!p0 $0x0  }
0x177: {  	[sflag:s0] =	ssyncadd.s32 @!p0 s1  }
0x178: {  	[bflag:$0x3] =	sbarrier.arrive $0xFFFF  }
0x179: {  	_ =	shalt  }

// kernel: kernel.17.cloned.1.call-start
scs
__scs_entry_jumppad:
0x0: {  	(pc) =	sbr.rel $0x88, $3  }
0x1: {  	(tag) =	ssettag $0x0;
	lr =	simm.s32 $0x1  }
0x2: {  	[smem:$0x3F95] =	sst lr;
	_ =	strace $0xD0000000  }
0x3: {  	_ = 	snop  }
0x4: {  	_ = 	snop  }
0x5: {  	_ = 	snop  }
0x6: {  	_ = 	snop  }
0x7: {  	_ = 	snop  }
__scs_overlays_trampoline_lowered:
0x8: {  	[smem:$0x3FA4] =	sst s0  }
0x9: {  	[smem:$0x3FA5] =	sst s1  }
0xa: {  	[smem:$0x3FA6] =	sst s2  }
0xb: {  	[smem:$0x3FA7] =	sst s3  }
0xc: {  	[smem:$0x3FA8] =	sst s4  }
0xd: {  	[smem:$0x3FA9] =	sst s5  }
0xe: {  	[smem:$0x3FAA] =	sst s6  }
0xf: {  	[smem:$0x3FAB] =	sst s7  }
0x10: {  	[smem:$0x3FAC] =	sst s8  }
0x11: {  	[smem:$0x3FAD] =	sst s9;
	s0 =	simm.s32 @!p0 $0x0  }
0x12: {  	s1 =	sld [smem:$0x3F93];
	s0 =	simm.s32 @p0 $0x1  }
0x13: {  	[smem:$0x3FAE] =	sst s0;
	s0 =	simm.s32 @!p1 $0x0  }
0x14: {  	s2 =	sld [smem:$0x3F92];
	s0 =	simm.s32 @p1 $0x1  }
0x15: {  	[smem:$0x3FAF] =	sst s0;
	s0 =	simm.s32 @!p2 $0x0  }
0x16: {  	s3 =	sld [smem:$0x3FDB];
	s0 =	simm.s32 @p2 $0x1  }
0x17: {  	s4 =	simm.s32 $0x1BF5;
	[smem:$0x3FB1] =	sst s0  }
0x18: {  	s0 =	sld [smem:$0x3F94];
	_ =	swait.ge [sflag:s4], $0x0  }
0x19: {  	s7 =	sld [smem:$0x3F95]  }
0x1a: {  	s8 =	sadd.s32 $0xFFFFE003, lr  }
0x1b: {  	s9 =	sadd.s32 $0xFFFFFEF7, lr;
	s5 =	simm.s32 $0xFFFFFFFF;
	p2 =	slt.u32 s8, $0xFFFFF086  }
0x1c: {  	p1 =	slt.u32 s9, $0xF7A;
	s5 =	simm.s32 @!p2 $0x0  }
0x1d: {  	s5 =	simm.s32 @p1 $0x1;
	p0 =	seq.s32 s7, s2  }
0x1e: {  	s7 =	smul.u32 @!p0 $0xF7A, s2;
	p2 =	seq.s32 @!p0 s5, $0x0  }
0x1f: {  	s9 =	smul.u32 $0xF7A, s1;
	s8 =	simm.s32 @!p0 $0x1BF5;
	p2 =	por !p2, p0  }
0x20: {  	[sflag:s8] =	ssyncset.s32 @!p0 $0xFFFFF086;
	s6 =	sadd.s32 @!p0 s3, s7;
	s7 =	simm.s32 @!p0 $0x108  }
0x21: {  	s3 =	sadd.s32 s3, s9;
	s6 =	sadd.s32 @!p0 $0x88, s6;
	s7 =	simm.s32 @p2 $0x1082  }
0x22: {  	[simem:s7], [sflag:s8] =	dma.local @!p0 [hbm:s6], $0xF7A  }
0x23: {  	s9 =	sor.u32 $0xD0000000, s2;
	s6 =	simm.s32 $0x108;
	_ =	swait.ge @!p0 [sflag:s8], $0x0  }
0x24: {  	s3 =	sadd.s32 $0x88, s3;
	s6 =	simm.s32 @!p1 $0x1082;
	[sflag:s4] =	ssyncset.s32 $0xFFFFF086  }
0x25: {  	[simem:s6], [sflag:s4] =	dma.local [hbm:s3], $0xF7A  }
0x26: {  	[smem:$0x3F95] =	sst s1;
	(tag) =	ssettag s2;
	_ =	strace s9  }
0x27: {  	s1 =	sld [smem:$0x3FA5]  }
0x28: {  	s2 =	sld [smem:$0x3FA6]  }
0x29: {  	s4 =	sld [smem:$0x3FA8]  }
0x2a: {  	p0 =	seq.s32 s5, $0x0;
	s5 =	sld [smem:$0x3FA9]  }
0x2b: {  	s6 =	sld [smem:$0x3FAA]  }
0x2c: {  	s7 =	sld [smem:$0x3FAB]  }
0x2d: {  	s3 =	simm.s32 $0x108;
	s8 =	sld [smem:$0x3FAC]  }
0x2e: {  	s3 =	simm.s32 @!p0 $0x1082;
	s9 =	sld [smem:$0x3FAD]  }
0x2f: {  	lr =	sadd.s32 s0, s3;
	s0 =	sld [smem:$0x3FA4]  }
0x30: {  	s3 =	sld [smem:$0x3FA7]  }
0x31: {  	[smem:$0x3FB0] =	sst s10  }
0x32: {  	s10 =	sld [smem:$0x3FAE];
	_ =	sdelay $0x3  }
0x33: {  	p0 =	seq.s32 s10, $0x1;
	s10 =	sld [smem:$0x3FB0];
	_ =	sdelay $0x3  }
0x34: {  	[smem:$0x3FB0] =	sst s10  }
0x35: {  	s10 =	sld [smem:$0x3FAF];
	_ =	sdelay $0x3  }
0x36: {  	p1 =	seq.s32 s10, $0x1;
	s10 =	sld [smem:$0x3FB0];
	_ =	sdelay $0x3  }
0x37: {  	[smem:$0x3FB0] =	sst s10  }
0x38: {  	s10 =	sld [smem:$0x3FB1]  }
0x39: {  	_ = 	snop;
	(pc) =	sbr.ind lr, $3  }
0x3a: {  	_ = 	snop  }
0x3b: {  	_ = 	snop  }
0x3c: {  	p2 =	seq.s32 s10, $0x1;
	s10 =	sld [smem:$0x3FB0]  }
0x3d: {  	_ =	shalt  }
0x3e: {  	_ =	shalt  }
0x3f: {  	_ =	shalt  }
0x40: {  	_ =	shalt  }
0x41: {  	_ =	shalt  }
0x42: {  	_ =	shalt  }
0x43: {  	_ =	shalt  }
0x44: {  	_ =	shalt  }
0x45: {  	_ =	shalt  }
0x46: {  	_ =	shalt  }
0x47: {  	_ =	shalt  }
0x48: {  	_ =	shalt  }
0x49: {  	_ =	shalt  }
0x4a: {  	_ =	shalt  }
0x4b: {  	_ =	shalt  }
0x4c: {  	_ =	shalt  }
0x4d: {  	_ =	shalt  }
0x4e: {  	_ =	shalt  }
0x4f: {  	_ =	shalt  }
0x50: {  	_ =	shalt  }
0x51: {  	_ =	shalt  }
0x52: {  	_ =	shalt  }
0x53: {  	_ =	shalt  }
0x54: {  	_ =	shalt  }
0x55: {  	_ =	shalt  }
0x56: {  	_ =	shalt  }
0x57: {  	_ =	shalt  }
0x58: {  	_ =	shalt  }
0x59: {  	_ =	shalt  }
0x5a: {  	_ =	shalt  }
0x5b: {  	_ =	shalt  }
0x5c: {  	_ =	shalt  }
0x5d: {  	_ =	shalt  }
0x5e: {  	_ =	shalt  }
0x5f: {  	_ =	shalt  }
0x60: {  	_ =	shalt  }
0x61: {  	_ =	shalt  }
0x62: {  	_ =	shalt  }
0x63: {  	_ =	shalt  }
0x64: {  	_ =	shalt  }
0x65: {  	_ =	shalt  }
0x66: {  	_ =	shalt  }
0x67: {  	_ =	shalt  }
0x68: {  	_ =	shalt  }
0x69: {  	_ =	shalt  }
0x6a: {  	_ =	shalt  }
0x6b: {  	_ =	shalt  }
0x6c: {  	_ =	shalt  }
0x6d: {  	_ =	shalt  }
0x6e: {  	_ =	shalt  }
0x6f: {  	_ =	shalt  }
0x70: {  	_ =	shalt  }
0x71: {  	_ =	shalt  }
0x72: {  	_ =	shalt  }
0x73: {  	_ =	shalt  }
0x74: {  	_ =	shalt  }
0x75: {  	_ =	shalt  }
0x76: {  	_ =	shalt  }
0x77: {  	_ =	shalt  }
0x78: {  	_ =	shalt  }
0x79: {  	_ =	shalt  }
0x7a: {  	_ =	shalt  }
0x7b: {  	_ =	shalt  }
0x7c: {  	_ =	shalt  }
0x7d: {  	_ =	shalt  }
0x7e: {  	_ =	shalt  }
0x7f: {  	_ =	shalt  }
0x80: {  	_ =	shalt  }
0x81: {  	_ =	shalt  }
0x82: {  	_ =	shalt  }
0x83: {  	_ =	shalt  }
0x84: {  	_ =	shalt  }
0x85: {  	_ =	shalt  }
0x86: {  	_ =	shalt  }
0x87: {  	_ =	shalt  }
.Lfunc_end0:
.L_simem_size_0:
called_computation.2_lowered:
.L_overlay_start_0:
0x88: {  	s2 =	sld [smem:$0x3FD9]  }
0x89: {  	s3 =	sld [smem:$0x3FFE];
	_ =	sdelay $0x1  }
0x8a: {  	s1 =	srdreg.scid  }
0x8b: {  	s0 =	sand.u32 $0x1, s1  }
0x8c: {  	s16 =	sshll.u32 s0, $0xA;
	s2 =	sadd.s32 s3, s2  }
0x8d: {  	s2 =	sadd.s32 s2, s16  }
0x8e: {  	[smem:$0x3FBC] =	sst s2  }
0x8f: {  	_ = 	snop  }
0x90: {  	(tm) =	ssettm $0x1  }
0x91: {  	s17 =	sld [smem:$0x3FFB];
	_ =	sdelay $0x3  }
0x92: {  	_ =	strace s17  }
0x93: {  	s2 =	sld [smem:$0x3FFC];
	_ =	sdelay $0x3  }
0x94: {  	_ =	strace s2  }
0x95: {  	s2 =	sld [smem:$0x3FFD];
	_ =	sdelay $0x3  }
0x96: {  	_ =	strace s2  }
0x97: {  	_ =	strace $0x8FFFFFFF  }
0x98: {  	s18 =	sld [smem:$0x3FDB];
	_ =	sdelay $0x1  }
0x99: {  	s19 =	simm.s32 $_scs_section_size  }
0x9a: {  	s4 =	simm.s32 $_size__tile_overlayer_lowered;
	s5 =	simm.s32 $_tile_overlayer_lowered  }
0x9b: {  	s22 =	simm.s32 $0x1BFF;
	s21 =	sshll.u32 s5, $0x1;
	s2 =	sadd.s32 s19, s18  }
0x9c: {  	s6 =	simm.s32 $0x0;
	s20 =	sshll.u32 s4, $0x1;
	s4 =	sadd.s32 s21, s2  }
0x9d: {  	[timem:s6], [sflag:s22] =	dma.local [hbm:s4], s20  }
0x9e: {  	_ =	swait.ge [sflag:s22], s20  }
0x9f: {  	s3 =	ssub.s32 $0x0, s20;
	[sflag:s22] =	ssyncset.done $0x0  }
0xa0: {  	[sflag:s22] =	ssyncadd.s32 s3;
	_ =	sdelay $0x1  }
0xa1: {  	s23 =	simm.s32 $0x1B8B  }
0xa2: {  	_ =	swait.ge [sflag:s23], $0x1  }
0xa3: {  	[sflag:s23] =	ssyncset.done $0x0  }
0xa4: {  	s25 =	simm.s32 $0x1B8E;
	s24 =	sld [smem:$0x3FFE];
	[sflag:s23] =	ssyncadd.s32 $0xFFFFFFFF  }
0xa5: {  	s26 =	simm.s32 $execute0_lowered;
	[smem:$0x3FD2] =	sst s25  }
0xa6: {  	s4 =	sshll.u32 s26, $0x1;
	_ =	strace $0x8000004C;
	[dreg:$0x1] =	wrdreg $0xFFFFFFFF  }
0xa7: {  	s28 =	simm.s32 $_size_execute0_lowered;
	s2 =	sadd.s32 s2, s4;
	[dreg:$0x0] =	wrdreg $0x0  }
0xa8: {  	s4 =	sshll.u32 s28, $0x1;
	[dreg:$0x2] =	wrdreg s2  }
0xa9: {  	[dreg:$0x3] =	wrdreg s4  }
0xaa: {  	[dreg:$0x4] =	wrdreg $0xC0  }
0xab: {  	_ =	task [dreg:s6], $0x5FFFF  }
0xac: {  	[dreg:$0x1] =	wrdreg $0xFFFFFFFF  }
0xad: {  	[dreg:$0x0] =	wrdreg $0x60  }
0xae: {  	[dreg:$0x2] =	wrdreg s24  }
0xaf: {  	[dreg:$0x3] =	wrdreg $0x0  }
0xb0: {  	[dreg:$0x4] =	wrdreg $0x9  }
0xb1: {  	_ =	task.clear_ibuf [dreg:s6], $0x5FFFF;
	_ =	strace $0x9000004C  }
0xb2: {  	s29 =	simm.s32 $0x9;
	_ =	strace $0x8000004E  }
0xb3: {  	_ =	swait.ge [sflag:s29], $0x1  }
0xb4: {  	[sflag:s29] =	ssyncadd.s32 $0xFFFFFFFF  }
0xb5: {  	_ =	strace $0x9000004E  }
0xb6: {  	_ =	sfence  }
0xb7: {  	s30 =	sld [smem:$0x0];
	_ =	sdelay $0x2  }
0xb8: {  	s31 =	sshll.u32 s1, $0xD;
	s1 =	sshrl.u32 s1, $0x2  }
0xb9: {  	s3 =	sand.u32 $0x4000, s31;
	s1 =	sadd.s32 s1, s30  }
0xba: {  	s0 =	sor.u32 s3, s0;
	s1 =	sshll.u32 s1, $0x11  }
0xbb: {  	s0 =	sor.u32 s1, s0  }
0xbc: {  	s0 =	sadd.s32 $0x8F2B, s0  }
0xbd: {  	[sflag:s0] =	ssyncadd.remote.s32 $0x1  }
0xbe: {  	_ =	sfence.sel $0xFFFF  }
0xbf: {  	[dreg:$0x0] =	wrdreg $0xFFFFFFFF;
	(pc) =	sbr.abs _section_cstart, $3  }
0xc0: {  	[dreg:$0x1] =	wrdreg $0xFFFFFFFF  }
0xc1: {  	_ =	task.clear_ibuf [dreg:s6], $0x2FFFF;
	_ =	strace $0x9FFFFFFF  }
0xc2: {  	(tm) =	ssettm $0x7FFFFFFF  }
0xc3: {  	_ =	shalt  }
tec
execute0_lowered:
.L_overlay_start_1:
0x0: {  	(tag) =	ssettag $0x1  }
0x1: {  	s0 =	rddreg [dreg:$0x0]  }
0x2: {  	s1 =	rddreg [dreg:$0x1];
	s21 =	simm.s32 $0x0;
	s2 =	srdreg.scid  }
0x3: {  	s3 =	stileid.u32;
	s30 =	simm.s32 $0xA;
	s31 =	simm.s32 $0x50  }
0x4: {  	s29 =	simm.s32 $0x1EA00;
	s28 =	simm.s32 $0x1EC00;
	s7 =	smul.u32 $0x13C00, s3  }
0x5: {  	[smem:$0x7FF] =	sst s21;
	s2 =	sand.u32 $0x1, s2;
	s17 =	smul.u32 $0x3E80, s3  }
0x6: {  	s5 =	sadd.s32 $0x4BE00, s0;
	s9 =	sadd.s32 $0x3C400, s0;
	s19 =	smul.u32 $0x4E200, s3  }
0x7: {  	s6 =	smul.u32 $0x13C000, s2;
	s4 =	sshll.u32 s2, $0x4;
	_ =	strace $0x8000004D  }
0x8: {  	s11 =	ssub.s32 $0x2, s2;
	s2 =	smul.u32 $0x3E800, s2;
	s8 =	sor.u32 s3, s4  }
0x9: {  	s4 =	sadd.s32 $0x5B800, s0;
	s10 =	sshrl.u32 s11, $0x1;
	s23 =	sshrl.u32 s19, $0x2  }
0xa: {  	s8 =	smul.u32 $0x3E80, s8;
	s6 =	sadd.s32 s7, s6;
	s2 =	sadd.s32 s17, s2  }
0xb: {  	s6 =	sshrl.u32 s6, $0x3;
	s24 =	sadd.s32 $0x380, s2;
	s26 =	sadd.s32 $0x300, s2  }
0xc: {  	s3 =	sadd.s32 $0x280, s2;
	s17 =	sadd.s32 $0x80, s2;
	s8 =	sshrl.u32 s8, $0x3  }
0xd: {  	s0 =	sadd.s32 s6, s0;
	s6 =	ssub.s32 s11, s10;
	s25 =	sshrl.u32 s24, $0x3  }
0xe: {  	s19 =	sshrl.u32 s17, $0x3;
	s17 =	simm.s32 $0x1E880;
	s13 =	sadd.s32 s5, s8  }
0xf: {  	s12 =	sadd.s32 $0x10, s8;
	s11 =	sadd.s32 s9, s8;
	[dreg:$0xc] =	wrdreg s13  }
0x10: {  	s15 =	sadd.s32 $0x20, s8;
	s0 =	sadd.s32 $0x82A00, s0;
	[dreg:$0xd] =	wrdreg s11  }
0x11: {  	s8 =	sadd.s32 $0x30, s8;
	s14 =	sadd.s32 s5, s12;
	[dreg:$0x15] =	wrdreg s0  }
0x12: {  	s7 =	sadd.s32 s9, s12;
	s16 =	sadd.s32 s5, s15;
	[dreg:$0xe] =	wrdreg s14  }
0x13: {  	s18 =	sadd.s32 s5, s8;
	s20 =	sadd.s32 s9, s8;
	[dreg:$0xf] =	wrdreg s7  }
0x14: {  	s22 =	sadd.s32 $0x7C0, s11;
	s0 =	sadd.s32 s25, s5;
	[dreg:$0x10] =	wrdreg s16  }
0x15: {  	s11 =	sshrl.u32 s3, $0x3;
	s13 =	sadd.s32 $0x180, s2;
	[dreg:$0x12] =	wrdreg s18  }
0x16: {  	s3 =	simm.s32 $0x13880;
	s25 =	simm.s32 $0x17080;
	[dreg:$0x13] =	wrdreg s20  }
0x17: {  	s8 =	simm.s32 $0x2;
	s7 =	sadd.s32 s9, s15;
	[dreg:$0x14] =	wrdreg s22  }
0x18: {  	s16 =	sadd.s32 s23, s1;
	[dreg:$0x3] =	wrdreg s0;
	s12 =	sadd.s32 s11, s5  }
0x19: {  	s14 =	sshrl.u32 s13, $0x3;
	s15 =	sadd.s32 $0x100, s2;
	s20 =	sadd.s32 s19, s9  }
0x1a: {  	s22 =	sshrl.u32 s2, $0x3;
	s23 =	smax.u32 s6, $0x1;
	[dreg:$0xa] =	wrdreg s25  }
0x1b: {  	s2 =	sadd.s32 $0x200, s2;
	s19 =	simm.s32 $0x1E900;
	[dreg:$0x11] =	wrdreg s7  }
0x1c: {  	s6 =	simm.s32 $0x1EC00;
	s25 =	simm.s32 $0x1;
	[dreg:$0x5] =	wrdreg s12  }
0x1d: {  	s11 =	simm.s32 $0x10;
	s7 =	sshrl.u32 s26, $0x3;
	[dreg:$0x16] =	wrdreg s23  }
0x1e: {  	s0 =	sadd.s32 s14, s9;
	[dreg:$0x8] =	wrdreg s20;
	s24 =	sadd.s32 s22, s9  }
0x1f: {  	[dreg:$0x17] =	wrdreg s2;
	s20 =	simm.s32 $0x11;
	s26 =	simm.s32 $0x19880  }
0x20: {  	s22 =	simm.s32 $0x1EB80;
	s23 =	simm.s32 $0x1EA00;
	[dreg:$0x6] =	wrdreg s0  }
0x21: {  	s2 =	simm.s32 $0xD;
	s10 =	sadd.s32 s7, s5;
	[dreg:$0x9] =	wrdreg s24  }
0x22: {  	s7 =	sshrl.u32 s15, $0x3;
	[dreg:$0xb] =	wrdreg s26;
	s0 =	simm.s32 $0xC  }
0x23: {  	s24 =	simm.s32 $0x1C080;
	s26 =	simm.s32 $0x14880;
	[dreg:$0x4] =	wrdreg s10  }
0x24: {  	s18 =	sadd.s32 s7, s9;
	s9 =	simm.s32 $0xF;
	s10 =	simm.s32 $0x4  }
0x25: {  	v0 =	vimm.f32 $0.0e+00;
	s7 =	simm.s32 $0x0;
	[dreg:$0x7] =	wrdreg s18;
	s18 =	simm.s32 $0x1EA80  }
.LBB2_1:
0x26: {  	[dreg:$0x18] =	wrdreg s7;
	s7 =	simm.s32 $0x0;
	s12 =	simm.s32 $0x0  }
.LBB2_2:
0x27: {  	p0 =	sne.s32 s12, $0x31C0  }
.Ltmp0:
0x28: {  	_ = 	snop;
	(pc) =	sbr.rel @p0 .LBB2_2-.Ltmp0, $4  }
0x29: {  	s13 =	sand.u32 $0x3E00, s12  }
0x2a: {  	s14 =	sand.u32 $0x70, s7;
	s13 =	sshrl.u32 s13, $0x2  }
0x2b: {  	s13 =	sor.u32 s14, s13  }
0x2c: {  	s7 =	sadd.s32 $0x10, s7;
	s12 =	sadd.s32 $0x40, s12;
	[tilespmem:s13+$0x13880] =	vst v0  }
0x2d: {  	s7 =	sadd.s32 $0x0, s16  }
0x2e: {  	[spmem:s7] =	stream.linear.scatter [tilespmem:s3], [sflag:$0x11], $0xC80, $0x38;
	[tilespmem:$0x1EC80] =	vst v63  }
0x2f: {  	s7 =	simm.s32 $0x3200;
	_ =	swait.ge [sflag:s20], $0xC80  }
.LBB2_4:
0x30: {  	s12 =	sshra.s32 s7, $0x2;
	[sflag:s20] =	ssyncset.done $0x0;
	p0 =	sne.s32 s7, $0x4B000  }
.Ltmp1:
0x31: {  	s12 =	sadd.s32 s12, s16;
	[sflag:s20] =	ssyncadd.s32 $0xFFFFF380;
	(pc) =	sbr.rel @p0 .LBB2_4-.Ltmp1, $3  }
0x32: {  	[spmem:s12] =	stream.linear.scatter [tilespmem:s3], [sflag:$0x11], $0xC80, $0x38;
	[tilespmem:$0x1EC80] =	vst v63  }
0x33: {  	s7 =	sadd.s32 $0x3200, s7;
	_ =	sdelay $0x1  }
0x34: {  	_ =	swait.ge [sflag:s20], $0xC80  }
0x35: {  	[sflag:s20] =	ssyncset.done $0x0  }
0x36: {  	[sflag:s20] =	ssyncadd.s32 $0xFFFFF380  }
0x37: {  	[bflag:$0x0] =	sbarrier.arrive $0xFFFF  }
0x38: {  	s7 =	simm.s32 $0x0;
	s3 =	rddreg [dreg:$0xc]  }
0x39: {  	[tilespmem:s17], [sflag:$0x9] =	stream.linear.gather [hbm4b:s3+s7], $0x80, $0x38;
	[tilespmem:$0x1EC80] =	vst v63  }
0x3a: {  	s15 =	rddreg [dreg:$0xd]  }
0x3b: {  	[tilespmem:s18], [sflag:$0xD] =	stream.linear.gather [hbm4b:s15+s7], $0x80, $0x38;
	[tilespmem:$0x1EC80] =	vst v63  }
0x3c: {  	s12 =	rddreg [dreg:$0xe]  }
0x3d: {  	[tilespmem:s19], [sflag:$0xA] =	stream.linear.gather [hbm4b:s12+s7], $0x80, $0x38;
	[tilespmem:$0x1EC80] =	vst v63  }
0x3e: {  	s13 =	rddreg [dreg:$0xf];
	s12 =	simm.s32 $0x1EB00  }
0x3f: {  	[tilespmem:s12], [sflag:$0xE] =	stream.linear.gather [hbm4b:s13+s7], $0x80, $0x38;
	[tilespmem:$0x1EC80] =	vst v63  }
0x40: {  	s14 =	rddreg [dreg:$0x10];
	s15 =	simm.s32 $0x1E980  }
0x41: {  	[tilespmem:s15], [sflag:$0xB] =	stream.linear.gather [hbm4b:s14+s7], $0x80, $0x38;
	[tilespmem:$0x1EC80] =	vst v63  }
0x42: {  	s13 =	rddreg [dreg:$0x11]  }
0x43: {  	[tilespmem:s22], [sflag:$0xF] =	stream.linear.gather [hbm4b:s13+s7], $0x80, $0x38;
	[tilespmem:$0x1EC80] =	vst v63  }
0x44: {  	s14 =	rddreg [dreg:$0x12]  }
0x45: {  	[tilespmem:s23], [sflag:$0xC] =	stream.linear.gather [hbm4b:s14+s7], $0x80, $0x38;
	[tilespmem:$0x1EC80] =	vst v63  }
0x46: {  	p0 =	por $0x1, $0x1;
	s15 =	rddreg [dreg:$0x13]  }
0x47: {  	[tilespmem:s6], [sflag:$0x10] =	stream.linear.gather [hbm4b:s15+s7], $0x80, $0x38;
	[tilespmem:$0x1EC80] =	vst v63  }
0x48: {  	s7 =	simm.s32 @p0 $0x9  }
0x49: {  	_ =	swait.ge @p0 [sflag:s7], $0x80  }
0x4a: {  	s12 =	simm.s32 @p0 $0x14880;
	s13 =	simm.s32 @!p0 $0x5;
	[sflag:s7] =	ssyncset.done @p0 $0x0  }
0x4b: {  	s14 =	simm.s32 @p0 $0x1E880;
	[sflag:s7] =	ssyncadd.s32 @p0 $0xFFFFFF80;
	s7 =	simm.s32 @p0 $0x50  }
0x4c: {  	[tilespmem:s12], [sflag:$0x1] =	stream.indirect.gather @p0 [hbm4b:s4+s7], $0x80, s14, s7, $0xb8;
	[tilespmem:$0x1EC80] =	vst v63  }
0x4d: {  	s15 =	simm.s32 @!p0 $0x1EA80;
	_ =	swait.ge @!p0 [sflag:s13], $0x2800  }
0x4e: {  	s14 =	simm.s32 @!p0 $0x0;
	s12 =	rddreg [dreg:$0x9];
	[sflag:s13] =	ssyncset.done @!p0 $0x0  }
0x4f: {  	[sflag:s13] =	ssyncadd.s32 @!p0 $0xFFFFD800;
	s13 =	simm.s32 @!p0 $0x9;
	s12 =	sadd.s32 @!p0 $0x0, s12  }
0x50: {  	[tilespmem:s15], [sflag:$0xD] =	stream.linear.gather @!p0 [hbm4b:s12+s14], $0x80, $0x38;
	[tilespmem:$0x1EC80] =	vst v63  }
0x51: {  	_ =	swait.ge @!p0 [sflag:s13], $0x80  }
0x52: {  	s12 =	simm.s32 @!p0 $0x14880;
	[sflag:s13] =	ssyncset.done @!p0 $0x0  }
0x53: {  	s15 =	simm.s32 @!p0 $0x1E880;
	[sflag:s13] =	ssyncadd.s32 @!p0 $0xFFFFFF80;
	s13 =	simm.s32 @!p0 $0x50  }
0x54: {  	[tilespmem:s12], [sflag:$0x1] =	stream.indirect.gather @!p0 [hbm4b:s4+s13], $0x80, s15, s13, $0xb8;
	[tilespmem:$0x1EC80] =	vst v63  }
0x55: {  	s12 =	simm.s32 @!p0 $0x6  }
0x56: {  	_ =	swait.ge @!p0 [sflag:s12], $0x2800  }
0x57: {  	s15 =	rddreg [dreg:$0x8];
	[sflag:s12] =	ssyncset.done @!p0 $0x0  }
0x58: {  	[sflag:s12] =	ssyncadd.s32 @!p0 $0xFFFFD800;
	s12 =	sadd.s32 @!p0 $0x0, s15;
	s15 =	simm.s32 @!p0 $0x1EB00  }
0x59: {  	[tilespmem:s15], [sflag:$0xE] =	stream.linear.gather @!p0 [hbm4b:s12+s14], $0x80, $0x38;
	[tilespmem:$0x1EC80] =	vst v63  }
0x5a: {  	_ =	swait.ge [sflag:s30], $0x80  }
0x5b: {  	[sflag:s30] =	ssyncset.done $0x0  }
0x5c: {  	s15 =	simm.s32 @p0 $0xB;
	s6 =	rddreg [dreg:$0xa];
	[sflag:s30] =	ssyncadd.s32 $0xFFFFFF80  }
0x5d: {  	[tilespmem:s6], [sflag:$0x2] =	stream.indirect.gather [hbm4b:s4+s31], $0x80, s19, s31, $0xb8;
	[tilespmem:$0x1EC80] =	vst v63  }
0x5e: {  	_ =	swait.ge @p0 [sflag:s15], $0x80  }
0x5f: {  	[sflag:s15] =	ssyncset.done @p0 $0x0  }
0x60: {  	s12 =	simm.s32 @p0 $0x1E980;
	[sflag:s15] =	ssyncadd.s32 @p0 $0xFFFFFF80;
	s15 =	simm.s32 @p0 $0x19880  }
0x61: {  	[tilespmem:s15], [sflag:$0x3] =	stream.indirect.gather @p0 [hbm4b:s4+s7], $0x80, s12, s7, $0xb8;
	[tilespmem:$0x1EC80] =	vst v63  }
0x62: {  	s7 =	simm.s32 @!p0 $0x7  }
0x63: {  	_ =	swait.ge @!p0 [sflag:s7], $0x2800  }
0x64: {  	s12 =	rddreg [dreg:$0x7];
	[sflag:s7] =	ssyncset.done @!p0 $0x0  }
0x65: {  	[sflag:s7] =	ssyncadd.s32 @!p0 $0xFFFFD800;
	s7 =	sadd.s32 @!p0 $0x0, s12;
	s12 =	simm.s32 @!p0 $0x1EB80  }
0x66: {  	[tilespmem:s12], [sflag:$0xF] =	stream.linear.gather @!p0 [hbm4b:s7+s14], $0x80, $0x38;
	[tilespmem:$0x1EC80] =	vst v63  }
0x67: {  	s7 =	simm.s32 @!p0 $0xB  }
0x68: {  	_ =	swait.ge @!p0 [sflag:s7], $0x80  }
0x69: {  	[sflag:s7] =	ssyncset.done @!p0 $0x0  }
0x6a: {  	s12 =	simm.s32 @!p0 $0x19880;
	[sflag:s7] =	ssyncadd.s32 @!p0 $0xFFFFFF80;
	s7 =	simm.s32 @!p0 $0x1E980  }
0x6b: {  	[tilespmem:s12], [sflag:$0x3] =	stream.indirect.gather @!p0 [hbm4b:s4+s13], $0x80, s7, s13, $0xb8;
	[tilespmem:$0x1EC80] =	vst v63  }
0x6c: {  	s7 =	simm.s32 @!p0 $0x8  }
0x6d: {  	_ =	swait.ge @!p0 [sflag:s7], $0x2800  }
0x6e: {  	s12 =	rddreg [dreg:$0x6];
	[sflag:s7] =	ssyncset.done @!p0 $0x0  }
0x6f: {  	[sflag:s7] =	ssyncadd.s32 @!p0 $0xFFFFD800;
	s7 =	sadd.s32 @!p0 $0x0, s12;
	s12 =	simm.s32 @!p0 $0x1EC00  }
0x70: {  	[tilespmem:s12], [sflag:$0x10] =	stream.linear.gather @!p0 [hbm4b:s7+s14], $0x80, $0x38;
	[tilespmem:$0x1EC80] =	vst v63  }
0x71: {  	_ =	swait.ge [sflag:s0], $0x80  }
0x72: {  	[sflag:s0] =	ssyncset.done $0x0  }
0x73: {  	[sflag:s0] =	ssyncadd.s32 $0xFFFFFF80  }
0x74: {  	[tilespmem:s24], [sflag:$0x4] =	stream.indirect.gather [hbm4b:s4+s31], $0x80, s23, s31, $0xb8;
	[tilespmem:$0x1EC80] =	vst v63  }
0x75: {  	_ =	swait.ge [sflag:s25], $0x2800  }
0x76: {  	s19 =	rddreg [dreg:$0x17]  }
0x77: {  	[sflag:s25] =	ssyncset.done $0x0;
	s23 =	sshrl.u32 s19, $0x3  }
0x78: {  	[sflag:s25] =	ssyncadd.s32 $0xFFFFD800;
	s7 =	sadd.s32 s5, s23  }
0x79: {  	[tilespmem:s17], [sflag:$0x9] =	stream.linear.gather [hbm4b:s7+s21], $0x80, $0x38;
	[tilespmem:$0x1EC80] =	vst v63  }
0x7a: {  	_ =	swait.ge [sflag:s2], $0x80  }
0x7b: {  	[sflag:s2] =	ssyncset.done $0x0  }
0x7c: {  	[sflag:s2] =	ssyncadd.s32 $0xFFFFFF80  }
0x7d: {  	[spmem:s1] =	stream.indirect.scatter.add.f32 [tilespmem:s26], [sflag:$0x5], $0x80, s18, s31, $0xb8;
	[tilespmem:$0x1EC80] =	vst v63  }
0x7e: {  	_ =	swait.ge [sflag:s8], $0x2800  }
0x7f: {  	p0 =	por $0x0, $0x0;
	[sflag:s8] =	ssyncset.done $0x0  }
0x80: {  	s7 =	simm.s32 @p0 $0xE;
	[sflag:s8] =	ssyncadd.s32 $0xFFFFD800  }
0x81: {  	_ =	swait.ge @p0 [sflag:s7], $0x80  }
0x82: {  	s12 =	simm.s32 @p0 $0x17080;
	s13 =	simm.s32 @p0 $0x3;
	[sflag:s7] =	ssyncset.done @p0 $0x0  }
0x83: {  	s14 =	simm.s32 @p0 $0x1EB00;
	[sflag:s7] =	ssyncadd.s32 @p0 $0xFFFFFF80;
	s7 =	simm.s32 @p0 $0x50  }
0x84: {  	[spmem:s1] =	stream.indirect.scatter.add.f32 @p0 [tilespmem:s12], [sflag:$0x6], $0x80, s14, s7, $0xb8;
	[tilespmem:$0x1EC80] =	vst v63  }
0x85: {  	s12 =	simm.s32 @!p0 $0x1E900;
	_ =	swait.ge @p0 [sflag:s13], $0x2800  }
0x86: {  	s14 =	simm.s32 @!p0 $0xE;
	s7 =	rddreg [dreg:$0x5];
	[sflag:s13] =	ssyncset.done @p0 $0x0  }
0x87: {  	[sflag:s13] =	ssyncadd.s32 @p0 $0xFFFFD800;
	s7 =	sadd.s32 @!p0 $0x0, s7;
	s13 =	simm.s32 @!p0 $0x0  }
0x88: {  	[tilespmem:s12], [sflag:$0xA] =	stream.linear.gather @!p0 [hbm4b:s7+s13], $0x80, $0x38;
	[tilespmem:$0x1EC80] =	vst v63  }
0x89: {  	_ =	swait.ge @!p0 [sflag:s14], $0x80  }
0x8a: {  	s7 =	simm.s32 @!p0 $0x17080;
	[sflag:s14] =	ssyncset.done @!p0 $0x0  }
0x8b: {  	s12 =	simm.s32 @!p0 $0x50;
	[sflag:s14] =	ssyncadd.s32 @!p0 $0xFFFFFF80;
	s14 =	simm.s32 @!p0 $0x1EB00  }
0x8c: {  	[spmem:s1] =	stream.indirect.scatter.add.f32 @!p0 [tilespmem:s7], [sflag:$0x6], $0x80, s14, s12, $0xb8;
	[tilespmem:$0x1EC80] =	vst v63  }
0x8d: {  	s7 =	simm.s32 @!p0 $0x3  }
0x8e: {  	_ =	swait.ge @!p0 [sflag:s7], $0x2800  }
0x8f: {  	s12 =	rddreg [dreg:$0x4];
	[sflag:s7] =	ssyncset.done @!p0 $0x0  }
0x90: {  	[sflag:s7] =	ssyncadd.s32 @!p0 $0xFFFFD800;
	s7 =	sadd.s32 @!p0 $0x0, s12;
	s12 =	simm.s32 @!p0 $0x1E980  }
0x91: {  	[tilespmem:s12], [sflag:$0xB] =	stream.linear.gather @!p0 [hbm4b:s7+s13], $0x80, $0x38;
	[tilespmem:$0x1EC80] =	vst v63  }
0x92: {  	_ =	swait.ge [sflag:s9], $0x80  }
0x93: {  	[sflag:s9] =	ssyncset.done $0x0  }
0x94: {  	p1 =	por $0x0, $0x0;
	s26 =	rddreg [dreg:$0xb];
	[sflag:s9] =	ssyncadd.s32 $0xFFFFFF80  }
0x95: {  	[spmem:s1] =	stream.indirect.scatter.add.f32 [tilespmem:s26], [sflag:$0x7], $0x80, s22, s31, $0xb8;
	[tilespmem:$0x1EC80] =	vst v63  }
0x96: {  	s6 =	simm.s32 $0x1E880;
	s15 =	simm.s32 $0x80;
	_ =	swait.ge [sflag:s10], $0x2800  }
0x97: {  	s23 =	simm.s32 $0x1EA80;
	s7 =	rddreg [dreg:$0x3];
	[sflag:s10] =	ssyncset.done $0x0  }
0x98: {  	s12 =	simm.s32 @!p0 $0x1EA00;
	[sflag:s10] =	ssyncadd.s32 $0xFFFFD800;
	s7 =	sadd.s32 @!p0 $0x0, s7  }
0x99: {  	[tilespmem:s12], [sflag:$0xC] =	stream.linear.gather @!p0 [hbm4b:s7+s13], $0x80, $0x38;
	[tilespmem:$0x1EC80] =	vst v63  }
0x9a: {  	s14 =	sadd.s32 $0x200, s19;
	s22 =	simm.s32 $0x14880;
	_ =	swait.ge [sflag:s11], $0x80  }
0x9b: {  	s26 =	simm.s32 $0x1E900;
	s13 =	simm.s32 $0x40;
	[sflag:s11] =	ssyncset.done $0x0  }
.LBB2_6:
0x9c: {  	s12 =	simm.s32 @p1 $0x9;
	[sflag:s11] =	ssyncadd.s32 $0xFFFFFF80  }
0x9d: {  	[spmem:s1] =	stream.indirect.scatter.add.f32 [tilespmem:s24], [sflag:$0x8], $0x80, s28, s31, $0xb8;
	[tilespmem:$0x1EC80] =	vst v63  }
0x9e: {  	_ =	swait.ge @p1 [sflag:s12], $0x80  }
0x9f: {  	s17 =	simm.s32 @p1 $0x14880;
	s18 =	simm.s32 @!p1 $0x5;
	[sflag:s12] =	ssyncset.done @p1 $0x0  }
0xa0: {  	s3 =	simm.s32 @p1 $0x1E880;
	[sflag:s12] =	ssyncadd.s32 @p1 $0xFFFFFF80;
	s12 =	simm.s32 @p1 $0x50  }
0xa1: {  	[tilespmem:s17], [sflag:$0x1] =	stream.indirect.gather @p1 [hbm4b:s4+s12], $0x80, s3, s12, $0xb8;
	[tilespmem:$0x1EC80] =	vst v63  }
0xa2: {  	s19 =	simm.s32 @!p1 $0x1EA80;
	_ =	swait.ge @!p1 [sflag:s18], $0x2800  }
0xa3: {  	s17 =	simm.s32 @!p1 $0x9;
	[sflag:s18] =	ssyncset.done @!p1 $0x0;
	s3 =	rddreg [dreg:$0x9]  }
0xa4: {  	[sflag:s18] =	ssyncadd.s32 @!p1 $0xFFFFD800;
	s3 =	sadd.s32 @!p1 s13, s3;
	s18 =	simm.s32 @!p1 $0x0  }
0xa5: {  	[tilespmem:s19], [sflag:$0xD] =	stream.linear.gather @!p1 [hbm4b:s3+s18], $0x80, $0x38;
	[tilespmem:$0x1EC80] =	vst v63  }
0xa6: {  	_ =	swait.ge @!p1 [sflag:s17], $0x80  }
0xa7: {  	s21 =	simm.s32 @!p1 $0x1E880;
	s3 =	simm.s32 @!p1 $0x14880;
	[sflag:s17] =	ssyncset.done @!p1 $0x0  }
0xa8: {  	s19 =	simm.s32 @!p1 $0x6;
	[sflag:s17] =	ssyncadd.s32 @!p1 $0xFFFFFF80;
	s17 =	simm.s32 @!p1 $0x50  }
0xa9: {  	[tilespmem:s3], [sflag:$0x1] =	stream.indirect.gather @!p1 [hbm4b:s4+s17], $0x80, s21, s17, $0xb8;
	[tilespmem:$0x1EC80] =	vst v63  }
0xaa: {  	_ =	swait.ge @!p1 [sflag:s19], $0x2800  }
0xab: {  	[sflag:s19] =	ssyncset.done @!p1 $0x0;
	s3 =	rddreg [dreg:$0x8]  }
0xac: {  	[sflag:s19] =	ssyncadd.s32 @!p1 $0xFFFFD800;
	s3 =	sadd.s32 @!p1 s13, s3;
	s19 =	simm.s32 @!p1 $0x1EB00  }
0xad: {  	[tilespmem:s19], [sflag:$0xE] =	stream.linear.gather @!p1 [hbm4b:s3+s18], $0x80, $0x38;
	[tilespmem:$0x1EC80] =	vst v63  }
0xae: {  	_ =	swait.ge [sflag:s30], $0x80  }
0xaf: {  	[sflag:s30] =	ssyncset.done $0x0  }
0xb0: {  	s19 =	simm.s32 @p1 $0xB;
	s21 =	rddreg [dreg:$0xa];
	[sflag:s30] =	ssyncadd.s32 $0xFFFFFF80  }
0xb1: {  	[tilespmem:s21], [sflag:$0x2] =	stream.indirect.gather [hbm4b:s4+s31], $0x80, s26, s31, $0xb8;
	[tilespmem:$0x1EC80] =	vst v63  }
0xb2: {  	_ =	swait.ge @p1 [sflag:s19], $0x80  }
0xb3: {  	s3 =	simm.s32 @!p1 $0x7;
	[sflag:s19] =	ssyncset.done @p1 $0x0  }
0xb4: {  	s21 =	simm.s32 @p1 $0x19880;
	[sflag:s19] =	ssyncadd.s32 @p1 $0xFFFFFF80;
	s19 =	simm.s32 @p1 $0x1E980  }
0xb5: {  	[tilespmem:s21], [sflag:$0x3] =	stream.indirect.gather @p1 [hbm4b:s4+s12], $0x80, s19, s12, $0xb8;
	[tilespmem:$0x1EC80] =	vst v63  }
0xb6: {  	_ =	swait.ge @!p1 [sflag:s3], $0x2800  }
0xb7: {  	s19 =	simm.s32 @!p1 $0xB;
	[sflag:s3] =	ssyncset.done @!p1 $0x0;
	s12 =	rddreg [dreg:$0x7]  }
0xb8: {  	[sflag:s3] =	ssyncadd.s32 @!p1 $0xFFFFD800;
	s3 =	sadd.s32 @!p1 s13, s12;
	s12 =	simm.s32 @!p1 $0x1EB80  }
0xb9: {  	[tilespmem:s12], [sflag:$0xF] =	stream.linear.gather @!p1 [hbm4b:s3+s18], $0x80, $0x38;
	[tilespmem:$0x1EC80] =	vst v63  }
0xba: {  	_ =	swait.ge @!p1 [sflag:s19], $0x80  }
0xbb: {  	s3 =	simm.s32 @!p1 $0x8;
	[sflag:s19] =	ssyncset.done @!p1 $0x0  }
0xbc: {  	s12 =	simm.s32 @!p1 $0x1E980;
	[sflag:s19] =	ssyncadd.s32 @!p1 $0xFFFFFF80;
	s19 =	simm.s32 @!p1 $0x19880  }
0xbd: {  	[tilespmem:s19], [sflag:$0x3] =	stream.indirect.gather @!p1 [hbm4b:s4+s17], $0x80, s12, s17, $0xb8;
	[tilespmem:$0x1EC80] =	vst v63  }
0xbe: {  	_ =	swait.ge @!p1 [sflag:s3], $0x2800  }
0xbf: {  	[sflag:s3] =	ssyncset.done @!p1 $0x0;
	s12 =	rddreg [dreg:$0x6]  }
0xc0: {  	[sflag:s3] =	ssyncadd.s32 @!p1 $0xFFFFD800;
	s3 =	sadd.s32 @!p1 s13, s12;
	s12 =	simm.s32 @!p1 $0x1EC00  }
0xc1: {  	[tilespmem:s12], [sflag:$0x10] =	stream.linear.gather @!p1 [hbm4b:s3+s18], $0x80, $0x38;
	[tilespmem:$0x1EC80] =	vst v63  }
0xc2: {  	_ =	swait.ge [sflag:s0], $0x80  }
0xc3: {  	[sflag:s0] =	ssyncset.done $0x0  }
0xc4: {  	[sflag:s0] =	ssyncadd.s32 $0xFFFFFF80  }
0xc5: {  	[tilespmem:s24], [sflag:$0x4] =	stream.indirect.gather [hbm4b:s4+s31], $0x80, s29, s31, $0xb8;
	[tilespmem:$0x1EC80] =	vst v63  }
0xc6: {  	_ =	swait.ge [sflag:s25], $0x2800  }
0xc7: {  	s17 =	sshrl.u32 s14, $0x3;
	[sflag:s25] =	ssyncset.done $0x0  }
0xc8: {  	s21 =	simm.s32 $0x0;
	s3 =	sadd.s32 s5, s17;
	[sflag:s25] =	ssyncadd.s32 $0xFFFFD800  }
0xc9: {  	[tilespmem:s6], [sflag:$0x9] =	stream.linear.gather [hbm4b:s3+s21], $0x80, $0x38;
	[tilespmem:$0x1EC80] =	vst v63  }
0xca: {  	_ =	swait.ge [sflag:s2], $0x80  }
0xcb: {  	[sflag:s2] =	ssyncset.done $0x0  }
0xcc: {  	[sflag:s2] =	ssyncadd.s32 $0xFFFFFF80  }
0xcd: {  	[spmem:s1] =	stream.indirect.scatter.add.f32 [tilespmem:s22], [sflag:$0x5], $0x80, s23, s31, $0xb8;
	[tilespmem:$0x1EC80] =	vst v63  }
0xce: {  	_ =	swait.ge [sflag:s8], $0x2800  }
0xcf: {  	p1 =	seq.s32 s13, $0x780;
	[sflag:s8] =	ssyncset.done $0x0  }
0xd0: {  	s3 =	simm.s32 @p1 $0xE;
	[sflag:s8] =	ssyncadd.s32 $0xFFFFD800  }
0xd1: {  	_ =	swait.ge @p1 [sflag:s3], $0x80  }
0xd2: {  	s12 =	simm.s32 @p1 $0x17080;
	s17 =	simm.s32 @p1 $0x3;
	[sflag:s3] =	ssyncset.done @p1 $0x0  }
0xd3: {  	s18 =	simm.s32 @p1 $0x1EB00;
	[sflag:s3] =	ssyncadd.s32 @p1 $0xFFFFFF80;
	s3 =	simm.s32 @p1 $0x50  }
0xd4: {  	[spmem:s1] =	stream.indirect.scatter.add.f32 @p1 [tilespmem:s12], [sflag:$0x6], $0x80, s18, s3, $0xb8;
	[tilespmem:$0x1EC80] =	vst v63  }
0xd5: {  	s12 =	simm.s32 @!p1 $0x1E900;
	_ =	swait.ge @p1 [sflag:s17], $0x2800  }
0xd6: {  	s18 =	simm.s32 @!p1 $0xE;
	s3 =	rddreg [dreg:$0x5];
	[sflag:s17] =	ssyncset.done @p1 $0x0  }
0xd7: {  	[sflag:s17] =	ssyncadd.s32 @p1 $0xFFFFD800;
	s3 =	sadd.s32 @!p1 s13, s3;
	s17 =	simm.s32 @!p1 $0x0  }
0xd8: {  	[tilespmem:s12], [sflag:$0xA] =	stream.linear.gather @!p1 [hbm4b:s3+s17], $0x80, $0x38;
	[tilespmem:$0x1EC80] =	vst v63  }
0xd9: {  	_ =	swait.ge @!p1 [sflag:s18], $0x80  }
0xda: {  	s19 =	simm.s32 @!p1 $0x1EB00;
	s3 =	simm.s32 @!p1 $0x17080;
	[sflag:s18] =	ssyncset.done @!p1 $0x0  }
0xdb: {  	s12 =	simm.s32 @!p1 $0x3;
	[sflag:s18] =	ssyncadd.s32 @!p1 $0xFFFFFF80;
	s18 =	simm.s32 @!p1 $0x50  }
0xdc: {  	[spmem:s1] =	stream.indirect.scatter.add.f32 @!p1 [tilespmem:s3], [sflag:$0x6], $0x80, s19, s18, $0xb8;
	[tilespmem:$0x1EC80] =	vst v63  }
0xdd: {  	_ =	swait.ge @!p1 [sflag:s12], $0x2800  }
0xde: {  	s3 =	rddreg [dreg:$0x4];
	[sflag:s12] =	ssyncset.done @!p1 $0x0  }
0xdf: {  	[sflag:s12] =	ssyncadd.s32 @!p1 $0xFFFFD800;
	s3 =	sadd.s32 @!p1 s13, s3;
	s12 =	simm.s32 @!p1 $0x1E980  }
0xe0: {  	[tilespmem:s12], [sflag:$0xB] =	stream.linear.gather @!p1 [hbm4b:s3+s17], $0x80, $0x38;
	[tilespmem:$0x1EC80] =	vst v63  }
0xe1: {  	_ =	swait.ge [sflag:s9], $0x80  }
0xe2: {  	s7 =	smov.u32 s15;
	s15 =	sadd.s32 $0x40, s15;
	[sflag:s9] =	ssyncset.done $0x0  }
0xe3: {  	s19 =	simm.s32 $0x1EB80;
	s18 =	rddreg [dreg:$0xb];
	[sflag:s9] =	ssyncadd.s32 $0xFFFFFF80  }
0xe4: {  	[spmem:s1] =	stream.indirect.scatter.add.f32 [tilespmem:s18], [sflag:$0x7], $0x80, s19, s31, $0xb8;
	[tilespmem:$0x1EC80] =	vst v63  }
0xe5: {  	p0 =	sne.s32 s15, $0x7C0;
	_ =	swait.ge [sflag:s10], $0x2800  }
.Ltmp2:
0xe6: {  	s3 =	rddreg [dreg:$0x3];
	[sflag:s10] =	ssyncset.done $0x0;
	(pc) =	sbr.rel @p0 .LBB2_6-.Ltmp2, $4  }
0xe7: {  	s12 =	simm.s32 @!p1 $0x1EA00;
	[sflag:s10] =	ssyncadd.s32 $0xFFFFD800;
	s3 =	sadd.s32 @!p1 s13, s3  }
0xe8: {  	[tilespmem:s12], [sflag:$0xC] =	stream.linear.gather @!p1 [hbm4b:s3+s17], $0x80, $0x38;
	[tilespmem:$0x1EC80] =	vst v63  }
0xe9: {  	s13 =	smov.u32 s7;
	_ =	swait.ge [sflag:s11], $0x80  }
0xea: {  	s14 =	sadd.s32 $0x200, s14;
	p1 =	seq.s32 s13, $0x0;
	[sflag:s11] =	ssyncset.done $0x0  }
0xeb: {  	s3 =	simm.s32 @p1 $0x9;
	[sflag:s11] =	ssyncadd.s32 $0xFFFFFF80;
	s6 =	simm.s32 $0x1EC00  }
0xec: {  	[spmem:s1] =	stream.indirect.scatter.add.f32 [tilespmem:s24], [sflag:$0x8], $0x80, s6, s31, $0xb8;
	[tilespmem:$0x1EC80] =	vst v63  }
0xed: {  	_ =	swait.ge @p1 [sflag:s3], $0x80  }
0xee: {  	s7 =	simm.s32 @p1 $0x14880;
	s12 =	simm.s32 @!p1 $0x5;
	[sflag:s3] =	ssyncset.done @p1 $0x0  }
0xef: {  	s15 =	simm.s32 @p1 $0x1E880;
	[sflag:s3] =	ssyncadd.s32 @p1 $0xFFFFFF80;
	s3 =	simm.s32 @p1 $0x50  }
0xf0: {  	[tilespmem:s7], [sflag:$0x1] =	stream.indirect.gather @p1 [hbm4b:s4+s3], $0x80, s15, s3, $0xb8;
	[tilespmem:$0x1EC80] =	vst v63  }
0xf1: {  	s17 =	simm.s32 @!p1 $0x1EA80;
	_ =	swait.ge @!p1 [sflag:s12], $0x2800  }
0xf2: {  	s15 =	simm.s32 @!p1 $0x0;
	s7 =	rddreg [dreg:$0x9];
	[sflag:s12] =	ssyncset.done @!p1 $0x0  }
0xf3: {  	[sflag:s12] =	ssyncadd.s32 @!p1 $0xFFFFD800;
	s12 =	simm.s32 @!p1 $0x9;
	s7 =	sadd.s32 @!p1 s13, s7  }
0xf4: {  	[tilespmem:s17], [sflag:$0xD] =	stream.linear.gather @!p1 [hbm4b:s7+s15], $0x80, $0x38;
	[tilespmem:$0x1EC80] =	vst v63  }
0xf5: {  	_ =	swait.ge @!p1 [sflag:s12], $0x80  }
0xf6: {  	s7 =	simm.s32 @!p1 $0x14880;
	[sflag:s12] =	ssyncset.done @!p1 $0x0  }
0xf7: {  	s17 =	simm.s32 @!p1 $0x1E880;
	[sflag:s12] =	ssyncadd.s32 @!p1 $0xFFFFFF80;
	s12 =	simm.s32 @!p1 $0x50  }
0xf8: {  	[tilespmem:s7], [sflag:$0x1] =	stream.indirect.gather @!p1 [hbm4b:s4+s12], $0x80, s17, s12, $0xb8;
	[tilespmem:$0x1EC80] =	vst v63  }
0xf9: {  	s7 =	simm.s32 @!p1 $0x6  }
0xfa: {  	_ =	swait.ge @!p1 [sflag:s7], $0x2800  }
0xfb: {  	s17 =	rddreg [dreg:$0x8];
	[sflag:s7] =	ssyncset.done @!p1 $0x0  }
0xfc: {  	[sflag:s7] =	ssyncadd.s32 @!p1 $0xFFFFD800;
	s7 =	sadd.s32 @!p1 s13, s17;
	s17 =	simm.s32 @!p1 $0x1EB00  }
0xfd: {  	[tilespmem:s17], [sflag:$0xE] =	stream.linear.gather @!p1 [hbm4b:s7+s15], $0x80, $0x38;
	[tilespmem:$0x1EC80] =	vst v63  }
0xfe: {  	_ =	swait.ge [sflag:s30], $0x80  }
0xff: {  	[sflag:s30] =	ssyncset.done $0x0  }
0x100: {  	s17 =	simm.s32 @p1 $0xB;
	s23 =	rddreg [dreg:$0xa];
	[sflag:s30] =	ssyncadd.s32 $0xFFFFFF80  }
0x101: {  	[tilespmem:s23], [sflag:$0x2] =	stream.indirect.gather [hbm4b:s4+s31], $0x80, s26, s31, $0xb8;
	[tilespmem:$0x1EC80] =	vst v63  }
0x102: {  	_ =	swait.ge @p1 [sflag:s17], $0x80  }
0x103: {  	[sflag:s17] =	ssyncset.done @p1 $0x0  }
0x104: {  	s7 =	simm.s32 @p1 $0x1E980;
	[sflag:s17] =	ssyncadd.s32 @p1 $0xFFFFFF80;
	s17 =	simm.s32 @p1 $0x19880  }
0x105: {  	[tilespmem:s17], [sflag:$0x3] =	stream.indirect.gather @p1 [hbm4b:s4+s3], $0x80, s7, s3, $0xb8;
	[tilespmem:$0x1EC80] =	vst v63  }
0x106: {  	s3 =	simm.s32 @!p1 $0x7  }
0x107: {  	_ =	swait.ge @!p1 [sflag:s3], $0x2800  }
0x108: {  	s7 =	rddreg [dreg:$0x7];
	[sflag:s3] =	ssyncset.done @!p1 $0x0  }
0x109: {  	[sflag:s3] =	ssyncadd.s32 @!p1 $0xFFFFD800;
	s3 =	sadd.s32 @!p1 s13, s7;
	s7 =	simm.s32 @!p1 $0x1EB80  }
0x10a: {  	[tilespmem:s7], [sflag:$0xF] =	stream.linear.gather @!p1 [hbm4b:s3+s15], $0x80, $0x38;
	[tilespmem:$0x1EC80] =	vst v63  }
0x10b: {  	s3 =	simm.s32 @!p1 $0xB  }
0x10c: {  	_ =	swait.ge @!p1 [sflag:s3], $0x80  }
0x10d: {  	[sflag:s3] =	ssyncset.done @!p1 $0x0  }
0x10e: {  	s7 =	simm.s32 @!p1 $0x19880;
	[sflag:s3] =	ssyncadd.s32 @!p1 $0xFFFFFF80;
	s3 =	simm.s32 @!p1 $0x1E980  }
0x10f: {  	[tilespmem:s7], [sflag:$0x3] =	stream.indirect.gather @!p1 [hbm4b:s4+s12], $0x80, s3, s12, $0xb8;
	[tilespmem:$0x1EC80] =	vst v63  }
0x110: {  	s3 =	simm.s32 @!p1 $0x8  }
0x111: {  	_ =	swait.ge @!p1 [sflag:s3], $0x2800  }
0x112: {  	s7 =	rddreg [dreg:$0x6];
	[sflag:s3] =	ssyncset.done @!p1 $0x0  }
0x113: {  	[sflag:s3] =	ssyncadd.s32 @!p1 $0xFFFFD800;
	s3 =	sadd.s32 @!p1 s13, s7;
	s7 =	simm.s32 @!p1 $0x1EC00  }
0x114: {  	[tilespmem:s7], [sflag:$0x10] =	stream.linear.gather @!p1 [hbm4b:s3+s15], $0x80, $0x38;
	[tilespmem:$0x1EC80] =	vst v63  }
0x115: {  	_ =	swait.ge [sflag:s0], $0x80  }
0x116: {  	[sflag:s0] =	ssyncset.done $0x0  }
0x117: {  	[sflag:s0] =	ssyncadd.s32 $0xFFFFFF80  }
0x118: {  	[tilespmem:s24], [sflag:$0x4] =	stream.indirect.gather [hbm4b:s4+s31], $0x80, s29, s31, $0xb8;
	[tilespmem:$0x1EC80] =	vst v63  }
0x119: {  	_ =	swait.ge [sflag:s25], $0x2800  }
0x11a: {  	s18 =	sshrl.u32 s14, $0x3;
	[sflag:s25] =	ssyncset.done $0x0  }
0x11b: {  	s3 =	sadd.s32 s5, s18;
	s18 =	simm.s32 $0x1E880;
	[sflag:s25] =	ssyncadd.s32 $0xFFFFD800  }
0x11c: {  	[tilespmem:s18], [sflag:$0x9] =	stream.linear.gather [hbm4b:s3+s21], $0x80, $0x38;
	[tilespmem:$0x1EC80] =	vst v63  }
0x11d: {  	_ =	swait.ge [sflag:s2], $0x80  }
0x11e: {  	[sflag:s2] =	ssyncset.done $0x0  }
0x11f: {  	s19 =	simm.s32 $0x1EA80;
	s22 =	simm.s32 $0x14880;
	[sflag:s2] =	ssyncadd.s32 $0xFFFFFF80  }
0x120: {  	[spmem:s1] =	stream.indirect.scatter.add.f32 [tilespmem:s22], [sflag:$0x5], $0x80, s19, s31, $0xb8;
	[tilespmem:$0x1EC80] =	vst v63  }
0x121: {  	_ =	swait.ge [sflag:s8], $0x2800  }
0x122: {  	p0 =	seq.s32 s13, $0x780;
	[sflag:s8] =	ssyncset.done $0x0  }
0x123: {  	s3 =	simm.s32 @p0 $0xE;
	[sflag:s8] =	ssyncadd.s32 $0xFFFFD800  }
0x124: {  	_ =	swait.ge @p0 [sflag:s3], $0x80  }
0x125: {  	s14 =	simm.s32 @p0 $0x1EB00;
	s12 =	simm.s32 @p0 $0x3;
	[sflag:s3] =	ssyncset.done @p0 $0x0  }
0x126: {  	s7 =	simm.s32 @p0 $0x17080;
	[sflag:s3] =	ssyncadd.s32 @p0 $0xFFFFFF80;
	s3 =	simm.s32 @p0 $0x50  }
0x127: {  	[spmem:s1] =	stream.indirect.scatter.add.f32 @p0 [tilespmem:s7], [sflag:$0x6], $0x80, s14, s3, $0xb8;
	[tilespmem:$0x1EC80] =	vst v63  }
0x128: {  	s7 =	simm.s32 @!p0 $0x1E900;
	_ =	swait.ge @p0 [sflag:s12], $0x2800  }
0x129: {  	s14 =	simm.s32 @!p0 $0xE;
	s3 =	rddreg [dreg:$0x5];
	[sflag:s12] =	ssyncset.done @p0 $0x0  }
0x12a: {  	[sflag:s12] =	ssyncadd.s32 @p0 $0xFFFFD800;
	s3 =	sadd.s32 @!p0 s13, s3;
	s12 =	simm.s32 @!p0 $0x0  }
0x12b: {  	[tilespmem:s7], [sflag:$0xA] =	stream.linear.gather @!p0 [hbm4b:s3+s12], $0x80, $0x38;
	[tilespmem:$0x1EC80] =	vst v63  }
0x12c: {  	_ =	swait.ge @!p0 [sflag:s14], $0x80  }
0x12d: {  	s3 =	simm.s32 @!p0 $0x17080;
	[sflag:s14] =	ssyncset.done @!p0 $0x0  }
0x12e: {  	s7 =	simm.s32 @!p0 $0x50;
	[sflag:s14] =	ssyncadd.s32 @!p0 $0xFFFFFF80;
	s14 =	simm.s32 @!p0 $0x1EB00  }
0x12f: {  	[spmem:s1] =	stream.indirect.scatter.add.f32 @!p0 [tilespmem:s3], [sflag:$0x6], $0x80, s14, s7, $0xb8;
	[tilespmem:$0x1EC80] =	vst v63  }
0x130: {  	s3 =	simm.s32 @!p0 $0x3  }
0x131: {  	_ =	swait.ge @!p0 [sflag:s3], $0x2800  }
0x132: {  	s7 =	rddreg [dreg:$0x4];
	[sflag:s3] =	ssyncset.done @!p0 $0x0  }
0x133: {  	[sflag:s3] =	ssyncadd.s32 @!p0 $0xFFFFD800;
	s3 =	sadd.s32 @!p0 s13, s7;
	s7 =	simm.s32 @!p0 $0x1E980  }
0x134: {  	[tilespmem:s7], [sflag:$0xB] =	stream.linear.gather @!p0 [hbm4b:s3+s12], $0x80, $0x38;
	[tilespmem:$0x1EC80] =	vst v63  }
0x135: {  	_ =	swait.ge [sflag:s9], $0x80  }
0x136: {  	[sflag:s9] =	ssyncset.done $0x0  }
0x137: {  	s26 =	simm.s32 $0x1EB80;
	s23 =	rddreg [dreg:$0xb];
	[sflag:s9] =	ssyncadd.s32 $0xFFFFFF80  }
0x138: {  	[spmem:s1] =	stream.indirect.scatter.add.f32 [tilespmem:s23], [sflag:$0x7], $0x80, s26, s31, $0xb8;
	[tilespmem:$0x1EC80] =	vst v63  }
0x139: {  	_ =	swait.ge [sflag:s10], $0x2800  }
0x13a: {  	s3 =	rddreg [dreg:$0x3];
	[sflag:s10] =	ssyncset.done $0x0  }
0x13b: {  	s7 =	simm.s32 @!p0 $0x1EA00;
	[sflag:s10] =	ssyncadd.s32 $0xFFFFD800;
	s3 =	sadd.s32 @!p0 s13, s3  }
0x13c: {  	[tilespmem:s7], [sflag:$0xC] =	stream.linear.gather @!p0 [hbm4b:s3+s12], $0x80, $0x38;
	[tilespmem:$0x1EC80] =	vst v63  }
0x13d: {  	_ =	swait.ge [sflag:s11], $0x80  }
0x13e: {  	[sflag:s11] =	ssyncset.done $0x0  }
0x13f: {  	s7 =	simm.s32 $0x5;
	[sflag:s11] =	ssyncadd.s32 $0xFFFFFF80  }
0x140: {  	[spmem:s1] =	stream.indirect.scatter.add.f32 [tilespmem:s24], [sflag:$0x8], $0x80, s6, s31, $0xb8;
	[tilespmem:$0x1EC80] =	vst v63  }
0x141: {  	_ =	swait.ge [sflag:s7], $0x2800  }
0x142: {  	[sflag:s7] =	ssyncset.done $0x0  }
0x143: {  	s13 =	simm.s32 $0x9;
	s12 =	rddreg [dreg:$0x14];
	[sflag:s7] =	ssyncadd.s32 $0xFFFFD800  }
0x144: {  	[tilespmem:s19], [sflag:$0xD] =	stream.linear.gather [hbm4b:s12+s21], $0x80, $0x38;
	[tilespmem:$0x1EC80] =	vst v63  }
0x145: {  	_ =	swait.ge [sflag:s13], $0x80  }
0x146: {  	[sflag:s13] =	ssyncset.done $0x0  }
0x147: {  	[sflag:s13] =	ssyncadd.s32 $0xFFFFFF80  }
0x148: {  	[tilespmem:s22], [sflag:$0x1] =	stream.indirect.gather [hbm4b:s4+s31], $0x80, s18, s31, $0xb8;
	[tilespmem:$0x1EC80] =	vst v63  }
0x149: {  	_ =	swait.ge [sflag:s25], $0x2800  }
0x14a: {  	[sflag:s25] =	ssyncset.done $0x0  }
0x14b: {  	[sflag:s25] =	ssyncadd.s32 $0xFFFFD800  }
0x14c: {  	_ =	swait.ge [sflag:s2], $0x80  }
0x14d: {  	[sflag:s2] =	ssyncset.done $0x0  }
0x14e: {  	[sflag:s2] =	ssyncadd.s32 $0xFFFFFF80  }
0x14f: {  	[spmem:s1] =	stream.indirect.scatter.add.f32 [tilespmem:s22], [sflag:$0x5], $0x80, s19, s31, $0xb8;
	[tilespmem:$0x1EC80] =	vst v63  }
0x150: {  	_ =	swait.ge [sflag:s7], $0x2800  }
0x151: {  	[sflag:s7] =	ssyncset.done $0x0  }
0x152: {  	s14 =	simm.s32 $0x6;
	[sflag:s7] =	ssyncadd.s32 $0xFFFFD800  }
0x153: {  	_ =	swait.ge [sflag:s14], $0x2800  }
0x154: {  	[sflag:s14] =	ssyncset.done $0x0  }
0x155: {  	s15 =	simm.s32 $0x7;
	[sflag:s14] =	ssyncadd.s32 $0xFFFFD800  }
0x156: {  	_ =	swait.ge [sflag:s15], $0x2800  }
0x157: {  	[sflag:s15] =	ssyncset.done $0x0  }
0x158: {  	s17 =	simm.s32 $0x8;
	[sflag:s15] =	ssyncadd.s32 $0xFFFFD800  }
0x159: {  	_ =	swait.ge [sflag:s17], $0x2800  }
0x15a: {  	[sflag:s17] =	ssyncset.done $0x0  }
0x15b: {  	s18 =	stileid.u32;
	[sflag:s17] =	ssyncadd.s32 $0xFFFFD800  }
0x15c: {  	s3 =	sshll.u32 s18, $0x6;
	[bflag:$0x0] =	sbarrier.arrive $0xFFFF  }
0x15d: {  	s3 =	sor.u32 $0x1C11, s3;
	s19 =	sshrl.u32 s16, $0x3;
	s22 =	rddreg [dreg:$0x15]  }
0x15e: {  	[hbm:s22], [sflag:s3] =	dma.local [spmem:s19], $0x2710  }
0x15f: {  	_ =	swait.ge [sflag:s20], $0x2710  }
0x160: {  	s23 =	rddreg [dreg:$0x18]  }
0x161: {  	s26 =	rddreg [dreg:$0x16];
	s7 =	sadd.s32 $0x1, s23  }
0x162: {  	p0 =	sne.s32 s7, s26  }
.Ltmp3:
0x163: {  	_ = 	snop;
	(pc) =	sbr.rel @p0 .LBB2_1-.Ltmp3, $4  }
0x164: {  	s6 =	simm.s32 $0x1EC00  }
0x165: {  	s18 =	simm.s32 $0x1EA80;
	s17 =	simm.s32 $0x1E880;
	s3 =	simm.s32 $0x13880  }
0x166: {  	s19 =	simm.s32 $0x1E900;
	s22 =	simm.s32 $0x1EB80;
	[sflag:s20] =	ssyncset.done $0x0  }
0x167: {  	[sflag:s20] =	ssyncadd.s32 $0xFFFFD8F0;
	s23 =	simm.s32 $0x1EA00;
	s26 =	simm.s32 $0x14880  }
0x168: {  	_ =	sfence.sel $0x180000  }
0x169: {  	[bflag:$0x0] =	sbarrier.arrive $0xFFFF  }
0x16a: {  	_ =	strace $0x9000004D  }
0x16b: {  	s0 =	stileid.u32;
	[bflag:$0x2] =	sbarrier.arrive $0xFFFF  }
0x16c: {  	p0 =	sne.s32 s0, $0x0;
	s0 =	rddreg [dreg:$0x2]  }
0x16d: {  	s0 =	sadd.s32 @!p0 $0x100000, s0  }
0x16e: {  	[sflag:s0] =	ssyncadd.tile.s32 @!p0 $0x1;
	_ =	shalt  }
.Lfunc_end2:
_tile_overlayer_lowered:
.L_overlay_start_2:
0x16f: {  	(tag) =	ssettag $0x2  }
0x170: {  	s0 =	rddreg [dreg:$0x0];
	s2 =	stileid.u32  }
0x171: {  	s1 =	rddreg [dreg:$0x1];
	p0 =	sne.s32 s2, $0x0  }
0x172: {  	s3 =	rddreg [dreg:$0x2];
	[bflag:$0x3] =	sbarrier.arrive $0xFFFF;
	s2 =	simm.s32 @!p0 $0x1C11  }
0x173: {  	[timem:s3], [sflag:s2] =	dma.local @!p0 [hbm:s0], s1  }
0x174: {  	s0 =	simm.s32 @!p0 $0x11  }
0x175: {  	_ =	swait.ge @!p0 [sflag:s0], s1  }
0x176: {  	s1 =	ssub.s32 @!p0 $0x0, s1;
	[sflag:s0] =	ssyncset.done @!p0 $0x0  }
0x177: {  	[sflag:s0] =	ssyncadd.s32 @!p0 s1  }
0x178: {  	[bflag:$0x3] =	sbarrier.arrive $0xFFFF  }
0x179: {  	_ =	shalt  }

// kernel: kernel.20.cloned.1.call-start
scs
__scs_entry_jumppad:
0x0: {  	(pc) =	sbr.rel $0x88, $3  }
0x1: {  	(tag) =	ssettag $0x0;
	lr =	simm.s32 $0x1  }
0x2: {  	[smem:$0x3F95] =	sst lr;
	_ =	strace $0xD0000000  }
0x3: {  	_ = 	snop  }
0x4: {  	_ = 	snop  }
0x5: {  	_ = 	snop  }
0x6: {  	_ = 	snop  }
0x7: {  	_ = 	snop  }
__scs_overlays_trampoline_lowered:
0x8: {  	[smem:$0x3FA4] =	sst s0  }
0x9: {  	[smem:$0x3FA5] =	sst s1  }
0xa: {  	[smem:$0x3FA6] =	sst s2  }
0xb: {  	[smem:$0x3FA7] =	sst s3  }
0xc: {  	[smem:$0x3FA8] =	sst s4  }
0xd: {  	[smem:$0x3FA9] =	sst s5  }
0xe: {  	[smem:$0x3FAA] =	sst s6  }
0xf: {  	[smem:$0x3FAB] =	sst s7  }
0x10: {  	[smem:$0x3FAC] =	sst s8  }
0x11: {  	[smem:$0x3FAD] =	sst s9;
	s0 =	simm.s32 @!p0 $0x0  }
0x12: {  	s1 =	sld [smem:$0x3F93];
	s0 =	simm.s32 @p0 $0x1  }
0x13: {  	[smem:$0x3FAE] =	sst s0;
	s0 =	simm.s32 @!p1 $0x0  }
0x14: {  	s2 =	sld [smem:$0x3F92];
	s0 =	simm.s32 @p1 $0x1  }
0x15: {  	[smem:$0x3FAF] =	sst s0;
	s0 =	simm.s32 @!p2 $0x0  }
0x16: {  	s3 =	sld [smem:$0x3FDB];
	s0 =	simm.s32 @p2 $0x1  }
0x17: {  	s4 =	simm.s32 $0x1BF5;
	[smem:$0x3FB1] =	sst s0  }
0x18: {  	s0 =	sld [smem:$0x3F94];
	_ =	swait.ge [sflag:s4], $0x0  }
0x19: {  	s7 =	sld [smem:$0x3F95]  }
0x1a: {  	s8 =	sadd.s32 $0xFFFFE003, lr  }
0x1b: {  	s9 =	sadd.s32 $0xFFFFFEF7, lr;
	s5 =	simm.s32 $0xFFFFFFFF;
	p2 =	slt.u32 s8, $0xFFFFF086  }
0x1c: {  	p1 =	slt.u32 s9, $0xF7A;
	s5 =	simm.s32 @!p2 $0x0  }
0x1d: {  	s5 =	simm.s32 @p1 $0x1;
	p0 =	seq.s32 s7, s2  }
0x1e: {  	s7 =	smul.u32 @!p0 $0xF7A, s2;
	p2 =	seq.s32 @!p0 s5, $0x0  }
0x1f: {  	s9 =	smul.u32 $0xF7A, s1;
	s8 =	simm.s32 @!p0 $0x1BF5;
	p2 =	por !p2, p0  }
0x20: {  	[sflag:s8] =	ssyncset.s32 @!p0 $0xFFFFF086;
	s6 =	sadd.s32 @!p0 s3, s7;
	s7 =	simm.s32 @!p0 $0x108  }
0x21: {  	s3 =	sadd.s32 s3, s9;
	s6 =	sadd.s32 @!p0 $0x88, s6;
	s7 =	simm.s32 @p2 $0x1082  }
0x22: {  	[simem:s7], [sflag:s8] =	dma.local @!p0 [hbm:s6], $0xF7A  }
0x23: {  	s9 =	sor.u32 $0xD0000000, s2;
	s6 =	simm.s32 $0x108;
	_ =	swait.ge @!p0 [sflag:s8], $0x0  }
0x24: {  	s3 =	sadd.s32 $0x88, s3;
	s6 =	simm.s32 @!p1 $0x1082;
	[sflag:s4] =	ssyncset.s32 $0xFFFFF086  }
0x25: {  	[simem:s6], [sflag:s4] =	dma.local [hbm:s3], $0xF7A  }
0x26: {  	[smem:$0x3F95] =	sst s1;
	(tag) =	ssettag s2;
	_ =	strace s9  }
0x27: {  	s1 =	sld [smem:$0x3FA5]  }
0x28: {  	s2 =	sld [smem:$0x3FA6]  }
0x29: {  	s4 =	sld [smem:$0x3FA8]  }
0x2a: {  	p0 =	seq.s32 s5, $0x0;
	s5 =	sld [smem:$0x3FA9]  }
0x2b: {  	s6 =	sld [smem:$0x3FAA]  }
0x2c: {  	s7 =	sld [smem:$0x3FAB]  }
0x2d: {  	s3 =	simm.s32 $0x108;
	s8 =	sld [smem:$0x3FAC]  }
0x2e: {  	s3 =	simm.s32 @!p0 $0x1082;
	s9 =	sld [smem:$0x3FAD]  }
0x2f: {  	lr =	sadd.s32 s0, s3;
	s0 =	sld [smem:$0x3FA4]  }
0x30: {  	s3 =	sld [smem:$0x3FA7]  }
0x31: {  	[smem:$0x3FB0] =	sst s10  }
0x32: {  	s10 =	sld [smem:$0x3FAE];
	_ =	sdelay $0x3  }
0x33: {  	p0 =	seq.s32 s10, $0x1;
	s10 =	sld [smem:$0x3FB0];
	_ =	sdelay $0x3  }
0x34: {  	[smem:$0x3FB0] =	sst s10  }
0x35: {  	s10 =	sld [smem:$0x3FAF];
	_ =	sdelay $0x3  }
0x36: {  	p1 =	seq.s32 s10, $0x1;
	s10 =	sld [smem:$0x3FB0];
	_ =	sdelay $0x3  }
0x37: {  	[smem:$0x3FB0] =	sst s10  }
0x38: {  	s10 =	sld [smem:$0x3FB1]  }
0x39: {  	_ = 	snop;
	(pc) =	sbr.ind lr, $3  }
0x3a: {  	_ = 	snop  }
0x3b: {  	_ = 	snop  }
0x3c: {  	p2 =	seq.s32 s10, $0x1;
	s10 =	sld [smem:$0x3FB0]  }
0x3d: {  	_ =	shalt  }
0x3e: {  	_ =	shalt  }
0x3f: {  	_ =	shalt  }
0x40: {  	_ =	shalt  }
0x41: {  	_ =	shalt  }
0x42: {  	_ =	shalt  }
0x43: {  	_ =	shalt  }
0x44: {  	_ =	shalt  }
0x45: {  	_ =	shalt  }
0x46: {  	_ =	shalt  }
0x47: {  	_ =	shalt  }
0x48: {  	_ =	shalt  }
0x49: {  	_ =	shalt  }
0x4a: {  	_ =	shalt  }
0x4b: {  	_ =	shalt  }
0x4c: {  	_ =	shalt  }
0x4d: {  	_ =	shalt  }
0x4e: {  	_ =	shalt  }
0x4f: {  	_ =	shalt  }
0x50: {  	_ =	shalt  }
0x51: {  	_ =	shalt  }
0x52: {  	_ =	shalt  }
0x53: {  	_ =	shalt  }
0x54: {  	_ =	shalt  }
0x55: {  	_ =	shalt  }
0x56: {  	_ =	shalt  }
0x57: {  	_ =	shalt  }
0x58: {  	_ =	shalt  }
0x59: {  	_ =	shalt  }
0x5a: {  	_ =	shalt  }
0x5b: {  	_ =	shalt  }
0x5c: {  	_ =	shalt  }
0x5d: {  	_ =	shalt  }
0x5e: {  	_ =	shalt  }
0x5f: {  	_ =	shalt  }
0x60: {  	_ =	shalt  }
0x61: {  	_ =	shalt  }
0x62: {  	_ =	shalt  }
0x63: {  	_ =	shalt  }
0x64: {  	_ =	shalt  }
0x65: {  	_ =	shalt  }
0x66: {  	_ =	shalt  }
0x67: {  	_ =	shalt  }
0x68: {  	_ =	shalt  }
0x69: {  	_ =	shalt  }
0x6a: {  	_ =	shalt  }
0x6b: {  	_ =	shalt  }
0x6c: {  	_ =	shalt  }
0x6d: {  	_ =	shalt  }
0x6e: {  	_ =	shalt  }
0x6f: {  	_ =	shalt  }
0x70: {  	_ =	shalt  }
0x71: {  	_ =	shalt  }
0x72: {  	_ =	shalt  }
0x73: {  	_ =	shalt  }
0x74: {  	_ =	shalt  }
0x75: {  	_ =	shalt  }
0x76: {  	_ =	shalt  }
0x77: {  	_ =	shalt  }
0x78: {  	_ =	shalt  }
0x79: {  	_ =	shalt  }
0x7a: {  	_ =	shalt  }
0x7b: {  	_ =	shalt  }
0x7c: {  	_ =	shalt  }
0x7d: {  	_ =	shalt  }
0x7e: {  	_ =	shalt  }
0x7f: {  	_ =	shalt  }
0x80: {  	_ =	shalt  }
0x81: {  	_ =	shalt  }
0x82: {  	_ =	shalt  }
0x83: {  	_ =	shalt  }
0x84: {  	_ =	shalt  }
0x85: {  	_ =	shalt  }
0x86: {  	_ =	shalt  }
0x87: {  	_ =	shalt  }
.Lfunc_end0:
.L_simem_size_0:
called_computation.3_lowered:
.L_overlay_start_0:
0x88: {  	s2 =	sld [smem:$0x3FD9]  }
0x89: {  	s3 =	sld [smem:$0x3FFE];
	_ =	sdelay $0x1  }
0x8a: {  	s1 =	srdreg.scid  }
0x8b: {  	s0 =	sand.u32 $0x1, s1  }
0x8c: {  	s16 =	sshll.u32 s0, $0xA;
	s2 =	sadd.s32 s3, s2  }
0x8d: {  	s2 =	sadd.s32 s2, s16  }
0x8e: {  	[smem:$0x3FBC] =	sst s2  }
0x8f: {  	_ = 	snop  }
0x90: {  	(tm) =	ssettm $0x1  }
0x91: {  	s17 =	sld [smem:$0x3FFB];
	_ =	sdelay $0x3  }
0x92: {  	_ =	strace s17  }
0x93: {  	s2 =	sld [smem:$0x3FFC];
	_ =	sdelay $0x3  }
0x94: {  	_ =	strace s2  }
0x95: {  	s2 =	sld [smem:$0x3FFD];
	_ =	sdelay $0x3  }
0x96: {  	_ =	strace s2  }
0x97: {  	_ =	strace $0x8FFFFFFF  }
0x98: {  	s18 =	sld [smem:$0x3FDB];
	_ =	sdelay $0x1  }
0x99: {  	s19 =	simm.s32 $_scs_section_size  }
0x9a: {  	s4 =	simm.s32 $_size__tile_overlayer_lowered;
	s5 =	simm.s32 $_tile_overlayer_lowered  }
0x9b: {  	s22 =	simm.s32 $0x1BFF;
	s21 =	sshll.u32 s5, $0x1;
	s2 =	sadd.s32 s19, s18  }
0x9c: {  	s6 =	simm.s32 $0x0;
	s20 =	sshll.u32 s4, $0x1;
	s4 =	sadd.s32 s21, s2  }
0x9d: {  	[timem:s6], [sflag:s22] =	dma.local [hbm:s4], s20  }
0x9e: {  	_ =	swait.ge [sflag:s22], s20  }
0x9f: {  	s3 =	ssub.s32 $0x0, s20;
	[sflag:s22] =	ssyncset.done $0x0  }
0xa0: {  	[sflag:s22] =	ssyncadd.s32 s3;
	_ =	sdelay $0x1  }
0xa1: {  	s23 =	simm.s32 $0x1B8B  }
0xa2: {  	_ =	swait.ge [sflag:s23], $0x1  }
0xa3: {  	[sflag:s23] =	ssyncset.done $0x0  }
0xa4: {  	s25 =	simm.s32 $0x1B8E;
	s24 =	sld [smem:$0x3FFE];
	[sflag:s23] =	ssyncadd.s32 $0xFFFFFFFF  }
0xa5: {  	s26 =	simm.s32 $execute0_lowered;
	[smem:$0x3FD2] =	sst s25  }
0xa6: {  	s4 =	sshll.u32 s26, $0x1;
	_ =	strace $0x8000004F;
	[dreg:$0x1] =	wrdreg $0xFFFFFFFF  }
0xa7: {  	s28 =	simm.s32 $_size_execute0_lowered;
	s2 =	sadd.s32 s2, s4;
	[dreg:$0x0] =	wrdreg $0x0  }
0xa8: {  	s4 =	sshll.u32 s28, $0x1;
	[dreg:$0x2] =	wrdreg s2  }
0xa9: {  	[dreg:$0x3] =	wrdreg s4  }
0xaa: {  	[dreg:$0x4] =	wrdreg $0xC0  }
0xab: {  	_ =	task [dreg:s6], $0x5FFFF  }
0xac: {  	[dreg:$0x1] =	wrdreg $0xFFFFFFFF  }
0xad: {  	[dreg:$0x0] =	wrdreg $0x60  }
0xae: {  	[dreg:$0x2] =	wrdreg s24  }
0xaf: {  	[dreg:$0x3] =	wrdreg $0x0  }
0xb0: {  	[dreg:$0x4] =	wrdreg $0x9  }
0xb1: {  	_ =	task.clear_ibuf [dreg:s6], $0x5FFFF;
	_ =	strace $0x9000004F  }
0xb2: {  	s29 =	simm.s32 $0x9;
	_ =	strace $0x80000051  }
0xb3: {  	_ =	swait.ge [sflag:s29], $0x1  }
0xb4: {  	[sflag:s29] =	ssyncadd.s32 $0xFFFFFFFF  }
0xb5: {  	_ =	strace $0x90000051  }
0xb6: {  	_ =	sfence  }
0xb7: {  	s30 =	sld [smem:$0x0];
	_ =	sdelay $0x2  }
0xb8: {  	s31 =	sshll.u32 s1, $0xD;
	s1 =	sshrl.u32 s1, $0x2  }
0xb9: {  	s3 =	sand.u32 $0x4000, s31;
	s1 =	sadd.s32 s1, s30  }
0xba: {  	s0 =	sor.u32 s3, s0;
	s1 =	sshll.u32 s1, $0x11  }
0xbb: {  	s0 =	sor.u32 s1, s0  }
0xbc: {  	s0 =	sadd.s32 $0x8F2B, s0  }
0xbd: {  	[sflag:s0] =	ssyncadd.remote.s32 $0x1  }
0xbe: {  	_ =	sfence.sel $0xFFFF  }
0xbf: {  	[dreg:$0x0] =	wrdreg $0xFFFFFFFF;
	(pc) =	sbr.abs _section_cstart, $3  }
0xc0: {  	[dreg:$0x1] =	wrdreg $0xFFFFFFFF  }
0xc1: {  	_ =	task.clear_ibuf [dreg:s6], $0x2FFFF;
	_ =	strace $0x9FFFFFFF  }
0xc2: {  	(tm) =	ssettm $0x7FFFFFFF  }
0xc3: {  	_ =	shalt  }
tec
execute0_lowered:
.L_overlay_start_1:
0x0: {  	(tag) =	ssettag $0x1  }
0x1: {  	s0 =	rddreg [dreg:$0x0]  }
0x2: {  	s1 =	rddreg [dreg:$0x1];
	s21 =	simm.s32 $0x0;
	s2 =	srdreg.scid  }
0x3: {  	s3 =	stileid.u32;
	s30 =	simm.s32 $0xA;
	s31 =	simm.s32 $0x50  }
0x4: {  	s29 =	simm.s32 $0x1EA00;
	s28 =	simm.s32 $0x1EC00;
	s7 =	smul.u32 $0x13C00, s3  }
0x5: {  	[smem:$0x7FF] =	sst s21;
	s2 =	sand.u32 $0x1, s2;
	s17 =	smul.u32 $0x3E80, s3  }
0x6: {  	s5 =	sadd.s32 $0x4BE00, s0;
	s9 =	sadd.s32 $0x3C400, s0;
	s19 =	smul.u32 $0x4E200, s3  }
0x7: {  	s6 =	smul.u32 $0x13C000, s2;
	s4 =	sshll.u32 s2, $0x4;
	_ =	strace $0x80000050  }
0x8: {  	s11 =	ssub.s32 $0x2, s2;
	s2 =	smul.u32 $0x3E800, s2;
	s8 =	sor.u32 s3, s4  }
0x9: {  	s4 =	sadd.s32 $0x5B800, s0;
	s10 =	sshrl.u32 s11, $0x1;
	s23 =	sshrl.u32 s19, $0x2  }
0xa: {  	s8 =	smul.u32 $0x3E80, s8;
	s6 =	sadd.s32 s7, s6;
	s2 =	sadd.s32 s17, s2  }
0xb: {  	s6 =	sshrl.u32 s6, $0x3;
	s24 =	sadd.s32 $0x380, s2;
	s26 =	sadd.s32 $0x300, s2  }
0xc: {  	s3 =	sadd.s32 $0x280, s2;
	s17 =	sadd.s32 $0x80, s2;
	s8 =	sshrl.u32 s8, $0x3  }
0xd: {  	s0 =	sadd.s32 s6, s0;
	s6 =	ssub.s32 s11, s10;
	s25 =	sshrl.u32 s24, $0x3  }
0xe: {  	s19 =	sshrl.u32 s17, $0x3;
	s17 =	simm.s32 $0x1E880;
	s13 =	sadd.s32 s5, s8  }
0xf: {  	s12 =	sadd.s32 $0x10, s8;
	s11 =	sadd.s32 s9, s8;
	[dreg:$0xc] =	wrdreg s13  }
0x10: {  	s15 =	sadd.s32 $0x20, s8;
	s0 =	sadd.s32 $0x82A00, s0;
	[dreg:$0xd] =	wrdreg s11  }
0x11: {  	s8 =	sadd.s32 $0x30, s8;
	s14 =	sadd.s32 s5, s12;
	[dreg:$0x15] =	wrdreg s0  }
0x12: {  	s7 =	sadd.s32 s9, s12;
	s16 =	sadd.s32 s5, s15;
	[dreg:$0xe] =	wrdreg s14  }
0x13: {  	s18 =	sadd.s32 s5, s8;
	s20 =	sadd.s32 s9, s8;
	[dreg:$0xf] =	wrdreg s7  }
0x14: {  	s22 =	sadd.s32 $0x7C0, s11;
	s0 =	sadd.s32 s25, s5;
	[dreg:$0x10] =	wrdreg s16  }
0x15: {  	s11 =	sshrl.u32 s3, $0x3;
	s13 =	sadd.s32 $0x180, s2;
	[dreg:$0x12] =	wrdreg s18  }
0x16: {  	s3 =	simm.s32 $0x13880;
	s25 =	simm.s32 $0x17080;
	[dreg:$0x13] =	wrdreg s20  }
0x17: {  	s8 =	simm.s32 $0x2;
	s7 =	sadd.s32 s9, s15;
	[dreg:$0x14] =	wrdreg s22  }
0x18: {  	s16 =	sadd.s32 s23, s1;
	[dreg:$0x3] =	wrdreg s0;
	s12 =	sadd.s32 s11, s5  }
0x19: {  	s14 =	sshrl.u32 s13, $0x3;
	s15 =	sadd.s32 $0x100, s2;
	s20 =	sadd.s32 s19, s9  }
0x1a: {  	s22 =	sshrl.u32 s2, $0x3;
	s23 =	smax.u32 s6, $0x1;
	[dreg:$0xa] =	wrdreg s25  }
0x1b: {  	s2 =	sadd.s32 $0x200, s2;
	s19 =	simm.s32 $0x1E900;
	[dreg:$0x11] =	wrdreg s7  }
0x1c: {  	s6 =	simm.s32 $0x1EC00;
	s25 =	simm.s32 $0x1;
	[dreg:$0x5] =	wrdreg s12  }
0x1d: {  	s11 =	simm.s32 $0x10;
	s7 =	sshrl.u32 s26, $0x3;
	[dreg:$0x16] =	wrdreg s23  }
0x1e: {  	s0 =	sadd.s32 s14, s9;
	[dreg:$0x8] =	wrdreg s20;
	s24 =	sadd.s32 s22, s9  }
0x1f: {  	[dreg:$0x17] =	wrdreg s2;
	s20 =	simm.s32 $0x11;
	s26 =	simm.s32 $0x19880  }
0x20: {  	s22 =	simm.s32 $0x1EB80;
	s23 =	simm.s32 $0x1EA00;
	[dreg:$0x6] =	wrdreg s0  }
0x21: {  	s2 =	simm.s32 $0xD;
	s10 =	sadd.s32 s7, s5;
	[dreg:$0x9] =	wrdreg s24  }
0x22: {  	s7 =	sshrl.u32 s15, $0x3;
	[dreg:$0xb] =	wrdreg s26;
	s0 =	simm.s32 $0xC  }
0x23: {  	s24 =	simm.s32 $0x1C080;
	s26 =	simm.s32 $0x14880;
	[dreg:$0x4] =	wrdreg s10  }
0x24: {  	s18 =	sadd.s32 s7, s9;
	s9 =	simm.s32 $0xF;
	s10 =	simm.s32 $0x4  }
0x25: {  	v0 =	vimm.f32 $0.0e+00;
	s7 =	simm.s32 $0x0;
	[dreg:$0x7] =	wrdreg s18;
	s18 =	simm.s32 $0x1EA80  }
.LBB2_1:
0x26: {  	[dreg:$0x18] =	wrdreg s7;
	s7 =	simm.s32 $0x0;
	s12 =	simm.s32 $0x0  }
.LBB2_2:
0x27: {  	p0 =	sne.s32 s12, $0x31C0  }
.Ltmp0:
0x28: {  	_ = 	snop;
	(pc) =	sbr.rel @p0 .LBB2_2-.Ltmp0, $4  }
0x29: {  	s13 =	sand.u32 $0x3E00, s12  }
0x2a: {  	s14 =	sand.u32 $0x70, s7;
	s13 =	sshrl.u32 s13, $0x2  }
0x2b: {  	s13 =	sor.u32 s14, s13  }
0x2c: {  	s7 =	sadd.s32 $0x10, s7;
	s12 =	sadd.s32 $0x40, s12;
	[tilespmem:s13+$0x13880] =	vst v0  }
0x2d: {  	s7 =	sadd.s32 $0x0, s16  }
0x2e: {  	[spmem:s7] =	stream.linear.scatter [tilespmem:s3], [sflag:$0x11], $0xC80, $0x38;
	[tilespmem:$0x1EC80] =	vst v63  }
0x2f: {  	s7 =	simm.s32 $0x3200;
	_ =	swait.ge [sflag:s20], $0xC80  }
.LBB2_4:
0x30: {  	s12 =	sshra.s32 s7, $0x2;
	[sflag:s20] =	ssyncset.done $0x0;
	p0 =	sne.s32 s7, $0x4B000  }
.Ltmp1:
0x31: {  	s12 =	sadd.s32 s12, s16;
	[sflag:s20] =	ssyncadd.s32 $0xFFFFF380;
	(pc) =	sbr.rel @p0 .LBB2_4-.Ltmp1, $3  }
0x32: {  	[spmem:s12] =	stream.linear.scatter [tilespmem:s3], [sflag:$0x11], $0xC80, $0x38;
	[tilespmem:$0x1EC80] =	vst v63  }
0x33: {  	s7 =	sadd.s32 $0x3200, s7;
	_ =	sdelay $0x1  }
0x34: {  	_ =	swait.ge [sflag:s20], $0xC80  }
0x35: {  	[sflag:s20] =	ssyncset.done $0x0  }
0x36: {  	[sflag:s20] =	ssyncadd.s32 $0xFFFFF380  }
0x37: {  	[bflag:$0x0] =	sbarrier.arrive $0xFFFF  }
0x38: {  	s7 =	simm.s32 $0x0;
	s3 =	rddreg [dreg:$0xc]  }
0x39: {  	[tilespmem:s17], [sflag:$0x9] =	stream.linear.gather [hbm4b:s3+s7], $0x80, $0x38;
	[tilespmem:$0x1EC80] =	vst v63  }
0x3a: {  	s15 =	rddreg [dreg:$0xd]  }
0x3b: {  	[tilespmem:s18], [sflag:$0xD] =	stream.linear.gather [hbm4b:s15+s7], $0x80, $0x38;
	[tilespmem:$0x1EC80] =	vst v63  }
0x3c: {  	s12 =	rddreg [dreg:$0xe]  }
0x3d: {  	[tilespmem:s19], [sflag:$0xA] =	stream.linear.gather [hbm4b:s12+s7], $0x80, $0x38;
	[tilespmem:$0x1EC80] =	vst v63  }
0x3e: {  	s13 =	rddreg [dreg:$0xf];
	s12 =	simm.s32 $0x1EB00  }
0x3f: {  	[tilespmem:s12], [sflag:$0xE] =	stream.linear.gather [hbm4b:s13+s7], $0x80, $0x38;
	[tilespmem:$0x1EC80] =	vst v63  }
0x40: {  	s14 =	rddreg [dreg:$0x10];
	s15 =	simm.s32 $0x1E980  }
0x41: {  	[tilespmem:s15], [sflag:$0xB] =	stream.linear.gather [hbm4b:s14+s7], $0x80, $0x38;
	[tilespmem:$0x1EC80] =	vst v63  }
0x42: {  	s13 =	rddreg [dreg:$0x11]  }
0x43: {  	[tilespmem:s22], [sflag:$0xF] =	stream.linear.gather [hbm4b:s13+s7], $0x80, $0x38;
	[tilespmem:$0x1EC80] =	vst v63  }
0x44: {  	s14 =	rddreg [dreg:$0x12]  }
0x45: {  	[tilespmem:s23], [sflag:$0xC] =	stream.linear.gather [hbm4b:s14+s7], $0x80, $0x38;
	[tilespmem:$0x1EC80] =	vst v63  }
0x46: {  	p0 =	por $0x1, $0x1;
	s15 =	rddreg [dreg:$0x13]  }
0x47: {  	[tilespmem:s6], [sflag:$0x10] =	stream.linear.gather [hbm4b:s15+s7], $0x80, $0x38;
	[tilespmem:$0x1EC80] =	vst v63  }
0x48: {  	s7 =	simm.s32 @p0 $0x9  }
0x49: {  	_ =	swait.ge @p0 [sflag:s7], $0x80  }
0x4a: {  	s12 =	simm.s32 @p0 $0x14880;
	s13 =	simm.s32 @!p0 $0x5;
	[sflag:s7] =	ssyncset.done @p0 $0x0  }
0x4b: {  	s14 =	simm.s32 @p0 $0x1E880;
	[sflag:s7] =	ssyncadd.s32 @p0 $0xFFFFFF80;
	s7 =	simm.s32 @p0 $0x50  }
0x4c: {  	[tilespmem:s12], [sflag:$0x1] =	stream.indirect.gather @p0 [hbm4b:s4+s7], $0x80, s14, s7, $0xb8;
	[tilespmem:$0x1EC80] =	vst v63  }
0x4d: {  	s15 =	simm.s32 @!p0 $0x1EA80;
	_ =	swait.ge @!p0 [sflag:s13], $0x2800  }
0x4e: {  	s14 =	simm.s32 @!p0 $0x0;
	s12 =	rddreg [dreg:$0x9];
	[sflag:s13] =	ssyncset.done @!p0 $0x0  }
0x4f: {  	[sflag:s13] =	ssyncadd.s32 @!p0 $0xFFFFD800;
	s13 =	simm.s32 @!p0 $0x9;
	s12 =	sadd.s32 @!p0 $0x0, s12  }
0x50: {  	[tilespmem:s15], [sflag:$0xD] =	stream.linear.gather @!p0 [hbm4b:s12+s14], $0x80, $0x38;
	[tilespmem:$0x1EC80] =	vst v63  }
0x51: {  	_ =	swait.ge @!p0 [sflag:s13], $0x80  }
0x52: {  	s12 =	simm.s32 @!p0 $0x14880;
	[sflag:s13] =	ssyncset.done @!p0 $0x0  }
0x53: {  	s15 =	simm.s32 @!p0 $0x1E880;
	[sflag:s13] =	ssyncadd.s32 @!p0 $0xFFFFFF80;
	s13 =	simm.s32 @!p0 $0x50  }
0x54: {  	[tilespmem:s12], [sflag:$0x1] =	stream.indirect.gather @!p0 [hbm4b:s4+s13], $0x80, s15, s13, $0xb8;
	[tilespmem:$0x1EC80] =	vst v63  }
0x55: {  	s12 =	simm.s32 @!p0 $0x6  }
0x56: {  	_ =	swait.ge @!p0 [sflag:s12], $0x2800  }
0x57: {  	s15 =	rddreg [dreg:$0x8];
	[sflag:s12] =	ssyncset.done @!p0 $0x0  }
0x58: {  	[sflag:s12] =	ssyncadd.s32 @!p0 $0xFFFFD800;
	s12 =	sadd.s32 @!p0 $0x0, s15;
	s15 =	simm.s32 @!p0 $0x1EB00  }
0x59: {  	[tilespmem:s15], [sflag:$0xE] =	stream.linear.gather @!p0 [hbm4b:s12+s14], $0x80, $0x38;
	[tilespmem:$0x1EC80] =	vst v63  }
0x5a: {  	_ =	swait.ge [sflag:s30], $0x80  }
0x5b: {  	[sflag:s30] =	ssyncset.done $0x0  }
0x5c: {  	s15 =	simm.s32 @p0 $0xB;
	s6 =	rddreg [dreg:$0xa];
	[sflag:s30] =	ssyncadd.s32 $0xFFFFFF80  }
0x5d: {  	[tilespmem:s6], [sflag:$0x2] =	stream.indirect.gather [hbm4b:s4+s31], $0x80, s19, s31, $0xb8;
	[tilespmem:$0x1EC80] =	vst v63  }
0x5e: {  	_ =	swait.ge @p0 [sflag:s15], $0x80  }
0x5f: {  	[sflag:s15] =	ssyncset.done @p0 $0x0  }
0x60: {  	s12 =	simm.s32 @p0 $0x1E980;
	[sflag:s15] =	ssyncadd.s32 @p0 $0xFFFFFF80;
	s15 =	simm.s32 @p0 $0x19880  }
0x61: {  	[tilespmem:s15], [sflag:$0x3] =	stream.indirect.gather @p0 [hbm4b:s4+s7], $0x80, s12, s7, $0xb8;
	[tilespmem:$0x1EC80] =	vst v63  }
0x62: {  	s7 =	simm.s32 @!p0 $0x7  }
0x63: {  	_ =	swait.ge @!p0 [sflag:s7], $0x2800  }
0x64: {  	s12 =	rddreg [dreg:$0x7];
	[sflag:s7] =	ssyncset.done @!p0 $0x0  }
0x65: {  	[sflag:s7] =	ssyncadd.s32 @!p0 $0xFFFFD800;
	s7 =	sadd.s32 @!p0 $0x0, s12;
	s12 =	simm.s32 @!p0 $0x1EB80  }
0x66: {  	[tilespmem:s12], [sflag:$0xF] =	stream.linear.gather @!p0 [hbm4b:s7+s14], $0x80, $0x38;
	[tilespmem:$0x1EC80] =	vst v63  }
0x67: {  	s7 =	simm.s32 @!p0 $0xB  }
0x68: {  	_ =	swait.ge @!p0 [sflag:s7], $0x80  }
0x69: {  	[sflag:s7] =	ssyncset.done @!p0 $0x0  }
0x6a: {  	s12 =	simm.s32 @!p0 $0x19880;
	[sflag:s7] =	ssyncadd.s32 @!p0 $0xFFFFFF80;
	s7 =	simm.s32 @!p0 $0x1E980  }
0x6b: {  	[tilespmem:s12], [sflag:$0x3] =	stream.indirect.gather @!p0 [hbm4b:s4+s13], $0x80, s7, s13, $0xb8;
	[tilespmem:$0x1EC80] =	vst v63  }
0x6c: {  	s7 =	simm.s32 @!p0 $0x8  }
0x6d: {  	_ =	swait.ge @!p0 [sflag:s7], $0x2800  }
0x6e: {  	s12 =	rddreg [dreg:$0x6];
	[sflag:s7] =	ssyncset.done @!p0 $0x0  }
0x6f: {  	[sflag:s7] =	ssyncadd.s32 @!p0 $0xFFFFD800;
	s7 =	sadd.s32 @!p0 $0x0, s12;
	s12 =	simm.s32 @!p0 $0x1EC00  }
0x70: {  	[tilespmem:s12], [sflag:$0x10] =	stream.linear.gather @!p0 [hbm4b:s7+s14], $0x80, $0x38;
	[tilespmem:$0x1EC80] =	vst v63  }
0x71: {  	_ =	swait.ge [sflag:s0], $0x80  }
0x72: {  	[sflag:s0] =	ssyncset.done $0x0  }
0x73: {  	[sflag:s0] =	ssyncadd.s32 $0xFFFFFF80  }
0x74: {  	[tilespmem:s24], [sflag:$0x4] =	stream.indirect.gather [hbm4b:s4+s31], $0x80, s23, s31, $0xb8;
	[tilespmem:$0x1EC80] =	vst v63  }
0x75: {  	_ =	swait.ge [sflag:s25], $0x2800  }
0x76: {  	s19 =	rddreg [dreg:$0x17]  }
0x77: {  	[sflag:s25] =	ssyncset.done $0x0;
	s23 =	sshrl.u32 s19, $0x3  }
0x78: {  	[sflag:s25] =	ssyncadd.s32 $0xFFFFD800;
	s7 =	sadd.s32 s5, s23  }
0x79: {  	[tilespmem:s17], [sflag:$0x9] =	stream.linear.gather [hbm4b:s7+s21], $0x80, $0x38;
	[tilespmem:$0x1EC80] =	vst v63  }
0x7a: {  	_ =	swait.ge [sflag:s2], $0x80  }
0x7b: {  	[sflag:s2] =	ssyncset.done $0x0  }
0x7c: {  	[sflag:s2] =	ssyncadd.s32 $0xFFFFFF80  }
0x7d: {  	[spmem:s1] =	stream.indirect.scatter.add.f32 [tilespmem:s26], [sflag:$0x5], $0x80, s18, s31, $0xb8;
	[tilespmem:$0x1EC80] =	vst v63  }
0x7e: {  	_ =	swait.ge [sflag:s8], $0x2800  }
0x7f: {  	p0 =	por $0x0, $0x0;
	[sflag:s8] =	ssyncset.done $0x0  }
0x80: {  	s7 =	simm.s32 @p0 $0xE;
	[sflag:s8] =	ssyncadd.s32 $0xFFFFD800  }
0x81: {  	_ =	swait.ge @p0 [sflag:s7], $0x80  }
0x82: {  	s12 =	simm.s32 @p0 $0x17080;
	s13 =	simm.s32 @p0 $0x3;
	[sflag:s7] =	ssyncset.done @p0 $0x0  }
0x83: {  	s14 =	simm.s32 @p0 $0x1EB00;
	[sflag:s7] =	ssyncadd.s32 @p0 $0xFFFFFF80;
	s7 =	simm.s32 @p0 $0x50  }
0x84: {  	[spmem:s1] =	stream.indirect.scatter.add.f32 @p0 [tilespmem:s12], [sflag:$0x6], $0x80, s14, s7, $0xb8;
	[tilespmem:$0x1EC80] =	vst v63  }
0x85: {  	s12 =	simm.s32 @!p0 $0x1E900;
	_ =	swait.ge @p0 [sflag:s13], $0x2800  }
0x86: {  	s14 =	simm.s32 @!p0 $0xE;
	s7 =	rddreg [dreg:$0x5];
	[sflag:s13] =	ssyncset.done @p0 $0x0  }
0x87: {  	[sflag:s13] =	ssyncadd.s32 @p0 $0xFFFFD800;
	s7 =	sadd.s32 @!p0 $0x0, s7;
	s13 =	simm.s32 @!p0 $0x0  }
0x88: {  	[tilespmem:s12], [sflag:$0xA] =	stream.linear.gather @!p0 [hbm4b:s7+s13], $0x80, $0x38;
	[tilespmem:$0x1EC80] =	vst v63  }
0x89: {  	_ =	swait.ge @!p0 [sflag:s14], $0x80  }
0x8a: {  	s7 =	simm.s32 @!p0 $0x17080;
	[sflag:s14] =	ssyncset.done @!p0 $0x0  }
0x8b: {  	s12 =	simm.s32 @!p0 $0x50;
	[sflag:s14] =	ssyncadd.s32 @!p0 $0xFFFFFF80;
	s14 =	simm.s32 @!p0 $0x1EB00  }
0x8c: {  	[spmem:s1] =	stream.indirect.scatter.add.f32 @!p0 [tilespmem:s7], [sflag:$0x6], $0x80, s14, s12, $0xb8;
	[tilespmem:$0x1EC80] =	vst v63  }
0x8d: {  	s7 =	simm.s32 @!p0 $0x3  }
0x8e: {  	_ =	swait.ge @!p0 [sflag:s7], $0x2800  }
0x8f: {  	s12 =	rddreg [dreg:$0x4];
	[sflag:s7] =	ssyncset.done @!p0 $0x0  }
0x90: {  	[sflag:s7] =	ssyncadd.s32 @!p0 $0xFFFFD800;
	s7 =	sadd.s32 @!p0 $0x0, s12;
	s12 =	simm.s32 @!p0 $0x1E980  }
0x91: {  	[tilespmem:s12], [sflag:$0xB] =	stream.linear.gather @!p0 [hbm4b:s7+s13], $0x80, $0x38;
	[tilespmem:$0x1EC80] =	vst v63  }
0x92: {  	_ =	swait.ge [sflag:s9], $0x80  }
0x93: {  	[sflag:s9] =	ssyncset.done $0x0  }
0x94: {  	p1 =	por $0x0, $0x0;
	s26 =	rddreg [dreg:$0xb];
	[sflag:s9] =	ssyncadd.s32 $0xFFFFFF80  }
0x95: {  	[spmem:s1] =	stream.indirect.scatter.add.f32 [tilespmem:s26], [sflag:$0x7], $0x80, s22, s31, $0xb8;
	[tilespmem:$0x1EC80] =	vst v63  }
0x96: {  	s6 =	simm.s32 $0x1E880;
	s15 =	simm.s32 $0x80;
	_ =	swait.ge [sflag:s10], $0x2800  }
0x97: {  	s23 =	simm.s32 $0x1EA80;
	s7 =	rddreg [dreg:$0x3];
	[sflag:s10] =	ssyncset.done $0x0  }
0x98: {  	s12 =	simm.s32 @!p0 $0x1EA00;
	[sflag:s10] =	ssyncadd.s32 $0xFFFFD800;
	s7 =	sadd.s32 @!p0 $0x0, s7  }
0x99: {  	[tilespmem:s12], [sflag:$0xC] =	stream.linear.gather @!p0 [hbm4b:s7+s13], $0x80, $0x38;
	[tilespmem:$0x1EC80] =	vst v63  }
0x9a: {  	s14 =	sadd.s32 $0x200, s19;
	s22 =	simm.s32 $0x14880;
	_ =	swait.ge [sflag:s11], $0x80  }
0x9b: {  	s26 =	simm.s32 $0x1E900;
	s13 =	simm.s32 $0x40;
	[sflag:s11] =	ssyncset.done $0x0  }
.LBB2_6:
0x9c: {  	s12 =	simm.s32 @p1 $0x9;
	[sflag:s11] =	ssyncadd.s32 $0xFFFFFF80  }
0x9d: {  	[spmem:s1] =	stream.indirect.scatter.add.f32 [tilespmem:s24], [sflag:$0x8], $0x80, s28, s31, $0xb8;
	[tilespmem:$0x1EC80] =	vst v63  }
0x9e: {  	_ =	swait.ge @p1 [sflag:s12], $0x80  }
0x9f: {  	s17 =	simm.s32 @p1 $0x14880;
	s18 =	simm.s32 @!p1 $0x5;
	[sflag:s12] =	ssyncset.done @p1 $0x0  }
0xa0: {  	s3 =	simm.s32 @p1 $0x1E880;
	[sflag:s12] =	ssyncadd.s32 @p1 $0xFFFFFF80;
	s12 =	simm.s32 @p1 $0x50  }
0xa1: {  	[tilespmem:s17], [sflag:$0x1] =	stream.indirect.gather @p1 [hbm4b:s4+s12], $0x80, s3, s12, $0xb8;
	[tilespmem:$0x1EC80] =	vst v63  }
0xa2: {  	s19 =	simm.s32 @!p1 $0x1EA80;
	_ =	swait.ge @!p1 [sflag:s18], $0x2800  }
0xa3: {  	s17 =	simm.s32 @!p1 $0x9;
	[sflag:s18] =	ssyncset.done @!p1 $0x0;
	s3 =	rddreg [dreg:$0x9]  }
0xa4: {  	[sflag:s18] =	ssyncadd.s32 @!p1 $0xFFFFD800;
	s3 =	sadd.s32 @!p1 s13, s3;
	s18 =	simm.s32 @!p1 $0x0  }
0xa5: {  	[tilespmem:s19], [sflag:$0xD] =	stream.linear.gather @!p1 [hbm4b:s3+s18], $0x80, $0x38;
	[tilespmem:$0x1EC80] =	vst v63  }
0xa6: {  	_ =	swait.ge @!p1 [sflag:s17], $0x80  }
0xa7: {  	s21 =	simm.s32 @!p1 $0x1E880;
	s3 =	simm.s32 @!p1 $0x14880;
	[sflag:s17] =	ssyncset.done @!p1 $0x0  }
0xa8: {  	s19 =	simm.s32 @!p1 $0x6;
	[sflag:s17] =	ssyncadd.s32 @!p1 $0xFFFFFF80;
	s17 =	simm.s32 @!p1 $0x50  }
0xa9: {  	[tilespmem:s3], [sflag:$0x1] =	stream.indirect.gather @!p1 [hbm4b:s4+s17], $0x80, s21, s17, $0xb8;
	[tilespmem:$0x1EC80] =	vst v63  }
0xaa: {  	_ =	swait.ge @!p1 [sflag:s19], $0x2800  }
0xab: {  	[sflag:s19] =	ssyncset.done @!p1 $0x0;
	s3 =	rddreg [dreg:$0x8]  }
0xac: {  	[sflag:s19] =	ssyncadd.s32 @!p1 $0xFFFFD800;
	s3 =	sadd.s32 @!p1 s13, s3;
	s19 =	simm.s32 @!p1 $0x1EB00  }
0xad: {  	[tilespmem:s19], [sflag:$0xE] =	stream.linear.gather @!p1 [hbm4b:s3+s18], $0x80, $0x38;
	[tilespmem:$0x1EC80] =	vst v63  }
0xae: {  	_ =	swait.ge [sflag:s30], $0x80  }
0xaf: {  	[sflag:s30] =	ssyncset.done $0x0  }
0xb0: {  	s19 =	simm.s32 @p1 $0xB;
	s21 =	rddreg [dreg:$0xa];
	[sflag:s30] =	ssyncadd.s32 $0xFFFFFF80  }
0xb1: {  	[tilespmem:s21], [sflag:$0x2] =	stream.indirect.gather [hbm4b:s4+s31], $0x80, s26, s31, $0xb8;
	[tilespmem:$0x1EC80] =	vst v63  }
0xb2: {  	_ =	swait.ge @p1 [sflag:s19], $0x80  }
0xb3: {  	s3 =	simm.s32 @!p1 $0x7;
	[sflag:s19] =	ssyncset.done @p1 $0x0  }
0xb4: {  	s21 =	simm.s32 @p1 $0x19880;
	[sflag:s19] =	ssyncadd.s32 @p1 $0xFFFFFF80;
	s19 =	simm.s32 @p1 $0x1E980  }
0xb5: {  	[tilespmem:s21], [sflag:$0x3] =	stream.indirect.gather @p1 [hbm4b:s4+s12], $0x80, s19, s12, $0xb8;
	[tilespmem:$0x1EC80] =	vst v63  }
0xb6: {  	_ =	swait.ge @!p1 [sflag:s3], $0x2800  }
0xb7: {  	s19 =	simm.s32 @!p1 $0xB;
	[sflag:s3] =	ssyncset.done @!p1 $0x0;
	s12 =	rddreg [dreg:$0x7]  }
0xb8: {  	[sflag:s3] =	ssyncadd.s32 @!p1 $0xFFFFD800;
	s3 =	sadd.s32 @!p1 s13, s12;
	s12 =	simm.s32 @!p1 $0x1EB80  }
0xb9: {  	[tilespmem:s12], [sflag:$0xF] =	stream.linear.gather @!p1 [hbm4b:s3+s18], $0x80, $0x38;
	[tilespmem:$0x1EC80] =	vst v63  }
0xba: {  	_ =	swait.ge @!p1 [sflag:s19], $0x80  }
0xbb: {  	s3 =	simm.s32 @!p1 $0x8;
	[sflag:s19] =	ssyncset.done @!p1 $0x0  }
0xbc: {  	s12 =	simm.s32 @!p1 $0x1E980;
	[sflag:s19] =	ssyncadd.s32 @!p1 $0xFFFFFF80;
	s19 =	simm.s32 @!p1 $0x19880  }
0xbd: {  	[tilespmem:s19], [sflag:$0x3] =	stream.indirect.gather @!p1 [hbm4b:s4+s17], $0x80, s12, s17, $0xb8;
	[tilespmem:$0x1EC80] =	vst v63  }
0xbe: {  	_ =	swait.ge @!p1 [sflag:s3], $0x2800  }
0xbf: {  	[sflag:s3] =	ssyncset.done @!p1 $0x0;
	s12 =	rddreg [dreg:$0x6]  }
0xc0: {  	[sflag:s3] =	ssyncadd.s32 @!p1 $0xFFFFD800;
	s3 =	sadd.s32 @!p1 s13, s12;
	s12 =	simm.s32 @!p1 $0x1EC00  }
0xc1: {  	[tilespmem:s12], [sflag:$0x10] =	stream.linear.gather @!p1 [hbm4b:s3+s18], $0x80, $0x38;
	[tilespmem:$0x1EC80] =	vst v63  }
0xc2: {  	_ =	swait.ge [sflag:s0], $0x80  }
0xc3: {  	[sflag:s0] =	ssyncset.done $0x0  }
0xc4: {  	[sflag:s0] =	ssyncadd.s32 $0xFFFFFF80  }
0xc5: {  	[tilespmem:s24], [sflag:$0x4] =	stream.indirect.gather [hbm4b:s4+s31], $0x80, s29, s31, $0xb8;
	[tilespmem:$0x1EC80] =	vst v63  }
0xc6: {  	_ =	swait.ge [sflag:s25], $0x2800  }
0xc7: {  	s17 =	sshrl.u32 s14, $0x3;
	[sflag:s25] =	ssyncset.done $0x0  }
0xc8: {  	s21 =	simm.s32 $0x0;
	s3 =	sadd.s32 s5, s17;
	[sflag:s25] =	ssyncadd.s32 $0xFFFFD800  }
0xc9: {  	[tilespmem:s6], [sflag:$0x9] =	stream.linear.gather [hbm4b:s3+s21], $0x80, $0x38;
	[tilespmem:$0x1EC80] =	vst v63  }
0xca: {  	_ =	swait.ge [sflag:s2], $0x80  }
0xcb: {  	[sflag:s2] =	ssyncset.done $0x0  }
0xcc: {  	[sflag:s2] =	ssyncadd.s32 $0xFFFFFF80  }
0xcd: {  	[spmem:s1] =	stream.indirect.scatter.add.f32 [tilespmem:s22], [sflag:$0x5], $0x80, s23, s31, $0xb8;
	[tilespmem:$0x1EC80] =	vst v63  }
0xce: {  	_ =	swait.ge [sflag:s8], $0x2800  }
0xcf: {  	p1 =	seq.s32 s13, $0x780;
	[sflag:s8] =	ssyncset.done $0x0  }
0xd0: {  	s3 =	simm.s32 @p1 $0xE;
	[sflag:s8] =	ssyncadd.s32 $0xFFFFD800  }
0xd1: {  	_ =	swait.ge @p1 [sflag:s3], $0x80  }
0xd2: {  	s12 =	simm.s32 @p1 $0x17080;
	s17 =	simm.s32 @p1 $0x3;
	[sflag:s3] =	ssyncset.done @p1 $0x0  }
0xd3: {  	s18 =	simm.s32 @p1 $0x1EB00;
	[sflag:s3] =	ssyncadd.s32 @p1 $0xFFFFFF80;
	s3 =	simm.s32 @p1 $0x50  }
0xd4: {  	[spmem:s1] =	stream.indirect.scatter.add.f32 @p1 [tilespmem:s12], [sflag:$0x6], $0x80, s18, s3, $0xb8;
	[tilespmem:$0x1EC80] =	vst v63  }
0xd5: {  	s12 =	simm.s32 @!p1 $0x1E900;
	_ =	swait.ge @p1 [sflag:s17], $0x2800  }
0xd6: {  	s18 =	simm.s32 @!p1 $0xE;
	s3 =	rddreg [dreg:$0x5];
	[sflag:s17] =	ssyncset.done @p1 $0x0  }
0xd7: {  	[sflag:s17] =	ssyncadd.s32 @p1 $0xFFFFD800;
	s3 =	sadd.s32 @!p1 s13, s3;
	s17 =	simm.s32 @!p1 $0x0  }
0xd8: {  	[tilespmem:s12], [sflag:$0xA] =	stream.linear.gather @!p1 [hbm4b:s3+s17], $0x80, $0x38;
	[tilespmem:$0x1EC80] =	vst v63  }
0xd9: {  	_ =	swait.ge @!p1 [sflag:s18], $0x80  }
0xda: {  	s19 =	simm.s32 @!p1 $0x1EB00;
	s3 =	simm.s32 @!p1 $0x17080;
	[sflag:s18] =	ssyncset.done @!p1 $0x0  }
0xdb: {  	s12 =	simm.s32 @!p1 $0x3;
	[sflag:s18] =	ssyncadd.s32 @!p1 $0xFFFFFF80;
	s18 =	simm.s32 @!p1 $0x50  }
0xdc: {  	[spmem:s1] =	stream.indirect.scatter.add.f32 @!p1 [tilespmem:s3], [sflag:$0x6], $0x80, s19, s18, $0xb8;
	[tilespmem:$0x1EC80] =	vst v63  }
0xdd: {  	_ =	swait.ge @!p1 [sflag:s12], $0x2800  }
0xde: {  	s3 =	rddreg [dreg:$0x4];
	[sflag:s12] =	ssyncset.done @!p1 $0x0  }
0xdf: {  	[sflag:s12] =	ssyncadd.s32 @!p1 $0xFFFFD800;
	s3 =	sadd.s32 @!p1 s13, s3;
	s12 =	simm.s32 @!p1 $0x1E980  }
0xe0: {  	[tilespmem:s12], [sflag:$0xB] =	stream.linear.gather @!p1 [hbm4b:s3+s17], $0x80, $0x38;
	[tilespmem:$0x1EC80] =	vst v63  }
0xe1: {  	_ =	swait.ge [sflag:s9], $0x80  }
0xe2: {  	s7 =	smov.u32 s15;
	s15 =	sadd.s32 $0x40, s15;
	[sflag:s9] =	ssyncset.done $0x0  }
0xe3: {  	s19 =	simm.s32 $0x1EB80;
	s18 =	rddreg [dreg:$0xb];
	[sflag:s9] =	ssyncadd.s32 $0xFFFFFF80  }
0xe4: {  	[spmem:s1] =	stream.indirect.scatter.add.f32 [tilespmem:s18], [sflag:$0x7], $0x80, s19, s31, $0xb8;
	[tilespmem:$0x1EC80] =	vst v63  }
0xe5: {  	p0 =	sne.s32 s15, $0x7C0;
	_ =	swait.ge [sflag:s10], $0x2800  }
.Ltmp2:
0xe6: {  	s3 =	rddreg [dreg:$0x3];
	[sflag:s10] =	ssyncset.done $0x0;
	(pc) =	sbr.rel @p0 .LBB2_6-.Ltmp2, $4  }
0xe7: {  	s12 =	simm.s32 @!p1 $0x1EA00;
	[sflag:s10] =	ssyncadd.s32 $0xFFFFD800;
	s3 =	sadd.s32 @!p1 s13, s3  }
0xe8: {  	[tilespmem:s12], [sflag:$0xC] =	stream.linear.gather @!p1 [hbm4b:s3+s17], $0x80, $0x38;
	[tilespmem:$0x1EC80] =	vst v63  }
0xe9: {  	s13 =	smov.u32 s7;
	_ =	swait.ge [sflag:s11], $0x80  }
0xea: {  	s14 =	sadd.s32 $0x200, s14;
	p1 =	seq.s32 s13, $0x0;
	[sflag:s11] =	ssyncset.done $0x0  }
0xeb: {  	s3 =	simm.s32 @p1 $0x9;
	[sflag:s11] =	ssyncadd.s32 $0xFFFFFF80;
	s6 =	simm.s32 $0x1EC00  }
0xec: {  	[spmem:s1] =	stream.indirect.scatter.add.f32 [tilespmem:s24], [sflag:$0x8], $0x80, s6, s31, $0xb8;
	[tilespmem:$0x1EC80] =	vst v63  }
0xed: {  	_ =	swait.ge @p1 [sflag:s3], $0x80  }
0xee: {  	s7 =	simm.s32 @p1 $0x14880;
	s12 =	simm.s32 @!p1 $0x5;
	[sflag:s3] =	ssyncset.done @p1 $0x0  }
0xef: {  	s15 =	simm.s32 @p1 $0x1E880;
	[sflag:s3] =	ssyncadd.s32 @p1 $0xFFFFFF80;
	s3 =	simm.s32 @p1 $0x50  }
0xf0: {  	[tilespmem:s7], [sflag:$0x1] =	stream.indirect.gather @p1 [hbm4b:s4+s3], $0x80, s15, s3, $0xb8;
	[tilespmem:$0x1EC80] =	vst v63  }
0xf1: {  	s17 =	simm.s32 @!p1 $0x1EA80;
	_ =	swait.ge @!p1 [sflag:s12], $0x2800  }
0xf2: {  	s15 =	simm.s32 @!p1 $0x0;
	s7 =	rddreg [dreg:$0x9];
	[sflag:s12] =	ssyncset.done @!p1 $0x0  }
0xf3: {  	[sflag:s12] =	ssyncadd.s32 @!p1 $0xFFFFD800;
	s12 =	simm.s32 @!p1 $0x9;
	s7 =	sadd.s32 @!p1 s13, s7  }
0xf4: {  	[tilespmem:s17], [sflag:$0xD] =	stream.linear.gather @!p1 [hbm4b:s7+s15], $0x80, $0x38;
	[tilespmem:$0x1EC80] =	vst v63  }
0xf5: {  	_ =	swait.ge @!p1 [sflag:s12], $0x80  }
0xf6: {  	s7 =	simm.s32 @!p1 $0x14880;
	[sflag:s12] =	ssyncset.done @!p1 $0x0  }
0xf7: {  	s17 =	simm.s32 @!p1 $0x1E880;
	[sflag:s12] =	ssyncadd.s32 @!p1 $0xFFFFFF80;
	s12 =	simm.s32 @!p1 $0x50  }
0xf8: {  	[tilespmem:s7], [sflag:$0x1] =	stream.indirect.gather @!p1 [hbm4b:s4+s12], $0x80, s17, s12, $0xb8;
	[tilespmem:$0x1EC80] =	vst v63  }
0xf9: {  	s7 =	simm.s32 @!p1 $0x6  }
0xfa: {  	_ =	swait.ge @!p1 [sflag:s7], $0x2800  }
0xfb: {  	s17 =	rddreg [dreg:$0x8];
	[sflag:s7] =	ssyncset.done @!p1 $0x0  }
0xfc: {  	[sflag:s7] =	ssyncadd.s32 @!p1 $0xFFFFD800;
	s7 =	sadd.s32 @!p1 s13, s17;
	s17 =	simm.s32 @!p1 $0x1EB00  }
0xfd: {  	[tilespmem:s17], [sflag:$0xE] =	stream.linear.gather @!p1 [hbm4b:s7+s15], $0x80, $0x38;
	[tilespmem:$0x1EC80] =	vst v63  }
0xfe: {  	_ =	swait.ge [sflag:s30], $0x80  }
0xff: {  	[sflag:s30] =	ssyncset.done $0x0  }
0x100: {  	s17 =	simm.s32 @p1 $0xB;
	s23 =	rddreg [dreg:$0xa];
	[sflag:s30] =	ssyncadd.s32 $0xFFFFFF80  }
0x101: {  	[tilespmem:s23], [sflag:$0x2] =	stream.indirect.gather [hbm4b:s4+s31], $0x80, s26, s31, $0xb8;
	[tilespmem:$0x1EC80] =	vst v63  }
0x102: {  	_ =	swait.ge @p1 [sflag:s17], $0x80  }
0x103: {  	[sflag:s17] =	ssyncset.done @p1 $0x0  }
0x104: {  	s7 =	simm.s32 @p1 $0x1E980;
	[sflag:s17] =	ssyncadd.s32 @p1 $0xFFFFFF80;
	s17 =	simm.s32 @p1 $0x19880  }
0x105: {  	[tilespmem:s17], [sflag:$0x3] =	stream.indirect.gather @p1 [hbm4b:s4+s3], $0x80, s7, s3, $0xb8;
	[tilespmem:$0x1EC80] =	vst v63  }
0x106: {  	s3 =	simm.s32 @!p1 $0x7  }
0x107: {  	_ =	swait.ge @!p1 [sflag:s3], $0x2800  }
0x108: {  	s7 =	rddreg [dreg:$0x7];
	[sflag:s3] =	ssyncset.done @!p1 $0x0  }
0x109: {  	[sflag:s3] =	ssyncadd.s32 @!p1 $0xFFFFD800;
	s3 =	sadd.s32 @!p1 s13, s7;
	s7 =	simm.s32 @!p1 $0x1EB80  }
0x10a: {  	[tilespmem:s7], [sflag:$0xF] =	stream.linear.gather @!p1 [hbm4b:s3+s15], $0x80, $0x38;
	[tilespmem:$0x1EC80] =	vst v63  }
0x10b: {  	s3 =	simm.s32 @!p1 $0xB  }
0x10c: {  	_ =	swait.ge @!p1 [sflag:s3], $0x80  }
0x10d: {  	[sflag:s3] =	ssyncset.done @!p1 $0x0  }
0x10e: {  	s7 =	simm.s32 @!p1 $0x19880;
	[sflag:s3] =	ssyncadd.s32 @!p1 $0xFFFFFF80;
	s3 =	simm.s32 @!p1 $0x1E980  }
0x10f: {  	[tilespmem:s7], [sflag:$0x3] =	stream.indirect.gather @!p1 [hbm4b:s4+s12], $0x80, s3, s12, $0xb8;
	[tilespmem:$0x1EC80] =	vst v63  }
0x110: {  	s3 =	simm.s32 @!p1 $0x8  }
0x111: {  	_ =	swait.ge @!p1 [sflag:s3], $0x2800  }
0x112: {  	s7 =	rddreg [dreg:$0x6];
	[sflag:s3] =	ssyncset.done @!p1 $0x0  }
0x113: {  	[sflag:s3] =	ssyncadd.s32 @!p1 $0xFFFFD800;
	s3 =	sadd.s32 @!p1 s13, s7;
	s7 =	simm.s32 @!p1 $0x1EC00  }
0x114: {  	[tilespmem:s7], [sflag:$0x10] =	stream.linear.gather @!p1 [hbm4b:s3+s15], $0x80, $0x38;
	[tilespmem:$0x1EC80] =	vst v63  }
0x115: {  	_ =	swait.ge [sflag:s0], $0x80  }
0x116: {  	[sflag:s0] =	ssyncset.done $0x0  }
0x117: {  	[sflag:s0] =	ssyncadd.s32 $0xFFFFFF80  }
0x118: {  	[tilespmem:s24], [sflag:$0x4] =	stream.indirect.gather [hbm4b:s4+s31], $0x80, s29, s31, $0xb8;
	[tilespmem:$0x1EC80] =	vst v63  }
0x119: {  	_ =	swait.ge [sflag:s25], $0x2800  }
0x11a: {  	s18 =	sshrl.u32 s14, $0x3;
	[sflag:s25] =	ssyncset.done $0x0  }
0x11b: {  	s3 =	sadd.s32 s5, s18;
	s18 =	simm.s32 $0x1E880;
	[sflag:s25] =	ssyncadd.s32 $0xFFFFD800  }
0x11c: {  	[tilespmem:s18], [sflag:$0x9] =	stream.linear.gather [hbm4b:s3+s21], $0x80, $0x38;
	[tilespmem:$0x1EC80] =	vst v63  }
0x11d: {  	_ =	swait.ge [sflag:s2], $0x80  }
0x11e: {  	[sflag:s2] =	ssyncset.done $0x0  }
0x11f: {  	s19 =	simm.s32 $0x1EA80;
	s22 =	simm.s32 $0x14880;
	[sflag:s2] =	ssyncadd.s32 $0xFFFFFF80  }
0x120: {  	[spmem:s1] =	stream.indirect.scatter.add.f32 [tilespmem:s22], [sflag:$0x5], $0x80, s19, s31, $0xb8;
	[tilespmem:$0x1EC80] =	vst v63  }
0x121: {  	_ =	swait.ge [sflag:s8], $0x2800  }
0x122: {  	p0 =	seq.s32 s13, $0x780;
	[sflag:s8] =	ssyncset.done $0x0  }
0x123: {  	s3 =	simm.s32 @p0 $0xE;
	[sflag:s8] =	ssyncadd.s32 $0xFFFFD800  }
0x124: {  	_ =	swait.ge @p0 [sflag:s3], $0x80  }
0x125: {  	s14 =	simm.s32 @p0 $0x1EB00;
	s12 =	simm.s32 @p0 $0x3;
	[sflag:s3] =	ssyncset.done @p0 $0x0  }
0x126: {  	s7 =	simm.s32 @p0 $0x17080;
	[sflag:s3] =	ssyncadd.s32 @p0 $0xFFFFFF80;
	s3 =	simm.s32 @p0 $0x50  }
0x127: {  	[spmem:s1] =	stream.indirect.scatter.add.f32 @p0 [tilespmem:s7], [sflag:$0x6], $0x80, s14, s3, $0xb8;
	[tilespmem:$0x1EC80] =	vst v63  }
0x128: {  	s7 =	simm.s32 @!p0 $0x1E900;
	_ =	swait.ge @p0 [sflag:s12], $0x2800  }
0x129: {  	s14 =	simm.s32 @!p0 $0xE;
	s3 =	rddreg [dreg:$0x5];
	[sflag:s12] =	ssyncset.done @p0 $0x0  }
0x12a: {  	[sflag:s12] =	ssyncadd.s32 @p0 $0xFFFFD800;
	s3 =	sadd.s32 @!p0 s13, s3;
	s12 =	simm.s32 @!p0 $0x0  }
0x12b: {  	[tilespmem:s7], [sflag:$0xA] =	stream.linear.gather @!p0 [hbm4b:s3+s12], $0x80, $0x38;
	[tilespmem:$0x1EC80] =	vst v63  }
0x12c: {  	_ =	swait.ge @!p0 [sflag:s14], $0x80  }
0x12d: {  	s3 =	simm.s32 @!p0 $0x17080;
	[sflag:s14] =	ssyncset.done @!p0 $0x0  }
0x12e: {  	s7 =	simm.s32 @!p0 $0x50;
	[sflag:s14] =	ssyncadd.s32 @!p0 $0xFFFFFF80;
	s14 =	simm.s32 @!p0 $0x1EB00  }
0x12f: {  	[spmem:s1] =	stream.indirect.scatter.add.f32 @!p0 [tilespmem:s3], [sflag:$0x6], $0x80, s14, s7, $0xb8;
	[tilespmem:$0x1EC80] =	vst v63  }
0x130: {  	s3 =	simm.s32 @!p0 $0x3  }
0x131: {  	_ =	swait.ge @!p0 [sflag:s3], $0x2800  }
0x132: {  	s7 =	rddreg [dreg:$0x4];
	[sflag:s3] =	ssyncset.done @!p0 $0x0  }
0x133: {  	[sflag:s3] =	ssyncadd.s32 @!p0 $0xFFFFD800;
	s3 =	sadd.s32 @!p0 s13, s7;
	s7 =	simm.s32 @!p0 $0x1E980  }
0x134: {  	[tilespmem:s7], [sflag:$0xB] =	stream.linear.gather @!p0 [hbm4b:s3+s12], $0x80, $0x38;
	[tilespmem:$0x1EC80] =	vst v63  }
0x135: {  	_ =	swait.ge [sflag:s9], $0x80  }
0x136: {  	[sflag:s9] =	ssyncset.done $0x0  }
0x137: {  	s26 =	simm.s32 $0x1EB80;
	s23 =	rddreg [dreg:$0xb];
	[sflag:s9] =	ssyncadd.s32 $0xFFFFFF80  }
0x138: {  	[spmem:s1] =	stream.indirect.scatter.add.f32 [tilespmem:s23], [sflag:$0x7], $0x80, s26, s31, $0xb8;
	[tilespmem:$0x1EC80] =	vst v63  }
0x139: {  	_ =	swait.ge [sflag:s10], $0x2800  }
0x13a: {  	s3 =	rddreg [dreg:$0x3];
	[sflag:s10] =	ssyncset.done $0x0  }
0x13b: {  	s7 =	simm.s32 @!p0 $0x1EA00;
	[sflag:s10] =	ssyncadd.s32 $0xFFFFD800;
	s3 =	sadd.s32 @!p0 s13, s3  }
0x13c: {  	[tilespmem:s7], [sflag:$0xC] =	stream.linear.gather @!p0 [hbm4b:s3+s12], $0x80, $0x38;
	[tilespmem:$0x1EC80] =	vst v63  }
0x13d: {  	_ =	swait.ge [sflag:s11], $0x80  }
0x13e: {  	[sflag:s11] =	ssyncset.done $0x0  }
0x13f: {  	s7 =	simm.s32 $0x5;
	[sflag:s11] =	ssyncadd.s32 $0xFFFFFF80  }
0x140: {  	[spmem:s1] =	stream.indirect.scatter.add.f32 [tilespmem:s24], [sflag:$0x8], $0x80, s6, s31, $0xb8;
	[tilespmem:$0x1EC80] =	vst v63  }
0x141: {  	_ =	swait.ge [sflag:s7], $0x2800  }
0x142: {  	[sflag:s7] =	ssyncset.done $0x0  }
0x143: {  	s13 =	simm.s32 $0x9;
	s12 =	rddreg [dreg:$0x14];
	[sflag:s7] =	ssyncadd.s32 $0xFFFFD800  }
0x144: {  	[tilespmem:s19], [sflag:$0xD] =	stream.linear.gather [hbm4b:s12+s21], $0x80, $0x38;
	[tilespmem:$0x1EC80] =	vst v63  }
0x145: {  	_ =	swait.ge [sflag:s13], $0x80  }
0x146: {  	[sflag:s13] =	ssyncset.done $0x0  }
0x147: {  	[sflag:s13] =	ssyncadd.s32 $0xFFFFFF80  }
0x148: {  	[tilespmem:s22], [sflag:$0x1] =	stream.indirect.gather [hbm4b:s4+s31], $0x80, s18, s31, $0xb8;
	[tilespmem:$0x1EC80] =	vst v63  }
0x149: {  	_ =	swait.ge [sflag:s25], $0x2800  }
0x14a: {  	[sflag:s25] =	ssyncset.done $0x0  }
0x14b: {  	[sflag:s25] =	ssyncadd.s32 $0xFFFFD800  }
0x14c: {  	_ =	swait.ge [sflag:s2], $0x80  }
0x14d: {  	[sflag:s2] =	ssyncset.done $0x0  }
0x14e: {  	[sflag:s2] =	ssyncadd.s32 $0xFFFFFF80  }
0x14f: {  	[spmem:s1] =	stream.indirect.scatter.add.f32 [tilespmem:s22], [sflag:$0x5], $0x80, s19, s31, $0xb8;
	[tilespmem:$0x1EC80] =	vst v63  }
0x150: {  	_ =	swait.ge [sflag:s7], $0x2800  }
0x151: {  	[sflag:s7] =	ssyncset.done $0x0  }
0x152: {  	s14 =	simm.s32 $0x6;
	[sflag:s7] =	ssyncadd.s32 $0xFFFFD800  }
0x153: {  	_ =	swait.ge [sflag:s14], $0x2800  }
0x154: {  	[sflag:s14] =	ssyncset.done $0x0  }
0x155: {  	s15 =	simm.s32 $0x7;
	[sflag:s14] =	ssyncadd.s32 $0xFFFFD800  }
0x156: {  	_ =	swait.ge [sflag:s15], $0x2800  }
0x157: {  	[sflag:s15] =	ssyncset.done $0x0  }
0x158: {  	s17 =	simm.s32 $0x8;
	[sflag:s15] =	ssyncadd.s32 $0xFFFFD800  }
0x159: {  	_ =	swait.ge [sflag:s17], $0x2800  }
0x15a: {  	[sflag:s17] =	ssyncset.done $0x0  }
0x15b: {  	s18 =	stileid.u32;
	[sflag:s17] =	ssyncadd.s32 $0xFFFFD800  }
0x15c: {  	s3 =	sshll.u32 s18, $0x6;
	[bflag:$0x0] =	sbarrier.arrive $0xFFFF  }
0x15d: {  	s3 =	sor.u32 $0x1C11, s3;
	s19 =	sshrl.u32 s16, $0x3;
	s22 =	rddreg [dreg:$0x15]  }
0x15e: {  	[hbm:s22], [sflag:s3] =	dma.local [spmem:s19], $0x2710  }
0x15f: {  	_ =	swait.ge [sflag:s20], $0x2710  }
0x160: {  	s23 =	rddreg [dreg:$0x18]  }
0x161: {  	s26 =	rddreg [dreg:$0x16];
	s7 =	sadd.s32 $0x1, s23  }
0x162: {  	p0 =	sne.s32 s7, s26  }
.Ltmp3:
0x163: {  	_ = 	snop;
	(pc) =	sbr.rel @p0 .LBB2_1-.Ltmp3, $4  }
0x164: {  	s6 =	simm.s32 $0x1EC00  }
0x165: {  	s18 =	simm.s32 $0x1EA80;
	s17 =	simm.s32 $0x1E880;
	s3 =	simm.s32 $0x13880  }
0x166: {  	s19 =	simm.s32 $0x1E900;
	s22 =	simm.s32 $0x1EB80;
	[sflag:s20] =	ssyncset.done $0x0  }
0x167: {  	[sflag:s20] =	ssyncadd.s32 $0xFFFFD8F0;
	s23 =	simm.s32 $0x1EA00;
	s26 =	simm.s32 $0x14880  }
0x168: {  	_ =	sfence.sel $0x180000  }
0x169: {  	[bflag:$0x0] =	sbarrier.arrive $0xFFFF  }
0x16a: {  	_ =	strace $0x90000050  }
0x16b: {  	s0 =	stileid.u32;
	[bflag:$0x2] =	sbarrier.arrive $0xFFFF  }
0x16c: {  	p0 =	sne.s32 s0, $0x0;
	s0 =	rddreg [dreg:$0x2]  }
0x16d: {  	s0 =	sadd.s32 @!p0 $0x100000, s0  }
0x16e: {  	[sflag:s0] =	ssyncadd.tile.s32 @!p0 $0x1;
	_ =	shalt  }
.Lfunc_end2:
_tile_overlayer_lowered:
.L_overlay_start_2:
0x16f: {  	(tag) =	ssettag $0x2  }
0x170: {  	s0 =	rddreg [dreg:$0x0];
	s2 =	stileid.u32  }
0x171: {  	s1 =	rddreg [dreg:$0x1];
	p0 =	sne.s32 s2, $0x0  }
0x172: {  	s3 =	rddreg [dreg:$0x2];
	[bflag:$0x3] =	sbarrier.arrive $0xFFFF;
	s2 =	simm.s32 @!p0 $0x1C11  }
0x173: {  	[timem:s3], [sflag:s2] =	dma.local @!p0 [hbm:s0], s1  }
0x174: {  	s0 =	simm.s32 @!p0 $0x11  }
0x175: {  	_ =	swait.ge @!p0 [sflag:s0], s1  }
0x176: {  	s1 =	ssub.s32 @!p0 $0x0, s1;
	[sflag:s0] =	ssyncset.done @!p0 $0x0  }
0x177: {  	[sflag:s0] =	ssyncadd.s32 @!p0 s1  }
0x178: {  	[bflag:$0x3] =	sbarrier.arrive $0xFFFF  }
0x179: {  	_ =	shalt  }

</sc_bundles>
